<compile_context>
chip_gen: v7x
topology: tpu7x:2x2x1
jax: 0.10.2.dev20260603
libtpu: 0.0.44.dev20260713+nightly
codegen_flags: <defaults>
</compile_context>

<pallas_src>
import dataclasses
import functools

import jax
import jax.numpy as jnp
from jax import lax
from jax.experimental import pallas as pl
from jax.experimental.pallas import tpu as pltpu
from jax.experimental.pallas import tpu_sc as plsc

N_TOK = 8192
D_IN = 1024
H = 256
T = 8
RBLK = 512
NRBLK = N_TOK // RBLK
MBLK = 512
PBLK = N_TOK // MBLK + T
GRID_MLP = PBLK + 1
PAD_ROWS = GRID_MLP * MBLK
DUMP = PBLK * MBLK
NW = 32
TPW = N_TOK // NW


def _router(state, tempers, done, emb_ref, rw1_ref, rb1_ref, rw2_ref,
            rb2_ref, tril_ref):
    emb = jnp.zeros((RBLK, 4), jnp.float32)
    for t in range(T):
        emb = jnp.where(tempers == t, emb_ref[t:t + 1, :], emb)
    rh = (jnp.dot(state, rw1_ref[0:H, :])
          + jnp.dot(emb, rw1_ref[H:H + 4, :])
          + rb1_ref[...])
    rh = jnp.maximum(rh, 0.0)
    logits = jnp.dot(rh, rw2_ref[...]) + rb2_ref[...]
    mx = jnp.max(logits, axis=1, keepdims=True)
    cand = jnp.where(logits == mx,
                     jax.lax.broadcasted_iota(jnp.int32, (RBLK, T + 1), 1),
                     T + 1)
    action = jnp.min(cand, axis=1, keepdims=True)
    bins = jnp.where(done, T, action)
    oh9 = (bins == jax.lax.broadcasted_iota(jnp.int32, (RBLK, 128), 1)
           ).astype(jnp.float32)
    cum = jnp.dot(tril_ref[...], oh9)
    tot = jnp.sum(oh9, axis=0, keepdims=True)
    return bins, oh9, cum, tot


def _rank_from(oh9, cum, run_row):
    rank_f = jnp.sum(oh9 * (run_row + cum), axis=1, keepdims=True) - 1.0
    return rank_f.astype(jnp.int32)


def _emit_tables(cnt, triu8_ref, offs_out, cumb_out):
    nb = jnp.floor((cnt + (MBLK - 1)) * (1.0 / MBLK))
    cumb = jnp.dot(nb, triu8_ref[...])
    offs = (cumb - nb) * MBLK
    lane = jax.lax.broadcasted_iota(jnp.int32, (1, 128), 1)
    offs_out[...] = jnp.where(lane < T, offs, float(DUMP)).astype(jnp.int32)
    cumb_out[...] = cumb.astype(jnp.int32)


def _k1_body(x_ref, w_in_ref, b_in_ref, emb_ref, rw1_ref, rb1_ref, rw2_ref,
             rb2_ref, t0_ref, tril_ref, triu8_ref,
             state_out, bins_out, rank_out, offs_out, cumb_out, run_ref):
    i = pl.program_id(0)

    @pl.when(i == 0)
    def _():
        run_ref[...] = jnp.zeros((8, 128), jnp.float32)

    state = jnp.dot(x_ref[...], w_in_ref[...]) + b_in_ref[...]
    state_out[...] = state
    done = jnp.zeros((RBLK, 1), jnp.bool_)
    bins, oh9, cum, tot = _router(state, t0_ref[...], done, emb_ref, rw1_ref,
                                  rb1_ref, rw2_ref, rb2_ref, tril_ref)
    bins_out[...] = bins
    run_row = run_ref[0:1, :]
    rank_out[...] = _rank_from(oh9, cum, run_row)
    run_ref[0:1, :] = run_row + tot

    @pl.when(i == NRBLK - 1)
    def _():
        _emit_tables(run_row + tot, triu8_ref, offs_out, cumb_out)


def _k3_body(g1_ref, bins1_ref, emb_ref, rw1_ref, rb1_ref, rw2_ref, rb2_ref,
             tril_ref, triu8_ref,
             bins_out, rank_out, offs_out, cumb_out, run_ref):
    i = pl.program_id(0)

    @pl.when(i == 0)
    def _():
        run_ref[...] = jnp.zeros((8, 128), jnp.float32)

    bins1 = bins1_ref[...]
    done = bins1 == T
    bins, oh9, cum, tot = _router(g1_ref[...], bins1, done, emb_ref, rw1_ref,
                                  rb1_ref, rw2_ref, rb2_ref, tril_ref)
    bins_out[...] = bins
    run_row = run_ref[0:1, :]
    rank_out[...] = _rank_from(oh9, cum, run_row)
    run_ref[0:1, :] = run_row + tot

    @pl.when(i == NRBLK - 1)
    def _():
        _emit_tables(run_row + tot, triu8_ref, offs_out, cumb_out)


def _k5_body(state1_ref, g1_ref, bins1_ref, g2_ref, bins2_ref, lng_ref,
             lnb_ref, tw_ref, tb_ref, out_ref):
    s2 = jnp.where(bins1_ref[...] < T, g1_ref[...], state1_ref[...])
    state = jnp.where(bins2_ref[...] < T, g2_ref[...], s2)
    mu = jnp.mean(state, axis=1, keepdims=True)
    var = jnp.mean((state - mu) ** 2, axis=1, keepdims=True)
    normed = (state - mu) / jnp.sqrt(var + 1e-5) * lng_ref[...] + lnb_ref[...]
    out_ref[...] = jnp.dot(normed, tw_ref[...]) + tb_ref[...]


def _mlp_body(cumb_ref, oi_ref, xin_ref, w1_ref, b1_ref, w2_ref, b2_ref,
              o_ref):
    del cumb_ref, oi_ref
    h1 = jnp.maximum(jnp.dot(xin_ref[...], w1_ref[0, 0]) + b1_ref[0, 0], 0.0)
    o_ref[...] = jnp.maximum(jnp.dot(h1, w2_ref[0, 0]) + b2_ref[0, 0],
                             0.0) * 1.01


def _whole(shape):
    return pl.BlockSpec(shape, lambda i: tuple(0 for _ in shape))


@functools.lru_cache(maxsize=1)
def _sc_mesh():
    return plsc.VectorSubcoreMesh(core_axis_name="c", subcore_axis_name="s")


@functools.lru_cache(maxsize=1)
def _sc_params():
    cp = pltpu.CompilerParams()
    if "needs_layout_passes" in pltpu.CompilerParams.__dataclass_fields__:
        cp = dataclasses.replace(cp, needs_layout_passes=False)
    return cp


def _sc_scatter(bins2d, rank2d, offs16, state):
    @functools.partial(
        pl.kernel,
        out_type=(jax.ShapeDtypeStruct((PAD_ROWS, H), jnp.float32),
                  jax.ShapeDtypeStruct((NW, 2, 128), jnp.int32)),
        mesh=_sc_mesh(),
        scratch_types=[pltpu.VMEM((2, 128), jnp.int32),
                       pltpu.VMEM((2, 128), jnp.int32),
                       pltpu.VMEM((2, 128), jnp.int32),
                       pltpu.VMEM((16,), jnp.int32),
                       pltpu.VMEM((TPW, H), jnp.float32),
                       pltpu.SemaphoreType.DMA,
                       pltpu.SemaphoreType.DMA,
                       pltpu.SemaphoreType.DMA],
        compiler_params=_sc_params(),
    )
    def scat(bins_hbm, rank_hbm, offs_hbm, state_hbm, pad_out, pos_out,
             bins_v, rank_v, pos_v, offs_v, rows_v, sem, sem_i, sem_o):
        wid = lax.axis_index("s") * 2 + lax.axis_index("c")
        base = wid * TPW
        cp = pltpu.async_copy(state_hbm.at[pl.ds(base, TPW)], rows_v, sem)
        cb = pltpu.async_copy(bins_hbm.at[pl.ds(wid * 2, 2)], bins_v, sem_i)
        cr = pltpu.async_copy(rank_hbm.at[pl.ds(wid * 2, 2)], rank_v, sem_i)
        co = pltpu.async_copy(offs_hbm, offs_v, sem_i)
        cb.wait()
        cr.wait()
        co.wait()
        for cj in range(2):
            for j in range(8):
                sl = pl.ds(j * 16, 16)
                b = bins_v[cj, sl]
                r = rank_v[cj, sl]
                off = plsc.load_gather(offs_v, [b])
                pos_v[cj, sl] = jnp.where(b >= T, DUMP, off + r)
        cp.wait()
        w0 = pltpu.async_copy(pos_v, pos_out.at[wid], sem_o)
        w1 = pltpu.async_copy(rows_v.at[pl.ds(0, 128)],
                              pad_out.at[pos_v.at[0]], sem_o)
        w2 = pltpu.async_copy(rows_v.at[pl.ds(128, 128)],
                              pad_out.at[pos_v.at[1]], sem_o)
        w0.wait()
        w1.wait()
        w2.wait()

    return scat(bins2d, rank2d, offs16, state)


def _sc_gather(pos, mlp_out):
    @functools.partial(
        pl.kernel,
        out_type=jax.ShapeDtypeStruct((N_TOK, H), jnp.float32),
        mesh=_sc_mesh(),
        scratch_types=[pltpu.VMEM((2, 128), jnp.int32),
                       pltpu.VMEM((TPW, H), jnp.float32),
                       pltpu.SemaphoreType.DMA],
    )
    def gath(pos_hbm, mlp_hbm, out_hbm, pos_v, rows_v, sem):
        wid = lax.axis_index("s") * 2 + lax.axis_index("c")
        base = wid * TPW
        pltpu.sync_copy(pos_hbm.at[wid], pos_v)
        cp0 = pltpu.async_copy(mlp_hbm.at[pos_v.at[0]],
                               rows_v.at[pl.ds(0, 128)], sem)
        cp1 = pltpu.async_copy(mlp_hbm.at[pos_v.at[1]],
                               rows_v.at[pl.ds(128, 128)], sem)
        cp0.wait()
        cp1.wait()
        pltpu.sync_copy(rows_v, out_hbm.at[pl.ds(base, TPW)])

    return gath(pos, mlp_out)


def _grouped_mlp(cumb8, oi, pad_buf, op_w1, op_b1, op_w2, op_b2):
    def _wmap(g, cumb_ref, oi_ref):
        e = jnp.int32(0)
        for t in range(T):
            e = e + (g >= cumb_ref[t]).astype(jnp.int32)
        e = jnp.minimum(e, T - 1)
        return (e, oi_ref[e], 0, 0)

    grid_spec = pltpu.PrefetchScalarGridSpec(
        num_scalar_prefetch=2,
        grid=(GRID_MLP,),
        in_specs=[
            pl.BlockSpec((MBLK, H), lambda g, cumb_ref, oi_ref: (g, 0)),
            pl.BlockSpec((1, 1, H, H), _wmap),
            pl.BlockSpec((1, 1, 1, H), _wmap),
            pl.BlockSpec((1, 1, H, H), _wmap),
            pl.BlockSpec((1, 1, 1, H), _wmap),
        ],
        out_specs=pl.BlockSpec((MBLK, H), lambda g, cumb_ref, oi_ref: (g, 0)),
    )
    return pl.pallas_call(
        _mlp_body,
        grid_spec=grid_spec,
        out_shape=jax.ShapeDtypeStruct((PAD_ROWS, H), jnp.float32),
    )(cumb8, oi, pad_buf, op_w1, op_b1.reshape(T, 3, 1, H), op_w2,
      op_b2.reshape(T, 3, 1, H))


def kernel(x, W_in, b_in, op_W1, op_b1, op_W2, op_b2, operator_logits,
           temper_embed, route_W1, route_b1, route_W2, route_b2, ln_g, ln_b,
           task_W, task_b, init_tempers):
    oi = jnp.argmax(operator_logits, axis=-1).astype(jnp.int32)
    t0 = init_tempers.astype(jnp.int32).reshape(N_TOK, 1)
    tril = jnp.tril(jnp.ones((RBLK, RBLK), jnp.float32))
    triu = jnp.triu(jnp.ones((128, 128), jnp.float32))
    triu8 = jnp.where(jnp.arange(128)[:, None] < T, triu, 0.0)
    rb1 = route_b1.reshape(1, H)
    rb2 = route_b2.reshape(1, T + 1)

    tok_i32 = pl.BlockSpec((RBLK, 1), lambda i: (i, 0))
    col_i32 = pl.BlockSpec((RBLK, 1), lambda i: (i, 0))
    tok_f32 = pl.BlockSpec((RBLK, H), lambda i: (i, 0))
    row128 = pl.BlockSpec((1, 128), lambda i: (0, 0))
    common_w = [_whole((T, 4)), _whole((H + 4, H)), _whole((1, H)),
                _whole((H, T + 1)), _whole((1, T + 1))]
    table_outs = [jax.ShapeDtypeStruct((1, 128), jnp.int32),
                  jax.ShapeDtypeStruct((1, 128), jnp.int32)]
    tok_outs = [jax.ShapeDtypeStruct((N_TOK, 1), jnp.int32),
                jax.ShapeDtypeStruct((N_TOK, 1), jnp.int32)]

    state1, bins1, rank1, offs1, cumb1 = pl.pallas_call(
        _k1_body,
        grid=(NRBLK,),
        in_specs=[pl.BlockSpec((RBLK, D_IN), lambda i: (i, 0)),
                  _whole((D_IN, H)), _whole((1, H))] + common_w
                 + [col_i32, _whole((RBLK, RBLK)), _whole((128, 128))],
        out_specs=[tok_f32, tok_i32, tok_i32, row128, row128],
        out_shape=[jax.ShapeDtypeStruct((N_TOK, H), jnp.float32)] + tok_outs
                  + table_outs,
        scratch_shapes=[pltpu.VMEM((8, 128), jnp.float32)],
    )(x, W_in, b_in.reshape(1, H), temper_embed, route_W1, rb1, route_W2,
      rb2, t0, tril, triu8)

    def dispatch_round(source, bins, rank, offs, cumb):
        pad_buf, pos = _sc_scatter(bins.reshape(NW * 2, 128),
                                   rank.reshape(NW * 2, 128),
                                   offs[0, :16], source)
        mlp_out = _grouped_mlp(cumb[0, :T], oi, pad_buf, op_W1, op_b1,
                               op_W2, op_b2)
        return _sc_gather(pos, mlp_out)

    g1 = dispatch_round(state1, bins1, rank1, offs1, cumb1)

    bins2, rank2, offs2, cumb2 = pl.pallas_call(
        _k3_body,
        grid=(NRBLK,),
        in_specs=[tok_f32, tok_i32] + common_w
                 + [_whole((RBLK, RBLK)), _whole((128, 128))],
        out_specs=[tok_i32, tok_i32, row128, row128],
        out_shape=tok_outs + table_outs,
        scratch_shapes=[pltpu.VMEM((8, 128), jnp.float32)],
    )(g1, bins1, temper_embed, route_W1, rb1, route_W2, rb2, tril, triu8)

    g2 = dispatch_round(g1, bins2, rank2, offs2, cumb2)

    out = pl.pallas_call(
        _k5_body,
        grid=(NRBLK,),
        in_specs=[tok_f32, tok_f32, tok_i32, tok_f32, tok_i32,
                  _whole((1, H)), _whole((1, H)), _whole((H, 10)),
                  _whole((1, 10))],
        out_specs=pl.BlockSpec((RBLK, 10), lambda i: (i, 0)),
        out_shape=jax.ShapeDtypeStruct((N_TOK, 10), jnp.float32),
    )(state1, g1, bins1, g2, bins2, ln_g.reshape(1, H), ln_b.reshape(1, H),
      task_W, task_b.reshape(1, 10))
    return out

# --- scband reference (transcript-rebuilt; emitter-appended) ---
"""Pipeline reference for scband-temper-graph-35734127903247 (READ-ONLY COPY).

The authoritative reference and input builder live on the scoring server;
editing this copy changes nothing except your own understanding.
"""

import jax, jax.numpy as jnp
import numpy as np

INPUT_DIM = 1024
HIDDEN = 256
T = 8
NUM_OPS = 3
HOPS = 2
N_TOK = 8192


def setup_inputs(seed: int = 0) -> dict:
    key = jax.random.key(seed)
    ks = jax.random.split(key, 16)
    def s(k, shape, scale):
        return jax.random.normal(k, shape, dtype=jnp.float32) * scale
    inp = {}
    inp["x"] = jax.random.normal(ks[0], (N_TOK, INPUT_DIM), dtype=jnp.float32)
    inp["W_in"] = s(ks[1], (INPUT_DIM, HIDDEN), 0.02)
    inp["b_in"] = jnp.zeros((HIDDEN,), jnp.float32)
    inp["op_W1"] = s(ks[2], (T, NUM_OPS, HIDDEN, HIDDEN), 0.05)
    inp["op_b1"] = jnp.zeros((T, NUM_OPS, HIDDEN), jnp.float32)
    inp["op_W2"] = s(ks[3], (T, NUM_OPS, HIDDEN, HIDDEN), 0.05)
    inp["op_b2"] = jnp.zeros((T, NUM_OPS, HIDDEN), jnp.float32)
    inp["operator_logits"] = jnp.zeros((T, NUM_OPS), jnp.float32)
    inp["temper_embed"] = s(ks[4], (T, 4), 1.0)
    inp["route_W1"] = s(ks[5], (HIDDEN + 4, HIDDEN), 0.05)
    inp["route_b1"] = jnp.zeros((HIDDEN,), jnp.float32)
    inp["route_W2"] = s(ks[6], (HIDDEN, T + 1), 0.05)
    inp["route_b2"] = jnp.zeros((T + 1,), jnp.float32)
    inp["ln_g"] = jnp.ones((HIDDEN,), jnp.float32)
    inp["ln_b"] = jnp.zeros((HIDDEN,), jnp.float32)
    inp["task_W"] = s(ks[7], (HIDDEN, 10), 0.05)
    inp["task_b"] = jnp.zeros((10,), jnp.float32)
    # torch forward does torch.randint(0, num_tempers, (patches,)) internally; materialize as fixed constant
    inp["init_tempers"] = jax.random.randint(jax.random.key(42), (N_TOK,), 0, T)
    return inp


def reference(x, W_in, b_in, op_W1, op_b1, op_W2, op_b2, operator_logits, temper_embed,
              route_W1, route_b1, route_W2, route_b2, ln_g, ln_b, task_W, task_b, init_tempers):
    # input_proj; hidden_dim == patch_size so num_patches = 1 and patches == x_proj
    state = x @ W_in + b_in
    tempers = init_tempers
    done = jnp.zeros((state.shape[0],), dtype=bool)
    for hop in range(HOPS):
        # routing policy input: [patch_state, temper_id_embedding]
        emb = jnp.take(temper_embed, tempers, axis=0)
        rin = jnp.concatenate([state, emb], axis=-1)
        rh = jax.nn.relu(rin @ route_W1 + route_b1)
        logits = rh @ route_W2 + route_b2
        # deterministic surrogate for Categorical sampling: argmax action; action == T means 'done'
        actions = jnp.argmax(logits, axis=-1)
        act = (~done) & (actions < T)
        new_state = state
        for t in range(T):
            # deterministic surrogate for per-token operator sampling: argmax over operator_logits
            oi = jnp.argmax(operator_logits[t])
            W1 = op_W1[t, oi]
            b1 = op_b1[t, oi]
            W2 = op_W2[t, oi]
            b2 = op_b2[t, oi]
            hh = jax.nn.relu(state @ W1 + b1)
            hh = jax.nn.relu(hh @ W2 + b2)
            # freshness starts at 5.0 > 0 so the 1.01 boost always applies during a forward pass
            hh = hh * 1.01
            m = act & (actions == t)
            new_state = jnp.where(m[:, None], hh, new_state)
        tempers = jnp.where(act, jnp.clip(actions, 0, T - 1), tempers)
        done = done | (actions == T)
        state = new_state
    # task_head: LayerNorm + Linear(hidden, 10)
    mu = jnp.mean(state, axis=-1, keepdims=True)
    var = jnp.var(state, axis=-1, keepdims=True)
    normed = (state - mu) / jnp.sqrt(var + 1e-5) * ln_g + ln_b
    out = normed @ task_W + task_b
    return out

if __name__ == "__main__":
    import jax
    _d = setup_inputs()
    print(jax.jit(kernel)(*tuple(_d.values())))

</pallas_src>

<mosaic_0001>
#map = affine_map<(d0, d1) -> (0, 0)>
#map1 = affine_map<(d0, d1) -> (0)>
#map2 = affine_map<(d0, d1) -> (0, 0, 0)>
module attributes {stable_mosaic.version = 14 : i64} {
  func.func @scat(%arg0: i32, %arg1: i32, %arg2: memref<64x128xi32, #tpu.memory_space<hbm>>, %arg3: memref<64x128xi32, #tpu.memory_space<hbm>>, %arg4: memref<16xi32, #tpu.memory_space<hbm>>, %arg5: memref<8192x256xf32, #tpu.memory_space<hbm>>, %arg6: memref<12800x256xf32, #tpu.memory_space<hbm>>, %arg7: memref<32x2x128xi32, #tpu.memory_space<hbm>>, %arg8: memref<2x128xi32, #tpu.memory_space<vmem>>, %arg9: memref<2x128xi32, #tpu.memory_space<vmem>>, %arg10: memref<2x128xi32, #tpu.memory_space<vmem>>, %arg11: memref<16xi32, #tpu.memory_space<vmem>>, %arg12: memref<256x256xf32, #tpu.memory_space<vmem>>, %arg13: memref<!tpu.dma_semaphore, #tpu.memory_space<semaphore_mem>>, %arg14: memref<!tpu.dma_semaphore, #tpu.memory_space<semaphore_mem>>, %arg15: memref<!tpu.dma_semaphore, #tpu.memory_space<semaphore_mem>>) attributes {dimension_semantics = [#tpu.dimension_semantics<core_parallel>, #tpu.dimension_semantics<subcore_parallel>], iteration_bounds = array<i64: 2, 16>, scalar_prefetch = 0 : i64, scratch_operands = 8 : i64, tpu.core_type = #tpu.core_type<sc_vector_subcore>, window_params = [{transform_indices = #map}, {transform_indices = #map}, {transform_indices = #map1}, {transform_indices = #map}, {transform_indices = #map}, {transform_indices = #map2}]} {
    %mul3A = arith.constant 2 : i32
    %mul3A_0 = arith.muli %arg1, %mul3A : i32
    %add3A = arith.addi %mul3A_0, %arg0 : i32
    %mul3A_1 = arith.constant 256 : i32
    %mul3A_2 = arith.muli %add3A, %mul3A_1 : i32
    %dma_start3A = arith.constant 0 : i32
    %dma_start3A_3 = tpu.memref_slice %arg5[%mul3A_2, %dma_start3A] : memref<8192x256xf32, #tpu.memory_space<hbm>> -> memref<256x256xf32, #tpu.memory_space<hbm>>
    %dma_start3A_4 = arith.constant 0 : i32
    %dma_start3A_5 = tpu.memref_slice %arg5[%mul3A_2, %dma_start3A_4] : memref<8192x256xf32, #tpu.memory_space<hbm>> -> memref<256x256xf32, #tpu.memory_space<hbm>>
    tpu.enqueue_dma source(%dma_start3A_5 : memref<256x256xf32, #tpu.memory_space<hbm>>) target(%arg12 : memref<256x256xf32, #tpu.memory_space<vmem>>) target_semaphore(%arg13 : memref<!tpu.dma_semaphore, #tpu.memory_space<semaphore_mem>>)
    %mul3A_6 = arith.constant 2 : i32
    %mul3A_7 = arith.muli %add3A, %mul3A_6 : i32
    %dma_start3A_8 = arith.constant 0 : i32
    %dma_start3A_9 = tpu.memref_slice %arg2[%mul3A_7, %dma_start3A_8] : memref<64x128xi32, #tpu.memory_space<hbm>> -> memref<2x128xi32, #tpu.memory_space<hbm>>
    %dma_start3A_10 = arith.constant 0 : i32
    %dma_start3A_11 = tpu.memref_slice %arg2[%mul3A_7, %dma_start3A_10] : memref<64x128xi32, #tpu.memory_space<hbm>> -> memref<2x128xi32, #tpu.memory_space<hbm>>
    tpu.enqueue_dma source(%dma_start3A_11 : memref<2x128xi32, #tpu.memory_space<hbm>>) target(%arg8 : memref<2x128xi32, #tpu.memory_space<vmem>>) target_semaphore(%arg14 : memref<!tpu.dma_semaphore, #tpu.memory_space<semaphore_mem>>)
    %mul3A_12 = arith.constant 2 : i32
    %mul3A_13 = arith.muli %add3A, %mul3A_12 : i32
    %dma_start3A_14 = arith.constant 0 : i32
    %dma_start3A_15 = tpu.memref_slice %arg3[%mul3A_13, %dma_start3A_14] : memref<64x128xi32, #tpu.memory_space<hbm>> -> memref<2x128xi32, #tpu.memory_space<hbm>>
    %dma_start3A_16 = arith.constant 0 : i32
    %dma_start3A_17 = tpu.memref_slice %arg3[%mul3A_13, %dma_start3A_16] : memref<64x128xi32, #tpu.memory_space<hbm>> -> memref<2x128xi32, #tpu.memory_space<hbm>>
    tpu.enqueue_dma source(%dma_start3A_17 : memref<2x128xi32, #tpu.memory_space<hbm>>) target(%arg9 : memref<2x128xi32, #tpu.memory_space<vmem>>) target_semaphore(%arg14 : memref<!tpu.dma_semaphore, #tpu.memory_space<semaphore_mem>>)
    tpu.enqueue_dma source(%arg4 : memref<16xi32, #tpu.memory_space<hbm>>) target(%arg11 : memref<16xi32, #tpu.memory_space<vmem>>) target_semaphore(%arg14 : memref<!tpu.dma_semaphore, #tpu.memory_space<semaphore_mem>>)
    %dma_wait3A = arith.constant 0 : i32
    %dma_wait3A_18 = tpu.memref_slice %arg2[%mul3A_7, %dma_wait3A] : memref<64x128xi32, #tpu.memory_space<hbm>> -> memref<2x128xi32, #tpu.memory_space<hbm>>
    %dma_wait3A_19 = arith.constant 0 : i32
    %dma_wait3A_20 = tpu.memref_slice %arg2[%mul3A_7, %dma_wait3A_19] : memref<64x128xi32, #tpu.memory_space<hbm>> -> memref<2x128xi32, #tpu.memory_space<hbm>>
    tpu.wait_dma2 semaphore(%arg14 : memref<!tpu.dma_semaphore, #tpu.memory_space<semaphore_mem>>) src(%dma_wait3A_20 : memref<2x128xi32, #tpu.memory_space<hbm>>) dst(%arg8 : memref<2x128xi32, #tpu.memory_space<vmem>>)
    %dma_wait3A_21 = arith.constant 0 : i32
    %dma_wait3A_22 = tpu.memref_slice %arg3[%mul3A_13, %dma_wait3A_21] : memref<64x128xi32, #tpu.memory_space<hbm>> -> memref<2x128xi32, #tpu.memory_space<hbm>>
    %dma_wait3A_23 = arith.constant 0 : i32
    %dma_wait3A_24 = tpu.memref_slice %arg3[%mul3A_13, %dma_wait3A_23] : memref<64x128xi32, #tpu.memory_space<hbm>> -> memref<2x128xi32, #tpu.memory_space<hbm>>
    tpu.wait_dma2 semaphore(%arg14 : memref<!tpu.dma_semaphore, #tpu.memory_space<semaphore_mem>>) src(%dma_wait3A_24 : memref<2x128xi32, #tpu.memory_space<hbm>>) dst(%arg9 : memref<2x128xi32, #tpu.memory_space<vmem>>)
    tpu.wait_dma2 semaphore(%arg14 : memref<!tpu.dma_semaphore, #tpu.memory_space<semaphore_mem>>) src(%arg4 : memref<16xi32, #tpu.memory_space<hbm>>) dst(%arg11 : memref<16xi32, #tpu.memory_space<vmem>>)
    %get3A = arith.constant 0 : i32
    %get3A_25 = arith.index_cast %get3A : i32 to index
    %get3A_26 = arith.constant 0 : index
    %get3A_27 = tpu.vector_load %arg8[%get3A_25, %get3A_26] {strides = array<i32>} : memref<2x128xi32, #tpu.memory_space<vmem>>, vector<16xi32>,
    %get3A_28 = arith.constant 0 : i32
    %get3A_29 = arith.index_cast %get3A_28 : i32 to index
    %get3A_30 = arith.constant 0 : index
    %get3A_31 = tpu.vector_load %arg9[%get3A_29, %get3A_30] {strides = array<i32>} : memref<2x128xi32, #tpu.memory_space<vmem>>, vector<16xi32>,
    %gather3A = tpu.vector_load_idx %arg11[%get3A_27] : memref<16xi32, #tpu.memory_space<vmem>>[vector<16xi32>], vector<16xi32>,
    %ge3A = arith.constant 8 : i32
    %ge3A_32 = vector.broadcast %ge3A : i32 to vector<16xi32>
    %ge3A_33 = arith.cmpi sge, %get3A_27, %ge3A_32 : vector<16xi32>
    %add3A_34 = arith.addi %gather3A, %get3A_31 : vector<16xi32>
    %jit3A = arith.constant 12288 : i32
    %broadcast_in_dim3A = vector.broadcast %jit3A : i32 to vector<16xi32>
    %select_n3A = arith.select %ge3A_33, %broadcast_in_dim3A, %add3A_34 : vector<16xi1>, vector<16xi32>
    %swap3A = arith.constant 0 : i32
    %swap3A_35 = arith.index_cast %swap3A : i32 to index
    %swap3A_36 = arith.constant 0 : index
    %swap3A_37 = tpu.vector_load %arg10[%swap3A_35, %swap3A_36] {strides = array<i32>} : memref<2x128xi32, #tpu.memory_space<vmem>>, vector<16xi32>,
    tpu.vector_store %arg10[%swap3A_35, %swap3A_36], %select_n3A {strides = array<i32>} : memref<2x128xi32, #tpu.memory_space<vmem>>, vector<16xi32>,
    %get3A_38 = arith.constant 0 : i32
    %get3A_39 = arith.index_cast %get3A_38 : i32 to index
    %get3A_40 = arith.constant 16 : index
    %get3A_41 = tpu.vector_load %arg8[%get3A_39, %get3A_40] {strides = array<i32>} : memref<2x128xi32, #tpu.memory_space<vmem>>, vector<16xi32>,
    %get3A_42 = arith.constant 0 : i32
    %get3A_43 = arith.index_cast %get3A_42 : i32 to index
    %get3A_44 = arith.constant 16 : index
    %get3A_45 = tpu.vector_load %arg9[%get3A_43, %get3A_44] {strides = array<i32>} : memref<2x128xi32, #tpu.memory_space<vmem>>, vector<16xi32>,
    %gather3A_46 = tpu.vector_load_idx %arg11[%get3A_41] : memref<16xi32, #tpu.memory_space<vmem>>[vector<16xi32>], vector<16xi32>,
    %ge3A_47 = arith.constant 8 : i32
    %ge3A_48 = vector.broadcast %ge3A_47 : i32 to vector<16xi32>
    %ge3A_49 = arith.cmpi sge, %get3A_41, %ge3A_48 : vector<16xi32>
    %add3A_50 = arith.addi %gather3A_46, %get3A_45 : vector<16xi32>
    %jit3A_51 = arith.constant 12288 : i32
    %broadcast_in_dim3A_52 = vector.broadcast %jit3A_51 : i32 to vector<16xi32>
    %select_n3A_53 = arith.select %ge3A_49, %broadcast_in_dim3A_52, %add3A_50 : vector<16xi1>, vector<16xi32>
    %swap3A_54 = arith.constant 0 : i32
    %swap3A_55 = arith.index_cast %swap3A_54 : i32 to index
    %swap3A_56 = arith.constant 16 : index
    %swap3A_57 = tpu.vector_load %arg10[%swap3A_55, %swap3A_56] {strides = array<i32>} : memref<2x128xi32, #tpu.memory_space<vmem>>, vector<16xi32>,
    tpu.vector_store %arg10[%swap3A_55, %swap3A_56], %select_n3A_53 {strides = array<i32>} : memref<2x128xi32, #tpu.memory_space<vmem>>, vector<16xi32>,
    %get3A_58 = arith.constant 0 : i32
    %get3A_59 = arith.index_cast %get3A_58 : i32 to index
    %get3A_60 = arith.constant 32 : index
    %get3A_61 = tpu.vector_load %arg8[%get3A_59, %get3A_60] {strides = array<i32>} : memref<2x128xi32, #tpu.memory_space<vmem>>, vector<16xi32>,
    %get3A_62 = arith.constant 0 : i32
    %get3A_63 = arith.index_cast %get3A_62 : i32 to index
    %get3A_64 = arith.constant 32 : index
    %get3A_65 = tpu.vector_load %arg9[%get3A_63, %get3A_64] {strides = array<i32>} : memref<2x128xi32, #tpu.memory_space<vmem>>, vector<16xi32>,
    %gather3A_66 = tpu.vector_load_idx %arg11[%get3A_61] : memref<16xi32, #tpu.memory_space<vmem>>[vector<16xi32>], vector<16xi32>,
    %ge3A_67 = arith.constant 8 : i32
    %ge3A_68 = vector.broadcast %ge3A_67 : i32 to vector<16xi32>
    %ge3A_69 = arith.cmpi sge, %get3A_61, %ge3A_68 : vector<16xi32>
    %add3A_70 = arith.addi %gather3A_66, %get3A_65 : vector<16xi32>
    %jit3A_71 = arith.constant 12288 : i32
    %broadcast_in_dim3A_72 = vector.broadcast %jit3A_71 : i32 to vector<16xi32>
    %select_n3A_73 = arith.select %ge3A_69, %broadcast_in_dim3A_72, %add3A_70 : vector<16xi1>, vector<16xi32>
    %swap3A_74 = arith.constant 0 : i32
    %swap3A_75 = arith.index_cast %swap3A_74 : i32 to index
    %swap3A_76 = arith.constant 32 : index
    %swap3A_77 = tpu.vector_load %arg10[%swap3A_75, %swap3A_76] {strides = array<i32>} : memref<2x128xi32, #tpu.memory_space<vmem>>, vector<16xi32>,
    tpu.vector_store %arg10[%swap3A_75, %swap3A_76], %select_n3A_73 {strides = array<i32>} : memref<2x128xi32, #tpu.memory_space<vmem>>, vector<16xi32>,
    %get3A_78 = arith.constant 0 : i32
    %get3A_79 = arith.index_cast %get3A_78 : i32 to index
    %get3A_80 = arith.constant 48 : index
    %get3A_81 = tpu.vector_load %arg8[%get3A_79, %get3A_80] {strides = array<i32>} : memref<2x128xi32, #tpu.memory_space<vmem>>, vector<16xi32>,
    %get3A_82 = arith.constant 0 : i32
    %get3A_83 = arith.index_cast %get3A_82 : i32 to index
    %get3A_84 = arith.constant 48 : index
    %get3A_85 = tpu.vector_load %arg9[%get3A_83, %get3A_84] {strides = array<i32>} : memref<2x128xi32, #tpu.memory_space<vmem>>, vector<16xi32>,
    %gather3A_86 = tpu.vector_load_idx %arg11[%get3A_81] : memref<16xi32, #tpu.memory_space<vmem>>[vector<16xi32>], vector<16xi32>,
    %ge3A_87 = arith.constant 8 : i32
    %ge3A_88 = vector.broadcast %ge3A_87 : i32 to vector<16xi32>
    %ge3A_89 = arith.cmpi sge, %get3A_81, %ge3A_88 : vector<16xi32>
    %add3A_90 = arith.addi %gather3A_86, %get3A_85 : vector<16xi32>
    %jit3A_91 = arith.constant 12288 : i32
    %broadcast_in_dim3A_92 = vector.broadcast %jit3A_91 : i32 to vector<16xi32>
    %select_n3A_93 = arith.select %ge3A_89, %broadcast_in_dim3A_92, %add3A_90 : vector<16xi1>, vector<16xi32>
    %swap3A_94 = arith.constant 0 : i32
    %swap3A_95 = arith.index_cast %swap3A_94 : i32 to index
    %swap3A_96 = arith.constant 48 : index
    %swap3A_97 = tpu.vector_load %arg10[%swap3A_95, %swap3A_96] {strides = array<i32>} : memref<2x128xi32, #tpu.memory_space<vmem>>, vector<16xi32>,
    tpu.vector_store %arg10[%swap3A_95, %swap3A_96], %select_n3A_93 {strides = array<i32>} : memref<2x128xi32, #tpu.memory_space<vmem>>, vector<16xi32>,
    %get3A_98 = arith.constant 0 : i32
    %get3A_99 = arith.index_cast %get3A_98 : i32 to index
    %get3A_100 = arith.constant 64 : index
    %get3A_101 = tpu.vector_load %arg8[%get3A_99, %get3A_100] {strides = array<i32>} : memref<2x128xi32, #tpu.memory_space<vmem>>, vector<16xi32>,
    %get3A_102 = arith.constant 0 : i32
    %get3A_103 = arith.index_cast %get3A_102 : i32 to index
    %get3A_104 = arith.constant 64 : index
    %get3A_105 = tpu.vector_load %arg9[%get3A_103, %get3A_104] {strides = array<i32>} : memref<2x128xi32, #tpu.memory_space<vmem>>, vector<16xi32>,
    %gather3A_106 = tpu.vector_load_idx %arg11[%get3A_101] : memref<16xi32, #tpu.memory_space<vmem>>[vector<16xi32>], vector<16xi32>,
    %ge3A_107 = arith.constant 8 : i32
    %ge3A_108 = vector.broadcast %ge3A_107 : i32 to vector<16xi32>
    %ge3A_109 = arith.cmpi sge, %get3A_101, %ge3A_108 : vector<16xi32>
    %add3A_110 = arith.addi %gather3A_106, %get3A_105 : vector<16xi32>
    %jit3A_111 = arith.constant 12288 : i32
    %broadcast_in_dim3A_112 = vector.broadcast %jit3A_111 : i32 to vector<16xi32>
    %select_n3A_113 = arith.select %ge3A_109, %broadcast_in_dim3A_112, %add3A_110 : vector<16xi1>, vector<16xi32>
    %swap3A_114 = arith.constant 0 : i32
    %swap3A_115 = arith.index_cast %swap3A_114 : i32 to index
    %swap3A_116 = arith.constant 64 : index
    %swap3A_117 = tpu.vector_load %arg10[%swap3A_115, %swap3A_116] {strides = array<i32>} : memref<2x128xi32, #tpu.memory_space<vmem>>, vector<16xi32>,
    tpu.vector_store %arg10[%swap3A_115, %swap3A_116], %select_n3A_113 {strides = array<i32>} : memref<2x128xi32, #tpu.memory_space<vmem>>, vector<16xi32>,
    %get3A_118 = arith.constant 0 : i32
    %get3A_119 = arith.index_cast %get3A_118 : i32 to index
    %get3A_120 = arith.constant 80 : index
    %get3A_121 = tpu.vector_load %arg8[%get3A_119, %get3A_120] {strides = array<i32>} : memref<2x128xi32, #tpu.memory_space<vmem>>, vector<16xi32>,
    %get3A_122 = arith.constant 0 : i32
    %get3A_123 = arith.index_cast %get3A_122 : i32 to index
    %get3A_124 = arith.constant 80 : index
    %get3A_125 = tpu.vector_load %arg9[%get3A_123, %get3A_124] {strides = array<i32>} : memref<2x128xi32, #tpu.memory_space<vmem>>, vector<16xi32>,
    %gather3A_126 = tpu.vector_load_idx %arg11[%get3A_121] : memref<16xi32, #tpu.memory_space<vmem>>[vector<16xi32>], vector<16xi32>,
    %ge3A_127 = arith.constant 8 : i32
    %ge3A_128 = vector.broadcast %ge3A_127 : i32 to vector<16xi32>
    %ge3A_129 = arith.cmpi sge, %get3A_121, %ge3A_128 : vector<16xi32>
    %add3A_130 = arith.addi %gather3A_126, %get3A_125 : vector<16xi32>
    %jit3A_131 = arith.constant 12288 : i32
    %broadcast_in_dim3A_132 = vector.broadcast %jit3A_131 : i32 to vector<16xi32>
    %select_n3A_133 = arith.select %ge3A_129, %broadcast_in_dim3A_132, %add3A_130 : vector<16xi1>, vector<16xi32>
    %swap3A_134 = arith.constant 0 : i32
    %swap3A_135 = arith.index_cast %swap3A_134 : i32 to index
    %swap3A_136 = arith.constant 80 : index
    %swap3A_137 = tpu.vector_load %arg10[%swap3A_135, %swap3A_136] {strides = array<i32>} : memref<2x128xi32, #tpu.memory_space<vmem>>, vector<16xi32>,
    tpu.vector_store %arg10[%swap3A_135, %swap3A_136], %select_n3A_133 {strides = array<i32>} : memref<2x128xi32, #tpu.memory_space<vmem>>, vector<16xi32>,
    %get3A_138 = arith.constant 0 : i32
    %get3A_139 = arith.index_cast %get3A_138 : i32 to index
    %get3A_140 = arith.constant 96 : index
    %get3A_141 = tpu.vector_load %arg8[%get3A_139, %get3A_140] {strides = array<i32>} : memref<2x128xi32, #tpu.memory_space<vmem>>, vector<16xi32>,
    %get3A_142 = arith.constant 0 : i32
    %get3A_143 = arith.index_cast %get3A_142 : i32 to index
    %get3A_144 = arith.constant 96 : index
    %get3A_145 = tpu.vector_load %arg9[%get3A_143, %get3A_144] {strides = array<i32>} : memref<2x128xi32, #tpu.memory_space<vmem>>, vector<16xi32>,
    %gather3A_146 = tpu.vector_load_idx %arg11[%get3A_141] : memref<16xi32, #tpu.memory_space<vmem>>[vector<16xi32>], vector<16xi32>,
    %ge3A_147 = arith.constant 8 : i32
    %ge3A_148 = vector.broadcast %ge3A_147 : i32 to vector<16xi32>
    %ge3A_149 = arith.cmpi sge, %get3A_141, %ge3A_148 : vector<16xi32>
    %add3A_150 = arith.addi %gather3A_146, %get3A_145 : vector<16xi32>
    %jit3A_151 = arith.constant 12288 : i32
    %broadcast_in_dim3A_152 = vector.broadcast %jit3A_151 : i32 to vector<16xi32>
    %select_n3A_153 = arith.select %ge3A_149, %broadcast_in_dim3A_152, %add3A_150 : vector<16xi1>, vector<16xi32>
    %swap3A_154 = arith.constant 0 : i32
    %swap3A_155 = arith.index_cast %swap3A_154 : i32 to index
    %swap3A_156 = arith.constant 96 : index
    %swap3A_157 = tpu.vector_load %arg10[%swap3A_155, %swap3A_156] {strides = array<i32>} : memref<2x128xi32, #tpu.memory_space<vmem>>, vector<16xi32>,
    tpu.vector_store %arg10[%swap3A_155, %swap3A_156], %select_n3A_153 {strides = array<i32>} : memref<2x128xi32, #tpu.memory_space<vmem>>, vector<16xi32>,
    %get3A_158 = arith.constant 0 : i32
    %get3A_159 = arith.index_cast %get3A_158 : i32 to index
    %get3A_160 = arith.constant 112 : index
    %get3A_161 = tpu.vector_load %arg8[%get3A_159, %get3A_160] {strides = array<i32>} : memref<2x128xi32, #tpu.memory_space<vmem>>, vector<16xi32>,
    %get3A_162 = arith.constant 0 : i32
    %get3A_163 = arith.index_cast %get3A_162 : i32 to index
    %get3A_164 = arith.constant 112 : index
    %get3A_165 = tpu.vector_load %arg9[%get3A_163, %get3A_164] {strides = array<i32>} : memref<2x128xi32, #tpu.memory_space<vmem>>, vector<16xi32>,
    %gather3A_166 = tpu.vector_load_idx %arg11[%get3A_161] : memref<16xi32, #tpu.memory_space<vmem>>[vector<16xi32>], vector<16xi32>,
    %ge3A_167 = arith.constant 8 : i32
    %ge3A_168 = vector.broadcast %ge3A_167 : i32 to vector<16xi32>
    %ge3A_169 = arith.cmpi sge, %get3A_161, %ge3A_168 : vector<16xi32>
    %add3A_170 = arith.addi %gather3A_166, %get3A_165 : vector<16xi32>
    %jit3A_171 = arith.constant 12288 : i32
    %broadcast_in_dim3A_172 = vector.broadcast %jit3A_171 : i32 to vector<16xi32>
    %select_n3A_173 = arith.select %ge3A_169, %broadcast_in_dim3A_172, %add3A_170 : vector<16xi1>, vector<16xi32>
    %swap3A_174 = arith.constant 0 : i32
    %swap3A_175 = arith.index_cast %swap3A_174 : i32 to index
    %swap3A_176 = arith.constant 112 : index
    %swap3A_177 = tpu.vector_load %arg10[%swap3A_175, %swap3A_176] {strides = array<i32>} : memref<2x128xi32, #tpu.memory_space<vmem>>, vector<16xi32>,
    tpu.vector_store %arg10[%swap3A_175, %swap3A_176], %select_n3A_173 {strides = array<i32>} : memref<2x128xi32, #tpu.memory_space<vmem>>, vector<16xi32>,
    %get3A_178 = arith.constant 1 : i32
    %get3A_179 = arith.index_cast %get3A_178 : i32 to index
    %get3A_180 = arith.constant 0 : index
    %get3A_181 = tpu.vector_load %arg8[%get3A_179, %get3A_180] {strides = array<i32>} : memref<2x128xi32, #tpu.memory_space<vmem>>, vector<16xi32>,
    %get3A_182 = arith.constant 1 : i32
    %get3A_183 = arith.index_cast %get3A_182 : i32 to index
    %get3A_184 = arith.constant 0 : index
    %get3A_185 = tpu.vector_load %arg9[%get3A_183, %get3A_184] {strides = array<i32>} : memref<2x128xi32, #tpu.memory_space<vmem>>, vector<16xi32>,
    %gather3A_186 = tpu.vector_load_idx %arg11[%get3A_181] : memref<16xi32, #tpu.memory_space<vmem>>[vector<16xi32>], vector<16xi32>,
    %ge3A_187 = arith.constant 8 : i32
    %ge3A_188 = vector.broadcast %ge3A_187 : i32 to vector<16xi32>
    %ge3A_189 = arith.cmpi sge, %get3A_181, %ge3A_188 : vector<16xi32>
    %add3A_190 = arith.addi %gather3A_186, %get3A_185 : vector<16xi32>
    %jit3A_191 = arith.constant 12288 : i32
    %broadcast_in_dim3A_192 = vector.broadcast %jit3A_191 : i32 to vector<16xi32>
    %select_n3A_193 = arith.select %ge3A_189, %broadcast_in_dim3A_192, %add3A_190 : vector<16xi1>, vector<16xi32>
    %swap3A_194 = arith.constant 1 : i32
    %swap3A_195 = arith.index_cast %swap3A_194 : i32 to index
    %swap3A_196 = arith.constant 0 : index
    %swap3A_197 = tpu.vector_load %arg10[%swap3A_195, %swap3A_196] {strides = array<i32>} : memref<2x128xi32, #tpu.memory_space<vmem>>, vector<16xi32>,
    tpu.vector_store %arg10[%swap3A_195, %swap3A_196], %select_n3A_193 {strides = array<i32>} : memref<2x128xi32, #tpu.memory_space<vmem>>, vector<16xi32>,
    %get3A_198 = arith.constant 1 : i32
    %get3A_199 = arith.index_cast %get3A_198 : i32 to index
    %get3A_200 = arith.constant 16 : index
    %get3A_201 = tpu.vector_load %arg8[%get3A_199, %get3A_200] {strides = array<i32>} : memref<2x128xi32, #tpu.memory_space<vmem>>, vector<16xi32>,
    %get3A_202 = arith.constant 1 : i32
    %get3A_203 = arith.index_cast %get3A_202 : i32 to index
    %get3A_204 = arith.constant 16 : index
    %get3A_205 = tpu.vector_load %arg9[%get3A_203, %get3A_204] {strides = array<i32>} : memref<2x128xi32, #tpu.memory_space<vmem>>, vector<16xi32>,
    %gather3A_206 = tpu.vector_load_idx %arg11[%get3A_201] : memref<16xi32, #tpu.memory_space<vmem>>[vector<16xi32>], vector<16xi32>,
    %ge3A_207 = arith.constant 8 : i32
    %ge3A_208 = vector.broadcast %ge3A_207 : i32 to vector<16xi32>
    %ge3A_209 = arith.cmpi sge, %get3A_201, %ge3A_208 : vector<16xi32>
    %add3A_210 = arith.addi %gather3A_206, %get3A_205 : vector<16xi32>
    %jit3A_211 = arith.constant 12288 : i32
    %broadcast_in_dim3A_212 = vector.broadcast %jit3A_211 : i32 to vector<16xi32>
    %select_n3A_213 = arith.select %ge3A_209, %broadcast_in_dim3A_212, %add3A_210 : vector<16xi1>, vector<16xi32>
    %swap3A_214 = arith.constant 1 : i32
    %swap3A_215 = arith.index_cast %swap3A_214 : i32 to index
    %swap3A_216 = arith.constant 16 : index
    %swap3A_217 = tpu.vector_load %arg10[%swap3A_215, %swap3A_216] {strides = array<i32>} : memref<2x128xi32, #tpu.memory_space<vmem>>, vector<16xi32>,
    tpu.vector_store %arg10[%swap3A_215, %swap3A_216], %select_n3A_213 {strides = array<i32>} : memref<2x128xi32, #tpu.memory_space<vmem>>, vector<16xi32>,
    %get3A_218 = arith.constant 1 : i32
    %get3A_219 = arith.index_cast %get3A_218 : i32 to index
    %get3A_220 = arith.constant 32 : index
    %get3A_221 = tpu.vector_load %arg8[%get3A_219, %get3A_220] {strides = array<i32>} : memref<2x128xi32, #tpu.memory_space<vmem>>, vector<16xi32>,
    %get3A_222 = arith.constant 1 : i32
    %get3A_223 = arith.index_cast %get3A_222 : i32 to index
    %get3A_224 = arith.constant 32 : index
    %get3A_225 = tpu.vector_load %arg9[%get3A_223, %get3A_224] {strides = array<i32>} : memref<2x128xi32, #tpu.memory_space<vmem>>, vector<16xi32>,
    %gather3A_226 = tpu.vector_load_idx %arg11[%get3A_221] : memref<16xi32, #tpu.memory_space<vmem>>[vector<16xi32>], vector<16xi32>,
    %ge3A_227 = arith.constant 8 : i32
    %ge3A_228 = vector.broadcast %ge3A_227 : i32 to vector<16xi32>
    %ge3A_229 = arith.cmpi sge, %get3A_221, %ge3A_228 : vector<16xi32>
    %add3A_230 = arith.addi %gather3A_226, %get3A_225 : vector<16xi32>
    %jit3A_231 = arith.constant 12288 : i32
    %broadcast_in_dim3A_232 = vector.broadcast %jit3A_231 : i32 to vector<16xi32>
    %select_n3A_233 = arith.select %ge3A_229, %broadcast_in_dim3A_232, %add3A_230 : vector<16xi1>, vector<16xi32>
    %swap3A_234 = arith.constant 1 : i32
    %swap3A_235 = arith.index_cast %swap3A_234 : i32 to index
    %swap3A_236 = arith.constant 32 : index
    %swap3A_237 = tpu.vector_load %arg10[%swap3A_235, %swap3A_236] {strides = array<i32>} : memref<2x128xi32, #tpu.memory_space<vmem>>, vector<16xi32>,
    tpu.vector_store %arg10[%swap3A_235, %swap3A_236], %select_n3A_233 {strides = array<i32>} : memref<2x128xi32, #tpu.memory_space<vmem>>, vector<16xi32>,
    %get3A_238 = arith.constant 1 : i32
    %get3A_239 = arith.index_cast %get3A_238 : i32 to index
    %get3A_240 = arith.constant 48 : index
    %get3A_241 = tpu.vector_load %arg8[%get3A_239, %get3A_240] {strides = array<i32>} : memref<2x128xi32, #tpu.memory_space<vmem>>, vector<16xi32>,
    %get3A_242 = arith.constant 1 : i32
    %get3A_243 = arith.index_cast %get3A_242 : i32 to index
    %get3A_244 = arith.constant 48 : index
    %get3A_245 = tpu.vector_load %arg9[%get3A_243, %get3A_244] {strides = array<i32>} : memref<2x128xi32, #tpu.memory_space<vmem>>, vector<16xi32>,
    %gather3A_246 = tpu.vector_load_idx %arg11[%get3A_241] : memref<16xi32, #tpu.memory_space<vmem>>[vector<16xi32>], vector<16xi32>,
    %ge3A_247 = arith.constant 8 : i32
    %ge3A_248 = vector.broadcast %ge3A_247 : i32 to vector<16xi32>
    %ge3A_249 = arith.cmpi sge, %get3A_241, %ge3A_248 : vector<16xi32>
    %add3A_250 = arith.addi %gather3A_246, %get3A_245 : vector<16xi32>
    %jit3A_251 = arith.constant 12288 : i32
    %broadcast_in_dim3A_252 = vector.broadcast %jit3A_251 : i32 to vector<16xi32>
    %select_n3A_253 = arith.select %ge3A_249, %broadcast_in_dim3A_252, %add3A_250 : vector<16xi1>, vector<16xi32>
    %swap3A_254 = arith.constant 1 : i32
    %swap3A_255 = arith.index_cast %swap3A_254 : i32 to index
    %swap3A_256 = arith.constant 48 : index
    %swap3A_257 = tpu.vector_load %arg10[%swap3A_255, %swap3A_256] {strides = array<i32>} : memref<2x128xi32, #tpu.memory_space<vmem>>, vector<16xi32>,
    tpu.vector_store %arg10[%swap3A_255, %swap3A_256], %select_n3A_253 {strides = array<i32>} : memref<2x128xi32, #tpu.memory_space<vmem>>, vector<16xi32>,
    %get3A_258 = arith.constant 1 : i32
    %get3A_259 = arith.index_cast %get3A_258 : i32 to index
    %get3A_260 = arith.constant 64 : index
    %get3A_261 = tpu.vector_load %arg8[%get3A_259, %get3A_260] {strides = array<i32>} : memref<2x128xi32, #tpu.memory_space<vmem>>, vector<16xi32>,
    %get3A_262 = arith.constant 1 : i32
    %get3A_263 = arith.index_cast %get3A_262 : i32 to index
    %get3A_264 = arith.constant 64 : index
    %get3A_265 = tpu.vector_load %arg9[%get3A_263, %get3A_264] {strides = array<i32>} : memref<2x128xi32, #tpu.memory_space<vmem>>, vector<16xi32>,
    %gather3A_266 = tpu.vector_load_idx %arg11[%get3A_261] : memref<16xi32, #tpu.memory_space<vmem>>[vector<16xi32>], vector<16xi32>,
    %ge3A_267 = arith.constant 8 : i32
    %ge3A_268 = vector.broadcast %ge3A_267 : i32 to vector<16xi32>
    %ge3A_269 = arith.cmpi sge, %get3A_261, %ge3A_268 : vector<16xi32>
    %add3A_270 = arith.addi %gather3A_266, %get3A_265 : vector<16xi32>
    %jit3A_271 = arith.constant 12288 : i32
    %broadcast_in_dim3A_272 = vector.broadcast %jit3A_271 : i32 to vector<16xi32>
    %select_n3A_273 = arith.select %ge3A_269, %broadcast_in_dim3A_272, %add3A_270 : vector<16xi1>, vector<16xi32>
    %swap3A_274 = arith.constant 1 : i32
    %swap3A_275 = arith.index_cast %swap3A_274 : i32 to index
    %swap3A_276 = arith.constant 64 : index
    %swap3A_277 = tpu.vector_load %arg10[%swap3A_275, %swap3A_276] {strides = array<i32>} : memref<2x128xi32, #tpu.memory_space<vmem>>, vector<16xi32>,
    tpu.vector_store %arg10[%swap3A_275, %swap3A_276], %select_n3A_273 {strides = array<i32>} : memref<2x128xi32, #tpu.memory_space<vmem>>, vector<16xi32>,
    %get3A_278 = arith.constant 1 : i32
    %get3A_279 = arith.index_cast %get3A_278 : i32 to index
    %get3A_280 = arith.constant 80 : index
    %get3A_281 = tpu.vector_load %arg8[%get3A_279, %get3A_280] {strides = array<i32>} : memref<2x128xi32, #tpu.memory_space<vmem>>, vector<16xi32>,
    %get3A_282 = arith.constant 1 : i32
    %get3A_283 = arith.index_cast %get3A_282 : i32 to index
    %get3A_284 = arith.constant 80 : index
    %get3A_285 = tpu.vector_load %arg9[%get3A_283, %get3A_284] {strides = array<i32>} : memref<2x128xi32, #tpu.memory_space<vmem>>, vector<16xi32>,
    %gather3A_286 = tpu.vector_load_idx %arg11[%get3A_281] : memref<16xi32, #tpu.memory_space<vmem>>[vector<16xi32>], vector<16xi32>,
    %ge3A_287 = arith.constant 8 : i32
    %ge3A_288 = vector.broadcast %ge3A_287 : i32 to vector<16xi32>
    %ge3A_289 = arith.cmpi sge, %get3A_281, %ge3A_288 : vector<16xi32>
    %add3A_290 = arith.addi %gather3A_286, %get3A_285 : vector<16xi32>
    %jit3A_291 = arith.constant 12288 : i32
    %broadcast_in_dim3A_292 = vector.broadcast %jit3A_291 : i32 to vector<16xi32>
    %select_n3A_293 = arith.select %ge3A_289, %broadcast_in_dim3A_292, %add3A_290 : vector<16xi1>, vector<16xi32>
    %swap3A_294 = arith.constant 1 : i32
    %swap3A_295 = arith.index_cast %swap3A_294 : i32 to index
    %swap3A_296 = arith.constant 80 : index
    %swap3A_297 = tpu.vector_load %arg10[%swap3A_295, %swap3A_296] {strides = array<i32>} : memref<2x128xi32, #tpu.memory_space<vmem>>, vector<16xi32>,
    tpu.vector_store %arg10[%swap3A_295, %swap3A_296], %select_n3A_293 {strides = array<i32>} : memref<2x128xi32, #tpu.memory_space<vmem>>, vector<16xi32>,
    %get3A_298 = arith.constant 1 : i32
    %get3A_299 = arith.index_cast %get3A_298 : i32 to index
    %get3A_300 = arith.constant 96 : index
    %get3A_301 = tpu.vector_load %arg8[%get3A_299, %get3A_300] {strides = array<i32>} : memref<2x128xi32, #tpu.memory_space<vmem>>, vector<16xi32>,
    %get3A_302 = arith.constant 1 : i32
    %get3A_303 = arith.index_cast %get3A_302 : i32 to index
    %get3A_304 = arith.constant 96 : index
    %get3A_305 = tpu.vector_load %arg9[%get3A_303, %get3A_304] {strides = array<i32>} : memref<2x128xi32, #tpu.memory_space<vmem>>, vector<16xi32>,
    %gather3A_306 = tpu.vector_load_idx %arg11[%get3A_301] : memref<16xi32, #tpu.memory_space<vmem>>[vector<16xi32>], vector<16xi32>,
    %ge3A_307 = arith.constant 8 : i32
    %ge3A_308 = vector.broadcast %ge3A_307 : i32 to vector<16xi32>
    %ge3A_309 = arith.cmpi sge, %get3A_301, %ge3A_308 : vector<16xi32>
    %add3A_310 = arith.addi %gather3A_306, %get3A_305 : vector<16xi32>
    %jit3A_311 = arith.constant 12288 : i32
    %broadcast_in_dim3A_312 = vector.broadcast %jit3A_311 : i32 to vector<16xi32>
    %select_n3A_313 = arith.select %ge3A_309, %broadcast_in_dim3A_312, %add3A_310 : vector<16xi1>, vector<16xi32>
    %swap3A_314 = arith.constant 1 : i32
    %swap3A_315 = arith.index_cast %swap3A_314 : i32 to index
    %swap3A_316 = arith.constant 96 : index
    %swap3A_317 = tpu.vector_load %arg10[%swap3A_315, %swap3A_316] {strides = array<i32>} : memref<2x128xi32, #tpu.memory_space<vmem>>, vector<16xi32>,
    tpu.vector_store %arg10[%swap3A_315, %swap3A_316], %select_n3A_313 {strides = array<i32>} : memref<2x128xi32, #tpu.memory_space<vmem>>, vector<16xi32>,
    %get3A_318 = arith.constant 1 : i32
    %get3A_319 = arith.index_cast %get3A_318 : i32 to index
    %get3A_320 = arith.constant 112 : index
    %get3A_321 = tpu.vector_load %arg8[%get3A_319, %get3A_320] {strides = array<i32>} : memref<2x128xi32, #tpu.memory_space<vmem>>, vector<16xi32>,
    %get3A_322 = arith.constant 1 : i32
    %get3A_323 = arith.index_cast %get3A_322 : i32 to index
    %get3A_324 = arith.constant 112 : index
    %get3A_325 = tpu.vector_load %arg9[%get3A_323, %get3A_324] {strides = array<i32>} : memref<2x128xi32, #tpu.memory_space<vmem>>, vector<16xi32>,
    %gather3A_326 = tpu.vector_load_idx %arg11[%get3A_321] : memref<16xi32, #tpu.memory_space<vmem>>[vector<16xi32>], vector<16xi32>,
    %ge3A_327 = arith.constant 8 : i32
    %ge3A_328 = vector.broadcast %ge3A_327 : i32 to vector<16xi32>
    %ge3A_329 = arith.cmpi sge, %get3A_321, %ge3A_328 : vector<16xi32>
    %add3A_330 = arith.addi %gather3A_326, %get3A_325 : vector<16xi32>
    %jit3A_331 = arith.constant 12288 : i32
    %broadcast_in_dim3A_332 = vector.broadcast %jit3A_331 : i32 to vector<16xi32>
    %select_n3A_333 = arith.select %ge3A_329, %broadcast_in_dim3A_332, %add3A_330 : vector<16xi1>, vector<16xi32>
    %swap3A_334 = arith.constant 1 : i32
    %swap3A_335 = arith.index_cast %swap3A_334 : i32 to index
    %swap3A_336 = arith.constant 112 : index
    %swap3A_337 = tpu.vector_load %arg10[%swap3A_335, %swap3A_336] {strides = array<i32>} : memref<2x128xi32, #tpu.memory_space<vmem>>, vector<16xi32>,
    tpu.vector_store %arg10[%swap3A_335, %swap3A_336], %select_n3A_333 {strides = array<i32>} : memref<2x128xi32, #tpu.memory_space<vmem>>, vector<16xi32>,
    %dma_wait3A_338 = arith.constant 0 : i32
    %dma_wait3A_339 = tpu.memref_slice %arg5[%mul3A_2, %dma_wait3A_338] : memref<8192x256xf32, #tpu.memory_space<hbm>> -> memref<256x256xf32, #tpu.memory_space<hbm>>
    %dma_wait3A_340 = arith.constant 0 : i32
    %dma_wait3A_341 = tpu.memref_slice %arg5[%mul3A_2, %dma_wait3A_340] : memref<8192x256xf32, #tpu.memory_space<hbm>> -> memref<256x256xf32, #tpu.memory_space<hbm>>
    tpu.wait_dma2 semaphore(%arg13 : memref<!tpu.dma_semaphore, #tpu.memory_space<semaphore_mem>>) src(%dma_wait3A_341 : memref<256x256xf32, #tpu.memory_space<hbm>>) dst(%arg12 : memref<256x256xf32, #tpu.memory_space<vmem>>)
    %dma_start3A_342 = arith.constant 0 : i32
    %dma_start3A_343 = arith.constant 0 : i32
    %dma_start3A_344 = tpu.memref_slice %arg7[%add3A, %dma_start3A_342, %dma_start3A_343] : memref<32x2x128xi32, #tpu.memory_space<hbm>> -> memref<1x2x128xi32, #tpu.memory_space<hbm>>
    %dma_start3A_345 = tpu.memref_squeeze %dma_start3A_344 : memref<1x2x128xi32, #tpu.memory_space<hbm>> -> memref<2x128xi32, #tpu.memory_space<hbm>>
    %dma_start3A_346 = arith.constant 0 : i32
    %dma_start3A_347 = arith.constant 0 : i32
    %dma_start3A_348 = tpu.memref_slice %arg7[%add3A, %dma_start3A_346, %dma_start3A_347] : memref<32x2x128xi32, #tpu.memory_space<hbm>> -> memref<1x2x128xi32, #tpu.memory_space<hbm>>
    %dma_start3A_349 = tpu.memref_squeeze %dma_start3A_348 : memref<1x2x128xi32, #tpu.memory_space<hbm>> -> memref<2x128xi32, #tpu.memory_space<hbm>>
    tpu.enqueue_dma source(%arg10 : memref<2x128xi32, #tpu.memory_space<vmem>>) target(%dma_start3A_349 : memref<2x128xi32, #tpu.memory_space<hbm>>) target_semaphore(%arg15 : memref<!tpu.dma_semaphore, #tpu.memory_space<semaphore_mem>>)
    %dma_start3A_350 = arith.constant 0 : i32
    %dma_start3A_351 = arith.constant 0 : i32
    %dma_start3A_352 = arith.constant 0 : i32
    %dma_start3A_353 = tpu.memref_slice %arg12[%dma_start3A_351, %dma_start3A_352] : memref<256x256xf32, #tpu.memory_space<vmem>> -> memref<128x256xf32, #tpu.memory_space<vmem>>
    %dma_start3A_354 = arith.constant 0 : i32
    %dma_start3A_355 = tpu.memref_slice %arg10[%dma_start3A_350, %dma_start3A_354] : memref<2x128xi32, #tpu.memory_space<vmem>> -> memref<1x128xi32, #tpu.memory_space<vmem>>
    %dma_start3A_356 = tpu.memref_squeeze %dma_start3A_355 : memref<1x128xi32, #tpu.memory_space<vmem>> -> memref<128xi32, #tpu.memory_space<vmem>>
    %dma_start3A_357 = arith.constant 0 : i32
    %dma_start3A_358 = arith.constant 0 : i32
    %dma_start3A_359 = tpu.memref_slice %arg6[%dma_start3A_357, %dma_start3A_358] : memref<12800x256xf32, #tpu.memory_space<hbm>> -> memref<12800x256xf32, #tpu.memory_space<hbm>>
    tpu.enqueue_indirect_dma source(%dma_start3A_353 : memref<128x256xf32, #tpu.memory_space<vmem>>) target(%dma_start3A_359 : memref<12800x256xf32, #tpu.memory_space<hbm>>) offsets(%dma_start3A_356 : memref<128xi32, #tpu.memory_space<vmem>>) semaphore(%arg15 : memref<!tpu.dma_semaphore, #tpu.memory_space<semaphore_mem>>)
    %dma_start3A_360 = arith.constant 1 : i32
    %dma_start3A_361 = arith.constant 128 : i32
    %dma_start3A_362 = arith.constant 0 : i32
    %dma_start3A_363 = tpu.memref_slice %arg12[%dma_start3A_361, %dma_start3A_362] : memref<256x256xf32, #tpu.memory_space<vmem>> -> memref<128x256xf32, #tpu.memory_space<vmem>>
    %dma_start3A_364 = arith.constant 0 : i32
    %dma_start3A_365 = tpu.memref_slice %arg10[%dma_start3A_360, %dma_start3A_364] : memref<2x128xi32, #tpu.memory_space<vmem>> -> memref<1x128xi32, #tpu.memory_space<vmem>>
    %dma_start3A_366 = tpu.memref_squeeze %dma_start3A_365 : memref<1x128xi32, #tpu.memory_space<vmem>> -> memref<128xi32, #tpu.memory_space<vmem>>
    %dma_start3A_367 = arith.constant 0 : i32
    %dma_start3A_368 = arith.constant 0 : i32
    %dma_start3A_369 = tpu.memref_slice %arg6[%dma_start3A_367, %dma_start3A_368] : memref<12800x256xf32, #tpu.memory_space<hbm>> -> memref<12800x256xf32, #tpu.memory_space<hbm>>
    tpu.enqueue_indirect_dma source(%dma_start3A_363 : memref<128x256xf32, #tpu.memory_space<vmem>>) target(%dma_start3A_369 : memref<12800x256xf32, #tpu.memory_space<hbm>>) offsets(%dma_start3A_366 : memref<128xi32, #tpu.memory_space<vmem>>) semaphore(%arg15 : memref<!tpu.dma_semaphore, #tpu.memory_space<semaphore_mem>>)
    %dma_wait3A_370 = arith.constant 0 : i32
    %dma_wait3A_371 = arith.constant 0 : i32
    %dma_wait3A_372 = tpu.memref_slice %arg7[%add3A, %dma_wait3A_370, %dma_wait3A_371] : memref<32x2x128xi32, #tpu.memory_space<hbm>> -> memref<1x2x128xi32, #tpu.memory_space<hbm>>
    %dma_wait3A_373 = tpu.memref_squeeze %dma_wait3A_372 : memref<1x2x128xi32, #tpu.memory_space<hbm>> -> memref<2x128xi32, #tpu.memory_space<hbm>>
    %dma_wait3A_374 = arith.constant 0 : i32
    %dma_wait3A_375 = arith.constant 0 : i32
    %dma_wait3A_376 = tpu.memref_slice %arg7[%add3A, %dma_wait3A_374, %dma_wait3A_375] : memref<32x2x128xi32, #tpu.memory_space<hbm>> -> memref<1x2x128xi32, #tpu.memory_space<hbm>>
    %dma_wait3A_377 = tpu.memref_squeeze %dma_wait3A_376 : memref<1x2x128xi32, #tpu.memory_space<hbm>> -> memref<2x128xi32, #tpu.memory_space<hbm>>
    tpu.wait_dma2 semaphore(%arg15 : memref<!tpu.dma_semaphore, #tpu.memory_space<semaphore_mem>>) src(%arg10 : memref<2x128xi32, #tpu.memory_space<vmem>>) dst(%dma_wait3A_377 : memref<2x128xi32, #tpu.memory_space<hbm>>)
    %dma_wait3A_378 = arith.constant 0 : i32
    %dma_wait3A_379 = arith.constant 0 : i32
    %dma_wait3A_380 = arith.constant 0 : i32
    %dma_wait3A_381 = tpu.memref_slice %arg12[%dma_wait3A_379, %dma_wait3A_380] : memref<256x256xf32, #tpu.memory_space<vmem>> -> memref<128x256xf32, #tpu.memory_space<vmem>>
    %dma_wait3A_382 = arith.constant 0 : i32
    %dma_wait3A_383 = tpu.memref_slice %arg10[%dma_wait3A_378, %dma_wait3A_382] : memref<2x128xi32, #tpu.memory_space<vmem>> -> memref<1x128xi32, #tpu.memory_space<vmem>>
    %dma_wait3A_384 = tpu.memref_squeeze %dma_wait3A_383 : memref<1x128xi32, #tpu.memory_space<vmem>> -> memref<128xi32, #tpu.memory_space<vmem>>
    %dma_wait3A_385 = arith.constant 0 : i32
    %dma_wait3A_386 = arith.constant 0 : i32
    %dma_wait3A_387 = tpu.memref_slice %arg6[%dma_wait3A_385, %dma_wait3A_386] : memref<12800x256xf32, #tpu.memory_space<hbm>> -> memref<12800x256xf32, #tpu.memory_space<hbm>>
    tpu.wait_indirect_dma semaphore(%arg15 : memref<!tpu.dma_semaphore, #tpu.memory_space<semaphore_mem>>) src(%dma_wait3A_381 : memref<128x256xf32, #tpu.memory_space<vmem>>) dst(%dma_wait3A_387 : memref<12800x256xf32, #tpu.memory_space<hbm>>)
    %dma_wait3A_388 = arith.constant 1 : i32
    %dma_wait3A_389 = arith.constant 128 : i32
    %dma_wait3A_390 = arith.constant 0 : i32
    %dma_wait3A_391 = tpu.memref_slice %arg12[%dma_wait3A_389, %dma_wait3A_390] : memref<256x256xf32, #tpu.memory_space<vmem>> -> memref<128x256xf32, #tpu.memory_space<vmem>>
    %dma_wait3A_392 = arith.constant 0 : i32
    %dma_wait3A_393 = tpu.memref_slice %arg10[%dma_wait3A_388, %dma_wait3A_392] : memref<2x128xi32, #tpu.memory_space<vmem>> -> memref<1x128xi32, #tpu.memory_space<vmem>>
    %dma_wait3A_394 = tpu.memref_squeeze %dma_wait3A_393 : memref<1x128xi32, #tpu.memory_space<vmem>> -> memref<128xi32, #tpu.memory_space<vmem>>
    %dma_wait3A_395 = arith.constant 0 : i32
    %dma_wait3A_396 = arith.constant 0 : i32
    %dma_wait3A_397 = tpu.memref_slice %arg6[%dma_wait3A_395, %dma_wait3A_396] : memref<12800x256xf32, #tpu.memory_space<hbm>> -> memref<12800x256xf32, #tpu.memory_space<hbm>>
    tpu.wait_indirect_dma semaphore(%arg15 : memref<!tpu.dma_semaphore, #tpu.memory_space<semaphore_mem>>) src(%dma_wait3A_391 : memref<128x256xf32, #tpu.memory_space<vmem>>) dst(%dma_wait3A_397 : memref<12800x256xf32, #tpu.memory_space<hbm>>)
    return
  }
}

#map = affine_map<(d0, d1) -> (0, 0, 0)>
#map1 = affine_map<(d0, d1) -> (0, 0)>
module attributes {stable_mosaic.version = 14 : i64} {
  func.func @gath(%arg0: i32, %arg1: i32, %arg2: memref<32x2x128xi32, #tpu.memory_space<hbm>>, %arg3: memref<12800x256xf32, #tpu.memory_space<hbm>>, %arg4: memref<8192x256xf32, #tpu.memory_space<hbm>>, %arg5: memref<2x128xi32, #tpu.memory_space<vmem>>, %arg6: memref<256x256xf32, #tpu.memory_space<vmem>>, %arg7: memref<!tpu.dma_semaphore, #tpu.memory_space<semaphore_mem>>) attributes {dimension_semantics = [#tpu.dimension_semantics<core_parallel>, #tpu.dimension_semantics<subcore_parallel>], iteration_bounds = array<i64: 2, 16>, scalar_prefetch = 0 : i64, scratch_operands = 3 : i64, tpu.core_type = #tpu.core_type<sc_vector_subcore>, window_params = [{transform_indices = #map}, {transform_indices = #map1}, {transform_indices = #map1}]} {
    %mul3A = arith.constant 2 : i32
    %mul3A_0 = arith.muli %arg1, %mul3A : i32
    %add3A = arith.addi %mul3A_0, %arg0 : i32
    %mul3A_1 = arith.constant 256 : i32
    %mul3A_2 = arith.muli %add3A, %mul3A_1 : i32
    "tpu.region"() ({
      %run_scoped3A = tpu.sem_alloc : memref<!tpu.dma_semaphore, #tpu.memory_space<semaphore_mem>>
      %dma_start3A_41 = arith.constant 0 : i32
      %dma_start3A_42 = arith.constant 0 : i32
      %dma_start3A_43 = tpu.memref_slice %arg2[%add3A, %dma_start3A_41, %dma_start3A_42] : memref<32x2x128xi32, #tpu.memory_space<hbm>> -> memref<1x2x128xi32, #tpu.memory_space<hbm>>
      %dma_start3A_44 = tpu.memref_squeeze %dma_start3A_43 : memref<1x2x128xi32, #tpu.memory_space<hbm>> -> memref<2x128xi32, #tpu.memory_space<hbm>>
      %dma_start3A_45 = arith.constant 0 : i32
      %dma_start3A_46 = arith.constant 0 : i32
      %dma_start3A_47 = tpu.memref_slice %arg2[%add3A, %dma_start3A_45, %dma_start3A_46] : memref<32x2x128xi32, #tpu.memory_space<hbm>> -> memref<1x2x128xi32, #tpu.memory_space<hbm>>
      %dma_start3A_48 = tpu.memref_squeeze %dma_start3A_47 : memref<1x2x128xi32, #tpu.memory_space<hbm>> -> memref<2x128xi32, #tpu.memory_space<hbm>>
      tpu.enqueue_dma source(%dma_start3A_48 : memref<2x128xi32, #tpu.memory_space<hbm>>) target(%arg5 : memref<2x128xi32, #tpu.memory_space<vmem>>) target_semaphore(%run_scoped3A : memref<!tpu.dma_semaphore, #tpu.memory_space<semaphore_mem>>)
      %dma_wait3A_49 = arith.constant 0 : i32
      %dma_wait3A_50 = arith.constant 0 : i32
      %dma_wait3A_51 = tpu.memref_slice %arg2[%add3A, %dma_wait3A_49, %dma_wait3A_50] : memref<32x2x128xi32, #tpu.memory_space<hbm>> -> memref<1x2x128xi32, #tpu.memory_space<hbm>>
      %dma_wait3A_52 = tpu.memref_squeeze %dma_wait3A_51 : memref<1x2x128xi32, #tpu.memory_space<hbm>> -> memref<2x128xi32, #tpu.memory_space<hbm>>
      %dma_wait3A_53 = arith.constant 0 : i32
      %dma_wait3A_54 = arith.constant 0 : i32
      %dma_wait3A_55 = tpu.memref_slice %arg2[%add3A, %dma_wait3A_53, %dma_wait3A_54] : memref<32x2x128xi32, #tpu.memory_space<hbm>> -> memref<1x2x128xi32, #tpu.memory_space<hbm>>
      %dma_wait3A_56 = tpu.memref_squeeze %dma_wait3A_55 : memref<1x2x128xi32, #tpu.memory_space<hbm>> -> memref<2x128xi32, #tpu.memory_space<hbm>>
      tpu.wait_dma2 semaphore(%run_scoped3A : memref<!tpu.dma_semaphore, #tpu.memory_space<semaphore_mem>>) src(%dma_wait3A_56 : memref<2x128xi32, #tpu.memory_space<hbm>>) dst(%arg5 : memref<2x128xi32, #tpu.memory_space<vmem>>)
      tpu.yield
    }) : () -> ()
    %dma_start3A = arith.constant 0 : i32
    %dma_start3A_3 = arith.constant 0 : i32
    %dma_start3A_4 = arith.constant 0 : i32
    %dma_start3A_5 = tpu.memref_slice %arg6[%dma_start3A_3, %dma_start3A_4] : memref<256x256xf32, #tpu.memory_space<vmem>> -> memref<128x256xf32, #tpu.memory_space<vmem>>
    %dma_start3A_6 = arith.constant 0 : i32
    %dma_start3A_7 = tpu.memref_slice %arg5[%dma_start3A, %dma_start3A_6] : memref<2x128xi32, #tpu.memory_space<vmem>> -> memref<1x128xi32, #tpu.memory_space<vmem>>
    %dma_start3A_8 = tpu.memref_squeeze %dma_start3A_7 : memref<1x128xi32, #tpu.memory_space<vmem>> -> memref<128xi32, #tpu.memory_space<vmem>>
    %dma_start3A_9 = arith.constant 0 : i32
    %dma_start3A_10 = arith.constant 0 : i32
    %dma_start3A_11 = tpu.memref_slice %arg3[%dma_start3A_9, %dma_start3A_10] : memref<12800x256xf32, #tpu.memory_space<hbm>> -> memref<12800x256xf32, #tpu.memory_space<hbm>>
    tpu.enqueue_indirect_dma source(%dma_start3A_11 : memref<12800x256xf32, #tpu.memory_space<hbm>>) target(%dma_start3A_5 : memref<128x256xf32, #tpu.memory_space<vmem>>) offsets(%dma_start3A_8 : memref<128xi32, #tpu.memory_space<vmem>>) semaphore(%arg7 : memref<!tpu.dma_semaphore, #tpu.memory_space<semaphore_mem>>)
    %dma_start3A_12 = arith.constant 1 : i32
    %dma_start3A_13 = arith.constant 128 : i32
    %dma_start3A_14 = arith.constant 0 : i32
    %dma_start3A_15 = tpu.memref_slice %arg6[%dma_start3A_13, %dma_start3A_14] : memref<256x256xf32, #tpu.memory_space<vmem>> -> memref<128x256xf32, #tpu.memory_space<vmem>>
    %dma_start3A_16 = arith.constant 0 : i32
    %dma_start3A_17 = tpu.memref_slice %arg5[%dma_start3A_12, %dma_start3A_16] : memref<2x128xi32, #tpu.memory_space<vmem>> -> memref<1x128xi32, #tpu.memory_space<vmem>>
    %dma_start3A_18 = tpu.memref_squeeze %dma_start3A_17 : memref<1x128xi32, #tpu.memory_space<vmem>> -> memref<128xi32, #tpu.memory_space<vmem>>
    %dma_start3A_19 = arith.constant 0 : i32
    %dma_start3A_20 = arith.constant 0 : i32
    %dma_start3A_21 = tpu.memref_slice %arg3[%dma_start3A_19, %dma_start3A_20] : memref<12800x256xf32, #tpu.memory_space<hbm>> -> memref<12800x256xf32, #tpu.memory_space<hbm>>
    tpu.enqueue_indirect_dma source(%dma_start3A_21 : memref<12800x256xf32, #tpu.memory_space<hbm>>) target(%dma_start3A_15 : memref<128x256xf32, #tpu.memory_space<vmem>>) offsets(%dma_start3A_18 : memref<128xi32, #tpu.memory_space<vmem>>) semaphore(%arg7 : memref<!tpu.dma_semaphore, #tpu.memory_space<semaphore_mem>>)
    %dma_wait3A = arith.constant 0 : i32
    %dma_wait3A_22 = arith.constant 0 : i32
    %dma_wait3A_23 = arith.constant 0 : i32
    %dma_wait3A_24 = tpu.memref_slice %arg6[%dma_wait3A_22, %dma_wait3A_23] : memref<256x256xf32, #tpu.memory_space<vmem>> -> memref<128x256xf32, #tpu.memory_space<vmem>>
    %dma_wait3A_25 = arith.constant 0 : i32
    %dma_wait3A_26 = tpu.memref_slice %arg5[%dma_wait3A, %dma_wait3A_25] : memref<2x128xi32, #tpu.memory_space<vmem>> -> memref<1x128xi32, #tpu.memory_space<vmem>>
    %dma_wait3A_27 = tpu.memref_squeeze %dma_wait3A_26 : memref<1x128xi32, #tpu.memory_space<vmem>> -> memref<128xi32, #tpu.memory_space<vmem>>
    %dma_wait3A_28 = arith.constant 0 : i32
    %dma_wait3A_29 = arith.constant 0 : i32
    %dma_wait3A_30 = tpu.memref_slice %arg3[%dma_wait3A_28, %dma_wait3A_29] : memref<12800x256xf32, #tpu.memory_space<hbm>> -> memref<12800x256xf32, #tpu.memory_space<hbm>>
    tpu.wait_indirect_dma semaphore(%arg7 : memref<!tpu.dma_semaphore, #tpu.memory_space<semaphore_mem>>) src(%dma_wait3A_30 : memref<12800x256xf32, #tpu.memory_space<hbm>>) dst(%dma_wait3A_24 : memref<128x256xf32, #tpu.memory_space<vmem>>)
    %dma_wait3A_31 = arith.constant 1 : i32
    %dma_wait3A_32 = arith.constant 128 : i32
    %dma_wait3A_33 = arith.constant 0 : i32
    %dma_wait3A_34 = tpu.memref_slice %arg6[%dma_wait3A_32, %dma_wait3A_33] : memref<256x256xf32, #tpu.memory_space<vmem>> -> memref<128x256xf32, #tpu.memory_space<vmem>>
    %dma_wait3A_35 = arith.constant 0 : i32
    %dma_wait3A_36 = tpu.memref_slice %arg5[%dma_wait3A_31, %dma_wait3A_35] : memref<2x128xi32, #tpu.memory_space<vmem>> -> memref<1x128xi32, #tpu.memory_space<vmem>>
    %dma_wait3A_37 = tpu.memref_squeeze %dma_wait3A_36 : memref<1x128xi32, #tpu.memory_space<vmem>> -> memref<128xi32, #tpu.memory_space<vmem>>
    %dma_wait3A_38 = arith.constant 0 : i32
    %dma_wait3A_39 = arith.constant 0 : i32
    %dma_wait3A_40 = tpu.memref_slice %arg3[%dma_wait3A_38, %dma_wait3A_39] : memref<12800x256xf32, #tpu.memory_space<hbm>> -> memref<12800x256xf32, #tpu.memory_space<hbm>>
    tpu.wait_indirect_dma semaphore(%arg7 : memref<!tpu.dma_semaphore, #tpu.memory_space<semaphore_mem>>) src(%dma_wait3A_40 : memref<12800x256xf32, #tpu.memory_space<hbm>>) dst(%dma_wait3A_34 : memref<128x256xf32, #tpu.memory_space<vmem>>)
    "tpu.region"() ({
      %run_scoped3A = tpu.sem_alloc : memref<!tpu.dma_semaphore, #tpu.memory_space<semaphore_mem>>
      %dma_start3A_41 = arith.constant 0 : i32
      %dma_start3A_42 = tpu.memref_slice %arg4[%mul3A_2, %dma_start3A_41] : memref<8192x256xf32, #tpu.memory_space<hbm>> -> memref<256x256xf32, #tpu.memory_space<hbm>>
      %dma_start3A_43 = arith.constant 0 : i32
      %dma_start3A_44 = tpu.memref_slice %arg4[%mul3A_2, %dma_start3A_43] : memref<8192x256xf32, #tpu.memory_space<hbm>> -> memref<256x256xf32, #tpu.memory_space<hbm>>
      tpu.enqueue_dma source(%arg6 : memref<256x256xf32, #tpu.memory_space<vmem>>) target(%dma_start3A_44 : memref<256x256xf32, #tpu.memory_space<hbm>>) target_semaphore(%run_scoped3A : memref<!tpu.dma_semaphore, #tpu.memory_space<semaphore_mem>>)
      %dma_wait3A_45 = arith.constant 0 : i32
      %dma_wait3A_46 = tpu.memref_slice %arg4[%mul3A_2, %dma_wait3A_45] : memref<8192x256xf32, #tpu.memory_space<hbm>> -> memref<256x256xf32, #tpu.memory_space<hbm>>
      %dma_wait3A_47 = arith.constant 0 : i32
      %dma_wait3A_48 = tpu.memref_slice %arg4[%mul3A_2, %dma_wait3A_47] : memref<8192x256xf32, #tpu.memory_space<hbm>> -> memref<256x256xf32, #tpu.memory_space<hbm>>
      tpu.wait_dma2 semaphore(%run_scoped3A : memref<!tpu.dma_semaphore, #tpu.memory_space<semaphore_mem>>) src(%arg6 : memref<256x256xf32, #tpu.memory_space<vmem>>) dst(%dma_wait3A_48 : memref<256x256xf32, #tpu.memory_space<hbm>>)
      tpu.yield
    }) : () -> ()
    return
  }
}

#map = affine_map<(d0, d1) -> (0, 0)>
#map1 = affine_map<(d0, d1) -> (0)>
#map2 = affine_map<(d0, d1) -> (0, 0, 0)>
module attributes {stable_mosaic.version = 14 : i64} {
  func.func @scat(%arg0: i32, %arg1: i32, %arg2: memref<64x128xi32, #tpu.memory_space<hbm>>, %arg3: memref<64x128xi32, #tpu.memory_space<hbm>>, %arg4: memref<16xi32, #tpu.memory_space<hbm>>, %arg5: memref<8192x256xf32, #tpu.memory_space<hbm>>, %arg6: memref<12800x256xf32, #tpu.memory_space<hbm>>, %arg7: memref<32x2x128xi32, #tpu.memory_space<hbm>>, %arg8: memref<2x128xi32, #tpu.memory_space<vmem>>, %arg9: memref<2x128xi32, #tpu.memory_space<vmem>>, %arg10: memref<2x128xi32, #tpu.memory_space<vmem>>, %arg11: memref<16xi32, #tpu.memory_space<vmem>>, %arg12: memref<256x256xf32, #tpu.memory_space<vmem>>, %arg13: memref<!tpu.dma_semaphore, #tpu.memory_space<semaphore_mem>>, %arg14: memref<!tpu.dma_semaphore, #tpu.memory_space<semaphore_mem>>, %arg15: memref<!tpu.dma_semaphore, #tpu.memory_space<semaphore_mem>>) attributes {dimension_semantics = [#tpu.dimension_semantics<core_parallel>, #tpu.dimension_semantics<subcore_parallel>], iteration_bounds = array<i64: 2, 16>, scalar_prefetch = 0 : i64, scratch_operands = 8 : i64, tpu.core_type = #tpu.core_type<sc_vector_subcore>, window_params = [{transform_indices = #map}, {transform_indices = #map}, {transform_indices = #map1}, {transform_indices = #map}, {transform_indices = #map}, {transform_indices = #map2}]} {
    %mul3A = arith.constant 2 : i32
    %mul3A_0 = arith.muli %arg1, %mul3A : i32
    %add3A = arith.addi %mul3A_0, %arg0 : i32
    %mul3A_1 = arith.constant 256 : i32
    %mul3A_2 = arith.muli %add3A, %mul3A_1 : i32
    %dma_start3A = arith.constant 0 : i32
    %dma_start3A_3 = tpu.memref_slice %arg5[%mul3A_2, %dma_start3A] : memref<8192x256xf32, #tpu.memory_space<hbm>> -> memref<256x256xf32, #tpu.memory_space<hbm>>
    %dma_start3A_4 = arith.constant 0 : i32
    %dma_start3A_5 = tpu.memref_slice %arg5[%mul3A_2, %dma_start3A_4] : memref<8192x256xf32, #tpu.memory_space<hbm>> -> memref<256x256xf32, #tpu.memory_space<hbm>>
    tpu.enqueue_dma source(%dma_start3A_5 : memref<256x256xf32, #tpu.memory_space<hbm>>) target(%arg12 : memref<256x256xf32, #tpu.memory_space<vmem>>) target_semaphore(%arg13 : memref<!tpu.dma_semaphore, #tpu.memory_space<semaphore_mem>>)
    %mul3A_6 = arith.constant 2 : i32
    %mul3A_7 = arith.muli %add3A, %mul3A_6 : i32
    %dma_start3A_8 = arith.constant 0 : i32
    %dma_start3A_9 = tpu.memref_slice %arg2[%mul3A_7, %dma_start3A_8] : memref<64x128xi32, #tpu.memory_space<hbm>> -> memref<2x128xi32, #tpu.memory_space<hbm>>
    %dma_start3A_10 = arith.constant 0 : i32
    %dma_start3A_11 = tpu.memref_slice %arg2[%mul3A_7, %dma_start3A_10] : memref<64x128xi32, #tpu.memory_space<hbm>> -> memref<2x128xi32, #tpu.memory_space<hbm>>
    tpu.enqueue_dma source(%dma_start3A_11 : memref<2x128xi32, #tpu.memory_space<hbm>>) target(%arg8 : memref<2x128xi32, #tpu.memory_space<vmem>>) target_semaphore(%arg14 : memref<!tpu.dma_semaphore, #tpu.memory_space<semaphore_mem>>)
    %mul3A_12 = arith.constant 2 : i32
    %mul3A_13 = arith.muli %add3A, %mul3A_12 : i32
    %dma_start3A_14 = arith.constant 0 : i32
    %dma_start3A_15 = tpu.memref_slice %arg3[%mul3A_13, %dma_start3A_14] : memref<64x128xi32, #tpu.memory_space<hbm>> -> memref<2x128xi32, #tpu.memory_space<hbm>>
    %dma_start3A_16 = arith.constant 0 : i32
    %dma_start3A_17 = tpu.memref_slice %arg3[%mul3A_13, %dma_start3A_16] : memref<64x128xi32, #tpu.memory_space<hbm>> -> memref<2x128xi32, #tpu.memory_space<hbm>>
    tpu.enqueue_dma source(%dma_start3A_17 : memref<2x128xi32, #tpu.memory_space<hbm>>) target(%arg9 : memref<2x128xi32, #tpu.memory_space<vmem>>) target_semaphore(%arg14 : memref<!tpu.dma_semaphore, #tpu.memory_space<semaphore_mem>>)
    tpu.enqueue_dma source(%arg4 : memref<16xi32, #tpu.memory_space<hbm>>) target(%arg11 : memref<16xi32, #tpu.memory_space<vmem>>) target_semaphore(%arg14 : memref<!tpu.dma_semaphore, #tpu.memory_space<semaphore_mem>>)
    %dma_wait3A = arith.constant 0 : i32
    %dma_wait3A_18 = tpu.memref_slice %arg2[%mul3A_7, %dma_wait3A] : memref<64x128xi32, #tpu.memory_space<hbm>> -> memref<2x128xi32, #tpu.memory_space<hbm>>
    %dma_wait3A_19 = arith.constant 0 : i32
    %dma_wait3A_20 = tpu.memref_slice %arg2[%mul3A_7, %dma_wait3A_19] : memref<64x128xi32, #tpu.memory_space<hbm>> -> memref<2x128xi32, #tpu.memory_space<hbm>>
    tpu.wait_dma2 semaphore(%arg14 : memref<!tpu.dma_semaphore, #tpu.memory_space<semaphore_mem>>) src(%dma_wait3A_20 : memref<2x128xi32, #tpu.memory_space<hbm>>) dst(%arg8 : memref<2x128xi32, #tpu.memory_space<vmem>>)
    %dma_wait3A_21 = arith.constant 0 : i32
    %dma_wait3A_22 = tpu.memref_slice %arg3[%mul3A_13, %dma_wait3A_21] : memref<64x128xi32, #tpu.memory_space<hbm>> -> memref<2x128xi32, #tpu.memory_space<hbm>>
    %dma_wait3A_23 = arith.constant 0 : i32
    %dma_wait3A_24 = tpu.memref_slice %arg3[%mul3A_13, %dma_wait3A_23] : memref<64x128xi32, #tpu.memory_space<hbm>> -> memref<2x128xi32, #tpu.memory_space<hbm>>
    tpu.wait_dma2 semaphore(%arg14 : memref<!tpu.dma_semaphore, #tpu.memory_space<semaphore_mem>>) src(%dma_wait3A_24 : memref<2x128xi32, #tpu.memory_space<hbm>>) dst(%arg9 : memref<2x128xi32, #tpu.memory_space<vmem>>)
    tpu.wait_dma2 semaphore(%arg14 : memref<!tpu.dma_semaphore, #tpu.memory_space<semaphore_mem>>) src(%arg4 : memref<16xi32, #tpu.memory_space<hbm>>) dst(%arg11 : memref<16xi32, #tpu.memory_space<vmem>>)
    %get3A = arith.constant 0 : i32
    %get3A_25 = arith.index_cast %get3A : i32 to index
    %get3A_26 = arith.constant 0 : index
    %get3A_27 = tpu.vector_load %arg8[%get3A_25, %get3A_26] {strides = array<i32>} : memref<2x128xi32, #tpu.memory_space<vmem>>, vector<16xi32>,
    %get3A_28 = arith.constant 0 : i32
    %get3A_29 = arith.index_cast %get3A_28 : i32 to index
    %get3A_30 = arith.constant 0 : index
    %get3A_31 = tpu.vector_load %arg9[%get3A_29, %get3A_30] {strides = array<i32>} : memref<2x128xi32, #tpu.memory_space<vmem>>, vector<16xi32>,
    %gather3A = tpu.vector_load_idx %arg11[%get3A_27] : memref<16xi32, #tpu.memory_space<vmem>>[vector<16xi32>], vector<16xi32>,
    %ge3A = arith.constant 8 : i32
    %ge3A_32 = vector.broadcast %ge3A : i32 to vector<16xi32>
    %ge3A_33 = arith.cmpi sge, %get3A_27, %ge3A_32 : vector<16xi32>
    %add3A_34 = arith.addi %gather3A, %get3A_31 : vector<16xi32>
    %jit3A = arith.constant 12288 : i32
    %broadcast_in_dim3A = vector.broadcast %jit3A : i32 to vector<16xi32>
    %select_n3A = arith.select %ge3A_33, %broadcast_in_dim3A, %add3A_34 : vector<16xi1>, vector<16xi32>
    %swap3A = arith.constant 0 : i32
    %swap3A_35 = arith.index_cast %swap3A : i32 to index
    %swap3A_36 = arith.constant 0 : index
    %swap3A_37 = tpu.vector_load %arg10[%swap3A_35, %swap3A_36] {strides = array<i32>} : memref<2x128xi32, #tpu.memory_space<vmem>>, vector<16xi32>,
    tpu.vector_store %arg10[%swap3A_35, %swap3A_36], %select_n3A {strides = array<i32>} : memref<2x128xi32, #tpu.memory_space<vmem>>, vector<16xi32>,
    %get3A_38 = arith.constant 0 : i32
    %get3A_39 = arith.index_cast %get3A_38 : i32 to index
    %get3A_40 = arith.constant 16 : index
    %get3A_41 = tpu.vector_load %arg8[%get3A_39, %get3A_40] {strides = array<i32>} : memref<2x128xi32, #tpu.memory_space<vmem>>, vector<16xi32>,
    %get3A_42 = arith.constant 0 : i32
    %get3A_43 = arith.index_cast %get3A_42 : i32 to index
    %get3A_44 = arith.constant 16 : index
    %get3A_45 = tpu.vector_load %arg9[%get3A_43, %get3A_44] {strides = array<i32>} : memref<2x128xi32, #tpu.memory_space<vmem>>, vector<16xi32>,
    %gather3A_46 = tpu.vector_load_idx %arg11[%get3A_41] : memref<16xi32, #tpu.memory_space<vmem>>[vector<16xi32>], vector<16xi32>,
    %ge3A_47 = arith.constant 8 : i32
    %ge3A_48 = vector.broadcast %ge3A_47 : i32 to vector<16xi32>
    %ge3A_49 = arith.cmpi sge, %get3A_41, %ge3A_48 : vector<16xi32>
    %add3A_50 = arith.addi %gather3A_46, %get3A_45 : vector<16xi32>
    %jit3A_51 = arith.constant 12288 : i32
    %broadcast_in_dim3A_52 = vector.broadcast %jit3A_51 : i32 to vector<16xi32>
    %select_n3A_53 = arith.select %ge3A_49, %broadcast_in_dim3A_52, %add3A_50 : vector<16xi1>, vector<16xi32>
    %swap3A_54 = arith.constant 0 : i32
    %swap3A_55 = arith.index_cast %swap3A_54 : i32 to index
    %swap3A_56 = arith.constant 16 : index
    %swap3A_57 = tpu.vector_load %arg10[%swap3A_55, %swap3A_56] {strides = array<i32>} : memref<2x128xi32, #tpu.memory_space<vmem>>, vector<16xi32>,
    tpu.vector_store %arg10[%swap3A_55, %swap3A_56], %select_n3A_53 {strides = array<i32>} : memref<2x128xi32, #tpu.memory_space<vmem>>, vector<16xi32>,
    %get3A_58 = arith.constant 0 : i32
    %get3A_59 = arith.index_cast %get3A_58 : i32 to index
    %get3A_60 = arith.constant 32 : index
    %get3A_61 = tpu.vector_load %arg8[%get3A_59, %get3A_60] {strides = array<i32>} : memref<2x128xi32, #tpu.memory_space<vmem>>, vector<16xi32>,
    %get3A_62 = arith.constant 0 : i32
    %get3A_63 = arith.index_cast %get3A_62 : i32 to index
    %get3A_64 = arith.constant 32 : index
    %get3A_65 = tpu.vector_load %arg9[%get3A_63, %get3A_64] {strides = array<i32>} : memref<2x128xi32, #tpu.memory_space<vmem>>, vector<16xi32>,
    %gather3A_66 = tpu.vector_load_idx %arg11[%get3A_61] : memref<16xi32, #tpu.memory_space<vmem>>[vector<16xi32>], vector<16xi32>,
    %ge3A_67 = arith.constant 8 : i32
    %ge3A_68 = vector.broadcast %ge3A_67 : i32 to vector<16xi32>
    %ge3A_69 = arith.cmpi sge, %get3A_61, %ge3A_68 : vector<16xi32>
    %add3A_70 = arith.addi %gather3A_66, %get3A_65 : vector<16xi32>
    %jit3A_71 = arith.constant 12288 : i32
    %broadcast_in_dim3A_72 = vector.broadcast %jit3A_71 : i32 to vector<16xi32>
    %select_n3A_73 = arith.select %ge3A_69, %broadcast_in_dim3A_72, %add3A_70 : vector<16xi1>, vector<16xi32>
    %swap3A_74 = arith.constant 0 : i32
    %swap3A_75 = arith.index_cast %swap3A_74 : i32 to index
    %swap3A_76 = arith.constant 32 : index
    %swap3A_77 = tpu.vector_load %arg10[%swap3A_75, %swap3A_76] {strides = array<i32>} : memref<2x128xi32, #tpu.memory_space<vmem>>, vector<16xi32>,
    tpu.vector_store %arg10[%swap3A_75, %swap3A_76], %select_n3A_73 {strides = array<i32>} : memref<2x128xi32, #tpu.memory_space<vmem>>, vector<16xi32>,
    %get3A_78 = arith.constant 0 : i32
    %get3A_79 = arith.index_cast %get3A_78 : i32 to index
    %get3A_80 = arith.constant 48 : index
    %get3A_81 = tpu.vector_load %arg8[%get3A_79, %get3A_80] {strides = array<i32>} : memref<2x128xi32, #tpu.memory_space<vmem>>, vector<16xi32>,
    %get3A_82 = arith.constant 0 : i32
    %get3A_83 = arith.index_cast %get3A_82 : i32 to index
    %get3A_84 = arith.constant 48 : index
    %get3A_85 = tpu.vector_load %arg9[%get3A_83, %get3A_84] {strides = array<i32>} : memref<2x128xi32, #tpu.memory_space<vmem>>, vector<16xi32>,
    %gather3A_86 = tpu.vector_load_idx %arg11[%get3A_81] : memref<16xi32, #tpu.memory_space<vmem>>[vector<16xi32>], vector<16xi32>,
    %ge3A_87 = arith.constant 8 : i32
    %ge3A_88 = vector.broadcast %ge3A_87 : i32 to vector<16xi32>
    %ge3A_89 = arith.cmpi sge, %get3A_81, %ge3A_88 : vector<16xi32>
    %add3A_90 = arith.addi %gather3A_86, %get3A_85 : vector<16xi32>
    %jit3A_91 = arith.constant 12288 : i32
    %broadcast_in_dim3A_92 = vector.broadcast %jit3A_91 : i32 to vector<16xi32>
    %select_n3A_93 = arith.select %ge3A_89, %broadcast_in_dim3A_92, %add3A_90 : vector<16xi1>, vector<16xi32>
    %swap3A_94 = arith.constant 0 : i32
    %swap3A_95 = arith.index_cast %swap3A_94 : i32 to index
    %swap3A_96 = arith.constant 48 : index
    %swap3A_97 = tpu.vector_load %arg10[%swap3A_95, %swap3A_96] {strides = array<i32>} : memref<2x128xi32, #tpu.memory_space<vmem>>, vector<16xi32>,
    tpu.vector_store %arg10[%swap3A_95, %swap3A_96], %select_n3A_93 {strides = array<i32>} : memref<2x128xi32, #tpu.memory_space<vmem>>, vector<16xi32>,
    %get3A_98 = arith.constant 0 : i32
    %get3A_99 = arith.index_cast %get3A_98 : i32 to index
    %get3A_100 = arith.constant 64 : index
    %get3A_101 = tpu.vector_load %arg8[%get3A_99, %get3A_100] {strides = array<i32>} : memref<2x128xi32, #tpu.memory_space<vmem>>, vector<16xi32>,
    %get3A_102 = arith.constant 0 : i32
    %get3A_103 = arith.index_cast %get3A_102 : i32 to index
    %get3A_104 = arith.constant 64 : index
    %get3A_105 = tpu.vector_load %arg9[%get3A_103, %get3A_104] {strides = array<i32>} : memref<2x128xi32, #tpu.memory_space<vmem>>, vector<16xi32>,
    %gather3A_106 = tpu.vector_load_idx %arg11[%get3A_101] : memref<16xi32, #tpu.memory_space<vmem>>[vector<16xi32>], vector<16xi32>,
    %ge3A_107 = arith.constant 8 : i32
    %ge3A_108 = vector.broadcast %ge3A_107 : i32 to vector<16xi32>
    %ge3A_109 = arith.cmpi sge, %get3A_101, %ge3A_108 : vector<16xi32>
    %add3A_110 = arith.addi %gather3A_106, %get3A_105 : vector<16xi32>
    %jit3A_111 = arith.constant 12288 : i32
    %broadcast_in_dim3A_112 = vector.broadcast %jit3A_111 : i32 to vector<16xi32>
    %select_n3A_113 = arith.select %ge3A_109, %broadcast_in_dim3A_112, %add3A_110 : vector<16xi1>, vector<16xi32>
    %swap3A_114 = arith.constant 0 : i32
    %swap3A_115 = arith.index_cast %swap3A_114 : i32 to index
    %swap3A_116 = arith.constant 64 : index
    %swap3A_117 = tpu.vector_load %arg10[%swap3A_115, %swap3A_116] {strides = array<i32>} : memref<2x128xi32, #tpu.memory_space<vmem>>, vector<16xi32>,
    tpu.vector_store %arg10[%swap3A_115, %swap3A_116], %select_n3A_113 {strides = array<i32>} : memref<2x128xi32, #tpu.memory_space<vmem>>, vector<16xi32>,
    %get3A_118 = arith.constant 0 : i32
    %get3A_119 = arith.index_cast %get3A_118 : i32 to index
    %get3A_120 = arith.constant 80 : index
    %get3A_121 = tpu.vector_load %arg8[%get3A_119, %get3A_120] {strides = array<i32>} : memref<2x128xi32, #tpu.memory_space<vmem>>, vector<16xi32>,
    %get3A_122 = arith.constant 0 : i32
    %get3A_123 = arith.index_cast %get3A_122 : i32 to index
    %get3A_124 = arith.constant 80 : index
    %get3A_125 = tpu.vector_load %arg9[%get3A_123, %get3A_124] {strides = array<i32>} : memref<2x128xi32, #tpu.memory_space<vmem>>, vector<16xi32>,
    %gather3A_126 = tpu.vector_load_idx %arg11[%get3A_121] : memref<16xi32, #tpu.memory_space<vmem>>[vector<16xi32>], vector<16xi32>,
    %ge3A_127 = arith.constant 8 : i32
    %ge3A_128 = vector.broadcast %ge3A_127 : i32 to vector<16xi32>
    %ge3A_129 = arith.cmpi sge, %get3A_121, %ge3A_128 : vector<16xi32>
    %add3A_130 = arith.addi %gather3A_126, %get3A_125 : vector<16xi32>
    %jit3A_131 = arith.constant 12288 : i32
    %broadcast_in_dim3A_132 = vector.broadcast %jit3A_131 : i32 to vector<16xi32>
    %select_n3A_133 = arith.select %ge3A_129, %broadcast_in_dim3A_132, %add3A_130 : vector<16xi1>, vector<16xi32>
    %swap3A_134 = arith.constant 0 : i32
    %swap3A_135 = arith.index_cast %swap3A_134 : i32 to index
    %swap3A_136 = arith.constant 80 : index
    %swap3A_137 = tpu.vector_load %arg10[%swap3A_135, %swap3A_136] {strides = array<i32>} : memref<2x128xi32, #tpu.memory_space<vmem>>, vector<16xi32>,
    tpu.vector_store %arg10[%swap3A_135, %swap3A_136], %select_n3A_133 {strides = array<i32>} : memref<2x128xi32, #tpu.memory_space<vmem>>, vector<16xi32>,
    %get3A_138 = arith.constant 0 : i32
    %get3A_139 = arith.index_cast %get3A_138 : i32 to index
    %get3A_140 = arith.constant 96 : index
    %get3A_141 = tpu.vector_load %arg8[%get3A_139, %get3A_140] {strides = array<i32>} : memref<2x128xi32, #tpu.memory_space<vmem>>, vector<16xi32>,
    %get3A_142 = arith.constant 0 : i32
    %get3A_143 = arith.index_cast %get3A_142 : i32 to index
    %get3A_144 = arith.constant 96 : index
    %get3A_145 = tpu.vector_load %arg9[%get3A_143, %get3A_144] {strides = array<i32>} : memref<2x128xi32, #tpu.memory_space<vmem>>, vector<16xi32>,
    %gather3A_146 = tpu.vector_load_idx %arg11[%get3A_141] : memref<16xi32, #tpu.memory_space<vmem>>[vector<16xi32>], vector<16xi32>,
    %ge3A_147 = arith.constant 8 : i32
    %ge3A_148 = vector.broadcast %ge3A_147 : i32 to vector<16xi32>
    %ge3A_149 = arith.cmpi sge, %get3A_141, %ge3A_148 : vector<16xi32>
    %add3A_150 = arith.addi %gather3A_146, %get3A_145 : vector<16xi32>
    %jit3A_151 = arith.constant 12288 : i32
    %broadcast_in_dim3A_152 = vector.broadcast %jit3A_151 : i32 to vector<16xi32>
    %select_n3A_153 = arith.select %ge3A_149, %broadcast_in_dim3A_152, %add3A_150 : vector<16xi1>, vector<16xi32>
    %swap3A_154 = arith.constant 0 : i32
    %swap3A_155 = arith.index_cast %swap3A_154 : i32 to index
    %swap3A_156 = arith.constant 96 : index
    %swap3A_157 = tpu.vector_load %arg10[%swap3A_155, %swap3A_156] {strides = array<i32>} : memref<2x128xi32, #tpu.memory_space<vmem>>, vector<16xi32>,
    tpu.vector_store %arg10[%swap3A_155, %swap3A_156], %select_n3A_153 {strides = array<i32>} : memref<2x128xi32, #tpu.memory_space<vmem>>, vector<16xi32>,
    %get3A_158 = arith.constant 0 : i32
    %get3A_159 = arith.index_cast %get3A_158 : i32 to index
    %get3A_160 = arith.constant 112 : index
    %get3A_161 = tpu.vector_load %arg8[%get3A_159, %get3A_160] {strides = array<i32>} : memref<2x128xi32, #tpu.memory_space<vmem>>, vector<16xi32>,
    %get3A_162 = arith.constant 0 : i32
    %get3A_163 = arith.index_cast %get3A_162 : i32 to index
    %get3A_164 = arith.constant 112 : index
    %get3A_165 = tpu.vector_load %arg9[%get3A_163, %get3A_164] {strides = array<i32>} : memref<2x128xi32, #tpu.memory_space<vmem>>, vector<16xi32>,
    %gather3A_166 = tpu.vector_load_idx %arg11[%get3A_161] : memref<16xi32, #tpu.memory_space<vmem>>[vector<16xi32>], vector<16xi32>,
    %ge3A_167 = arith.constant 8 : i32
    %ge3A_168 = vector.broadcast %ge3A_167 : i32 to vector<16xi32>
    %ge3A_169 = arith.cmpi sge, %get3A_161, %ge3A_168 : vector<16xi32>
    %add3A_170 = arith.addi %gather3A_166, %get3A_165 : vector<16xi32>
    %jit3A_171 = arith.constant 12288 : i32
    %broadcast_in_dim3A_172 = vector.broadcast %jit3A_171 : i32 to vector<16xi32>
    %select_n3A_173 = arith.select %ge3A_169, %broadcast_in_dim3A_172, %add3A_170 : vector<16xi1>, vector<16xi32>
    %swap3A_174 = arith.constant 0 : i32
    %swap3A_175 = arith.index_cast %swap3A_174 : i32 to index
    %swap3A_176 = arith.constant 112 : index
    %swap3A_177 = tpu.vector_load %arg10[%swap3A_175, %swap3A_176] {strides = array<i32>} : memref<2x128xi32, #tpu.memory_space<vmem>>, vector<16xi32>,
    tpu.vector_store %arg10[%swap3A_175, %swap3A_176], %select_n3A_173 {strides = array<i32>} : memref<2x128xi32, #tpu.memory_space<vmem>>, vector<16xi32>,
    %get3A_178 = arith.constant 1 : i32
    %get3A_179 = arith.index_cast %get3A_178 : i32 to index
    %get3A_180 = arith.constant 0 : index
    %get3A_181 = tpu.vector_load %arg8[%get3A_179, %get3A_180] {strides = array<i32>} : memref<2x128xi32, #tpu.memory_space<vmem>>, vector<16xi32>,
    %get3A_182 = arith.constant 1 : i32
    %get3A_183 = arith.index_cast %get3A_182 : i32 to index
    %get3A_184 = arith.constant 0 : index
    %get3A_185 = tpu.vector_load %arg9[%get3A_183, %get3A_184] {strides = array<i32>} : memref<2x128xi32, #tpu.memory_space<vmem>>, vector<16xi32>,
    %gather3A_186 = tpu.vector_load_idx %arg11[%get3A_181] : memref<16xi32, #tpu.memory_space<vmem>>[vector<16xi32>], vector<16xi32>,
    %ge3A_187 = arith.constant 8 : i32
    %ge3A_188 = vector.broadcast %ge3A_187 : i32 to vector<16xi32>
    %ge3A_189 = arith.cmpi sge, %get3A_181, %ge3A_188 : vector<16xi32>
    %add3A_190 = arith.addi %gather3A_186, %get3A_185 : vector<16xi32>
    %jit3A_191 = arith.constant 12288 : i32
    %broadcast_in_dim3A_192 = vector.broadcast %jit3A_191 : i32 to vector<16xi32>
    %select_n3A_193 = arith.select %ge3A_189, %broadcast_in_dim3A_192, %add3A_190 : vector<16xi1>, vector<16xi32>
    %swap3A_194 = arith.constant 1 : i32
    %swap3A_195 = arith.index_cast %swap3A_194 : i32 to index
    %swap3A_196 = arith.constant 0 : index
    %swap3A_197 = tpu.vector_load %arg10[%swap3A_195, %swap3A_196] {strides = array<i32>} : memref<2x128xi32, #tpu.memory_space<vmem>>, vector<16xi32>,
    tpu.vector_store %arg10[%swap3A_195, %swap3A_196], %select_n3A_193 {strides = array<i32>} : memref<2x128xi32, #tpu.memory_space<vmem>>, vector<16xi32>,
    %get3A_198 = arith.constant 1 : i32
    %get3A_199 = arith.index_cast %get3A_198 : i32 to index
    %get3A_200 = arith.constant 16 : index
    %get3A_201 = tpu.vector_load %arg8[%get3A_199, %get3A_200] {strides = array<i32>} : memref<2x128xi32, #tpu.memory_space<vmem>>, vector<16xi32>,
    %get3A_202 = arith.constant 1 : i32
    %get3A_203 = arith.index_cast %get3A_202 : i32 to index
    %get3A_204 = arith.constant 16 : index
    %get3A_205 = tpu.vector_load %arg9[%get3A_203, %get3A_204] {strides = array<i32>} : memref<2x128xi32, #tpu.memory_space<vmem>>, vector<16xi32>,
    %gather3A_206 = tpu.vector_load_idx %arg11[%get3A_201] : memref<16xi32, #tpu.memory_space<vmem>>[vector<16xi32>], vector<16xi32>,
    %ge3A_207 = arith.constant 8 : i32
    %ge3A_208 = vector.broadcast %ge3A_207 : i32 to vector<16xi32>
    %ge3A_209 = arith.cmpi sge, %get3A_201, %ge3A_208 : vector<16xi32>
    %add3A_210 = arith.addi %gather3A_206, %get3A_205 : vector<16xi32>
    %jit3A_211 = arith.constant 12288 : i32
    %broadcast_in_dim3A_212 = vector.broadcast %jit3A_211 : i32 to vector<16xi32>
    %select_n3A_213 = arith.select %ge3A_209, %broadcast_in_dim3A_212, %add3A_210 : vector<16xi1>, vector<16xi32>
    %swap3A_214 = arith.constant 1 : i32
    %swap3A_215 = arith.index_cast %swap3A_214 : i32 to index
    %swap3A_216 = arith.constant 16 : index
    %swap3A_217 = tpu.vector_load %arg10[%swap3A_215, %swap3A_216] {strides = array<i32>} : memref<2x128xi32, #tpu.memory_space<vmem>>, vector<16xi32>,
    tpu.vector_store %arg10[%swap3A_215, %swap3A_216], %select_n3A_213 {strides = array<i32>} : memref<2x128xi32, #tpu.memory_space<vmem>>, vector<16xi32>,
    %get3A_218 = arith.constant 1 : i32
    %get3A_219 = arith.index_cast %get3A_218 : i32 to index
    %get3A_220 = arith.constant 32 : index
    %get3A_221 = tpu.vector_load %arg8[%get3A_219, %get3A_220] {strides = array<i32>} : memref<2x128xi32, #tpu.memory_space<vmem>>, vector<16xi32>,
    %get3A_222 = arith.constant 1 : i32
    %get3A_223 = arith.index_cast %get3A_222 : i32 to index
    %get3A_224 = arith.constant 32 : index
    %get3A_225 = tpu.vector_load %arg9[%get3A_223, %get3A_224] {strides = array<i32>} : memref<2x128xi32, #tpu.memory_space<vmem>>, vector<16xi32>,
    %gather3A_226 = tpu.vector_load_idx %arg11[%get3A_221] : memref<16xi32, #tpu.memory_space<vmem>>[vector<16xi32>], vector<16xi32>,
    %ge3A_227 = arith.constant 8 : i32
    %ge3A_228 = vector.broadcast %ge3A_227 : i32 to vector<16xi32>
    %ge3A_229 = arith.cmpi sge, %get3A_221, %ge3A_228 : vector<16xi32>
    %add3A_230 = arith.addi %gather3A_226, %get3A_225 : vector<16xi32>
    %jit3A_231 = arith.constant 12288 : i32
    %broadcast_in_dim3A_232 = vector.broadcast %jit3A_231 : i32 to vector<16xi32>
    %select_n3A_233 = arith.select %ge3A_229, %broadcast_in_dim3A_232, %add3A_230 : vector<16xi1>, vector<16xi32>
    %swap3A_234 = arith.constant 1 : i32
    %swap3A_235 = arith.index_cast %swap3A_234 : i32 to index
    %swap3A_236 = arith.constant 32 : index
    %swap3A_237 = tpu.vector_load %arg10[%swap3A_235, %swap3A_236] {strides = array<i32>} : memref<2x128xi32, #tpu.memory_space<vmem>>, vector<16xi32>,
    tpu.vector_store %arg10[%swap3A_235, %swap3A_236], %select_n3A_233 {strides = array<i32>} : memref<2x128xi32, #tpu.memory_space<vmem>>, vector<16xi32>,
    %get3A_238 = arith.constant 1 : i32
    %get3A_239 = arith.index_cast %get3A_238 : i32 to index
    %get3A_240 = arith.constant 48 : index
    %get3A_241 = tpu.vector_load %arg8[%get3A_239, %get3A_240] {strides = array<i32>} : memref<2x128xi32, #tpu.memory_space<vmem>>, vector<16xi32>,
    %get3A_242 = arith.constant 1 : i32
    %get3A_243 = arith.index_cast %get3A_242 : i32 to index
    %get3A_244 = arith.constant 48 : index
    %get3A_245 = tpu.vector_load %arg9[%get3A_243, %get3A_244] {strides = array<i32>} : memref<2x128xi32, #tpu.memory_space<vmem>>, vector<16xi32>,
    %gather3A_246 = tpu.vector_load_idx %arg11[%get3A_241] : memref<16xi32, #tpu.memory_space<vmem>>[vector<16xi32>], vector<16xi32>,
    %ge3A_247 = arith.constant 8 : i32
    %ge3A_248 = vector.broadcast %ge3A_247 : i32 to vector<16xi32>
    %ge3A_249 = arith.cmpi sge, %get3A_241, %ge3A_248 : vector<16xi32>
    %add3A_250 = arith.addi %gather3A_246, %get3A_245 : vector<16xi32>
    %jit3A_251 = arith.constant 12288 : i32
    %broadcast_in_dim3A_252 = vector.broadcast %jit3A_251 : i32 to vector<16xi32>
    %select_n3A_253 = arith.select %ge3A_249, %broadcast_in_dim3A_252, %add3A_250 : vector<16xi1>, vector<16xi32>
    %swap3A_254 = arith.constant 1 : i32
    %swap3A_255 = arith.index_cast %swap3A_254 : i32 to index
    %swap3A_256 = arith.constant 48 : index
    %swap3A_257 = tpu.vector_load %arg10[%swap3A_255, %swap3A_256] {strides = array<i32>} : memref<2x128xi32, #tpu.memory_space<vmem>>, vector<16xi32>,
    tpu.vector_store %arg10[%swap3A_255, %swap3A_256], %select_n3A_253 {strides = array<i32>} : memref<2x128xi32, #tpu.memory_space<vmem>>, vector<16xi32>,
    %get3A_258 = arith.constant 1 : i32
    %get3A_259 = arith.index_cast %get3A_258 : i32 to index
    %get3A_260 = arith.constant 64 : index
    %get3A_261 = tpu.vector_load %arg8[%get3A_259, %get3A_260] {strides = array<i32>} : memref<2x128xi32, #tpu.memory_space<vmem>>, vector<16xi32>,
    %get3A_262 = arith.constant 1 : i32
    %get3A_263 = arith.index_cast %get3A_262 : i32 to index
    %get3A_264 = arith.constant 64 : index
    %get3A_265 = tpu.vector_load %arg9[%get3A_263, %get3A_264] {strides = array<i32>} : memref<2x128xi32, #tpu.memory_space<vmem>>, vector<16xi32>,
    %gather3A_266 = tpu.vector_load_idx %arg11[%get3A_261] : memref<16xi32, #tpu.memory_space<vmem>>[vector<16xi32>], vector<16xi32>,
    %ge3A_267 = arith.constant 8 : i32
    %ge3A_268 = vector.broadcast %ge3A_267 : i32 to vector<16xi32>
    %ge3A_269 = arith.cmpi sge, %get3A_261, %ge3A_268 : vector<16xi32>
    %add3A_270 = arith.addi %gather3A_266, %get3A_265 : vector<16xi32>
    %jit3A_271 = arith.constant 12288 : i32
    %broadcast_in_dim3A_272 = vector.broadcast %jit3A_271 : i32 to vector<16xi32>
    %select_n3A_273 = arith.select %ge3A_269, %broadcast_in_dim3A_272, %add3A_270 : vector<16xi1>, vector<16xi32>
    %swap3A_274 = arith.constant 1 : i32
    %swap3A_275 = arith.index_cast %swap3A_274 : i32 to index
    %swap3A_276 = arith.constant 64 : index
    %swap3A_277 = tpu.vector_load %arg10[%swap3A_275, %swap3A_276] {strides = array<i32>} : memref<2x128xi32, #tpu.memory_space<vmem>>, vector<16xi32>,
    tpu.vector_store %arg10[%swap3A_275, %swap3A_276], %select_n3A_273 {strides = array<i32>} : memref<2x128xi32, #tpu.memory_space<vmem>>, vector<16xi32>,
    %get3A_278 = arith.constant 1 : i32
    %get3A_279 = arith.index_cast %get3A_278 : i32 to index
    %get3A_280 = arith.constant 80 : index
    %get3A_281 = tpu.vector_load %arg8[%get3A_279, %get3A_280] {strides = array<i32>} : memref<2x128xi32, #tpu.memory_space<vmem>>, vector<16xi32>,
    %get3A_282 = arith.constant 1 : i32
    %get3A_283 = arith.index_cast %get3A_282 : i32 to index
    %get3A_284 = arith.constant 80 : index
    %get3A_285 = tpu.vector_load %arg9[%get3A_283, %get3A_284] {strides = array<i32>} : memref<2x128xi32, #tpu.memory_space<vmem>>, vector<16xi32>,
    %gather3A_286 = tpu.vector_load_idx %arg11[%get3A_281] : memref<16xi32, #tpu.memory_space<vmem>>[vector<16xi32>], vector<16xi32>,
    %ge3A_287 = arith.constant 8 : i32
    %ge3A_288 = vector.broadcast %ge3A_287 : i32 to vector<16xi32>
    %ge3A_289 = arith.cmpi sge, %get3A_281, %ge3A_288 : vector<16xi32>
    %add3A_290 = arith.addi %gather3A_286, %get3A_285 : vector<16xi32>
    %jit3A_291 = arith.constant 12288 : i32
    %broadcast_in_dim3A_292 = vector.broadcast %jit3A_291 : i32 to vector<16xi32>
    %select_n3A_293 = arith.select %ge3A_289, %broadcast_in_dim3A_292, %add3A_290 : vector<16xi1>, vector<16xi32>
    %swap3A_294 = arith.constant 1 : i32
    %swap3A_295 = arith.index_cast %swap3A_294 : i32 to index
    %swap3A_296 = arith.constant 80 : index
    %swap3A_297 = tpu.vector_load %arg10[%swap3A_295, %swap3A_296] {strides = array<i32>} : memref<2x128xi32, #tpu.memory_space<vmem>>, vector<16xi32>,
    tpu.vector_store %arg10[%swap3A_295, %swap3A_296], %select_n3A_293 {strides = array<i32>} : memref<2x128xi32, #tpu.memory_space<vmem>>, vector<16xi32>,
    %get3A_298 = arith.constant 1 : i32
    %get3A_299 = arith.index_cast %get3A_298 : i32 to index
    %get3A_300 = arith.constant 96 : index
    %get3A_301 = tpu.vector_load %arg8[%get3A_299, %get3A_300] {strides = array<i32>} : memref<2x128xi32, #tpu.memory_space<vmem>>, vector<16xi32>,
    %get3A_302 = arith.constant 1 : i32
    %get3A_303 = arith.index_cast %get3A_302 : i32 to index
    %get3A_304 = arith.constant 96 : index
    %get3A_305 = tpu.vector_load %arg9[%get3A_303, %get3A_304] {strides = array<i32>} : memref<2x128xi32, #tpu.memory_space<vmem>>, vector<16xi32>,
    %gather3A_306 = tpu.vector_load_idx %arg11[%get3A_301] : memref<16xi32, #tpu.memory_space<vmem>>[vector<16xi32>], vector<16xi32>,
    %ge3A_307 = arith.constant 8 : i32
    %ge3A_308 = vector.broadcast %ge3A_307 : i32 to vector<16xi32>
    %ge3A_309 = arith.cmpi sge, %get3A_301, %ge3A_308 : vector<16xi32>
    %add3A_310 = arith.addi %gather3A_306, %get3A_305 : vector<16xi32>
    %jit3A_311 = arith.constant 12288 : i32
    %broadcast_in_dim3A_312 = vector.broadcast %jit3A_311 : i32 to vector<16xi32>
    %select_n3A_313 = arith.select %ge3A_309, %broadcast_in_dim3A_312, %add3A_310 : vector<16xi1>, vector<16xi32>
    %swap3A_314 = arith.constant 1 : i32
    %swap3A_315 = arith.index_cast %swap3A_314 : i32 to index
    %swap3A_316 = arith.constant 96 : index
    %swap3A_317 = tpu.vector_load %arg10[%swap3A_315, %swap3A_316] {strides = array<i32>} : memref<2x128xi32, #tpu.memory_space<vmem>>, vector<16xi32>,
    tpu.vector_store %arg10[%swap3A_315, %swap3A_316], %select_n3A_313 {strides = array<i32>} : memref<2x128xi32, #tpu.memory_space<vmem>>, vector<16xi32>,
    %get3A_318 = arith.constant 1 : i32
    %get3A_319 = arith.index_cast %get3A_318 : i32 to index
    %get3A_320 = arith.constant 112 : index
    %get3A_321 = tpu.vector_load %arg8[%get3A_319, %get3A_320] {strides = array<i32>} : memref<2x128xi32, #tpu.memory_space<vmem>>, vector<16xi32>,
    %get3A_322 = arith.constant 1 : i32
    %get3A_323 = arith.index_cast %get3A_322 : i32 to index
    %get3A_324 = arith.constant 112 : index
    %get3A_325 = tpu.vector_load %arg9[%get3A_323, %get3A_324] {strides = array<i32>} : memref<2x128xi32, #tpu.memory_space<vmem>>, vector<16xi32>,
    %gather3A_326 = tpu.vector_load_idx %arg11[%get3A_321] : memref<16xi32, #tpu.memory_space<vmem>>[vector<16xi32>], vector<16xi32>,
    %ge3A_327 = arith.constant 8 : i32
    %ge3A_328 = vector.broadcast %ge3A_327 : i32 to vector<16xi32>
    %ge3A_329 = arith.cmpi sge, %get3A_321, %ge3A_328 : vector<16xi32>
    %add3A_330 = arith.addi %gather3A_326, %get3A_325 : vector<16xi32>
    %jit3A_331 = arith.constant 12288 : i32
    %broadcast_in_dim3A_332 = vector.broadcast %jit3A_331 : i32 to vector<16xi32>
    %select_n3A_333 = arith.select %ge3A_329, %broadcast_in_dim3A_332, %add3A_330 : vector<16xi1>, vector<16xi32>
    %swap3A_334 = arith.constant 1 : i32
    %swap3A_335 = arith.index_cast %swap3A_334 : i32 to index
    %swap3A_336 = arith.constant 112 : index
    %swap3A_337 = tpu.vector_load %arg10[%swap3A_335, %swap3A_336] {strides = array<i32>} : memref<2x128xi32, #tpu.memory_space<vmem>>, vector<16xi32>,
    tpu.vector_store %arg10[%swap3A_335, %swap3A_336], %select_n3A_333 {strides = array<i32>} : memref<2x128xi32, #tpu.memory_space<vmem>>, vector<16xi32>,
    %dma_wait3A_338 = arith.constant 0 : i32
    %dma_wait3A_339 = tpu.memref_slice %arg5[%mul3A_2, %dma_wait3A_338] : memref<8192x256xf32, #tpu.memory_space<hbm>> -> memref<256x256xf32, #tpu.memory_space<hbm>>
    %dma_wait3A_340 = arith.constant 0 : i32
    %dma_wait3A_341 = tpu.memref_slice %arg5[%mul3A_2, %dma_wait3A_340] : memref<8192x256xf32, #tpu.memory_space<hbm>> -> memref<256x256xf32, #tpu.memory_space<hbm>>
    tpu.wait_dma2 semaphore(%arg13 : memref<!tpu.dma_semaphore, #tpu.memory_space<semaphore_mem>>) src(%dma_wait3A_341 : memref<256x256xf32, #tpu.memory_space<hbm>>) dst(%arg12 : memref<256x256xf32, #tpu.memory_space<vmem>>)
    %dma_start3A_342 = arith.constant 0 : i32
    %dma_start3A_343 = arith.constant 0 : i32
    %dma_start3A_344 = tpu.memref_slice %arg7[%add3A, %dma_start3A_342, %dma_start3A_343] : memref<32x2x128xi32, #tpu.memory_space<hbm>> -> memref<1x2x128xi32, #tpu.memory_space<hbm>>
    %dma_start3A_345 = tpu.memref_squeeze %dma_start3A_344 : memref<1x2x128xi32, #tpu.memory_space<hbm>> -> memref<2x128xi32, #tpu.memory_space<hbm>>
    %dma_start3A_346 = arith.constant 0 : i32
    %dma_start3A_347 = arith.constant 0 : i32
    %dma_start3A_348 = tpu.memref_slice %arg7[%add3A, %dma_start3A_346, %dma_start3A_347] : memref<32x2x128xi32, #tpu.memory_space<hbm>> -> memref<1x2x128xi32, #tpu.memory_space<hbm>>
    %dma_start3A_349 = tpu.memref_squeeze %dma_start3A_348 : memref<1x2x128xi32, #tpu.memory_space<hbm>> -> memref<2x128xi32, #tpu.memory_space<hbm>>
    tpu.enqueue_dma source(%arg10 : memref<2x128xi32, #tpu.memory_space<vmem>>) target(%dma_start3A_349 : memref<2x128xi32, #tpu.memory_space<hbm>>) target_semaphore(%arg15 : memref<!tpu.dma_semaphore, #tpu.memory_space<semaphore_mem>>)
    %dma_start3A_350 = arith.constant 0 : i32
    %dma_start3A_351 = arith.constant 0 : i32
    %dma_start3A_352 = arith.constant 0 : i32
    %dma_start3A_353 = tpu.memref_slice %arg12[%dma_start3A_351, %dma_start3A_352] : memref<256x256xf32, #tpu.memory_space<vmem>> -> memref<128x256xf32, #tpu.memory_space<vmem>>
    %dma_start3A_354 = arith.constant 0 : i32
    %dma_start3A_355 = tpu.memref_slice %arg10[%dma_start3A_350, %dma_start3A_354] : memref<2x128xi32, #tpu.memory_space<vmem>> -> memref<1x128xi32, #tpu.memory_space<vmem>>
    %dma_start3A_356 = tpu.memref_squeeze %dma_start3A_355 : memref<1x128xi32, #tpu.memory_space<vmem>> -> memref<128xi32, #tpu.memory_space<vmem>>
    %dma_start3A_357 = arith.constant 0 : i32
    %dma_start3A_358 = arith.constant 0 : i32
    %dma_start3A_359 = tpu.memref_slice %arg6[%dma_start3A_357, %dma_start3A_358] : memref<12800x256xf32, #tpu.memory_space<hbm>> -> memref<12800x256xf32, #tpu.memory_space<hbm>>
    tpu.enqueue_indirect_dma source(%dma_start3A_353 : memref<128x256xf32, #tpu.memory_space<vmem>>) target(%dma_start3A_359 : memref<12800x256xf32, #tpu.memory_space<hbm>>) offsets(%dma_start3A_356 : memref<128xi32, #tpu.memory_space<vmem>>) semaphore(%arg15 : memref<!tpu.dma_semaphore, #tpu.memory_space<semaphore_mem>>)
    %dma_start3A_360 = arith.constant 1 : i32
    %dma_start3A_361 = arith.constant 128 : i32
    %dma_start3A_362 = arith.constant 0 : i32
    %dma_start3A_363 = tpu.memref_slice %arg12[%dma_start3A_361, %dma_start3A_362] : memref<256x256xf32, #tpu.memory_space<vmem>> -> memref<128x256xf32, #tpu.memory_space<vmem>>
    %dma_start3A_364 = arith.constant 0 : i32
    %dma_start3A_365 = tpu.memref_slice %arg10[%dma_start3A_360, %dma_start3A_364] : memref<2x128xi32, #tpu.memory_space<vmem>> -> memref<1x128xi32, #tpu.memory_space<vmem>>
    %dma_start3A_366 = tpu.memref_squeeze %dma_start3A_365 : memref<1x128xi32, #tpu.memory_space<vmem>> -> memref<128xi32, #tpu.memory_space<vmem>>
    %dma_start3A_367 = arith.constant 0 : i32
    %dma_start3A_368 = arith.constant 0 : i32
    %dma_start3A_369 = tpu.memref_slice %arg6[%dma_start3A_367, %dma_start3A_368] : memref<12800x256xf32, #tpu.memory_space<hbm>> -> memref<12800x256xf32, #tpu.memory_space<hbm>>
    tpu.enqueue_indirect_dma source(%dma_start3A_363 : memref<128x256xf32, #tpu.memory_space<vmem>>) target(%dma_start3A_369 : memref<12800x256xf32, #tpu.memory_space<hbm>>) offsets(%dma_start3A_366 : memref<128xi32, #tpu.memory_space<vmem>>) semaphore(%arg15 : memref<!tpu.dma_semaphore, #tpu.memory_space<semaphore_mem>>)
    %dma_wait3A_370 = arith.constant 0 : i32
    %dma_wait3A_371 = arith.constant 0 : i32
    %dma_wait3A_372 = tpu.memref_slice %arg7[%add3A, %dma_wait3A_370, %dma_wait3A_371] : memref<32x2x128xi32, #tpu.memory_space<hbm>> -> memref<1x2x128xi32, #tpu.memory_space<hbm>>
    %dma_wait3A_373 = tpu.memref_squeeze %dma_wait3A_372 : memref<1x2x128xi32, #tpu.memory_space<hbm>> -> memref<2x128xi32, #tpu.memory_space<hbm>>
    %dma_wait3A_374 = arith.constant 0 : i32
    %dma_wait3A_375 = arith.constant 0 : i32
    %dma_wait3A_376 = tpu.memref_slice %arg7[%add3A, %dma_wait3A_374, %dma_wait3A_375] : memref<32x2x128xi32, #tpu.memory_space<hbm>> -> memref<1x2x128xi32, #tpu.memory_space<hbm>>
    %dma_wait3A_377 = tpu.memref_squeeze %dma_wait3A_376 : memref<1x2x128xi32, #tpu.memory_space<hbm>> -> memref<2x128xi32, #tpu.memory_space<hbm>>
    tpu.wait_dma2 semaphore(%arg15 : memref<!tpu.dma_semaphore, #tpu.memory_space<semaphore_mem>>) src(%arg10 : memref<2x128xi32, #tpu.memory_space<vmem>>) dst(%dma_wait3A_377 : memref<2x128xi32, #tpu.memory_space<hbm>>)
    %dma_wait3A_378 = arith.constant 0 : i32
    %dma_wait3A_379 = arith.constant 0 : i32
    %dma_wait3A_380 = arith.constant 0 : i32
    %dma_wait3A_381 = tpu.memref_slice %arg12[%dma_wait3A_379, %dma_wait3A_380] : memref<256x256xf32, #tpu.memory_space<vmem>> -> memref<128x256xf32, #tpu.memory_space<vmem>>
    %dma_wait3A_382 = arith.constant 0 : i32
    %dma_wait3A_383 = tpu.memref_slice %arg10[%dma_wait3A_378, %dma_wait3A_382] : memref<2x128xi32, #tpu.memory_space<vmem>> -> memref<1x128xi32, #tpu.memory_space<vmem>>
    %dma_wait3A_384 = tpu.memref_squeeze %dma_wait3A_383 : memref<1x128xi32, #tpu.memory_space<vmem>> -> memref<128xi32, #tpu.memory_space<vmem>>
    %dma_wait3A_385 = arith.constant 0 : i32
    %dma_wait3A_386 = arith.constant 0 : i32
    %dma_wait3A_387 = tpu.memref_slice %arg6[%dma_wait3A_385, %dma_wait3A_386] : memref<12800x256xf32, #tpu.memory_space<hbm>> -> memref<12800x256xf32, #tpu.memory_space<hbm>>
    tpu.wait_indirect_dma semaphore(%arg15 : memref<!tpu.dma_semaphore, #tpu.memory_space<semaphore_mem>>) src(%dma_wait3A_381 : memref<128x256xf32, #tpu.memory_space<vmem>>) dst(%dma_wait3A_387 : memref<12800x256xf32, #tpu.memory_space<hbm>>)
    %dma_wait3A_388 = arith.constant 1 : i32
    %dma_wait3A_389 = arith.constant 128 : i32
    %dma_wait3A_390 = arith.constant 0 : i32
    %dma_wait3A_391 = tpu.memref_slice %arg12[%dma_wait3A_389, %dma_wait3A_390] : memref<256x256xf32, #tpu.memory_space<vmem>> -> memref<128x256xf32, #tpu.memory_space<vmem>>
    %dma_wait3A_392 = arith.constant 0 : i32
    %dma_wait3A_393 = tpu.memref_slice %arg10[%dma_wait3A_388, %dma_wait3A_392] : memref<2x128xi32, #tpu.memory_space<vmem>> -> memref<1x128xi32, #tpu.memory_space<vmem>>
    %dma_wait3A_394 = tpu.memref_squeeze %dma_wait3A_393 : memref<1x128xi32, #tpu.memory_space<vmem>> -> memref<128xi32, #tpu.memory_space<vmem>>
    %dma_wait3A_395 = arith.constant 0 : i32
    %dma_wait3A_396 = arith.constant 0 : i32
    %dma_wait3A_397 = tpu.memref_slice %arg6[%dma_wait3A_395, %dma_wait3A_396] : memref<12800x256xf32, #tpu.memory_space<hbm>> -> memref<12800x256xf32, #tpu.memory_space<hbm>>
    tpu.wait_indirect_dma semaphore(%arg15 : memref<!tpu.dma_semaphore, #tpu.memory_space<semaphore_mem>>) src(%dma_wait3A_391 : memref<128x256xf32, #tpu.memory_space<vmem>>) dst(%dma_wait3A_397 : memref<12800x256xf32, #tpu.memory_space<hbm>>)
    return
  }
}

#map = affine_map<(d0, d1) -> (0, 0, 0)>
#map1 = affine_map<(d0, d1) -> (0, 0)>
module attributes {stable_mosaic.version = 14 : i64} {
  func.func @gath(%arg0: i32, %arg1: i32, %arg2: memref<32x2x128xi32, #tpu.memory_space<hbm>>, %arg3: memref<12800x256xf32, #tpu.memory_space<hbm>>, %arg4: memref<8192x256xf32, #tpu.memory_space<hbm>>, %arg5: memref<2x128xi32, #tpu.memory_space<vmem>>, %arg6: memref<256x256xf32, #tpu.memory_space<vmem>>, %arg7: memref<!tpu.dma_semaphore, #tpu.memory_space<semaphore_mem>>) attributes {dimension_semantics = [#tpu.dimension_semantics<core_parallel>, #tpu.dimension_semantics<subcore_parallel>], iteration_bounds = array<i64: 2, 16>, scalar_prefetch = 0 : i64, scratch_operands = 3 : i64, tpu.core_type = #tpu.core_type<sc_vector_subcore>, window_params = [{transform_indices = #map}, {transform_indices = #map1}, {transform_indices = #map1}]} {
    %mul3A = arith.constant 2 : i32
    %mul3A_0 = arith.muli %arg1, %mul3A : i32
    %add3A = arith.addi %mul3A_0, %arg0 : i32
    %mul3A_1 = arith.constant 256 : i32
    %mul3A_2 = arith.muli %add3A, %mul3A_1 : i32
    "tpu.region"() ({
      %run_scoped3A = tpu.sem_alloc : memref<!tpu.dma_semaphore, #tpu.memory_space<semaphore_mem>>
      %dma_start3A_41 = arith.constant 0 : i32
      %dma_start3A_42 = arith.constant 0 : i32
      %dma_start3A_43 = tpu.memref_slice %arg2[%add3A, %dma_start3A_41, %dma_start3A_42] : memref<32x2x128xi32, #tpu.memory_space<hbm>> -> memref<1x2x128xi32, #tpu.memory_space<hbm>>
      %dma_start3A_44 = tpu.memref_squeeze %dma_start3A_43 : memref<1x2x128xi32, #tpu.memory_space<hbm>> -> memref<2x128xi32, #tpu.memory_space<hbm>>
      %dma_start3A_45 = arith.constant 0 : i32
      %dma_start3A_46 = arith.constant 0 : i32
      %dma_start3A_47 = tpu.memref_slice %arg2[%add3A, %dma_start3A_45, %dma_start3A_46] : memref<32x2x128xi32, #tpu.memory_space<hbm>> -> memref<1x2x128xi32, #tpu.memory_space<hbm>>
      %dma_start3A_48 = tpu.memref_squeeze %dma_start3A_47 : memref<1x2x128xi32, #tpu.memory_space<hbm>> -> memref<2x128xi32, #tpu.memory_space<hbm>>
      tpu.enqueue_dma source(%dma_start3A_48 : memref<2x128xi32, #tpu.memory_space<hbm>>) target(%arg5 : memref<2x128xi32, #tpu.memory_space<vmem>>) target_semaphore(%run_scoped3A : memref<!tpu.dma_semaphore, #tpu.memory_space<semaphore_mem>>)
      %dma_wait3A_49 = arith.constant 0 : i32
      %dma_wait3A_50 = arith.constant 0 : i32
      %dma_wait3A_51 = tpu.memref_slice %arg2[%add3A, %dma_wait3A_49, %dma_wait3A_50] : memref<32x2x128xi32, #tpu.memory_space<hbm>> -> memref<1x2x128xi32, #tpu.memory_space<hbm>>
      %dma_wait3A_52 = tpu.memref_squeeze %dma_wait3A_51 : memref<1x2x128xi32, #tpu.memory_space<hbm>> -> memref<2x128xi32, #tpu.memory_space<hbm>>
      %dma_wait3A_53 = arith.constant 0 : i32
      %dma_wait3A_54 = arith.constant 0 : i32
      %dma_wait3A_55 = tpu.memref_slice %arg2[%add3A, %dma_wait3A_53, %dma_wait3A_54] : memref<32x2x128xi32, #tpu.memory_space<hbm>> -> memref<1x2x128xi32, #tpu.memory_space<hbm>>
      %dma_wait3A_56 = tpu.memref_squeeze %dma_wait3A_55 : memref<1x2x128xi32, #tpu.memory_space<hbm>> -> memref<2x128xi32, #tpu.memory_space<hbm>>
      tpu.wait_dma2 semaphore(%run_scoped3A : memref<!tpu.dma_semaphore, #tpu.memory_space<semaphore_mem>>) src(%dma_wait3A_56 : memref<2x128xi32, #tpu.memory_space<hbm>>) dst(%arg5 : memref<2x128xi32, #tpu.memory_space<vmem>>)
      tpu.yield
    }) : () -> ()
    %dma_start3A = arith.constant 0 : i32
    %dma_start3A_3 = arith.constant 0 : i32
    %dma_start3A_4 = arith.constant 0 : i32
    %dma_start3A_5 = tpu.memref_slice %arg6[%dma_start3A_3, %dma_start3A_4] : memref<256x256xf32, #tpu.memory_space<vmem>> -> memref<128x256xf32, #tpu.memory_space<vmem>>
    %dma_start3A_6 = arith.constant 0 : i32
    %dma_start3A_7 = tpu.memref_slice %arg5[%dma_start3A, %dma_start3A_6] : memref<2x128xi32, #tpu.memory_space<vmem>> -> memref<1x128xi32, #tpu.memory_space<vmem>>
    %dma_start3A_8 = tpu.memref_squeeze %dma_start3A_7 : memref<1x128xi32, #tpu.memory_space<vmem>> -> memref<128xi32, #tpu.memory_space<vmem>>
    %dma_start3A_9 = arith.constant 0 : i32
    %dma_start3A_10 = arith.constant 0 : i32
    %dma_start3A_11 = tpu.memref_slice %arg3[%dma_start3A_9, %dma_start3A_10] : memref<12800x256xf32, #tpu.memory_space<hbm>> -> memref<12800x256xf32, #tpu.memory_space<hbm>>
    tpu.enqueue_indirect_dma source(%dma_start3A_11 : memref<12800x256xf32, #tpu.memory_space<hbm>>) target(%dma_start3A_5 : memref<128x256xf32, #tpu.memory_space<vmem>>) offsets(%dma_start3A_8 : memref<128xi32, #tpu.memory_space<vmem>>) semaphore(%arg7 : memref<!tpu.dma_semaphore, #tpu.memory_space<semaphore_mem>>)
    %dma_start3A_12 = arith.constant 1 : i32
    %dma_start3A_13 = arith.constant 128 : i32
    %dma_start3A_14 = arith.constant 0 : i32
    %dma_start3A_15 = tpu.memref_slice %arg6[%dma_start3A_13, %dma_start3A_14] : memref<256x256xf32, #tpu.memory_space<vmem>> -> memref<128x256xf32, #tpu.memory_space<vmem>>
    %dma_start3A_16 = arith.constant 0 : i32
    %dma_start3A_17 = tpu.memref_slice %arg5[%dma_start3A_12, %dma_start3A_16] : memref<2x128xi32, #tpu.memory_space<vmem>> -> memref<1x128xi32, #tpu.memory_space<vmem>>
    %dma_start3A_18 = tpu.memref_squeeze %dma_start3A_17 : memref<1x128xi32, #tpu.memory_space<vmem>> -> memref<128xi32, #tpu.memory_space<vmem>>
    %dma_start3A_19 = arith.constant 0 : i32
    %dma_start3A_20 = arith.constant 0 : i32
    %dma_start3A_21 = tpu.memref_slice %arg3[%dma_start3A_19, %dma_start3A_20] : memref<12800x256xf32, #tpu.memory_space<hbm>> -> memref<12800x256xf32, #tpu.memory_space<hbm>>
    tpu.enqueue_indirect_dma source(%dma_start3A_21 : memref<12800x256xf32, #tpu.memory_space<hbm>>) target(%dma_start3A_15 : memref<128x256xf32, #tpu.memory_space<vmem>>) offsets(%dma_start3A_18 : memref<128xi32, #tpu.memory_space<vmem>>) semaphore(%arg7 : memref<!tpu.dma_semaphore, #tpu.memory_space<semaphore_mem>>)
    %dma_wait3A = arith.constant 0 : i32
    %dma_wait3A_22 = arith.constant 0 : i32
    %dma_wait3A_23 = arith.constant 0 : i32
    %dma_wait3A_24 = tpu.memref_slice %arg6[%dma_wait3A_22, %dma_wait3A_23] : memref<256x256xf32, #tpu.memory_space<vmem>> -> memref<128x256xf32, #tpu.memory_space<vmem>>
    %dma_wait3A_25 = arith.constant 0 : i32
    %dma_wait3A_26 = tpu.memref_slice %arg5[%dma_wait3A, %dma_wait3A_25] : memref<2x128xi32, #tpu.memory_space<vmem>> -> memref<1x128xi32, #tpu.memory_space<vmem>>
    %dma_wait3A_27 = tpu.memref_squeeze %dma_wait3A_26 : memref<1x128xi32, #tpu.memory_space<vmem>> -> memref<128xi32, #tpu.memory_space<vmem>>
    %dma_wait3A_28 = arith.constant 0 : i32
    %dma_wait3A_29 = arith.constant 0 : i32
    %dma_wait3A_30 = tpu.memref_slice %arg3[%dma_wait3A_28, %dma_wait3A_29] : memref<12800x256xf32, #tpu.memory_space<hbm>> -> memref<12800x256xf32, #tpu.memory_space<hbm>>
    tpu.wait_indirect_dma semaphore(%arg7 : memref<!tpu.dma_semaphore, #tpu.memory_space<semaphore_mem>>) src(%dma_wait3A_30 : memref<12800x256xf32, #tpu.memory_space<hbm>>) dst(%dma_wait3A_24 : memref<128x256xf32, #tpu.memory_space<vmem>>)
    %dma_wait3A_31 = arith.constant 1 : i32
    %dma_wait3A_32 = arith.constant 128 : i32
    %dma_wait3A_33 = arith.constant 0 : i32
    %dma_wait3A_34 = tpu.memref_slice %arg6[%dma_wait3A_32, %dma_wait3A_33] : memref<256x256xf32, #tpu.memory_space<vmem>> -> memref<128x256xf32, #tpu.memory_space<vmem>>
    %dma_wait3A_35 = arith.constant 0 : i32
    %dma_wait3A_36 = tpu.memref_slice %arg5[%dma_wait3A_31, %dma_wait3A_35] : memref<2x128xi32, #tpu.memory_space<vmem>> -> memref<1x128xi32, #tpu.memory_space<vmem>>
    %dma_wait3A_37 = tpu.memref_squeeze %dma_wait3A_36 : memref<1x128xi32, #tpu.memory_space<vmem>> -> memref<128xi32, #tpu.memory_space<vmem>>
    %dma_wait3A_38 = arith.constant 0 : i32
    %dma_wait3A_39 = arith.constant 0 : i32
    %dma_wait3A_40 = tpu.memref_slice %arg3[%dma_wait3A_38, %dma_wait3A_39] : memref<12800x256xf32, #tpu.memory_space<hbm>> -> memref<12800x256xf32, #tpu.memory_space<hbm>>
    tpu.wait_indirect_dma semaphore(%arg7 : memref<!tpu.dma_semaphore, #tpu.memory_space<semaphore_mem>>) src(%dma_wait3A_40 : memref<12800x256xf32, #tpu.memory_space<hbm>>) dst(%dma_wait3A_34 : memref<128x256xf32, #tpu.memory_space<vmem>>)
    "tpu.region"() ({
      %run_scoped3A = tpu.sem_alloc : memref<!tpu.dma_semaphore, #tpu.memory_space<semaphore_mem>>
      %dma_start3A_41 = arith.constant 0 : i32
      %dma_start3A_42 = tpu.memref_slice %arg4[%mul3A_2, %dma_start3A_41] : memref<8192x256xf32, #tpu.memory_space<hbm>> -> memref<256x256xf32, #tpu.memory_space<hbm>>
      %dma_start3A_43 = arith.constant 0 : i32
      %dma_start3A_44 = tpu.memref_slice %arg4[%mul3A_2, %dma_start3A_43] : memref<8192x256xf32, #tpu.memory_space<hbm>> -> memref<256x256xf32, #tpu.memory_space<hbm>>
      tpu.enqueue_dma source(%arg6 : memref<256x256xf32, #tpu.memory_space<vmem>>) target(%dma_start3A_44 : memref<256x256xf32, #tpu.memory_space<hbm>>) target_semaphore(%run_scoped3A : memref<!tpu.dma_semaphore, #tpu.memory_space<semaphore_mem>>)
      %dma_wait3A_45 = arith.constant 0 : i32
      %dma_wait3A_46 = tpu.memref_slice %arg4[%mul3A_2, %dma_wait3A_45] : memref<8192x256xf32, #tpu.memory_space<hbm>> -> memref<256x256xf32, #tpu.memory_space<hbm>>
      %dma_wait3A_47 = arith.constant 0 : i32
      %dma_wait3A_48 = tpu.memref_slice %arg4[%mul3A_2, %dma_wait3A_47] : memref<8192x256xf32, #tpu.memory_space<hbm>> -> memref<256x256xf32, #tpu.memory_space<hbm>>
      tpu.wait_dma2 semaphore(%run_scoped3A : memref<!tpu.dma_semaphore, #tpu.memory_space<semaphore_mem>>) src(%arg6 : memref<256x256xf32, #tpu.memory_space<vmem>>) dst(%dma_wait3A_48 : memref<256x256xf32, #tpu.memory_space<hbm>>)
      tpu.yield
    }) : () -> ()
    return
  }
}

module attributes {stable_mosaic.version = 14 : i64} {
  func.func @_k1_body(%arg0: i32, %arg1: memref<512x1024xf32, #tpu.memory_space<vmem>>, %arg2: memref<1024x256xf32, #tpu.memory_space<vmem>>, %arg3: memref<1x256xf32, #tpu.memory_space<vmem>>, %arg4: memref<8x4xf32, #tpu.memory_space<vmem>>, %arg5: memref<260x256xf32, #tpu.memory_space<vmem>>, %arg6: memref<1x256xf32, #tpu.memory_space<vmem>>, %arg7: memref<256x9xf32, #tpu.memory_space<vmem>>, %arg8: memref<1x9xf32, #tpu.memory_space<vmem>>, %arg9: memref<512x1xi32, #tpu.memory_space<vmem>>, %arg10: memref<512x512xf32, #tpu.memory_space<vmem>>, %arg11: memref<128x128xf32, #tpu.memory_space<vmem>>, %arg12: memref<512x256xf32, #tpu.memory_space<vmem>>, %arg13: memref<512x1xi32, #tpu.memory_space<vmem>>, %arg14: memref<512x1xi32, #tpu.memory_space<vmem>>, %arg15: memref<1x128xi32, #tpu.memory_space<vmem>>, %arg16: memref<1x128xi32, #tpu.memory_space<vmem>>, %arg17: memref<8x128xf32, #tpu.memory_space<vmem>>) attributes {dimension_semantics = [#tpu.dimension_semantics<arbitrary>], iteration_bounds = array<i64: 16>, scalar_prefetch = 0 : i64, scratch_operands = 1 : i64, tpu.core_type = #tpu.core_type<tc>, window_params = [{transform_indices = @transform_0, window_bounds = array<i64: 512, 1024>}, {pipeline_mode = #tpu.pipeline_mode<synchronous>, transform_indices = @transform_1, window_bounds = array<i64: 1024, 256>}, {pipeline_mode = #tpu.pipeline_mode<synchronous>, transform_indices = @transform_2, window_bounds = array<i64: 1, 256>}, {pipeline_mode = #tpu.pipeline_mode<synchronous>, transform_indices = @transform_3, window_bounds = array<i64: 8, 4>}, {pipeline_mode = #tpu.pipeline_mode<synchronous>, transform_indices = @transform_4, window_bounds = array<i64: 260, 256>}, {pipeline_mode = #tpu.pipeline_mode<synchronous>, transform_indices = @transform_5, window_bounds = array<i64: 1, 256>}, {pipeline_mode = #tpu.pipeline_mode<synchronous>, transform_indices = @transform_6, window_bounds = array<i64: 256, 9>}, {pipeline_mode = #tpu.pipeline_mode<synchronous>, transform_indices = @transform_7, window_bounds = array<i64: 1, 9>}, {transform_indices = @transform_8, window_bounds = array<i64: 512, 1>}, {pipeline_mode = #tpu.pipeline_mode<synchronous>, transform_indices = @transform_9, window_bounds = array<i64: 512, 512>}, {pipeline_mode = #tpu.pipeline_mode<synchronous>, transform_indices = @transform_10, window_bounds = array<i64: 128, 128>}, {transform_indices = @transform_11, window_bounds = array<i64: 512, 256>}, {transform_indices = @transform_12, window_bounds = array<i64: 512, 1>}, {transform_indices = @transform_13, window_bounds = array<i64: 512, 1>}, {pipeline_mode = #tpu.pipeline_mode<synchronous>, transform_indices = @transform_14, window_bounds = array<i64: 1, 128>}, {pipeline_mode = #tpu.pipeline_mode<synchronous>, transform_indices = @transform_15, window_bounds = array<i64: 1, 128>}]} {
    %eq3A = arith.constant 0 : i32
    %eq3A_0 = arith.cmpi eq, %arg0, %eq3A : i32
    %convert_element_type3A = arith.extui %eq3A_0 : i1 to i32
    %cond3A = arith.constant 0 : i32
    %cond3A_1 = arith.cmpi ne, %convert_element_type3A, %cond3A : i32
    scf.if %cond3A_1 {
      %broadcast_in_dim3A_184 = arith.constant 0.000000e+00 : f32
      %broadcast_in_dim3A_185 = vector.broadcast %broadcast_in_dim3A_184 : f32 to vector<8x128xf32>
      %swap3A_186 = arith.constant 0 : index
      %swap3A_187 = arith.constant 0 : index
      %swap3A_188 = vector.load %arg17[%swap3A_186, %swap3A_187] : memref<8x128xf32, #tpu.memory_space<vmem>>, vector<8x128xf32>
      tpu.vector_store %arg17[%swap3A_186, %swap3A_187], %broadcast_in_dim3A_185 {strides = array<i32>} : memref<8x128xf32, #tpu.memory_space<vmem>>, vector<8x128xf32>,
    } else {
    }
    %get3A = arith.constant 0 : index
    %get3A_2 = arith.constant 0 : index
    %get3A_3 = vector.load %arg1[%get3A, %get3A_2] : memref<512x1024xf32, #tpu.memory_space<vmem>>, vector<512x1024xf32>
    %get3A_4 = arith.constant 0 : index
    %get3A_5 = arith.constant 0 : index
    %get3A_6 = vector.load %arg2[%get3A_4, %get3A_5] : memref<1024x256xf32, #tpu.memory_space<vmem>>, vector<1024x256xf32>
    %dot_general3A = arith.constant dense<0.000000e+00> : vector<512x256xf32>
    %dot_general3A_7 = tpu.matmul %get3A_3, %get3A_6, %dot_general3A {dimension_numbers = #tpu.dot_dimension_numbers<[1], [0], [0], [1], [0, 0, 1, 1], [], []>, transpose_lhs_hint = false} : vector<512x1024xf32>, vector<1024x256xf32>, vector<512x256xf32> -> vector<512x256xf32>
    %get3A_8 = arith.constant 0 : index
    %get3A_9 = arith.constant 0 : index
    %get3A_10 = vector.load %arg3[%get3A_8, %get3A_9] : memref<1x256xf32, #tpu.memory_space<vmem>>, vector<1x256xf32>
    %add3A = vector.broadcast %get3A_10 : vector<1x256xf32> to vector<512x256xf32>
    %add3A_11 = arith.addf %dot_general3A_7, %add3A : vector<512x256xf32>
    %swap3A = arith.constant 0 : index
    %swap3A_12 = arith.constant 0 : index
    %swap3A_13 = vector.load %arg12[%swap3A, %swap3A_12] : memref<512x256xf32, #tpu.memory_space<vmem>>, vector<512x256xf32>
    tpu.vector_store %arg12[%swap3A, %swap3A_12], %add3A_11 {strides = array<i32>} : memref<512x256xf32, #tpu.memory_space<vmem>>, vector<512x256xf32>,
    %broadcast_in_dim3A = arith.constant false
    %broadcast_in_dim3A_14 = vector.broadcast %broadcast_in_dim3A : i1 to vector<512x1xi1>
    %get3A_15 = arith.constant 0 : index
    %get3A_16 = arith.constant 0 : index
    %get3A_17 = vector.load %arg9[%get3A_15, %get3A_16] : memref<512x1xi32, #tpu.memory_space<vmem>>, vector<512x1xi32>
    %broadcast_in_dim3A_18 = arith.constant 0.000000e+00 : f32
    %broadcast_in_dim3A_19 = vector.broadcast %broadcast_in_dim3A_18 : f32 to vector<512x4xf32>
    %eq3A_20 = arith.constant 0 : i32
    %eq3A_21 = vector.broadcast %eq3A_20 : i32 to vector<512x1xi32>
    %eq3A_22 = arith.cmpi eq, %get3A_17, %eq3A_21 : vector<512x1xi32>
    %get3A_23 = arith.constant 0 : index
    %get3A_24 = arith.constant 0 : index
    %get3A_25 = vector.load %arg4[%get3A_23, %get3A_24] : memref<8x4xf32, #tpu.memory_space<vmem>>, vector<1x4xf32>
    %broadcast_in_dim3A_26 = vector.shape_cast %eq3A_22 : vector<512x1xi1> to vector<512x1xi1>
    %broadcast_in_dim3A_27 = vector.broadcast %broadcast_in_dim3A_26 : vector<512x1xi1> to vector<512x4xi1>
    %broadcast_in_dim3A_28 = vector.shape_cast %get3A_25 : vector<1x4xf32> to vector<1x4xf32>
    %broadcast_in_dim3A_29 = vector.broadcast %broadcast_in_dim3A_28 : vector<1x4xf32> to vector<512x4xf32>
    %select_n3A = arith.select %broadcast_in_dim3A_27, %broadcast_in_dim3A_29, %broadcast_in_dim3A_19 : vector<512x4xi1>, vector<512x4xf32>
    %eq3A_30 = arith.constant 1 : i32
    %eq3A_31 = vector.broadcast %eq3A_30 : i32 to vector<512x1xi32>
    %eq3A_32 = arith.cmpi eq, %get3A_17, %eq3A_31 : vector<512x1xi32>
    %get3A_33 = arith.constant 1 : index
    %get3A_34 = arith.constant 0 : index
    %get3A_35 = vector.load %arg4[%get3A_33, %get3A_34] : memref<8x4xf32, #tpu.memory_space<vmem>>, vector<1x4xf32>
    %broadcast_in_dim3A_36 = vector.shape_cast %eq3A_32 : vector<512x1xi1> to vector<512x1xi1>
    %broadcast_in_dim3A_37 = vector.broadcast %broadcast_in_dim3A_36 : vector<512x1xi1> to vector<512x4xi1>
    %broadcast_in_dim3A_38 = vector.shape_cast %get3A_35 : vector<1x4xf32> to vector<1x4xf32>
    %broadcast_in_dim3A_39 = vector.broadcast %broadcast_in_dim3A_38 : vector<1x4xf32> to vector<512x4xf32>
    %select_n3A_40 = arith.select %broadcast_in_dim3A_37, %broadcast_in_dim3A_39, %select_n3A : vector<512x4xi1>, vector<512x4xf32>
    %eq3A_41 = arith.constant 2 : i32
    %eq3A_42 = vector.broadcast %eq3A_41 : i32 to vector<512x1xi32>
    %eq3A_43 = arith.cmpi eq, %get3A_17, %eq3A_42 : vector<512x1xi32>
    %get3A_44 = arith.constant 2 : index
    %get3A_45 = arith.constant 0 : index
    %get3A_46 = vector.load %arg4[%get3A_44, %get3A_45] : memref<8x4xf32, #tpu.memory_space<vmem>>, vector<1x4xf32>
    %broadcast_in_dim3A_47 = vector.shape_cast %eq3A_43 : vector<512x1xi1> to vector<512x1xi1>
    %broadcast_in_dim3A_48 = vector.broadcast %broadcast_in_dim3A_47 : vector<512x1xi1> to vector<512x4xi1>
    %broadcast_in_dim3A_49 = vector.shape_cast %get3A_46 : vector<1x4xf32> to vector<1x4xf32>
    %broadcast_in_dim3A_50 = vector.broadcast %broadcast_in_dim3A_49 : vector<1x4xf32> to vector<512x4xf32>
    %select_n3A_51 = arith.select %broadcast_in_dim3A_48, %broadcast_in_dim3A_50, %select_n3A_40 : vector<512x4xi1>, vector<512x4xf32>
    %eq3A_52 = arith.constant 3 : i32
    %eq3A_53 = vector.broadcast %eq3A_52 : i32 to vector<512x1xi32>
    %eq3A_54 = arith.cmpi eq, %get3A_17, %eq3A_53 : vector<512x1xi32>
    %get3A_55 = arith.constant 3 : index
    %get3A_56 = arith.constant 0 : index
    %get3A_57 = vector.load %arg4[%get3A_55, %get3A_56] : memref<8x4xf32, #tpu.memory_space<vmem>>, vector<1x4xf32>
    %broadcast_in_dim3A_58 = vector.shape_cast %eq3A_54 : vector<512x1xi1> to vector<512x1xi1>
    %broadcast_in_dim3A_59 = vector.broadcast %broadcast_in_dim3A_58 : vector<512x1xi1> to vector<512x4xi1>
    %broadcast_in_dim3A_60 = vector.shape_cast %get3A_57 : vector<1x4xf32> to vector<1x4xf32>
    %broadcast_in_dim3A_61 = vector.broadcast %broadcast_in_dim3A_60 : vector<1x4xf32> to vector<512x4xf32>
    %select_n3A_62 = arith.select %broadcast_in_dim3A_59, %broadcast_in_dim3A_61, %select_n3A_51 : vector<512x4xi1>, vector<512x4xf32>
    %eq3A_63 = arith.constant 4 : i32
    %eq3A_64 = vector.broadcast %eq3A_63 : i32 to vector<512x1xi32>
    %eq3A_65 = arith.cmpi eq, %get3A_17, %eq3A_64 : vector<512x1xi32>
    %get3A_66 = arith.constant 4 : index
    %get3A_67 = arith.constant 0 : index
    %get3A_68 = vector.load %arg4[%get3A_66, %get3A_67] : memref<8x4xf32, #tpu.memory_space<vmem>>, vector<1x4xf32>
    %broadcast_in_dim3A_69 = vector.shape_cast %eq3A_65 : vector<512x1xi1> to vector<512x1xi1>
    %broadcast_in_dim3A_70 = vector.broadcast %broadcast_in_dim3A_69 : vector<512x1xi1> to vector<512x4xi1>
    %broadcast_in_dim3A_71 = vector.shape_cast %get3A_68 : vector<1x4xf32> to vector<1x4xf32>
    %broadcast_in_dim3A_72 = vector.broadcast %broadcast_in_dim3A_71 : vector<1x4xf32> to vector<512x4xf32>
    %select_n3A_73 = arith.select %broadcast_in_dim3A_70, %broadcast_in_dim3A_72, %select_n3A_62 : vector<512x4xi1>, vector<512x4xf32>
    %eq3A_74 = arith.constant 5 : i32
    %eq3A_75 = vector.broadcast %eq3A_74 : i32 to vector<512x1xi32>
    %eq3A_76 = arith.cmpi eq, %get3A_17, %eq3A_75 : vector<512x1xi32>
    %get3A_77 = arith.constant 5 : index
    %get3A_78 = arith.constant 0 : index
    %get3A_79 = vector.load %arg4[%get3A_77, %get3A_78] : memref<8x4xf32, #tpu.memory_space<vmem>>, vector<1x4xf32>
    %broadcast_in_dim3A_80 = vector.shape_cast %eq3A_76 : vector<512x1xi1> to vector<512x1xi1>
    %broadcast_in_dim3A_81 = vector.broadcast %broadcast_in_dim3A_80 : vector<512x1xi1> to vector<512x4xi1>
    %broadcast_in_dim3A_82 = vector.shape_cast %get3A_79 : vector<1x4xf32> to vector<1x4xf32>
    %broadcast_in_dim3A_83 = vector.broadcast %broadcast_in_dim3A_82 : vector<1x4xf32> to vector<512x4xf32>
    %select_n3A_84 = arith.select %broadcast_in_dim3A_81, %broadcast_in_dim3A_83, %select_n3A_73 : vector<512x4xi1>, vector<512x4xf32>
    %eq3A_85 = arith.constant 6 : i32
    %eq3A_86 = vector.broadcast %eq3A_85 : i32 to vector<512x1xi32>
    %eq3A_87 = arith.cmpi eq, %get3A_17, %eq3A_86 : vector<512x1xi32>
    %get3A_88 = arith.constant 6 : index
    %get3A_89 = arith.constant 0 : index
    %get3A_90 = vector.load %arg4[%get3A_88, %get3A_89] : memref<8x4xf32, #tpu.memory_space<vmem>>, vector<1x4xf32>
    %broadcast_in_dim3A_91 = vector.shape_cast %eq3A_87 : vector<512x1xi1> to vector<512x1xi1>
    %broadcast_in_dim3A_92 = vector.broadcast %broadcast_in_dim3A_91 : vector<512x1xi1> to vector<512x4xi1>
    %broadcast_in_dim3A_93 = vector.shape_cast %get3A_90 : vector<1x4xf32> to vector<1x4xf32>
    %broadcast_in_dim3A_94 = vector.broadcast %broadcast_in_dim3A_93 : vector<1x4xf32> to vector<512x4xf32>
    %select_n3A_95 = arith.select %broadcast_in_dim3A_92, %broadcast_in_dim3A_94, %select_n3A_84 : vector<512x4xi1>, vector<512x4xf32>
    %eq3A_96 = arith.constant 7 : i32
    %eq3A_97 = vector.broadcast %eq3A_96 : i32 to vector<512x1xi32>
    %eq3A_98 = arith.cmpi eq, %get3A_17, %eq3A_97 : vector<512x1xi32>
    %get3A_99 = arith.constant 7 : index
    %get3A_100 = arith.constant 0 : index
    %get3A_101 = vector.load %arg4[%get3A_99, %get3A_100] : memref<8x4xf32, #tpu.memory_space<vmem>>, vector<1x4xf32>
    %broadcast_in_dim3A_102 = vector.shape_cast %eq3A_98 : vector<512x1xi1> to vector<512x1xi1>
    %broadcast_in_dim3A_103 = vector.broadcast %broadcast_in_dim3A_102 : vector<512x1xi1> to vector<512x4xi1>
    %broadcast_in_dim3A_104 = vector.shape_cast %get3A_101 : vector<1x4xf32> to vector<1x4xf32>
    %broadcast_in_dim3A_105 = vector.broadcast %broadcast_in_dim3A_104 : vector<1x4xf32> to vector<512x4xf32>
    %select_n3A_106 = arith.select %broadcast_in_dim3A_103, %broadcast_in_dim3A_105, %select_n3A_95 : vector<512x4xi1>, vector<512x4xf32>
    %get3A_107 = arith.constant 0 : index
    %get3A_108 = arith.constant 0 : index
    %get3A_109 = vector.load %arg5[%get3A_107, %get3A_108] : memref<260x256xf32, #tpu.memory_space<vmem>>, vector<256x256xf32>
    %dot_general3A_110 = arith.constant dense<0.000000e+00> : vector<512x256xf32>
    %dot_general3A_111 = tpu.matmul %add3A_11, %get3A_109, %dot_general3A_110 {dimension_numbers = #tpu.dot_dimension_numbers<[1], [0], [0], [1], [0, 0, 1, 1], [], []>, transpose_lhs_hint = false} : vector<512x256xf32>, vector<256x256xf32>, vector<512x256xf32> -> vector<512x256xf32>
    %get3A_112 = arith.constant 256 : index
    %get3A_113 = arith.constant 0 : index
    %get3A_114 = vector.load %arg5[%get3A_112, %get3A_113] : memref<260x256xf32, #tpu.memory_space<vmem>>, vector<4x256xf32>
    %dot_general3A_115 = arith.constant dense<0.000000e+00> : vector<512x256xf32>
    %dot_general3A_116 = tpu.matmul %select_n3A_106, %get3A_114, %dot_general3A_115 {dimension_numbers = #tpu.dot_dimension_numbers<[1], [0], [0], [1], [0, 0, 1, 1], [], []>, transpose_lhs_hint = false} : vector<512x4xf32>, vector<4x256xf32>, vector<512x256xf32> -> vector<512x256xf32>
    %add3A_117 = arith.addf %dot_general3A_111, %dot_general3A_116 : vector<512x256xf32>
    %get3A_118 = arith.constant 0 : index
    %get3A_119 = arith.constant 0 : index
    %get3A_120 = vector.load %arg6[%get3A_118, %get3A_119] : memref<1x256xf32, #tpu.memory_space<vmem>>, vector<1x256xf32>
    %add3A_121 = vector.broadcast %get3A_120 : vector<1x256xf32> to vector<512x256xf32>
    %add3A_122 = arith.addf %add3A_117, %add3A_121 : vector<512x256xf32>
    %max3A = arith.constant 0.000000e+00 : f32
    %max3A_123 = vector.broadcast %max3A : f32 to vector<512x256xf32>
    %max3A_124 = arith.maximumf %add3A_122, %max3A_123 : vector<512x256xf32>
    %get3A_125 = arith.constant 0 : index
    %get3A_126 = arith.constant 0 : index
    %get3A_127 = vector.load %arg7[%get3A_125, %get3A_126] : memref<256x9xf32, #tpu.memory_space<vmem>>, vector<256x9xf32>
    %dot_general3A_128 = arith.constant dense<0.000000e+00> : vector<512x9xf32>
    %dot_general3A_129 = tpu.matmul %max3A_124, %get3A_127, %dot_general3A_128 {dimension_numbers = #tpu.dot_dimension_numbers<[1], [0], [0], [1], [0, 0, 1, 1], [], []>, transpose_lhs_hint = false} : vector<512x256xf32>, vector<256x9xf32>, vector<512x9xf32> -> vector<512x9xf32>
    %get3A_130 = arith.constant 0 : index
    %get3A_131 = arith.constant 0 : index
    %get3A_132 = vector.load %arg8[%get3A_130, %get3A_131] : memref<1x9xf32, #tpu.memory_space<vmem>>, vector<1x9xf32>
    %add3A_133 = vector.broadcast %get3A_132 : vector<1x9xf32> to vector<512x9xf32>
    %add3A_134 = arith.addf %dot_general3A_129, %add3A_133 : vector<512x9xf32>
    %reduce_max3A = arith.constant dense<0xFF800000> : vector<512xf32>
    %reduce_max3A_135 = vector.multi_reduction <maximumf>, %add3A_134, %reduce_max3A [1] : vector<512x9xf32> to vector<512xf32>
    %broadcast_in_dim3A_136 = vector.shape_cast %reduce_max3A_135 : vector<512xf32> to vector<512x1xf32>
    %eq3A_137 = vector.broadcast %broadcast_in_dim3A_136 : vector<512x1xf32> to vector<512x9xf32>
    %eq3A_138 = arith.cmpf oeq, %add3A_134, %eq3A_137 : vector<512x9xf32>
    %iota3A = tpu.iota {dimensions = array<i32: 1>} : vector<512x9xi32>
    %jit3A = arith.constant 9 : i32
    %broadcast_in_dim3A_139 = vector.broadcast %jit3A : i32 to vector<512x9xi32>
    %select_n3A_140 = arith.select %eq3A_138, %iota3A, %broadcast_in_dim3A_139 : vector<512x9xi1>, vector<512x9xi32>
    %reduce_min3A = arith.constant dense<2147483647> : vector<512xi32>
    %reduce_min3A_141 = vector.multi_reduction <minsi>, %select_n3A_140, %reduce_min3A [1] : vector<512x9xi32> to vector<512xi32>
    %broadcast_in_dim3A_142 = vector.shape_cast %reduce_min3A_141 : vector<512xi32> to vector<512x1xi32>
    %jit3A_143 = arith.constant 8 : i32
    %broadcast_in_dim3A_144 = vector.broadcast %jit3A_143 : i32 to vector<512x1xi32>
    %select_n3A_145 = arith.select %broadcast_in_dim3A_14, %broadcast_in_dim3A_144, %broadcast_in_dim3A_142 : vector<512x1xi1>, vector<512x1xi32>
    %iota3A_146 = tpu.iota {dimensions = array<i32: 1>} : vector<512x128xi32>
    %eq3A_147 = vector.broadcast %select_n3A_145 : vector<512x1xi32> to vector<512x128xi32>
    %eq3A_148 = arith.cmpi eq, %eq3A_147, %iota3A_146 : vector<512x128xi32>
    %convert_element_type3A_149 = arith.extui %eq3A_148 : vector<512x128xi1> to vector<512x128xi32>
    %convert_element_type3A_150 = arith.sitofp %convert_element_type3A_149 : vector<512x128xi32> to vector<512x128xf32>
    %get3A_151 = arith.constant 0 : index
    %get3A_152 = arith.constant 0 : index
    %get3A_153 = vector.load %arg10[%get3A_151, %get3A_152] : memref<512x512xf32, #tpu.memory_space<vmem>>, vector<512x512xf32>
    %dot_general3A_154 = arith.constant dense<0.000000e+00> : vector<512x128xf32>
    %dot_general3A_155 = tpu.matmul %get3A_153, %convert_element_type3A_150, %dot_general3A_154 {dimension_numbers = #tpu.dot_dimension_numbers<[1], [0], [0], [1], [0, 0, 1, 1], [], []>, transpose_lhs_hint = false} : vector<512x512xf32>, vector<512x128xf32>, vector<512x128xf32> -> vector<512x128xf32>
    %reduce_sum3A = arith.constant dense<0.000000e+00> : vector<128xf32>
    %reduce_sum3A_156 = vector.multi_reduction <add>, %convert_element_type3A_150, %reduce_sum3A [0] : vector<512x128xf32> to vector<128xf32>
    %broadcast_in_dim3A_157 = vector.shape_cast %reduce_sum3A_156 : vector<128xf32> to vector<1x128xf32>
    %swap3A_158 = arith.constant 0 : index
    %swap3A_159 = arith.constant 0 : index
    %swap3A_160 = vector.load %arg13[%swap3A_158, %swap3A_159] : memref<512x1xi32, #tpu.memory_space<vmem>>, vector<512x1xi32>
    tpu.vector_store %arg13[%swap3A_158, %swap3A_159], %select_n3A_145 {strides = array<i32>} : memref<512x1xi32, #tpu.memory_space<vmem>>, vector<512x1xi32>,
    %get3A_161 = arith.constant 0 : index
    %get3A_162 = arith.constant 0 : index
    %get3A_163 = vector.load %arg17[%get3A_161, %get3A_162] : memref<8x128xf32, #tpu.memory_space<vmem>>, vector<1x128xf32>
    %add3A_164 = vector.broadcast %get3A_163 : vector<1x128xf32> to vector<512x128xf32>
    %add3A_165 = arith.addf %add3A_164, %dot_general3A_155 : vector<512x128xf32>
    %mul3A = arith.mulf %convert_element_type3A_150, %add3A_165 : vector<512x128xf32>
    %reduce_sum3A_166 = arith.constant dense<0.000000e+00> : vector<512xf32>
    %reduce_sum3A_167 = vector.multi_reduction <add>, %mul3A, %reduce_sum3A_166 [1] : vector<512x128xf32> to vector<512xf32>
    %broadcast_in_dim3A_168 = vector.shape_cast %reduce_sum3A_167 : vector<512xf32> to vector<512x1xf32>
    %sub3A = arith.constant 1.000000e+00 : f32
    %sub3A_169 = vector.broadcast %sub3A : f32 to vector<512x1xf32>
    %sub3A_170 = arith.subf %broadcast_in_dim3A_168, %sub3A_169 : vector<512x1xf32>
    %convert_element_type3A_171 = arith.fptosi %sub3A_170 : vector<512x1xf32> to vector<512x1xi32>
    %swap3A_172 = arith.constant 0 : index
    %swap3A_173 = arith.constant 0 : index
    %swap3A_174 = vector.load %arg14[%swap3A_172, %swap3A_173] : memref<512x1xi32, #tpu.memory_space<vmem>>, vector<512x1xi32>
    tpu.vector_store %arg14[%swap3A_172, %swap3A_173], %convert_element_type3A_171 {strides = array<i32>} : memref<512x1xi32, #tpu.memory_space<vmem>>, vector<512x1xi32>,
    %add3A_175 = arith.addf %get3A_163, %broadcast_in_dim3A_157 : vector<1x128xf32>
    %swap3A_176 = arith.constant 0 : index
    %swap3A_177 = arith.constant 0 : index
    %swap3A_178 = vector.load %arg17[%swap3A_176, %swap3A_177] : memref<8x128xf32, #tpu.memory_space<vmem>>, vector<1x128xf32>
    tpu.vector_store %arg17[%swap3A_176, %swap3A_177], %add3A_175 {strides = array<i32>} : memref<8x128xf32, #tpu.memory_space<vmem>>, vector<1x128xf32>,
    %eq3A_179 = arith.constant 15 : i32
    %eq3A_180 = arith.cmpi eq, %arg0, %eq3A_179 : i32
    %convert_element_type3A_181 = arith.extui %eq3A_180 : i1 to i32
    %cond3A_182 = arith.constant 0 : i32
    %cond3A_183 = arith.cmpi ne, %convert_element_type3A_181, %cond3A_182 : i32
    scf.if %cond3A_183 {
      %add3A_184 = arith.addf %get3A_163, %broadcast_in_dim3A_157 : vector<1x128xf32>
      %add3A_185 = arith.constant 5.110000e+02 : f32
      %add3A_186 = vector.broadcast %add3A_185 : f32 to vector<1x128xf32>
      %add3A_187 = arith.addf %add3A_184, %add3A_186 : vector<1x128xf32>
      %mul3A_188 = arith.constant 0.001953125 : f32
      %mul3A_189 = vector.broadcast %mul3A_188 : f32 to vector<1x128xf32>
      %mul3A_190 = arith.mulf %add3A_187, %mul3A_189 : vector<1x128xf32>
      %floor3A = math.floor %mul3A_190 : vector<1x128xf32>
      %get3A_191 = arith.constant 0 : index
      %get3A_192 = arith.constant 0 : index
      %get3A_193 = vector.load %arg11[%get3A_191, %get3A_192] : memref<128x128xf32, #tpu.memory_space<vmem>>, vector<128x128xf32>
      %dot_general3A_194 = arith.constant dense<0.000000e+00> : vector<1x128xf32>
      %dot_general3A_195 = tpu.matmul %floor3A, %get3A_193, %dot_general3A_194 {dimension_numbers = #tpu.dot_dimension_numbers<[1], [0], [0], [1], [0, 0, 1, 1], [], []>, transpose_lhs_hint = false} : vector<1x128xf32>, vector<128x128xf32>, vector<1x128xf32> -> vector<1x128xf32>
      %sub3A_196 = arith.subf %dot_general3A_195, %floor3A : vector<1x128xf32>
      %mul3A_197 = arith.constant 5.120000e+02 : f32
      %mul3A_198 = vector.broadcast %mul3A_197 : f32 to vector<1x128xf32>
      %mul3A_199 = arith.mulf %sub3A_196, %mul3A_198 : vector<1x128xf32>
      %iota3A_200 = tpu.iota {dimensions = array<i32: 1>} : vector<1x128xi32>
      %lt3A = arith.constant 8 : i32
      %lt3A_201 = vector.broadcast %lt3A : i32 to vector<1x128xi32>
      %lt3A_202 = arith.cmpi slt, %iota3A_200, %lt3A_201 : vector<1x128xi32>
      %jit3A_203 = arith.constant 1.228800e+04 : f32
      %broadcast_in_dim3A_204 = vector.broadcast %jit3A_203 : f32 to vector<1x128xf32>
      %select_n3A_205 = arith.select %lt3A_202, %mul3A_199, %broadcast_in_dim3A_204 : vector<1x128xi1>, vector<1x128xf32>
      %convert_element_type3A_206 = arith.fptosi %select_n3A_205 : vector<1x128xf32> to vector<1x128xi32>
      %swap3A_207 = arith.constant 0 : index
      %swap3A_208 = arith.constant 0 : index
      %swap3A_209 = vector.load %arg15[%swap3A_207, %swap3A_208] : memref<1x128xi32, #tpu.memory_space<vmem>>, vector<1x128xi32>
      tpu.vector_store %arg15[%swap3A_207, %swap3A_208], %convert_element_type3A_206 {strides = array<i32>} : memref<1x128xi32, #tpu.memory_space<vmem>>, vector<1x128xi32>,
      %convert_element_type3A_210 = arith.fptosi %dot_general3A_195 : vector<1x128xf32> to vector<1x128xi32>
      %swap3A_211 = arith.constant 0 : index
      %swap3A_212 = arith.constant 0 : index
      %swap3A_213 = vector.load %arg16[%swap3A_211, %swap3A_212] : memref<1x128xi32, #tpu.memory_space<vmem>>, vector<1x128xi32>
      tpu.vector_store %arg16[%swap3A_211, %swap3A_212], %convert_element_type3A_210 {strides = array<i32>} : memref<1x128xi32, #tpu.memory_space<vmem>>, vector<1x128xi32>,
    } else {
    }
    return
  }
  func.func @transform_0(%arg0: i32) -> (i32, i32) {
    %c0_i32 = arith.constant 0 : i32
    %c0_i32_0 = arith.constant 0 : i32
    return %arg0, %c0_i32 : i32, i32
  }
  func.func @transform_1(%arg0: i32) -> (i32, i32) {
    %c0_i32 = arith.constant 0 : i32
    %c0_i32_0 = arith.constant 0 : i32
    %c0_i32_1 = arith.constant 0 : i32
    return %c0_i32, %c0_i32_0 : i32, i32
  }
  func.func @transform_2(%arg0: i32) -> (i32, i32) {
    %c0_i32 = arith.constant 0 : i32
    %c0_i32_0 = arith.constant 0 : i32
    %c0_i32_1 = arith.constant 0 : i32
    return %c0_i32, %c0_i32_0 : i32, i32
  }
  func.func @transform_3(%arg0: i32) -> (i32, i32) {
    %c0_i32 = arith.constant 0 : i32
    %c0_i32_0 = arith.constant 0 : i32
    %c0_i32_1 = arith.constant 0 : i32
    return %c0_i32, %c0_i32_0 : i32, i32
  }
  func.func @transform_4(%arg0: i32) -> (i32, i32) {
    %c0_i32 = arith.constant 0 : i32
    %c0_i32_0 = arith.constant 0 : i32
    %c0_i32_1 = arith.constant 0 : i32
    return %c0_i32, %c0_i32_0 : i32, i32
  }
  func.func @transform_5(%arg0: i32) -> (i32, i32) {
    %c0_i32 = arith.constant 0 : i32
    %c0_i32_0 = arith.constant 0 : i32
    %c0_i32_1 = arith.constant 0 : i32
    return %c0_i32, %c0_i32_0 : i32, i32
  }
  func.func @transform_6(%arg0: i32) -> (i32, i32) {
    %c0_i32 = arith.constant 0 : i32
    %c0_i32_0 = arith.constant 0 : i32
    %c0_i32_1 = arith.constant 0 : i32
    return %c0_i32, %c0_i32_0 : i32, i32
  }
  func.func @transform_7(%arg0: i32) -> (i32, i32) {
    %c0_i32 = arith.constant 0 : i32
    %c0_i32_0 = arith.constant 0 : i32
    %c0_i32_1 = arith.constant 0 : i32
    return %c0_i32, %c0_i32_0 : i32, i32
  }
  func.func @transform_8(%arg0: i32) -> (i32, i32) {
    %c0_i32 = arith.constant 0 : i32
    %c0_i32_0 = arith.constant 0 : i32
    return %arg0, %c0_i32 : i32, i32
  }
  func.func @transform_9(%arg0: i32) -> (i32, i32) {
    %c0_i32 = arith.constant 0 : i32
    %c0_i32_0 = arith.constant 0 : i32
    %c0_i32_1 = arith.constant 0 : i32
    return %c0_i32, %c0_i32_0 : i32, i32
  }
  func.func @transform_10(%arg0: i32) -> (i32, i32) {
    %c0_i32 = arith.constant 0 : i32
    %c0_i32_0 = arith.constant 0 : i32
    %c0_i32_1 = arith.constant 0 : i32
    return %c0_i32, %c0_i32_0 : i32, i32
  }
  func.func @transform_11(%arg0: i32) -> (i32, i32) {
    %c0_i32 = arith.constant 0 : i32
    %c0_i32_0 = arith.constant 0 : i32
    return %arg0, %c0_i32 : i32, i32
  }
  func.func @transform_12(%arg0: i32) -> (i32, i32) {
    %c0_i32 = arith.constant 0 : i32
    %c0_i32_0 = arith.constant 0 : i32
    return %arg0, %c0_i32 : i32, i32
  }
  func.func @transform_13(%arg0: i32) -> (i32, i32) {
    %c0_i32 = arith.constant 0 : i32
    %c0_i32_0 = arith.constant 0 : i32
    return %arg0, %c0_i32 : i32, i32
  }
  func.func @transform_14(%arg0: i32) -> (i32, i32) {
    %c0_i32 = arith.constant 0 : i32
    %c0_i32_0 = arith.constant 0 : i32
    %c0_i32_1 = arith.constant 0 : i32
    return %c0_i32, %c0_i32_0 : i32, i32
  }
  func.func @transform_15(%arg0: i32) -> (i32, i32) {
    %c0_i32 = arith.constant 0 : i32
    %c0_i32_0 = arith.constant 0 : i32
    %c0_i32_1 = arith.constant 0 : i32
    return %c0_i32, %c0_i32_0 : i32, i32
  }
}

module attributes {stable_mosaic.version = 14 : i64} {
  func.func @_k3_body(%arg0: i32, %arg1: memref<512x256xf32, #tpu.memory_space<vmem>>, %arg2: memref<512x1xi32, #tpu.memory_space<vmem>>, %arg3: memref<8x4xf32, #tpu.memory_space<vmem>>, %arg4: memref<260x256xf32, #tpu.memory_space<vmem>>, %arg5: memref<1x256xf32, #tpu.memory_space<vmem>>, %arg6: memref<256x9xf32, #tpu.memory_space<vmem>>, %arg7: memref<1x9xf32, #tpu.memory_space<vmem>>, %arg8: memref<512x512xf32, #tpu.memory_space<vmem>>, %arg9: memref<128x128xf32, #tpu.memory_space<vmem>>, %arg10: memref<512x1xi32, #tpu.memory_space<vmem>>, %arg11: memref<512x1xi32, #tpu.memory_space<vmem>>, %arg12: memref<1x128xi32, #tpu.memory_space<vmem>>, %arg13: memref<1x128xi32, #tpu.memory_space<vmem>>, %arg14: memref<8x128xf32, #tpu.memory_space<vmem>>) attributes {dimension_semantics = [#tpu.dimension_semantics<arbitrary>], iteration_bounds = array<i64: 16>, scalar_prefetch = 0 : i64, scratch_operands = 1 : i64, tpu.core_type = #tpu.core_type<tc>, window_params = [{transform_indices = @transform_0, window_bounds = array<i64: 512, 256>}, {transform_indices = @transform_1, window_bounds = array<i64: 512, 1>}, {pipeline_mode = #tpu.pipeline_mode<synchronous>, transform_indices = @transform_2, window_bounds = array<i64: 8, 4>}, {pipeline_mode = #tpu.pipeline_mode<synchronous>, transform_indices = @transform_3, window_bounds = array<i64: 260, 256>}, {pipeline_mode = #tpu.pipeline_mode<synchronous>, transform_indices = @transform_4, window_bounds = array<i64: 1, 256>}, {pipeline_mode = #tpu.pipeline_mode<synchronous>, transform_indices = @transform_5, window_bounds = array<i64: 256, 9>}, {pipeline_mode = #tpu.pipeline_mode<synchronous>, transform_indices = @transform_6, window_bounds = array<i64: 1, 9>}, {pipeline_mode = #tpu.pipeline_mode<synchronous>, transform_indices = @transform_7, window_bounds = array<i64: 512, 512>}, {pipeline_mode = #tpu.pipeline_mode<synchronous>, transform_indices = @transform_8, window_bounds = array<i64: 128, 128>}, {transform_indices = @transform_9, window_bounds = array<i64: 512, 1>}, {transform_indices = @transform_10, window_bounds = array<i64: 512, 1>}, {pipeline_mode = #tpu.pipeline_mode<synchronous>, transform_indices = @transform_11, window_bounds = array<i64: 1, 128>}, {pipeline_mode = #tpu.pipeline_mode<synchronous>, transform_indices = @transform_12, window_bounds = array<i64: 1, 128>}]} {
    %eq3A = arith.constant 0 : i32
    %eq3A_0 = arith.cmpi eq, %arg0, %eq3A : i32
    %convert_element_type3A = arith.extui %eq3A_0 : i1 to i32
    %cond3A = arith.constant 0 : i32
    %cond3A_1 = arith.cmpi ne, %convert_element_type3A, %cond3A : i32
    scf.if %cond3A_1 {
      %broadcast_in_dim3A_172 = arith.constant 0.000000e+00 : f32
      %broadcast_in_dim3A_173 = vector.broadcast %broadcast_in_dim3A_172 : f32 to vector<8x128xf32>
      %swap3A_174 = arith.constant 0 : index
      %swap3A_175 = arith.constant 0 : index
      %swap3A_176 = vector.load %arg14[%swap3A_174, %swap3A_175] : memref<8x128xf32, #tpu.memory_space<vmem>>, vector<8x128xf32>
      tpu.vector_store %arg14[%swap3A_174, %swap3A_175], %broadcast_in_dim3A_173 {strides = array<i32>} : memref<8x128xf32, #tpu.memory_space<vmem>>, vector<8x128xf32>,
    } else {
    }
    %get3A = arith.constant 0 : index
    %get3A_2 = arith.constant 0 : index
    %get3A_3 = vector.load %arg2[%get3A, %get3A_2] : memref<512x1xi32, #tpu.memory_space<vmem>>, vector<512x1xi32>
    %eq3A_4 = arith.constant 8 : i32
    %eq3A_5 = vector.broadcast %eq3A_4 : i32 to vector<512x1xi32>
    %eq3A_6 = arith.cmpi eq, %get3A_3, %eq3A_5 : vector<512x1xi32>
    %get3A_7 = arith.constant 0 : index
    %get3A_8 = arith.constant 0 : index
    %get3A_9 = vector.load %arg1[%get3A_7, %get3A_8] : memref<512x256xf32, #tpu.memory_space<vmem>>, vector<512x256xf32>
    %broadcast_in_dim3A = arith.constant 0.000000e+00 : f32
    %broadcast_in_dim3A_10 = vector.broadcast %broadcast_in_dim3A : f32 to vector<512x4xf32>
    %eq3A_11 = arith.constant 0 : i32
    %eq3A_12 = vector.broadcast %eq3A_11 : i32 to vector<512x1xi32>
    %eq3A_13 = arith.cmpi eq, %get3A_3, %eq3A_12 : vector<512x1xi32>
    %get3A_14 = arith.constant 0 : index
    %get3A_15 = arith.constant 0 : index
    %get3A_16 = vector.load %arg3[%get3A_14, %get3A_15] : memref<8x4xf32, #tpu.memory_space<vmem>>, vector<1x4xf32>
    %broadcast_in_dim3A_17 = vector.shape_cast %eq3A_13 : vector<512x1xi1> to vector<512x1xi1>
    %broadcast_in_dim3A_18 = vector.broadcast %broadcast_in_dim3A_17 : vector<512x1xi1> to vector<512x4xi1>
    %broadcast_in_dim3A_19 = vector.shape_cast %get3A_16 : vector<1x4xf32> to vector<1x4xf32>
    %broadcast_in_dim3A_20 = vector.broadcast %broadcast_in_dim3A_19 : vector<1x4xf32> to vector<512x4xf32>
    %select_n3A = arith.select %broadcast_in_dim3A_18, %broadcast_in_dim3A_20, %broadcast_in_dim3A_10 : vector<512x4xi1>, vector<512x4xf32>
    %eq3A_21 = arith.constant 1 : i32
    %eq3A_22 = vector.broadcast %eq3A_21 : i32 to vector<512x1xi32>
    %eq3A_23 = arith.cmpi eq, %get3A_3, %eq3A_22 : vector<512x1xi32>
    %get3A_24 = arith.constant 1 : index
    %get3A_25 = arith.constant 0 : index
    %get3A_26 = vector.load %arg3[%get3A_24, %get3A_25] : memref<8x4xf32, #tpu.memory_space<vmem>>, vector<1x4xf32>
    %broadcast_in_dim3A_27 = vector.shape_cast %eq3A_23 : vector<512x1xi1> to vector<512x1xi1>
    %broadcast_in_dim3A_28 = vector.broadcast %broadcast_in_dim3A_27 : vector<512x1xi1> to vector<512x4xi1>
    %broadcast_in_dim3A_29 = vector.shape_cast %get3A_26 : vector<1x4xf32> to vector<1x4xf32>
    %broadcast_in_dim3A_30 = vector.broadcast %broadcast_in_dim3A_29 : vector<1x4xf32> to vector<512x4xf32>
    %select_n3A_31 = arith.select %broadcast_in_dim3A_28, %broadcast_in_dim3A_30, %select_n3A : vector<512x4xi1>, vector<512x4xf32>
    %eq3A_32 = arith.constant 2 : i32
    %eq3A_33 = vector.broadcast %eq3A_32 : i32 to vector<512x1xi32>
    %eq3A_34 = arith.cmpi eq, %get3A_3, %eq3A_33 : vector<512x1xi32>
    %get3A_35 = arith.constant 2 : index
    %get3A_36 = arith.constant 0 : index
    %get3A_37 = vector.load %arg3[%get3A_35, %get3A_36] : memref<8x4xf32, #tpu.memory_space<vmem>>, vector<1x4xf32>
    %broadcast_in_dim3A_38 = vector.shape_cast %eq3A_34 : vector<512x1xi1> to vector<512x1xi1>
    %broadcast_in_dim3A_39 = vector.broadcast %broadcast_in_dim3A_38 : vector<512x1xi1> to vector<512x4xi1>
    %broadcast_in_dim3A_40 = vector.shape_cast %get3A_37 : vector<1x4xf32> to vector<1x4xf32>
    %broadcast_in_dim3A_41 = vector.broadcast %broadcast_in_dim3A_40 : vector<1x4xf32> to vector<512x4xf32>
    %select_n3A_42 = arith.select %broadcast_in_dim3A_39, %broadcast_in_dim3A_41, %select_n3A_31 : vector<512x4xi1>, vector<512x4xf32>
    %eq3A_43 = arith.constant 3 : i32
    %eq3A_44 = vector.broadcast %eq3A_43 : i32 to vector<512x1xi32>
    %eq3A_45 = arith.cmpi eq, %get3A_3, %eq3A_44 : vector<512x1xi32>
    %get3A_46 = arith.constant 3 : index
    %get3A_47 = arith.constant 0 : index
    %get3A_48 = vector.load %arg3[%get3A_46, %get3A_47] : memref<8x4xf32, #tpu.memory_space<vmem>>, vector<1x4xf32>
    %broadcast_in_dim3A_49 = vector.shape_cast %eq3A_45 : vector<512x1xi1> to vector<512x1xi1>
    %broadcast_in_dim3A_50 = vector.broadcast %broadcast_in_dim3A_49 : vector<512x1xi1> to vector<512x4xi1>
    %broadcast_in_dim3A_51 = vector.shape_cast %get3A_48 : vector<1x4xf32> to vector<1x4xf32>
    %broadcast_in_dim3A_52 = vector.broadcast %broadcast_in_dim3A_51 : vector<1x4xf32> to vector<512x4xf32>
    %select_n3A_53 = arith.select %broadcast_in_dim3A_50, %broadcast_in_dim3A_52, %select_n3A_42 : vector<512x4xi1>, vector<512x4xf32>
    %eq3A_54 = arith.constant 4 : i32
    %eq3A_55 = vector.broadcast %eq3A_54 : i32 to vector<512x1xi32>
    %eq3A_56 = arith.cmpi eq, %get3A_3, %eq3A_55 : vector<512x1xi32>
    %get3A_57 = arith.constant 4 : index
    %get3A_58 = arith.constant 0 : index
    %get3A_59 = vector.load %arg3[%get3A_57, %get3A_58] : memref<8x4xf32, #tpu.memory_space<vmem>>, vector<1x4xf32>
    %broadcast_in_dim3A_60 = vector.shape_cast %eq3A_56 : vector<512x1xi1> to vector<512x1xi1>
    %broadcast_in_dim3A_61 = vector.broadcast %broadcast_in_dim3A_60 : vector<512x1xi1> to vector<512x4xi1>
    %broadcast_in_dim3A_62 = vector.shape_cast %get3A_59 : vector<1x4xf32> to vector<1x4xf32>
    %broadcast_in_dim3A_63 = vector.broadcast %broadcast_in_dim3A_62 : vector<1x4xf32> to vector<512x4xf32>
    %select_n3A_64 = arith.select %broadcast_in_dim3A_61, %broadcast_in_dim3A_63, %select_n3A_53 : vector<512x4xi1>, vector<512x4xf32>
    %eq3A_65 = arith.constant 5 : i32
    %eq3A_66 = vector.broadcast %eq3A_65 : i32 to vector<512x1xi32>
    %eq3A_67 = arith.cmpi eq, %get3A_3, %eq3A_66 : vector<512x1xi32>
    %get3A_68 = arith.constant 5 : index
    %get3A_69 = arith.constant 0 : index
    %get3A_70 = vector.load %arg3[%get3A_68, %get3A_69] : memref<8x4xf32, #tpu.memory_space<vmem>>, vector<1x4xf32>
    %broadcast_in_dim3A_71 = vector.shape_cast %eq3A_67 : vector<512x1xi1> to vector<512x1xi1>
    %broadcast_in_dim3A_72 = vector.broadcast %broadcast_in_dim3A_71 : vector<512x1xi1> to vector<512x4xi1>
    %broadcast_in_dim3A_73 = vector.shape_cast %get3A_70 : vector<1x4xf32> to vector<1x4xf32>
    %broadcast_in_dim3A_74 = vector.broadcast %broadcast_in_dim3A_73 : vector<1x4xf32> to vector<512x4xf32>
    %select_n3A_75 = arith.select %broadcast_in_dim3A_72, %broadcast_in_dim3A_74, %select_n3A_64 : vector<512x4xi1>, vector<512x4xf32>
    %eq3A_76 = arith.constant 6 : i32
    %eq3A_77 = vector.broadcast %eq3A_76 : i32 to vector<512x1xi32>
    %eq3A_78 = arith.cmpi eq, %get3A_3, %eq3A_77 : vector<512x1xi32>
    %get3A_79 = arith.constant 6 : index
    %get3A_80 = arith.constant 0 : index
    %get3A_81 = vector.load %arg3[%get3A_79, %get3A_80] : memref<8x4xf32, #tpu.memory_space<vmem>>, vector<1x4xf32>
    %broadcast_in_dim3A_82 = vector.shape_cast %eq3A_78 : vector<512x1xi1> to vector<512x1xi1>
    %broadcast_in_dim3A_83 = vector.broadcast %broadcast_in_dim3A_82 : vector<512x1xi1> to vector<512x4xi1>
    %broadcast_in_dim3A_84 = vector.shape_cast %get3A_81 : vector<1x4xf32> to vector<1x4xf32>
    %broadcast_in_dim3A_85 = vector.broadcast %broadcast_in_dim3A_84 : vector<1x4xf32> to vector<512x4xf32>
    %select_n3A_86 = arith.select %broadcast_in_dim3A_83, %broadcast_in_dim3A_85, %select_n3A_75 : vector<512x4xi1>, vector<512x4xf32>
    %eq3A_87 = arith.constant 7 : i32
    %eq3A_88 = vector.broadcast %eq3A_87 : i32 to vector<512x1xi32>
    %eq3A_89 = arith.cmpi eq, %get3A_3, %eq3A_88 : vector<512x1xi32>
    %get3A_90 = arith.constant 7 : index
    %get3A_91 = arith.constant 0 : index
    %get3A_92 = vector.load %arg3[%get3A_90, %get3A_91] : memref<8x4xf32, #tpu.memory_space<vmem>>, vector<1x4xf32>
    %broadcast_in_dim3A_93 = vector.shape_cast %eq3A_89 : vector<512x1xi1> to vector<512x1xi1>
    %broadcast_in_dim3A_94 = vector.broadcast %broadcast_in_dim3A_93 : vector<512x1xi1> to vector<512x4xi1>
    %broadcast_in_dim3A_95 = vector.shape_cast %get3A_92 : vector<1x4xf32> to vector<1x4xf32>
    %broadcast_in_dim3A_96 = vector.broadcast %broadcast_in_dim3A_95 : vector<1x4xf32> to vector<512x4xf32>
    %select_n3A_97 = arith.select %broadcast_in_dim3A_94, %broadcast_in_dim3A_96, %select_n3A_86 : vector<512x4xi1>, vector<512x4xf32>
    %get3A_98 = arith.constant 0 : index
    %get3A_99 = arith.constant 0 : index
    %get3A_100 = vector.load %arg4[%get3A_98, %get3A_99] : memref<260x256xf32, #tpu.memory_space<vmem>>, vector<256x256xf32>
    %dot_general3A = arith.constant dense<0.000000e+00> : vector<512x256xf32>
    %dot_general3A_101 = tpu.matmul %get3A_9, %get3A_100, %dot_general3A {dimension_numbers = #tpu.dot_dimension_numbers<[1], [0], [0], [1], [0, 0, 1, 1], [], []>, transpose_lhs_hint = false} : vector<512x256xf32>, vector<256x256xf32>, vector<512x256xf32> -> vector<512x256xf32>
    %get3A_102 = arith.constant 256 : index
    %get3A_103 = arith.constant 0 : index
    %get3A_104 = vector.load %arg4[%get3A_102, %get3A_103] : memref<260x256xf32, #tpu.memory_space<vmem>>, vector<4x256xf32>
    %dot_general3A_105 = arith.constant dense<0.000000e+00> : vector<512x256xf32>
    %dot_general3A_106 = tpu.matmul %select_n3A_97, %get3A_104, %dot_general3A_105 {dimension_numbers = #tpu.dot_dimension_numbers<[1], [0], [0], [1], [0, 0, 1, 1], [], []>, transpose_lhs_hint = false} : vector<512x4xf32>, vector<4x256xf32>, vector<512x256xf32> -> vector<512x256xf32>
    %add3A = arith.addf %dot_general3A_101, %dot_general3A_106 : vector<512x256xf32>
    %get3A_107 = arith.constant 0 : index
    %get3A_108 = arith.constant 0 : index
    %get3A_109 = vector.load %arg5[%get3A_107, %get3A_108] : memref<1x256xf32, #tpu.memory_space<vmem>>, vector<1x256xf32>
    %add3A_110 = vector.broadcast %get3A_109 : vector<1x256xf32> to vector<512x256xf32>
    %add3A_111 = arith.addf %add3A, %add3A_110 : vector<512x256xf32>
    %max3A = arith.constant 0.000000e+00 : f32
    %max3A_112 = vector.broadcast %max3A : f32 to vector<512x256xf32>
    %max3A_113 = arith.maximumf %add3A_111, %max3A_112 : vector<512x256xf32>
    %get3A_114 = arith.constant 0 : index
    %get3A_115 = arith.constant 0 : index
    %get3A_116 = vector.load %arg6[%get3A_114, %get3A_115] : memref<256x9xf32, #tpu.memory_space<vmem>>, vector<256x9xf32>
    %dot_general3A_117 = arith.constant dense<0.000000e+00> : vector<512x9xf32>
    %dot_general3A_118 = tpu.matmul %max3A_113, %get3A_116, %dot_general3A_117 {dimension_numbers = #tpu.dot_dimension_numbers<[1], [0], [0], [1], [0, 0, 1, 1], [], []>, transpose_lhs_hint = false} : vector<512x256xf32>, vector<256x9xf32>, vector<512x9xf32> -> vector<512x9xf32>
    %get3A_119 = arith.constant 0 : index
    %get3A_120 = arith.constant 0 : index
    %get3A_121 = vector.load %arg7[%get3A_119, %get3A_120] : memref<1x9xf32, #tpu.memory_space<vmem>>, vector<1x9xf32>
    %add3A_122 = vector.broadcast %get3A_121 : vector<1x9xf32> to vector<512x9xf32>
    %add3A_123 = arith.addf %dot_general3A_118, %add3A_122 : vector<512x9xf32>
    %reduce_max3A = arith.constant dense<0xFF800000> : vector<512xf32>
    %reduce_max3A_124 = vector.multi_reduction <maximumf>, %add3A_123, %reduce_max3A [1] : vector<512x9xf32> to vector<512xf32>
    %broadcast_in_dim3A_125 = vector.shape_cast %reduce_max3A_124 : vector<512xf32> to vector<512x1xf32>
    %eq3A_126 = vector.broadcast %broadcast_in_dim3A_125 : vector<512x1xf32> to vector<512x9xf32>
    %eq3A_127 = arith.cmpf oeq, %add3A_123, %eq3A_126 : vector<512x9xf32>
    %iota3A = tpu.iota {dimensions = array<i32: 1>} : vector<512x9xi32>
    %jit3A = arith.constant 9 : i32
    %broadcast_in_dim3A_128 = vector.broadcast %jit3A : i32 to vector<512x9xi32>
    %select_n3A_129 = arith.select %eq3A_127, %iota3A, %broadcast_in_dim3A_128 : vector<512x9xi1>, vector<512x9xi32>
    %reduce_min3A = arith.constant dense<2147483647> : vector<512xi32>
    %reduce_min3A_130 = vector.multi_reduction <minsi>, %select_n3A_129, %reduce_min3A [1] : vector<512x9xi32> to vector<512xi32>
    %broadcast_in_dim3A_131 = vector.shape_cast %reduce_min3A_130 : vector<512xi32> to vector<512x1xi32>
    %jit3A_132 = arith.constant 8 : i32
    %broadcast_in_dim3A_133 = vector.broadcast %jit3A_132 : i32 to vector<512x1xi32>
    %select_n3A_134 = arith.select %eq3A_6, %broadcast_in_dim3A_133, %broadcast_in_dim3A_131 : vector<512x1xi1>, vector<512x1xi32>
    %iota3A_135 = tpu.iota {dimensions = array<i32: 1>} : vector<512x128xi32>
    %eq3A_136 = vector.broadcast %select_n3A_134 : vector<512x1xi32> to vector<512x128xi32>
    %eq3A_137 = arith.cmpi eq, %eq3A_136, %iota3A_135 : vector<512x128xi32>
    %convert_element_type3A_138 = arith.extui %eq3A_137 : vector<512x128xi1> to vector<512x128xi32>
    %convert_element_type3A_139 = arith.sitofp %convert_element_type3A_138 : vector<512x128xi32> to vector<512x128xf32>
    %get3A_140 = arith.constant 0 : index
    %get3A_141 = arith.constant 0 : index
    %get3A_142 = vector.load %arg8[%get3A_140, %get3A_141] : memref<512x512xf32, #tpu.memory_space<vmem>>, vector<512x512xf32>
    %dot_general3A_143 = arith.constant dense<0.000000e+00> : vector<512x128xf32>
    %dot_general3A_144 = tpu.matmul %get3A_142, %convert_element_type3A_139, %dot_general3A_143 {dimension_numbers = #tpu.dot_dimension_numbers<[1], [0], [0], [1], [0, 0, 1, 1], [], []>, transpose_lhs_hint = false} : vector<512x512xf32>, vector<512x128xf32>, vector<512x128xf32> -> vector<512x128xf32>
    %reduce_sum3A = arith.constant dense<0.000000e+00> : vector<128xf32>
    %reduce_sum3A_145 = vector.multi_reduction <add>, %convert_element_type3A_139, %reduce_sum3A [0] : vector<512x128xf32> to vector<128xf32>
    %broadcast_in_dim3A_146 = vector.shape_cast %reduce_sum3A_145 : vector<128xf32> to vector<1x128xf32>
    %swap3A = arith.constant 0 : index
    %swap3A_147 = arith.constant 0 : index
    %swap3A_148 = vector.load %arg10[%swap3A, %swap3A_147] : memref<512x1xi32, #tpu.memory_space<vmem>>, vector<512x1xi32>
    tpu.vector_store %arg10[%swap3A, %swap3A_147], %select_n3A_134 {strides = array<i32>} : memref<512x1xi32, #tpu.memory_space<vmem>>, vector<512x1xi32>,
    %get3A_149 = arith.constant 0 : index
    %get3A_150 = arith.constant 0 : index
    %get3A_151 = vector.load %arg14[%get3A_149, %get3A_150] : memref<8x128xf32, #tpu.memory_space<vmem>>, vector<1x128xf32>
    %add3A_152 = vector.broadcast %get3A_151 : vector<1x128xf32> to vector<512x128xf32>
    %add3A_153 = arith.addf %add3A_152, %dot_general3A_144 : vector<512x128xf32>
    %mul3A = arith.mulf %convert_element_type3A_139, %add3A_153 : vector<512x128xf32>
    %reduce_sum3A_154 = arith.constant dense<0.000000e+00> : vector<512xf32>
    %reduce_sum3A_155 = vector.multi_reduction <add>, %mul3A, %reduce_sum3A_154 [1] : vector<512x128xf32> to vector<512xf32>
    %broadcast_in_dim3A_156 = vector.shape_cast %reduce_sum3A_155 : vector<512xf32> to vector<512x1xf32>
    %sub3A = arith.constant 1.000000e+00 : f32
    %sub3A_157 = vector.broadcast %sub3A : f32 to vector<512x1xf32>
    %sub3A_158 = arith.subf %broadcast_in_dim3A_156, %sub3A_157 : vector<512x1xf32>
    %convert_element_type3A_159 = arith.fptosi %sub3A_158 : vector<512x1xf32> to vector<512x1xi32>
    %swap3A_160 = arith.constant 0 : index
    %swap3A_161 = arith.constant 0 : index
    %swap3A_162 = vector.load %arg11[%swap3A_160, %swap3A_161] : memref<512x1xi32, #tpu.memory_space<vmem>>, vector<512x1xi32>
    tpu.vector_store %arg11[%swap3A_160, %swap3A_161], %convert_element_type3A_159 {strides = array<i32>} : memref<512x1xi32, #tpu.memory_space<vmem>>, vector<512x1xi32>,
    %add3A_163 = arith.addf %get3A_151, %broadcast_in_dim3A_146 : vector<1x128xf32>
    %swap3A_164 = arith.constant 0 : index
    %swap3A_165 = arith.constant 0 : index
    %swap3A_166 = vector.load %arg14[%swap3A_164, %swap3A_165] : memref<8x128xf32, #tpu.memory_space<vmem>>, vector<1x128xf32>
    tpu.vector_store %arg14[%swap3A_164, %swap3A_165], %add3A_163 {strides = array<i32>} : memref<8x128xf32, #tpu.memory_space<vmem>>, vector<1x128xf32>,
    %eq3A_167 = arith.constant 15 : i32
    %eq3A_168 = arith.cmpi eq, %arg0, %eq3A_167 : i32
    %convert_element_type3A_169 = arith.extui %eq3A_168 : i1 to i32
    %cond3A_170 = arith.constant 0 : i32
    %cond3A_171 = arith.cmpi ne, %convert_element_type3A_169, %cond3A_170 : i32
    scf.if %cond3A_171 {
      %add3A_172 = arith.addf %get3A_151, %broadcast_in_dim3A_146 : vector<1x128xf32>
      %add3A_173 = arith.constant 5.110000e+02 : f32
      %add3A_174 = vector.broadcast %add3A_173 : f32 to vector<1x128xf32>
      %add3A_175 = arith.addf %add3A_172, %add3A_174 : vector<1x128xf32>
      %mul3A_176 = arith.constant 0.001953125 : f32
      %mul3A_177 = vector.broadcast %mul3A_176 : f32 to vector<1x128xf32>
      %mul3A_178 = arith.mulf %add3A_175, %mul3A_177 : vector<1x128xf32>
      %floor3A = math.floor %mul3A_178 : vector<1x128xf32>
      %get3A_179 = arith.constant 0 : index
      %get3A_180 = arith.constant 0 : index
      %get3A_181 = vector.load %arg9[%get3A_179, %get3A_180] : memref<128x128xf32, #tpu.memory_space<vmem>>, vector<128x128xf32>
      %dot_general3A_182 = arith.constant dense<0.000000e+00> : vector<1x128xf32>
      %dot_general3A_183 = tpu.matmul %floor3A, %get3A_181, %dot_general3A_182 {dimension_numbers = #tpu.dot_dimension_numbers<[1], [0], [0], [1], [0, 0, 1, 1], [], []>, transpose_lhs_hint = false} : vector<1x128xf32>, vector<128x128xf32>, vector<1x128xf32> -> vector<1x128xf32>
      %sub3A_184 = arith.subf %dot_general3A_183, %floor3A : vector<1x128xf32>
      %mul3A_185 = arith.constant 5.120000e+02 : f32
      %mul3A_186 = vector.broadcast %mul3A_185 : f32 to vector<1x128xf32>
      %mul3A_187 = arith.mulf %sub3A_184, %mul3A_186 : vector<1x128xf32>
      %iota3A_188 = tpu.iota {dimensions = array<i32: 1>} : vector<1x128xi32>
      %lt3A = arith.constant 8 : i32
      %lt3A_189 = vector.broadcast %lt3A : i32 to vector<1x128xi32>
      %lt3A_190 = arith.cmpi slt, %iota3A_188, %lt3A_189 : vector<1x128xi32>
      %jit3A_191 = arith.constant 1.228800e+04 : f32
      %broadcast_in_dim3A_192 = vector.broadcast %jit3A_191 : f32 to vector<1x128xf32>
      %select_n3A_193 = arith.select %lt3A_190, %mul3A_187, %broadcast_in_dim3A_192 : vector<1x128xi1>, vector<1x128xf32>
      %convert_element_type3A_194 = arith.fptosi %select_n3A_193 : vector<1x128xf32> to vector<1x128xi32>
      %swap3A_195 = arith.constant 0 : index
      %swap3A_196 = arith.constant 0 : index
      %swap3A_197 = vector.load %arg12[%swap3A_195, %swap3A_196] : memref<1x128xi32, #tpu.memory_space<vmem>>, vector<1x128xi32>
      tpu.vector_store %arg12[%swap3A_195, %swap3A_196], %convert_element_type3A_194 {strides = array<i32>} : memref<1x128xi32, #tpu.memory_space<vmem>>, vector<1x128xi32>,
      %convert_element_type3A_198 = arith.fptosi %dot_general3A_183 : vector<1x128xf32> to vector<1x128xi32>
      %swap3A_199 = arith.constant 0 : index
      %swap3A_200 = arith.constant 0 : index
      %swap3A_201 = vector.load %arg13[%swap3A_199, %swap3A_200] : memref<1x128xi32, #tpu.memory_space<vmem>>, vector<1x128xi32>
      tpu.vector_store %arg13[%swap3A_199, %swap3A_200], %convert_element_type3A_198 {strides = array<i32>} : memref<1x128xi32, #tpu.memory_space<vmem>>, vector<1x128xi32>,
    } else {
    }
    return
  }
  func.func @transform_0(%arg0: i32) -> (i32, i32) {
    %c0_i32 = arith.constant 0 : i32
    %c0_i32_0 = arith.constant 0 : i32
    return %arg0, %c0_i32 : i32, i32
  }
  func.func @transform_1(%arg0: i32) -> (i32, i32) {
    %c0_i32 = arith.constant 0 : i32
    %c0_i32_0 = arith.constant 0 : i32
    return %arg0, %c0_i32 : i32, i32
  }
  func.func @transform_2(%arg0: i32) -> (i32, i32) {
    %c0_i32 = arith.constant 0 : i32
    %c0_i32_0 = arith.constant 0 : i32
    %c0_i32_1 = arith.constant 0 : i32
    return %c0_i32, %c0_i32_0 : i32, i32
  }
  func.func @transform_3(%arg0: i32) -> (i32, i32) {
    %c0_i32 = arith.constant 0 : i32
    %c0_i32_0 = arith.constant 0 : i32
    %c0_i32_1 = arith.constant 0 : i32
    return %c0_i32, %c0_i32_0 : i32, i32
  }
  func.func @transform_4(%arg0: i32) -> (i32, i32) {
    %c0_i32 = arith.constant 0 : i32
    %c0_i32_0 = arith.constant 0 : i32
    %c0_i32_1 = arith.constant 0 : i32
    return %c0_i32, %c0_i32_0 : i32, i32
  }
  func.func @transform_5(%arg0: i32) -> (i32, i32) {
    %c0_i32 = arith.constant 0 : i32
    %c0_i32_0 = arith.constant 0 : i32
    %c0_i32_1 = arith.constant 0 : i32
    return %c0_i32, %c0_i32_0 : i32, i32
  }
  func.func @transform_6(%arg0: i32) -> (i32, i32) {
    %c0_i32 = arith.constant 0 : i32
    %c0_i32_0 = arith.constant 0 : i32
    %c0_i32_1 = arith.constant 0 : i32
    return %c0_i32, %c0_i32_0 : i32, i32
  }
  func.func @transform_7(%arg0: i32) -> (i32, i32) {
    %c0_i32 = arith.constant 0 : i32
    %c0_i32_0 = arith.constant 0 : i32
    %c0_i32_1 = arith.constant 0 : i32
    return %c0_i32, %c0_i32_0 : i32, i32
  }
  func.func @transform_8(%arg0: i32) -> (i32, i32) {
    %c0_i32 = arith.constant 0 : i32
    %c0_i32_0 = arith.constant 0 : i32
    %c0_i32_1 = arith.constant 0 : i32
    return %c0_i32, %c0_i32_0 : i32, i32
  }
  func.func @transform_9(%arg0: i32) -> (i32, i32) {
    %c0_i32 = arith.constant 0 : i32
    %c0_i32_0 = arith.constant 0 : i32
    return %arg0, %c0_i32 : i32, i32
  }
  func.func @transform_10(%arg0: i32) -> (i32, i32) {
    %c0_i32 = arith.constant 0 : i32
    %c0_i32_0 = arith.constant 0 : i32
    return %arg0, %c0_i32 : i32, i32
  }
  func.func @transform_11(%arg0: i32) -> (i32, i32) {
    %c0_i32 = arith.constant 0 : i32
    %c0_i32_0 = arith.constant 0 : i32
    %c0_i32_1 = arith.constant 0 : i32
    return %c0_i32, %c0_i32_0 : i32, i32
  }
  func.func @transform_12(%arg0: i32) -> (i32, i32) {
    %c0_i32 = arith.constant 0 : i32
    %c0_i32_0 = arith.constant 0 : i32
    %c0_i32_1 = arith.constant 0 : i32
    return %c0_i32, %c0_i32_0 : i32, i32
  }
}

module attributes {stable_mosaic.version = 14 : i64} {
  func.func @_mlp_body(%arg0: i32, %arg1: memref<8xi32, #tpu.memory_space<smem>>, %arg2: memref<8xi32, #tpu.memory_space<smem>>, %arg3: memref<512x256xf32, #tpu.memory_space<vmem>>, %arg4: memref<1x1x256x256xf32, #tpu.memory_space<vmem>>, %arg5: memref<1x1x1x256xf32, #tpu.memory_space<vmem>>, %arg6: memref<1x1x256x256xf32, #tpu.memory_space<vmem>>, %arg7: memref<1x1x1x256xf32, #tpu.memory_space<vmem>>, %arg8: memref<512x256xf32, #tpu.memory_space<vmem>>) attributes {dimension_semantics = [#tpu.dimension_semantics<arbitrary>], iteration_bounds = array<i64: 25>, scalar_prefetch = 2 : i64, scratch_operands = 0 : i64, tpu.core_type = #tpu.core_type<tc>, window_params = [{transform_indices = @transform_0, window_bounds = array<i64: 512, 256>}, {transform_indices = @transform_1, window_bounds = array<i64: 1, 1, 256, 256>}, {transform_indices = @transform_2, window_bounds = array<i64: 1, 1, 1, 256>}, {transform_indices = @transform_3, window_bounds = array<i64: 1, 1, 256, 256>}, {transform_indices = @transform_4, window_bounds = array<i64: 1, 1, 1, 256>}, {transform_indices = @transform_5, window_bounds = array<i64: 512, 256>}]} {
    %get3A = arith.constant 0 : index
    %get3A_0 = arith.constant 0 : index
    %get3A_1 = vector.load %arg3[%get3A, %get3A_0] : memref<512x256xf32, #tpu.memory_space<vmem>>, vector<512x256xf32>
    %get3A_2 = arith.constant 0 : index
    %get3A_3 = arith.constant 0 : index
    %get3A_4 = arith.constant 0 : index
    %get3A_5 = arith.constant 0 : index
    %get3A_6 = vector.load %arg4[%get3A_2, %get3A_3, %get3A_4, %get3A_5] : memref<1x1x256x256xf32, #tpu.memory_space<vmem>>, vector<1x1x256x256xf32>
    %get3A_7 = vector.shape_cast %get3A_6 : vector<1x1x256x256xf32> to vector<256x256xf32>
    %dot_general3A = arith.constant dense<0.000000e+00> : vector<512x256xf32>
    %dot_general3A_8 = tpu.matmul %get3A_1, %get3A_7, %dot_general3A {dimension_numbers = #tpu.dot_dimension_numbers<[1], [0], [0], [1], [0, 0, 1, 1], [], []>, transpose_lhs_hint = false} : vector<512x256xf32>, vector<256x256xf32>, vector<512x256xf32> -> vector<512x256xf32>
    %get3A_9 = arith.constant 0 : index
    %get3A_10 = arith.constant 0 : index
    %get3A_11 = arith.constant 0 : index
    %get3A_12 = arith.constant 0 : index
    %get3A_13 = vector.load %arg5[%get3A_9, %get3A_10, %get3A_11, %get3A_12] : memref<1x1x1x256xf32, #tpu.memory_space<vmem>>, vector<1x1x1x256xf32>
    %get3A_14 = vector.shape_cast %get3A_13 : vector<1x1x1x256xf32> to vector<1x256xf32>
    %add3A = vector.broadcast %get3A_14 : vector<1x256xf32> to vector<512x256xf32>
    %add3A_15 = arith.addf %dot_general3A_8, %add3A : vector<512x256xf32>
    %max3A = arith.constant 0.000000e+00 : f32
    %max3A_16 = vector.broadcast %max3A : f32 to vector<512x256xf32>
    %max3A_17 = arith.maximumf %add3A_15, %max3A_16 : vector<512x256xf32>
    %get3A_18 = arith.constant 0 : index
    %get3A_19 = arith.constant 0 : index
    %get3A_20 = arith.constant 0 : index
    %get3A_21 = arith.constant 0 : index
    %get3A_22 = vector.load %arg6[%get3A_18, %get3A_19, %get3A_20, %get3A_21] : memref<1x1x256x256xf32, #tpu.memory_space<vmem>>, vector<1x1x256x256xf32>
    %get3A_23 = vector.shape_cast %get3A_22 : vector<1x1x256x256xf32> to vector<256x256xf32>
    %dot_general3A_24 = arith.constant dense<0.000000e+00> : vector<512x256xf32>
    %dot_general3A_25 = tpu.matmul %max3A_17, %get3A_23, %dot_general3A_24 {dimension_numbers = #tpu.dot_dimension_numbers<[1], [0], [0], [1], [0, 0, 1, 1], [], []>, transpose_lhs_hint = false} : vector<512x256xf32>, vector<256x256xf32>, vector<512x256xf32> -> vector<512x256xf32>
    %get3A_26 = arith.constant 0 : index
    %get3A_27 = arith.constant 0 : index
    %get3A_28 = arith.constant 0 : index
    %get3A_29 = arith.constant 0 : index
    %get3A_30 = vector.load %arg7[%get3A_26, %get3A_27, %get3A_28, %get3A_29] : memref<1x1x1x256xf32, #tpu.memory_space<vmem>>, vector<1x1x1x256xf32>
    %get3A_31 = vector.shape_cast %get3A_30 : vector<1x1x1x256xf32> to vector<1x256xf32>
    %add3A_32 = vector.broadcast %get3A_31 : vector<1x256xf32> to vector<512x256xf32>
    %add3A_33 = arith.addf %dot_general3A_25, %add3A_32 : vector<512x256xf32>
    %max3A_34 = arith.constant 0.000000e+00 : f32
    %max3A_35 = vector.broadcast %max3A_34 : f32 to vector<512x256xf32>
    %max3A_36 = arith.maximumf %add3A_33, %max3A_35 : vector<512x256xf32>
    %mul3A = arith.constant 1.010000e+00 : f32
    %mul3A_37 = vector.broadcast %mul3A : f32 to vector<512x256xf32>
    %mul3A_38 = arith.mulf %max3A_36, %mul3A_37 : vector<512x256xf32>
    %swap3A = arith.constant 0 : index
    %swap3A_39 = arith.constant 0 : index
    %swap3A_40 = vector.load %arg8[%swap3A, %swap3A_39] : memref<512x256xf32, #tpu.memory_space<vmem>>, vector<512x256xf32>
    tpu.vector_store %arg8[%swap3A, %swap3A_39], %mul3A_38 {strides = array<i32>} : memref<512x256xf32, #tpu.memory_space<vmem>>, vector<512x256xf32>,
    return
  }
  func.func @transform_0(%arg0: i32, %arg1: memref<8xi32, #tpu.memory_space<smem>>, %arg2: memref<8xi32, #tpu.memory_space<smem>>) -> (i32, i32) {
    %c0_i32 = arith.constant 0 : i32
    %c0_i32_0 = arith.constant 0 : i32
    return %arg0, %c0_i32 : i32, i32
  }
  func.func @transform_1(%arg0: i32, %arg1: memref<8xi32, #tpu.memory_space<smem>>, %arg2: memref<8xi32, #tpu.memory_space<smem>>) -> (i32, i32, i32, i32) {
    %get3A = arith.constant 0 : index
    %get3A_0 = memref.load %arg1[%get3A] : memref<8xi32, #tpu.memory_space<smem>>
    %ge3A = arith.cmpi sge, %arg0, %get3A_0 : i32
    %convert_element_type3A = arith.extui %ge3A : i1 to i32
    %add3A = arith.constant 0 : i32
    %add3A_1 = arith.addi %add3A, %convert_element_type3A : i32
    %get3A_2 = arith.constant 1 : index
    %get3A_3 = memref.load %arg1[%get3A_2] : memref<8xi32, #tpu.memory_space<smem>>
    %ge3A_4 = arith.cmpi sge, %arg0, %get3A_3 : i32
    %convert_element_type3A_5 = arith.extui %ge3A_4 : i1 to i32
    %add3A_6 = arith.addi %add3A_1, %convert_element_type3A_5 : i32
    %get3A_7 = arith.constant 2 : index
    %get3A_8 = memref.load %arg1[%get3A_7] : memref<8xi32, #tpu.memory_space<smem>>
    %ge3A_9 = arith.cmpi sge, %arg0, %get3A_8 : i32
    %convert_element_type3A_10 = arith.extui %ge3A_9 : i1 to i32
    %add3A_11 = arith.addi %add3A_6, %convert_element_type3A_10 : i32
    %get3A_12 = arith.constant 3 : index
    %get3A_13 = memref.load %arg1[%get3A_12] : memref<8xi32, #tpu.memory_space<smem>>
    %ge3A_14 = arith.cmpi sge, %arg0, %get3A_13 : i32
    %convert_element_type3A_15 = arith.extui %ge3A_14 : i1 to i32
    %add3A_16 = arith.addi %add3A_11, %convert_element_type3A_15 : i32
    %get3A_17 = arith.constant 4 : index
    %get3A_18 = memref.load %arg1[%get3A_17] : memref<8xi32, #tpu.memory_space<smem>>
    %ge3A_19 = arith.cmpi sge, %arg0, %get3A_18 : i32
    %convert_element_type3A_20 = arith.extui %ge3A_19 : i1 to i32
    %add3A_21 = arith.addi %add3A_16, %convert_element_type3A_20 : i32
    %get3A_22 = arith.constant 5 : index
    %get3A_23 = memref.load %arg1[%get3A_22] : memref<8xi32, #tpu.memory_space<smem>>
    %ge3A_24 = arith.cmpi sge, %arg0, %get3A_23 : i32
    %convert_element_type3A_25 = arith.extui %ge3A_24 : i1 to i32
    %add3A_26 = arith.addi %add3A_21, %convert_element_type3A_25 : i32
    %get3A_27 = arith.constant 6 : index
    %get3A_28 = memref.load %arg1[%get3A_27] : memref<8xi32, #tpu.memory_space<smem>>
    %ge3A_29 = arith.cmpi sge, %arg0, %get3A_28 : i32
    %convert_element_type3A_30 = arith.extui %ge3A_29 : i1 to i32
    %add3A_31 = arith.addi %add3A_26, %convert_element_type3A_30 : i32
    %get3A_32 = arith.constant 7 : index
    %get3A_33 = memref.load %arg1[%get3A_32] : memref<8xi32, #tpu.memory_space<smem>>
    %ge3A_34 = arith.cmpi sge, %arg0, %get3A_33 : i32
    %convert_element_type3A_35 = arith.extui %ge3A_34 : i1 to i32
    %add3A_36 = arith.addi %add3A_31, %convert_element_type3A_35 : i32
    %min3A = arith.constant 7 : i32
    %min3A_37 = arith.minsi %add3A_36, %min3A : i32
    %get3A_38 = arith.index_cast %min3A_37 : i32 to index
    %get3A_39 = memref.load %arg2[%get3A_38] : memref<8xi32, #tpu.memory_space<smem>>
    %c0_i32 = arith.constant 0 : i32
    %c0_i32_40 = arith.constant 0 : i32
    %c0_i32_41 = arith.constant 0 : i32
    return %min3A_37, %get3A_39, %c0_i32, %c0_i32_40 : i32, i32, i32, i32
  }
  func.func @transform_2(%arg0: i32, %arg1: memref<8xi32, #tpu.memory_space<smem>>, %arg2: memref<8xi32, #tpu.memory_space<smem>>) -> (i32, i32, i32, i32) {
    %get3A = arith.constant 0 : index
    %get3A_0 = memref.load %arg1[%get3A] : memref<8xi32, #tpu.memory_space<smem>>
    %ge3A = arith.cmpi sge, %arg0, %get3A_0 : i32
    %convert_element_type3A = arith.extui %ge3A : i1 to i32
    %add3A = arith.constant 0 : i32
    %add3A_1 = arith.addi %add3A, %convert_element_type3A : i32
    %get3A_2 = arith.constant 1 : index
    %get3A_3 = memref.load %arg1[%get3A_2] : memref<8xi32, #tpu.memory_space<smem>>
    %ge3A_4 = arith.cmpi sge, %arg0, %get3A_3 : i32
    %convert_element_type3A_5 = arith.extui %ge3A_4 : i1 to i32
    %add3A_6 = arith.addi %add3A_1, %convert_element_type3A_5 : i32
    %get3A_7 = arith.constant 2 : index
    %get3A_8 = memref.load %arg1[%get3A_7] : memref<8xi32, #tpu.memory_space<smem>>
    %ge3A_9 = arith.cmpi sge, %arg0, %get3A_8 : i32
    %convert_element_type3A_10 = arith.extui %ge3A_9 : i1 to i32
    %add3A_11 = arith.addi %add3A_6, %convert_element_type3A_10 : i32
    %get3A_12 = arith.constant 3 : index
    %get3A_13 = memref.load %arg1[%get3A_12] : memref<8xi32, #tpu.memory_space<smem>>
    %ge3A_14 = arith.cmpi sge, %arg0, %get3A_13 : i32
    %convert_element_type3A_15 = arith.extui %ge3A_14 : i1 to i32
    %add3A_16 = arith.addi %add3A_11, %convert_element_type3A_15 : i32
    %get3A_17 = arith.constant 4 : index
    %get3A_18 = memref.load %arg1[%get3A_17] : memref<8xi32, #tpu.memory_space<smem>>
    %ge3A_19 = arith.cmpi sge, %arg0, %get3A_18 : i32
    %convert_element_type3A_20 = arith.extui %ge3A_19 : i1 to i32
    %add3A_21 = arith.addi %add3A_16, %convert_element_type3A_20 : i32
    %get3A_22 = arith.constant 5 : index
    %get3A_23 = memref.load %arg1[%get3A_22] : memref<8xi32, #tpu.memory_space<smem>>
    %ge3A_24 = arith.cmpi sge, %arg0, %get3A_23 : i32
    %convert_element_type3A_25 = arith.extui %ge3A_24 : i1 to i32
    %add3A_26 = arith.addi %add3A_21, %convert_element_type3A_25 : i32
    %get3A_27 = arith.constant 6 : index
    %get3A_28 = memref.load %arg1[%get3A_27] : memref<8xi32, #tpu.memory_space<smem>>
    %ge3A_29 = arith.cmpi sge, %arg0, %get3A_28 : i32
    %convert_element_type3A_30 = arith.extui %ge3A_29 : i1 to i32
    %add3A_31 = arith.addi %add3A_26, %convert_element_type3A_30 : i32
    %get3A_32 = arith.constant 7 : index
    %get3A_33 = memref.load %arg1[%get3A_32] : memref<8xi32, #tpu.memory_space<smem>>
    %ge3A_34 = arith.cmpi sge, %arg0, %get3A_33 : i32
    %convert_element_type3A_35 = arith.extui %ge3A_34 : i1 to i32
    %add3A_36 = arith.addi %add3A_31, %convert_element_type3A_35 : i32
    %min3A = arith.constant 7 : i32
    %min3A_37 = arith.minsi %add3A_36, %min3A : i32
    %get3A_38 = arith.index_cast %min3A_37 : i32 to index
    %get3A_39 = memref.load %arg2[%get3A_38] : memref<8xi32, #tpu.memory_space<smem>>
    %c0_i32 = arith.constant 0 : i32
    %c0_i32_40 = arith.constant 0 : i32
    %c0_i32_41 = arith.constant 0 : i32
    return %min3A_37, %get3A_39, %c0_i32, %c0_i32_40 : i32, i32, i32, i32
  }
  func.func @transform_3(%arg0: i32, %arg1: memref<8xi32, #tpu.memory_space<smem>>, %arg2: memref<8xi32, #tpu.memory_space<smem>>) -> (i32, i32, i32, i32) {
    %get3A = arith.constant 0 : index
    %get3A_0 = memref.load %arg1[%get3A] : memref<8xi32, #tpu.memory_space<smem>>
    %ge3A = arith.cmpi sge, %arg0, %get3A_0 : i32
    %convert_element_type3A = arith.extui %ge3A : i1 to i32
    %add3A = arith.constant 0 : i32
    %add3A_1 = arith.addi %add3A, %convert_element_type3A : i32
    %get3A_2 = arith.constant 1 : index
    %get3A_3 = memref.load %arg1[%get3A_2] : memref<8xi32, #tpu.memory_space<smem>>
    %ge3A_4 = arith.cmpi sge, %arg0, %get3A_3 : i32
    %convert_element_type3A_5 = arith.extui %ge3A_4 : i1 to i32
    %add3A_6 = arith.addi %add3A_1, %convert_element_type3A_5 : i32
    %get3A_7 = arith.constant 2 : index
    %get3A_8 = memref.load %arg1[%get3A_7] : memref<8xi32, #tpu.memory_space<smem>>
    %ge3A_9 = arith.cmpi sge, %arg0, %get3A_8 : i32
    %convert_element_type3A_10 = arith.extui %ge3A_9 : i1 to i32
    %add3A_11 = arith.addi %add3A_6, %convert_element_type3A_10 : i32
    %get3A_12 = arith.constant 3 : index
    %get3A_13 = memref.load %arg1[%get3A_12] : memref<8xi32, #tpu.memory_space<smem>>
    %ge3A_14 = arith.cmpi sge, %arg0, %get3A_13 : i32
    %convert_element_type3A_15 = arith.extui %ge3A_14 : i1 to i32
    %add3A_16 = arith.addi %add3A_11, %convert_element_type3A_15 : i32
    %get3A_17 = arith.constant 4 : index
    %get3A_18 = memref.load %arg1[%get3A_17] : memref<8xi32, #tpu.memory_space<smem>>
    %ge3A_19 = arith.cmpi sge, %arg0, %get3A_18 : i32
    %convert_element_type3A_20 = arith.extui %ge3A_19 : i1 to i32
    %add3A_21 = arith.addi %add3A_16, %convert_element_type3A_20 : i32
    %get3A_22 = arith.constant 5 : index
    %get3A_23 = memref.load %arg1[%get3A_22] : memref<8xi32, #tpu.memory_space<smem>>
    %ge3A_24 = arith.cmpi sge, %arg0, %get3A_23 : i32
    %convert_element_type3A_25 = arith.extui %ge3A_24 : i1 to i32
    %add3A_26 = arith.addi %add3A_21, %convert_element_type3A_25 : i32
    %get3A_27 = arith.constant 6 : index
    %get3A_28 = memref.load %arg1[%get3A_27] : memref<8xi32, #tpu.memory_space<smem>>
    %ge3A_29 = arith.cmpi sge, %arg0, %get3A_28 : i32
    %convert_element_type3A_30 = arith.extui %ge3A_29 : i1 to i32
    %add3A_31 = arith.addi %add3A_26, %convert_element_type3A_30 : i32
    %get3A_32 = arith.constant 7 : index
    %get3A_33 = memref.load %arg1[%get3A_32] : memref<8xi32, #tpu.memory_space<smem>>
    %ge3A_34 = arith.cmpi sge, %arg0, %get3A_33 : i32
    %convert_element_type3A_35 = arith.extui %ge3A_34 : i1 to i32
    %add3A_36 = arith.addi %add3A_31, %convert_element_type3A_35 : i32
    %min3A = arith.constant 7 : i32
    %min3A_37 = arith.minsi %add3A_36, %min3A : i32
    %get3A_38 = arith.index_cast %min3A_37 : i32 to index
    %get3A_39 = memref.load %arg2[%get3A_38] : memref<8xi32, #tpu.memory_space<smem>>
    %c0_i32 = arith.constant 0 : i32
    %c0_i32_40 = arith.constant 0 : i32
    %c0_i32_41 = arith.constant 0 : i32
    return %min3A_37, %get3A_39, %c0_i32, %c0_i32_40 : i32, i32, i32, i32
  }
  func.func @transform_4(%arg0: i32, %arg1: memref<8xi32, #tpu.memory_space<smem>>, %arg2: memref<8xi32, #tpu.memory_space<smem>>) -> (i32, i32, i32, i32) {
    %get3A = arith.constant 0 : index
    %get3A_0 = memref.load %arg1[%get3A] : memref<8xi32, #tpu.memory_space<smem>>
    %ge3A = arith.cmpi sge, %arg0, %get3A_0 : i32
    %convert_element_type3A = arith.extui %ge3A : i1 to i32
    %add3A = arith.constant 0 : i32
    %add3A_1 = arith.addi %add3A, %convert_element_type3A : i32
    %get3A_2 = arith.constant 1 : index
    %get3A_3 = memref.load %arg1[%get3A_2] : memref<8xi32, #tpu.memory_space<smem>>
    %ge3A_4 = arith.cmpi sge, %arg0, %get3A_3 : i32
    %convert_element_type3A_5 = arith.extui %ge3A_4 : i1 to i32
    %add3A_6 = arith.addi %add3A_1, %convert_element_type3A_5 : i32
    %get3A_7 = arith.constant 2 : index
    %get3A_8 = memref.load %arg1[%get3A_7] : memref<8xi32, #tpu.memory_space<smem>>
    %ge3A_9 = arith.cmpi sge, %arg0, %get3A_8 : i32
    %convert_element_type3A_10 = arith.extui %ge3A_9 : i1 to i32
    %add3A_11 = arith.addi %add3A_6, %convert_element_type3A_10 : i32
    %get3A_12 = arith.constant 3 : index
    %get3A_13 = memref.load %arg1[%get3A_12] : memref<8xi32, #tpu.memory_space<smem>>
    %ge3A_14 = arith.cmpi sge, %arg0, %get3A_13 : i32
    %convert_element_type3A_15 = arith.extui %ge3A_14 : i1 to i32
    %add3A_16 = arith.addi %add3A_11, %convert_element_type3A_15 : i32
    %get3A_17 = arith.constant 4 : index
    %get3A_18 = memref.load %arg1[%get3A_17] : memref<8xi32, #tpu.memory_space<smem>>
    %ge3A_19 = arith.cmpi sge, %arg0, %get3A_18 : i32
    %convert_element_type3A_20 = arith.extui %ge3A_19 : i1 to i32
    %add3A_21 = arith.addi %add3A_16, %convert_element_type3A_20 : i32
    %get3A_22 = arith.constant 5 : index
    %get3A_23 = memref.load %arg1[%get3A_22] : memref<8xi32, #tpu.memory_space<smem>>
    %ge3A_24 = arith.cmpi sge, %arg0, %get3A_23 : i32
    %convert_element_type3A_25 = arith.extui %ge3A_24 : i1 to i32
    %add3A_26 = arith.addi %add3A_21, %convert_element_type3A_25 : i32
    %get3A_27 = arith.constant 6 : index
    %get3A_28 = memref.load %arg1[%get3A_27] : memref<8xi32, #tpu.memory_space<smem>>
    %ge3A_29 = arith.cmpi sge, %arg0, %get3A_28 : i32
    %convert_element_type3A_30 = arith.extui %ge3A_29 : i1 to i32
    %add3A_31 = arith.addi %add3A_26, %convert_element_type3A_30 : i32
    %get3A_32 = arith.constant 7 : index
    %get3A_33 = memref.load %arg1[%get3A_32] : memref<8xi32, #tpu.memory_space<smem>>
    %ge3A_34 = arith.cmpi sge, %arg0, %get3A_33 : i32
    %convert_element_type3A_35 = arith.extui %ge3A_34 : i1 to i32
    %add3A_36 = arith.addi %add3A_31, %convert_element_type3A_35 : i32
    %min3A = arith.constant 7 : i32
    %min3A_37 = arith.minsi %add3A_36, %min3A : i32
    %get3A_38 = arith.index_cast %min3A_37 : i32 to index
    %get3A_39 = memref.load %arg2[%get3A_38] : memref<8xi32, #tpu.memory_space<smem>>
    %c0_i32 = arith.constant 0 : i32
    %c0_i32_40 = arith.constant 0 : i32
    %c0_i32_41 = arith.constant 0 : i32
    return %min3A_37, %get3A_39, %c0_i32, %c0_i32_40 : i32, i32, i32, i32
  }
  func.func @transform_5(%arg0: i32, %arg1: memref<8xi32, #tpu.memory_space<smem>>, %arg2: memref<8xi32, #tpu.memory_space<smem>>) -> (i32, i32) {
    %c0_i32 = arith.constant 0 : i32
    %c0_i32_0 = arith.constant 0 : i32
    return %arg0, %c0_i32 : i32, i32
  }
}

module attributes {stable_mosaic.version = 14 : i64} {
  func.func @_k5_body(%arg0: i32, %arg1: memref<512x256xf32, #tpu.memory_space<vmem>>, %arg2: memref<512x256xf32, #tpu.memory_space<vmem>>, %arg3: memref<512x1xi32, #tpu.memory_space<vmem>>, %arg4: memref<512x256xf32, #tpu.memory_space<vmem>>, %arg5: memref<512x1xi32, #tpu.memory_space<vmem>>, %arg6: memref<1x256xf32, #tpu.memory_space<vmem>>, %arg7: memref<1x256xf32, #tpu.memory_space<vmem>>, %arg8: memref<256x10xf32, #tpu.memory_space<vmem>>, %arg9: memref<1x10xf32, #tpu.memory_space<vmem>>, %arg10: memref<512x10xf32, #tpu.memory_space<vmem>>) attributes {dimension_semantics = [#tpu.dimension_semantics<arbitrary>], iteration_bounds = array<i64: 16>, scalar_prefetch = 0 : i64, scratch_operands = 0 : i64, tpu.core_type = #tpu.core_type<tc>, window_params = [{transform_indices = @transform_0, window_bounds = array<i64: 512, 256>}, {transform_indices = @transform_1, window_bounds = array<i64: 512, 256>}, {transform_indices = @transform_2, window_bounds = array<i64: 512, 1>}, {transform_indices = @transform_3, window_bounds = array<i64: 512, 256>}, {transform_indices = @transform_4, window_bounds = array<i64: 512, 1>}, {pipeline_mode = #tpu.pipeline_mode<synchronous>, transform_indices = @transform_5, window_bounds = array<i64: 1, 256>}, {pipeline_mode = #tpu.pipeline_mode<synchronous>, transform_indices = @transform_6, window_bounds = array<i64: 1, 256>}, {pipeline_mode = #tpu.pipeline_mode<synchronous>, transform_indices = @transform_7, window_bounds = array<i64: 256, 10>}, {pipeline_mode = #tpu.pipeline_mode<synchronous>, transform_indices = @transform_8, window_bounds = array<i64: 1, 10>}, {transform_indices = @transform_9, window_bounds = array<i64: 512, 10>}]} {
    %get3A = arith.constant 0 : index
    %get3A_0 = arith.constant 0 : index
    %get3A_1 = vector.load %arg3[%get3A, %get3A_0] : memref<512x1xi32, #tpu.memory_space<vmem>>, vector<512x1xi32>
    %lt3A = arith.constant 8 : i32
    %lt3A_2 = vector.broadcast %lt3A : i32 to vector<512x1xi32>
    %lt3A_3 = arith.cmpi slt, %get3A_1, %lt3A_2 : vector<512x1xi32>
    %get3A_4 = arith.constant 0 : index
    %get3A_5 = arith.constant 0 : index
    %get3A_6 = vector.load %arg2[%get3A_4, %get3A_5] : memref<512x256xf32, #tpu.memory_space<vmem>>, vector<512x256xf32>
    %get3A_7 = arith.constant 0 : index
    %get3A_8 = arith.constant 0 : index
    %get3A_9 = vector.load %arg1[%get3A_7, %get3A_8] : memref<512x256xf32, #tpu.memory_space<vmem>>, vector<512x256xf32>
    %broadcast_in_dim3A = vector.shape_cast %lt3A_3 : vector<512x1xi1> to vector<512x1xi1>
    %broadcast_in_dim3A_10 = vector.broadcast %broadcast_in_dim3A : vector<512x1xi1> to vector<512x256xi1>
    %select_n3A = arith.select %broadcast_in_dim3A_10, %get3A_6, %get3A_9 : vector<512x256xi1>, vector<512x256xf32>
    %get3A_11 = arith.constant 0 : index
    %get3A_12 = arith.constant 0 : index
    %get3A_13 = vector.load %arg5[%get3A_11, %get3A_12] : memref<512x1xi32, #tpu.memory_space<vmem>>, vector<512x1xi32>
    %lt3A_14 = arith.constant 8 : i32
    %lt3A_15 = vector.broadcast %lt3A_14 : i32 to vector<512x1xi32>
    %lt3A_16 = arith.cmpi slt, %get3A_13, %lt3A_15 : vector<512x1xi32>
    %get3A_17 = arith.constant 0 : index
    %get3A_18 = arith.constant 0 : index
    %get3A_19 = vector.load %arg4[%get3A_17, %get3A_18] : memref<512x256xf32, #tpu.memory_space<vmem>>, vector<512x256xf32>
    %broadcast_in_dim3A_20 = vector.shape_cast %lt3A_16 : vector<512x1xi1> to vector<512x1xi1>
    %broadcast_in_dim3A_21 = vector.broadcast %broadcast_in_dim3A_20 : vector<512x1xi1> to vector<512x256xi1>
    %select_n3A_22 = arith.select %broadcast_in_dim3A_21, %get3A_19, %select_n3A : vector<512x256xi1>, vector<512x256xf32>
    %reduce_sum3A = arith.constant dense<0.000000e+00> : vector<512xf32>
    %reduce_sum3A_23 = vector.multi_reduction <add>, %select_n3A_22, %reduce_sum3A [1] : vector<512x256xf32> to vector<512xf32>
    %broadcast_in_dim3A_24 = vector.shape_cast %reduce_sum3A_23 : vector<512xf32> to vector<512x1xf32>
    %div3A = arith.constant 2.560000e+02 : f32
    %div3A_25 = vector.broadcast %div3A : f32 to vector<512x1xf32>
    %div3A_26 = arith.divf %broadcast_in_dim3A_24, %div3A_25 : vector<512x1xf32>
    %sub3A = vector.broadcast %div3A_26 : vector<512x1xf32> to vector<512x256xf32>
    %sub3A_27 = arith.subf %select_n3A_22, %sub3A : vector<512x256xf32>
    %integer_pow3A = arith.mulf %sub3A_27, %sub3A_27 : vector<512x256xf32>
    %reduce_sum3A_28 = arith.constant dense<0.000000e+00> : vector<512xf32>
    %reduce_sum3A_29 = vector.multi_reduction <add>, %integer_pow3A, %reduce_sum3A_28 [1] : vector<512x256xf32> to vector<512xf32>
    %broadcast_in_dim3A_30 = vector.shape_cast %reduce_sum3A_29 : vector<512xf32> to vector<512x1xf32>
    %div3A_31 = arith.constant 2.560000e+02 : f32
    %div3A_32 = vector.broadcast %div3A_31 : f32 to vector<512x1xf32>
    %div3A_33 = arith.divf %broadcast_in_dim3A_30, %div3A_32 : vector<512x1xf32>
    %sub3A_34 = vector.broadcast %div3A_26 : vector<512x1xf32> to vector<512x256xf32>
    %sub3A_35 = arith.subf %select_n3A_22, %sub3A_34 : vector<512x256xf32>
    %add3A = arith.constant 9.99999974E-6 : f32
    %add3A_36 = vector.broadcast %add3A : f32 to vector<512x1xf32>
    %add3A_37 = arith.addf %div3A_33, %add3A_36 : vector<512x1xf32>
    %sqrt3A = math.sqrt %add3A_37 : vector<512x1xf32>
    %div3A_38 = vector.broadcast %sqrt3A : vector<512x1xf32> to vector<512x256xf32>
    %div3A_39 = arith.divf %sub3A_35, %div3A_38 : vector<512x256xf32>
    %get3A_40 = arith.constant 0 : index
    %get3A_41 = arith.constant 0 : index
    %get3A_42 = vector.load %arg6[%get3A_40, %get3A_41] : memref<1x256xf32, #tpu.memory_space<vmem>>, vector<1x256xf32>
    %mul3A = vector.broadcast %get3A_42 : vector<1x256xf32> to vector<512x256xf32>
    %mul3A_43 = arith.mulf %div3A_39, %mul3A : vector<512x256xf32>
    %get3A_44 = arith.constant 0 : index
    %get3A_45 = arith.constant 0 : index
    %get3A_46 = vector.load %arg7[%get3A_44, %get3A_45] : memref<1x256xf32, #tpu.memory_space<vmem>>, vector<1x256xf32>
    %add3A_47 = vector.broadcast %get3A_46 : vector<1x256xf32> to vector<512x256xf32>
    %add3A_48 = arith.addf %mul3A_43, %add3A_47 : vector<512x256xf32>
    %get3A_49 = arith.constant 0 : index
    %get3A_50 = arith.constant 0 : index
    %get3A_51 = vector.load %arg8[%get3A_49, %get3A_50] : memref<256x10xf32, #tpu.memory_space<vmem>>, vector<256x10xf32>
    %dot_general3A = arith.constant dense<0.000000e+00> : vector<512x10xf32>
    %dot_general3A_52 = tpu.matmul %add3A_48, %get3A_51, %dot_general3A {dimension_numbers = #tpu.dot_dimension_numbers<[1], [0], [0], [1], [0, 0, 1, 1], [], []>, transpose_lhs_hint = false} : vector<512x256xf32>, vector<256x10xf32>, vector<512x10xf32> -> vector<512x10xf32>
    %get3A_53 = arith.constant 0 : index
    %get3A_54 = arith.constant 0 : index
    %get3A_55 = vector.load %arg9[%get3A_53, %get3A_54] : memref<1x10xf32, #tpu.memory_space<vmem>>, vector<1x10xf32>
    %add3A_56 = vector.broadcast %get3A_55 : vector<1x10xf32> to vector<512x10xf32>
    %add3A_57 = arith.addf %dot_general3A_52, %add3A_56 : vector<512x10xf32>
    %swap3A = arith.constant 0 : index
    %swap3A_58 = arith.constant 0 : index
    %swap3A_59 = vector.load %arg10[%swap3A, %swap3A_58] : memref<512x10xf32, #tpu.memory_space<vmem>>, vector<512x10xf32>
    tpu.vector_store %arg10[%swap3A, %swap3A_58], %add3A_57 {strides = array<i32>} : memref<512x10xf32, #tpu.memory_space<vmem>>, vector<512x10xf32>,
    return
  }
  func.func @transform_0(%arg0: i32) -> (i32, i32) {
    %c0_i32 = arith.constant 0 : i32
    %c0_i32_0 = arith.constant 0 : i32
    return %arg0, %c0_i32 : i32, i32
  }
  func.func @transform_1(%arg0: i32) -> (i32, i32) {
    %c0_i32 = arith.constant 0 : i32
    %c0_i32_0 = arith.constant 0 : i32
    return %arg0, %c0_i32 : i32, i32
  }
  func.func @transform_2(%arg0: i32) -> (i32, i32) {
    %c0_i32 = arith.constant 0 : i32
    %c0_i32_0 = arith.constant 0 : i32
    return %arg0, %c0_i32 : i32, i32
  }
  func.func @transform_3(%arg0: i32) -> (i32, i32) {
    %c0_i32 = arith.constant 0 : i32
    %c0_i32_0 = arith.constant 0 : i32
    return %arg0, %c0_i32 : i32, i32
  }
  func.func @transform_4(%arg0: i32) -> (i32, i32) {
    %c0_i32 = arith.constant 0 : i32
    %c0_i32_0 = arith.constant 0 : i32
    return %arg0, %c0_i32 : i32, i32
  }
  func.func @transform_5(%arg0: i32) -> (i32, i32) {
    %c0_i32 = arith.constant 0 : i32
    %c0_i32_0 = arith.constant 0 : i32
    %c0_i32_1 = arith.constant 0 : i32
    return %c0_i32, %c0_i32_0 : i32, i32
  }
  func.func @transform_6(%arg0: i32) -> (i32, i32) {
    %c0_i32 = arith.constant 0 : i32
    %c0_i32_0 = arith.constant 0 : i32
    %c0_i32_1 = arith.constant 0 : i32
    return %c0_i32, %c0_i32_0 : i32, i32
  }
  func.func @transform_7(%arg0: i32) -> (i32, i32) {
    %c0_i32 = arith.constant 0 : i32
    %c0_i32_0 = arith.constant 0 : i32
    %c0_i32_1 = arith.constant 0 : i32
    return %c0_i32, %c0_i32_0 : i32, i32
  }
  func.func @transform_8(%arg0: i32) -> (i32, i32) {
    %c0_i32 = arith.constant 0 : i32
    %c0_i32_0 = arith.constant 0 : i32
    %c0_i32_1 = arith.constant 0 : i32
    return %c0_i32, %c0_i32_0 : i32, i32
  }
  func.func @transform_9(%arg0: i32) -> (i32, i32) {
    %c0_i32 = arith.constant 0 : i32
    %c0_i32_0 = arith.constant 0 : i32
    return %arg0, %c0_i32 : i32, i32
  }
}

</mosaic_0001>

<sc_bundles>
// kernel: kernel.11.cloned.1.call-start
scs
__scs_entry_jumppad:
0x0: {  	(pc) =	sbr.rel $0x88, $3  }
0x1: {  	(tag) =	ssettag $0x0;
	lr =	simm.s32 $0x1  }
0x2: {  	[smem:$0x3F8F] =	sst lr;
	_ =	strace $0xD0000000  }
0x3: {  	_ = 	snop  }
0x4: {  	_ = 	snop  }
0x5: {  	_ = 	snop  }
0x6: {  	_ = 	snop  }
0x7: {  	_ = 	snop  }
__scs_overlays_trampoline_lowered:
0x8: {  	[smem:$0x3F9E] =	sst s0  }
0x9: {  	[smem:$0x3F9F] =	sst s1  }
0xa: {  	[smem:$0x3FA0] =	sst s2  }
0xb: {  	[smem:$0x3FA1] =	sst s3  }
0xc: {  	[smem:$0x3FA2] =	sst s4  }
0xd: {  	[smem:$0x3FA3] =	sst s5  }
0xe: {  	[smem:$0x3FA4] =	sst s6  }
0xf: {  	[smem:$0x3FA5] =	sst s7  }
0x10: {  	[smem:$0x3FA6] =	sst s8  }
0x11: {  	[smem:$0x3FA7] =	sst s9;
	s0 =	simm.s32 @!p0 $0x0  }
0x12: {  	s1 =	sld [smem:$0x3F8D];
	s0 =	simm.s32 @p0 $0x1  }
0x13: {  	[smem:$0x3FA8] =	sst s0;
	s0 =	simm.s32 @!p1 $0x0  }
0x14: {  	s2 =	sld [smem:$0x3F8C];
	s0 =	simm.s32 @p1 $0x1  }
0x15: {  	[smem:$0x3FA9] =	sst s0;
	s0 =	simm.s32 @!p2 $0x0  }
0x16: {  	s3 =	sld [smem:$0x3FDB];
	s0 =	simm.s32 @p2 $0x1  }
0x17: {  	s4 =	simm.s32 $0x1BF5;
	[smem:$0x3FAB] =	sst s0  }
0x18: {  	s0 =	sld [smem:$0x3F8E];
	_ =	swait.ge [sflag:s4], $0x0  }
0x19: {  	s7 =	sld [smem:$0x3F8F]  }
0x1a: {  	s8 =	sadd.s32 $0xFFFFE003, lr  }
0x1b: {  	s9 =	sadd.s32 $0xFFFFFEF7, lr;
	s5 =	simm.s32 $0xFFFFFFFF;
	p2 =	slt.u32 s8, $0xFFFFF086  }
0x1c: {  	p1 =	slt.u32 s9, $0xF7A;
	s5 =	simm.s32 @!p2 $0x0  }
0x1d: {  	s5 =	simm.s32 @p1 $0x1;
	p0 =	seq.s32 s7, s2  }
0x1e: {  	s7 =	smul.u32 @!p0 $0xF7A, s2;
	p2 =	seq.s32 @!p0 s5, $0x0  }
0x1f: {  	s9 =	smul.u32 $0xF7A, s1;
	s8 =	simm.s32 @!p0 $0x1BF5;
	p2 =	por !p2, p0  }
0x20: {  	[sflag:s8] =	ssyncset.s32 @!p0 $0xFFFFF086;
	s6 =	sadd.s32 @!p0 s3, s7;
	s7 =	simm.s32 @!p0 $0x108  }
0x21: {  	s3 =	sadd.s32 s3, s9;
	s6 =	sadd.s32 @!p0 $0x88, s6;
	s7 =	simm.s32 @p2 $0x1082  }
0x22: {  	[simem:s7], [sflag:s8] =	dma.local @!p0 [hbm:s6], $0xF7A  }
0x23: {  	s9 =	sor.u32 $0xD0000000, s2;
	s6 =	simm.s32 $0x108;
	_ =	swait.ge @!p0 [sflag:s8], $0x0  }
0x24: {  	s3 =	sadd.s32 $0x88, s3;
	s6 =	simm.s32 @!p1 $0x1082;
	[sflag:s4] =	ssyncset.s32 $0xFFFFF086  }
0x25: {  	[simem:s6], [sflag:s4] =	dma.local [hbm:s3], $0xF7A  }
0x26: {  	[smem:$0x3F8F] =	sst s1;
	(tag) =	ssettag s2;
	_ =	strace s9  }
0x27: {  	s1 =	sld [smem:$0x3F9F]  }
0x28: {  	s2 =	sld [smem:$0x3FA0]  }
0x29: {  	s4 =	sld [smem:$0x3FA2]  }
0x2a: {  	p0 =	seq.s32 s5, $0x0;
	s5 =	sld [smem:$0x3FA3]  }
0x2b: {  	s6 =	sld [smem:$0x3FA4]  }
0x2c: {  	s7 =	sld [smem:$0x3FA5]  }
0x2d: {  	s3 =	simm.s32 $0x108;
	s8 =	sld [smem:$0x3FA6]  }
0x2e: {  	s3 =	simm.s32 @!p0 $0x1082;
	s9 =	sld [smem:$0x3FA7]  }
0x2f: {  	lr =	sadd.s32 s0, s3;
	s0 =	sld [smem:$0x3F9E]  }
0x30: {  	s3 =	sld [smem:$0x3FA1]  }
0x31: {  	[smem:$0x3FAA] =	sst s10  }
0x32: {  	s10 =	sld [smem:$0x3FA8];
	_ =	sdelay $0x3  }
0x33: {  	p0 =	seq.s32 s10, $0x1;
	s10 =	sld [smem:$0x3FAA];
	_ =	sdelay $0x3  }
0x34: {  	[smem:$0x3FAA] =	sst s10  }
0x35: {  	s10 =	sld [smem:$0x3FA9];
	_ =	sdelay $0x3  }
0x36: {  	p1 =	seq.s32 s10, $0x1;
	s10 =	sld [smem:$0x3FAA];
	_ =	sdelay $0x3  }
0x37: {  	[smem:$0x3FAA] =	sst s10  }
0x38: {  	s10 =	sld [smem:$0x3FAB]  }
0x39: {  	_ = 	snop;
	(pc) =	sbr.ind lr, $3  }
0x3a: {  	_ = 	snop  }
0x3b: {  	_ = 	snop  }
0x3c: {  	p2 =	seq.s32 s10, $0x1;
	s10 =	sld [smem:$0x3FAA]  }
0x3d: {  	_ =	shalt  }
0x3e: {  	_ =	shalt  }
0x3f: {  	_ =	shalt  }
0x40: {  	_ =	shalt  }
0x41: {  	_ =	shalt  }
0x42: {  	_ =	shalt  }
0x43: {  	_ =	shalt  }
0x44: {  	_ =	shalt  }
0x45: {  	_ =	shalt  }
0x46: {  	_ =	shalt  }
0x47: {  	_ =	shalt  }
0x48: {  	_ =	shalt  }
0x49: {  	_ =	shalt  }
0x4a: {  	_ =	shalt  }
0x4b: {  	_ =	shalt  }
0x4c: {  	_ =	shalt  }
0x4d: {  	_ =	shalt  }
0x4e: {  	_ =	shalt  }
0x4f: {  	_ =	shalt  }
0x50: {  	_ =	shalt  }
0x51: {  	_ =	shalt  }
0x52: {  	_ =	shalt  }
0x53: {  	_ =	shalt  }
0x54: {  	_ =	shalt  }
0x55: {  	_ =	shalt  }
0x56: {  	_ =	shalt  }
0x57: {  	_ =	shalt  }
0x58: {  	_ =	shalt  }
0x59: {  	_ =	shalt  }
0x5a: {  	_ =	shalt  }
0x5b: {  	_ =	shalt  }
0x5c: {  	_ =	shalt  }
0x5d: {  	_ =	shalt  }
0x5e: {  	_ =	shalt  }
0x5f: {  	_ =	shalt  }
0x60: {  	_ =	shalt  }
0x61: {  	_ =	shalt  }
0x62: {  	_ =	shalt  }
0x63: {  	_ =	shalt  }
0x64: {  	_ =	shalt  }
0x65: {  	_ =	shalt  }
0x66: {  	_ =	shalt  }
0x67: {  	_ =	shalt  }
0x68: {  	_ =	shalt  }
0x69: {  	_ =	shalt  }
0x6a: {  	_ =	shalt  }
0x6b: {  	_ =	shalt  }
0x6c: {  	_ =	shalt  }
0x6d: {  	_ =	shalt  }
0x6e: {  	_ =	shalt  }
0x6f: {  	_ =	shalt  }
0x70: {  	_ =	shalt  }
0x71: {  	_ =	shalt  }
0x72: {  	_ =	shalt  }
0x73: {  	_ =	shalt  }
0x74: {  	_ =	shalt  }
0x75: {  	_ =	shalt  }
0x76: {  	_ =	shalt  }
0x77: {  	_ =	shalt  }
0x78: {  	_ =	shalt  }
0x79: {  	_ =	shalt  }
0x7a: {  	_ =	shalt  }
0x7b: {  	_ =	shalt  }
0x7c: {  	_ =	shalt  }
0x7d: {  	_ =	shalt  }
0x7e: {  	_ =	shalt  }
0x7f: {  	_ =	shalt  }
0x80: {  	_ =	shalt  }
0x81: {  	_ =	shalt  }
0x82: {  	_ =	shalt  }
0x83: {  	_ =	shalt  }
0x84: {  	_ =	shalt  }
0x85: {  	_ =	shalt  }
0x86: {  	_ =	shalt  }
0x87: {  	_ =	shalt  }
.Lfunc_end0:
.L_simem_size_0:
called_computation_lowered:
.L_overlay_start_0:
0x88: {  	s2 =	sld [smem:$0x3FD9]  }
0x89: {  	s3 =	sld [smem:$0x3FFE];
	_ =	sdelay $0x1  }
0x8a: {  	s1 =	srdreg.scid  }
0x8b: {  	s0 =	sand.u32 $0x1, s1  }
0x8c: {  	s17 =	sshll.u32 s0, $0xA;
	s2 =	sadd.s32 s3, s2  }
0x8d: {  	s2 =	sadd.s32 s2, s17  }
0x8e: {  	[smem:$0x3FB6] =	sst s2  }
0x8f: {  	_ = 	snop  }
0x90: {  	s2 =	sld [smem:$0x3FD0];
	(tm) =	ssettm $0x1  }
0x91: {  	s18 =	sld [smem:$0x3FFB];
	_ =	sdelay $0x3  }
0x92: {  	_ =	strace s18  }
0x93: {  	s3 =	sld [smem:$0x3FFC];
	_ =	sdelay $0x3  }
0x94: {  	_ =	strace s3  }
0x95: {  	s3 =	sld [smem:$0x3FFD];
	_ =	sdelay $0x3  }
0x96: {  	_ =	strace s3  }
0x97: {  	_ =	strace $0x8FFFFFFF  }
0x98: {  	s19 =	sld [smem:$0x3FDB];
	_ =	sdelay $0x1  }
0x99: {  	s4 =	simm.s32 $_scs_section_size  }
0x9a: {  	s5 =	simm.s32 $_size__tile_overlayer_lowered;
	s6 =	simm.s32 $_tile_overlayer_lowered  }
0x9b: {  	s22 =	simm.s32 $0x1BFF;
	s21 =	sshll.u32 s6, $0x1;
	s3 =	sadd.s32 s4, s19  }
0x9c: {  	s7 =	simm.s32 $0x0;
	s20 =	sshll.u32 s5, $0x1;
	s5 =	sadd.s32 s21, s3  }
0x9d: {  	[timem:s7], [sflag:s22] =	dma.local [hbm:s5], s20  }
0x9e: {  	_ =	swait.ge [sflag:s22], s20  }
0x9f: {  	s4 =	ssub.s32 $0x0, s20;
	[sflag:s22] =	ssyncset.done $0x0  }
0xa0: {  	[sflag:s22] =	ssyncadd.s32 s4;
	_ =	sdelay $0x1  }
0xa1: {  	s23 =	simm.s32 $0x1B8B  }
0xa2: {  	_ =	swait.ge [sflag:s23], $0x1  }
0xa3: {  	[sflag:s23] =	ssyncset.done $0x0  }
0xa4: {  	s25 =	simm.s32 $0x1B8E;
	s24 =	sld [smem:$0x3FFE];
	[sflag:s23] =	ssyncadd.s32 $0xFFFFFFFF  }
0xa5: {  	s26 =	simm.s32 $execute0_lowered;
	[smem:$0x3FD2] =	sst s25  }
0xa6: {  	s5 =	sshll.u32 s26, $0x1;
	_ =	strace $0x80000046;
	[dreg:$0x1] =	wrdreg $0xFFFFFFFF  }
0xa7: {  	s28 =	simm.s32 $_size_execute0_lowered;
	s3 =	sadd.s32 s3, s5;
	[dreg:$0x0] =	wrdreg $0x0  }
0xa8: {  	s5 =	sshll.u32 s28, $0x1;
	[dreg:$0x2] =	wrdreg s3  }
0xa9: {  	[dreg:$0x3] =	wrdreg s5  }
0xaa: {  	[dreg:$0x4] =	wrdreg $0xC0  }
0xab: {  	_ =	task [dreg:s7], $0x5FFFF  }
0xac: {  	[dreg:$0x1] =	wrdreg $0xFFFFFFFF  }
0xad: {  	[dreg:$0x0] =	wrdreg $0x60  }
0xae: {  	[dreg:$0x2] =	wrdreg s2  }
0xaf: {  	[dreg:$0x3] =	wrdreg s24  }
0xb0: {  	[dreg:$0x4] =	wrdreg $0x9  }
0xb1: {  	_ =	task.clear_ibuf [dreg:s7], $0x5FFFF;
	_ =	strace $0x90000046  }
0xb2: {  	s29 =	simm.s32 $0x9;
	_ =	strace $0x80000048  }
0xb3: {  	_ =	swait.ge [sflag:s29], $0x1  }
0xb4: {  	[sflag:s29] =	ssyncadd.s32 $0xFFFFFFFF  }
0xb5: {  	_ =	strace $0x90000048  }
0xb6: {  	_ =	sfence  }
0xb7: {  	s30 =	sld [smem:$0x0];
	_ =	sdelay $0x2  }
0xb8: {  	s31 =	sshll.u32 s1, $0xD;
	s1 =	sshrl.u32 s1, $0x2  }
0xb9: {  	s3 =	sand.u32 $0x4000, s31;
	s1 =	sadd.s32 s1, s30  }
0xba: {  	s0 =	sor.u32 s3, s0;
	s1 =	sshll.u32 s1, $0x11  }
0xbb: {  	s0 =	sor.u32 s1, s0  }
0xbc: {  	s0 =	sadd.s32 $0x8F2B, s0  }
0xbd: {  	[sflag:s0] =	ssyncadd.remote.s32 $0x1  }
0xbe: {  	_ =	sfence.sel $0xFFFF  }
0xbf: {  	[dreg:$0x0] =	wrdreg $0xFFFFFFFF;
	(pc) =	sbr.abs _section_cstart, $3  }
0xc0: {  	[dreg:$0x1] =	wrdreg $0xFFFFFFFF  }
0xc1: {  	_ =	task.clear_ibuf [dreg:s7], $0x2FFFF;
	_ =	strace $0x9FFFFFFF  }
0xc2: {  	(tm) =	ssettm $0x7FFFFFFF  }
0xc3: {  	_ =	shalt  }
tec
execute0_lowered:
.L_overlay_start_1:
0x0: {  	(tag) =	ssettag $0x1  }
0x1: {  	s1 =	rddreg [dreg:$0x0];
	s2 =	srdreg.scid  }
0x2: {  	s0 =	stileid.u32;
	s3 =	rddreg [dreg:$0x1]  }
0x3: {  	s15 =	simm.s32 $0x100;
	s4 =	sand.u32 $0x1, s2;
	s2 =	simm.s32 $0x0  }
0x4: {  	s16 =	simm.s32 $0x200;
	s7 =	sadd.s32 $0x63800, s3;
	[smem:$0x7FF] =	sst s2  }
0x5: {  	s17 =	simm.s32 $0xB80;
	_ =	strace $0x80000047;
	[dreg:$0x3] =	wrdreg s7  }
0x6: {  	s18 =	simm.s32 $0x1380;
	s20 =	simm.s32 $0x1B80;
	[dreg:$0x8] =	wrdreg s15  }
0x7: {  	s21 =	simm.s32 $0x2380;
	s22 =	simm.s32 $0x2B80;
	[dreg:$0x9] =	wrdreg s16  }
0x8: {  	s23 =	simm.s32 $0x3380;
	s24 =	simm.s32 $0x3B80;
	[dreg:$0xa] =	wrdreg s17  }
0x9: {  	s25 =	simm.s32 $0x4380;
	s8 =	simm.s32 $0x1;
	[dreg:$0xb] =	wrdreg s18  }
0xa: {  	s26 =	simm.s32 $0x4B80;
	s11 =	simm.s32 $0x6380;
	[dreg:$0xc] =	wrdreg s20  }
0xb: {  	s28 =	simm.s32 $0xE380;
	s29 =	simm.s32 $0xEB80;
	[dreg:$0xd] =	wrdreg s21  }
0xc: {  	s30 =	simm.s32 $0xF380;
	s5 =	sshll.u32 s0, $0x1;
	[dreg:$0xe] =	wrdreg s22  }
0xd: {  	s31 =	simm.s32 $0xFB80;
	s5 =	sor.u32 s4, s5;
	[dreg:$0xf] =	wrdreg s23  }
0xe: {  	s4 =	ssub.s32 $0x2, s4;
	s6 =	sshll.u32 s5, $0xD;
	[dreg:$0x10] =	wrdreg s24  }
0xf: {  	s5 =	sshll.u32 s5, $0x5;
	s19 =	sshrl.u32 s4, $0x1;
	[dreg:$0x11] =	wrdreg s25  }
0x10: {  	s7 =	simm.s32 $0x2;
	[dreg:$0x12] =	wrdreg s26;
	s15 =	simm.s32 $0x8380  }
0x11: {  	s16 =	simm.s32 $0x8B80;
	s17 =	simm.s32 $0x9380;
	s18 =	simm.s32 $0x9B80  }
0x12: {  	s20 =	simm.s32 $0xAB80;
	s21 =	simm.s32 $0xB380;
	s22 =	simm.s32 $0xBB80  }
0x13: {  	s23 =	simm.s32 $0xC380;
	s24 =	simm.s32 $0xCB80;
	s25 =	simm.s32 $0xD380  }
0x14: {  	s26 =	simm.s32 $0xDB80;
	s6 =	sadd.s32 s6, s3;
	s12 =	sadd.s32 s5, s3  }
0x15: {  	s1 =	sadd.s32 s1, s5;
	s3 =	sadd.s32 $0x63A00, s3;
	s4 =	ssub.s32 s4, s19  }
0x16: {  	s5 =	simm.s32 $0x380;
	s6 =	sadd.s32 $0x3400, s6;
	[dreg:$0x5] =	wrdreg s1  }
0x17: {  	s19 =	simm.s32 $0xA380;
	s13 =	sadd.s32 $0x63400, s12;
	[dreg:$0x4] =	wrdreg s6  }
0x18: {  	v2 =	vlaneseq.u32;
	s14 =	sadd.s32 $0xC7A00, s12;
	s4 =	smax.u32 s4, $0x1;
	[dreg:$0x6] =	wrdreg s13  }
0x19: {  	vm0 =	vmmov $0xffff;
	v1 =	vshrl.u32 v2, $0x3;
	s12 =	simm.s32 $0x6B80;
	s1 =	simm.s32 $0x3;
	[dreg:$0x7] =	wrdreg s14  }
0x1a: {  	v0 =	vand.u32 $0x7, v2;
	v2 =	vor.u32 $0x8, v2;
	v1 =	vmul.u32 $0x8, v1;
	s6 =	simm.s32 $0x300;
	s13 =	simm.s32 $0x7380;
	s14 =	simm.s32 $0x7B80  }
.LBB2_1:
0x1b: {  	s0 =	rddreg [dreg:$0x4]  }
0x1c: {  	s9 =	rddreg [dreg:$0x6]  }
0x1d: {  	[tilespmem:s5], [sflag:$0x1] =	stream.linear.gather [hbm4b:s0+s2], $0x10000, $0x38;
	[tilespmem:$0x10380] =	vst v63  }
0x1e: {  	s0 =	rddreg [dreg:$0x5]  }
0x1f: {  	[tilespmem:s2], [sflag:$0x2] =	stream.linear.gather [hbm4b:s0+s2], $0x100, $0x38;
	[tilespmem:$0x10380] =	vst v63  }
0x20: {  	s10 =	rddreg [dreg:$0x8]  }
0x21: {  	[tilespmem:s10], [sflag:$0x2] =	stream.linear.gather [hbm4b:s9+s2], $0x100, $0x38;
	[tilespmem:$0x10380] =	vst v63  }
0x22: {  	s0 =	rddreg [dreg:$0x3]  }
0x23: {  	[tilespmem:s6], [sflag:$0x2] =	stream.linear.gather [hbm4b:s0+s2], $0x80, $0x38;
	[tilespmem:$0x10380] =	vst v63  }
0x24: {  	_ =	swait.ge [sflag:s7], $0x100  }
0x25: {  	[sflag:s7] =	ssyncset.done $0x0  }
0x26: {  	[sflag:s7] =	ssyncadd.s32 $0xFFFFFF00  }
0x27: {  	_ =	swait.ge [sflag:s7], $0x100  }
0x28: {  	[sflag:s7] =	ssyncset.done $0x0  }
0x29: {  	[sflag:s7] =	ssyncadd.s32 $0xFFFFFF00  }
0x2a: {  	_ =	swait.ge [sflag:s7], $0x80  }
0x2b: {  	[sflag:s7] =	ssyncset.done $0x0  }
0x2c: {  	[sflag:s7] =	ssyncadd.s32 $0xFFFFFF80  }
0x2d: {  	v3 =	vld [tilespmem:$0x0];
	_ =	sdelay $0x5  }
0x2e: {  	v4 =	vld [tilespmem:$0x100]  }
0x2f: {  	v6 =	vld [tilespmem:$0x10]  }
0x30: {  	v5 =	vld.idx.msk [tilespmem:v3+s6+$0x0], $0xffff;
	_ =	sdelay $0x4  }
0x31: {  	vm1 =	vgt.s32 v3, $0x7;
	v3 =	vadd.s32 v4, v5  }
0x32: {  	v20 =	vld [tilespmem:$0x20];
	v3 =	vsel vm1, $0x3000, v3  }
0x33: {  	[tilespmem:$0x200] =	vst v3;
	v3 =	vld [tilespmem:$0x110]  }
0x34: {  	v19 =	vld.idx.msk [tilespmem:v6+s6+$0x0], $0xffff;
	_ =	sdelay $0x4  }
0x35: {  	vm1 =	vgt.s32 v6, $0x7;
	v3 =	vadd.s32 v3, v19  }
0x36: {  	v22 =	vld [tilespmem:$0x30];
	v3 =	vsel vm1, $0x3000, v3  }
0x37: {  	[tilespmem:$0x210] =	vst v3;
	v3 =	vld [tilespmem:$0x120]  }
0x38: {  	v21 =	vld.idx.msk [tilespmem:v20+s6+$0x0], $0xffff;
	_ =	sdelay $0x4  }
0x39: {  	vm1 =	vgt.s32 v20, $0x7;
	v3 =	vadd.s32 v3, v21  }
0x3a: {  	v24 =	vld [tilespmem:$0x40];
	v3 =	vsel vm1, $0x3000, v3  }
0x3b: {  	[tilespmem:$0x220] =	vst v3;
	v3 =	vld [tilespmem:$0x130]  }
0x3c: {  	v23 =	vld.idx.msk [tilespmem:v22+s6+$0x0], $0xffff;
	_ =	sdelay $0x4  }
0x3d: {  	vm1 =	vgt.s32 v22, $0x7;
	v3 =	vadd.s32 v3, v23  }
0x3e: {  	v26 =	vld [tilespmem:$0x50];
	v3 =	vsel vm1, $0x3000, v3  }
0x3f: {  	[tilespmem:$0x230] =	vst v3;
	v3 =	vld [tilespmem:$0x140]  }
0x40: {  	v25 =	vld.idx.msk [tilespmem:v24+s6+$0x0], $0xffff;
	_ =	sdelay $0x4  }
0x41: {  	vm1 =	vgt.s32 v24, $0x7;
	v3 =	vadd.s32 v3, v25  }
0x42: {  	v28 =	vld [tilespmem:$0x60];
	v3 =	vsel vm1, $0x3000, v3  }
0x43: {  	[tilespmem:$0x240] =	vst v3;
	v3 =	vld [tilespmem:$0x150]  }
0x44: {  	v27 =	vld.idx.msk [tilespmem:v26+s6+$0x0], $0xffff;
	_ =	sdelay $0x4  }
0x45: {  	vm1 =	vgt.s32 v26, $0x7;
	v3 =	vadd.s32 v3, v27  }
0x46: {  	v30 =	vld [tilespmem:$0x70];
	v3 =	vsel vm1, $0x3000, v3  }
0x47: {  	[tilespmem:$0x250] =	vst v3;
	v3 =	vld [tilespmem:$0x160]  }
0x48: {  	v29 =	vld.idx.msk [tilespmem:v28+s6+$0x0], $0xffff;
	_ =	sdelay $0x4  }
0x49: {  	vm1 =	vgt.s32 v28, $0x7;
	v3 =	vadd.s32 v3, v29  }
0x4a: {  	v32 =	vld [tilespmem:$0x80];
	v3 =	vsel vm1, $0x3000, v3  }
0x4b: {  	[tilespmem:$0x260] =	vst v3;
	v3 =	vld [tilespmem:$0x170]  }
0x4c: {  	v31 =	vld.idx.msk [tilespmem:v30+s6+$0x0], $0xffff;
	_ =	sdelay $0x4  }
0x4d: {  	vm1 =	vgt.s32 v30, $0x7;
	v3 =	vadd.s32 v3, v31  }
0x4e: {  	v34 =	vld [tilespmem:$0x90];
	v3 =	vsel vm1, $0x3000, v3  }
0x4f: {  	[tilespmem:$0x270] =	vst v3;
	v3 =	vld [tilespmem:$0x180]  }
0x50: {  	v33 =	vld.idx.msk [tilespmem:v32+s6+$0x0], $0xffff;
	_ =	sdelay $0x4  }
0x51: {  	vm1 =	vgt.s32 v32, $0x7;
	v3 =	vadd.s32 v3, v33  }
0x52: {  	v36 =	vld [tilespmem:$0xA0];
	v3 =	vsel vm1, $0x3000, v3  }
0x53: {  	[tilespmem:$0x280] =	vst v3;
	v3 =	vld [tilespmem:$0x190]  }
0x54: {  	v35 =	vld.idx.msk [tilespmem:v34+s6+$0x0], $0xffff;
	_ =	sdelay $0x4  }
0x55: {  	vm1 =	vgt.s32 v34, $0x7;
	v3 =	vadd.s32 v3, v35  }
0x56: {  	v38 =	vld [tilespmem:$0xB0];
	v3 =	vsel vm1, $0x3000, v3  }
0x57: {  	[tilespmem:$0x290] =	vst v3;
	v3 =	vld [tilespmem:$0x1A0]  }
0x58: {  	v37 =	vld.idx.msk [tilespmem:v36+s6+$0x0], $0xffff;
	_ =	sdelay $0x4  }
0x59: {  	vm1 =	vgt.s32 v36, $0x7;
	v3 =	vadd.s32 v3, v37  }
0x5a: {  	v40 =	vld [tilespmem:$0xC0];
	v3 =	vsel vm1, $0x3000, v3  }
0x5b: {  	[tilespmem:$0x2A0] =	vst v3;
	v3 =	vld [tilespmem:$0x1B0]  }
0x5c: {  	v39 =	vld.idx.msk [tilespmem:v38+s6+$0x0], $0xffff;
	_ =	sdelay $0x4  }
0x5d: {  	vm1 =	vgt.s32 v38, $0x7;
	v3 =	vadd.s32 v3, v39  }
0x5e: {  	v42 =	vld [tilespmem:$0xD0];
	v3 =	vsel vm1, $0x3000, v3  }
0x5f: {  	[tilespmem:$0x2B0] =	vst v3;
	v3 =	vld [tilespmem:$0x1C0]  }
0x60: {  	v41 =	vld.idx.msk [tilespmem:v40+s6+$0x0], $0xffff;
	_ =	sdelay $0x4  }
0x61: {  	vm1 =	vgt.s32 v40, $0x7;
	v3 =	vadd.s32 v3, v41  }
0x62: {  	v44 =	vld [tilespmem:$0xE0];
	v3 =	vsel vm1, $0x3000, v3  }
0x63: {  	[tilespmem:$0x2C0] =	vst v3;
	v3 =	vld [tilespmem:$0x1D0]  }
0x64: {  	v43 =	vld.idx.msk [tilespmem:v42+s6+$0x0], $0xffff;
	_ =	sdelay $0x4  }
0x65: {  	vm1 =	vgt.s32 v42, $0x7;
	v3 =	vadd.s32 v3, v43  }
0x66: {  	v46 =	vld [tilespmem:$0xF0];
	v3 =	vsel vm1, $0x3000, v3  }
0x67: {  	[tilespmem:$0x2D0] =	vst v3;
	v3 =	vld [tilespmem:$0x1E0]  }
0x68: {  	v45 =	vld.idx.msk [tilespmem:v44+s6+$0x0], $0xffff;
	_ =	sdelay $0x4  }
0x69: {  	vm1 =	vgt.s32 v44, $0x7;
	v3 =	vadd.s32 v3, v45  }
0x6a: {  	v3 =	vsel vm1, $0x3000, v3  }
0x6b: {  	[tilespmem:$0x2E0] =	vst v3;
	v3 =	vld [tilespmem:$0x1F0]  }
0x6c: {  	v47 =	vld.idx.msk [tilespmem:v46+s6+$0x0], $0xffff;
	_ =	sdelay $0x4  }
0x6d: {  	vm1 =	vgt.s32 v46, $0x7;
	v3 =	vadd.s32 v3, v47  }
0x6e: {  	v3 =	vsel vm1, $0x3000, v3  }
0x6f: {  	[tilespmem:$0x2F0] =	vst v3  }
0x70: {  	_ =	swait.ge [sflag:s8], $0x10000  }
0x71: {  	s9 =	rddreg [dreg:$0x7];
	[sflag:s8] =	ssyncset.done $0x0  }
0x72: {  	s10 =	rddreg [dreg:$0x9];
	[sflag:s8] =	ssyncadd.s32 $0xFFFF0000  }
0x73: {  	[hbm4b:s9+s2] =	stream.linear.scatter [tilespmem:s10], [sflag:$0x3], $0x100, $0x38;
	[tilespmem:$0x10380] =	vst v63  }
0x74: {  	v3 =	vld [tilespmem:$0x200];
	_ =	sdelay $0x4  }
0x75: {  	v48 =	vshll.u32 v3, $0x1  }
0x76: {  	v3 =	vand.u32 $0x7, v3;
	v4 =	vand.u32 $0xFFFFFFF0, v48  }
0x77: {  	v3 =	vor.u32 v3, v4  }
0x78: {  	v4 =	vperm.xlane v3, v0;
	_ =	sdelay $0x1  }
0x79: {  	v3 =	vperm.xlane v3, v2;
	v4 =	vadd.s32 v1, v4;
	_ =	sdelay $0x1  }
0x7a: {  	v3 =	vadd.s32 v1, v3;
	_ =	sdelay $0x2  }
0x7b: {  	[hbm4b:s3+s2] =	stream.indirect_vreg.scatter [tilespmem:s5], [sflag:$0x3], $0x80, v4, vm0, $0xb8;
	[tilespmem:$0x10380] =	vst v63  }
0x7c: {  	s10 =	rddreg [dreg:$0xa]  }
0x7d: {  	[hbm4b:s3+s2] =	stream.indirect_vreg.scatter [tilespmem:s10], [sflag:$0x3], $0x80, v3, vm0, $0xb8;
	[tilespmem:$0x10380] =	vst v63  }
0x7e: {  	v3 =	vld [tilespmem:$0x210];
	_ =	sdelay $0x4  }
0x7f: {  	v49 =	vshll.u32 v3, $0x1  }
0x80: {  	v3 =	vand.u32 $0x7, v3;
	v4 =	vand.u32 $0xFFFFFFF0, v49  }
0x81: {  	v3 =	vor.u32 v3, v4  }
0x82: {  	v4 =	vperm.xlane v3, v0;
	_ =	sdelay $0x1  }
0x83: {  	v3 =	vperm.xlane v3, v2;
	v4 =	vadd.s32 v1, v4;
	_ =	sdelay $0x1  }
0x84: {  	v3 =	vadd.s32 v1, v3;
	_ =	sdelay $0x1  }
0x85: {  	s9 =	rddreg [dreg:$0xb]  }
0x86: {  	[hbm4b:s3+s2] =	stream.indirect_vreg.scatter [tilespmem:s9], [sflag:$0x3], $0x80, v4, vm0, $0xb8;
	[tilespmem:$0x10380] =	vst v63  }
0x87: {  	s10 =	rddreg [dreg:$0xc]  }
0x88: {  	[hbm4b:s3+s2] =	stream.indirect_vreg.scatter [tilespmem:s10], [sflag:$0x3], $0x80, v3, vm0, $0xb8;
	[tilespmem:$0x10380] =	vst v63  }
0x89: {  	v3 =	vld [tilespmem:$0x220];
	_ =	sdelay $0x4  }
0x8a: {  	v50 =	vshll.u32 v3, $0x1  }
0x8b: {  	v3 =	vand.u32 $0x7, v3;
	v4 =	vand.u32 $0xFFFFFFF0, v50  }
0x8c: {  	v3 =	vor.u32 v3, v4  }
0x8d: {  	v4 =	vperm.xlane v3, v0;
	_ =	sdelay $0x1  }
0x8e: {  	v3 =	vperm.xlane v3, v2;
	v4 =	vadd.s32 v1, v4;
	_ =	sdelay $0x1  }
0x8f: {  	v3 =	vadd.s32 v1, v3;
	_ =	sdelay $0x1  }
0x90: {  	s9 =	rddreg [dreg:$0xd]  }
0x91: {  	[hbm4b:s3+s2] =	stream.indirect_vreg.scatter [tilespmem:s9], [sflag:$0x3], $0x80, v4, vm0, $0xb8;
	[tilespmem:$0x10380] =	vst v63  }
0x92: {  	s10 =	rddreg [dreg:$0xe]  }
0x93: {  	[hbm4b:s3+s2] =	stream.indirect_vreg.scatter [tilespmem:s10], [sflag:$0x3], $0x80, v3, vm0, $0xb8;
	[tilespmem:$0x10380] =	vst v63  }
0x94: {  	v3 =	vld [tilespmem:$0x230];
	_ =	sdelay $0x4  }
0x95: {  	v51 =	vshll.u32 v3, $0x1  }
0x96: {  	v3 =	vand.u32 $0x7, v3;
	v4 =	vand.u32 $0xFFFFFFF0, v51  }
0x97: {  	v3 =	vor.u32 v3, v4  }
0x98: {  	v4 =	vperm.xlane v3, v0;
	_ =	sdelay $0x1  }
0x99: {  	v3 =	vperm.xlane v3, v2;
	v4 =	vadd.s32 v1, v4;
	_ =	sdelay $0x1  }
0x9a: {  	v3 =	vadd.s32 v1, v3;
	_ =	sdelay $0x1  }
0x9b: {  	s9 =	rddreg [dreg:$0xf]  }
0x9c: {  	[hbm4b:s3+s2] =	stream.indirect_vreg.scatter [tilespmem:s9], [sflag:$0x3], $0x80, v4, vm0, $0xb8;
	[tilespmem:$0x10380] =	vst v63  }
0x9d: {  	s10 =	rddreg [dreg:$0x10]  }
0x9e: {  	[hbm4b:s3+s2] =	stream.indirect_vreg.scatter [tilespmem:s10], [sflag:$0x3], $0x80, v3, vm0, $0xb8;
	[tilespmem:$0x10380] =	vst v63  }
0x9f: {  	v3 =	vld [tilespmem:$0x240];
	_ =	sdelay $0x4  }
0xa0: {  	v52 =	vshll.u32 v3, $0x1  }
0xa1: {  	v3 =	vand.u32 $0x7, v3;
	v4 =	vand.u32 $0xFFFFFFF0, v52  }
0xa2: {  	v3 =	vor.u32 v3, v4  }
0xa3: {  	v4 =	vperm.xlane v3, v0;
	_ =	sdelay $0x1  }
0xa4: {  	v3 =	vperm.xlane v3, v2;
	v4 =	vadd.s32 v1, v4;
	_ =	sdelay $0x1  }
0xa5: {  	v3 =	vadd.s32 v1, v3;
	_ =	sdelay $0x1  }
0xa6: {  	s9 =	rddreg [dreg:$0x11]  }
0xa7: {  	[hbm4b:s3+s2] =	stream.indirect_vreg.scatter [tilespmem:s9], [sflag:$0x3], $0x80, v4, vm0, $0xb8;
	[tilespmem:$0x10380] =	vst v63  }
0xa8: {  	s10 =	rddreg [dreg:$0x12]  }
0xa9: {  	[hbm4b:s3+s2] =	stream.indirect_vreg.scatter [tilespmem:s10], [sflag:$0x3], $0x80, v3, vm0, $0xb8;
	[tilespmem:$0x10380] =	vst v63  }
0xaa: {  	v3 =	vld [tilespmem:$0x250];
	_ =	sdelay $0x4  }
0xab: {  	v53 =	vshll.u32 v3, $0x1  }
0xac: {  	v3 =	vand.u32 $0x7, v3;
	v4 =	vand.u32 $0xFFFFFFF0, v53  }
0xad: {  	v3 =	vor.u32 v3, v4  }
0xae: {  	v4 =	vperm.xlane v3, v0;
	_ =	sdelay $0x1  }
0xaf: {  	v3 =	vperm.xlane v3, v2;
	v4 =	vadd.s32 v1, v4;
	_ =	sdelay $0x1  }
0xb0: {  	v3 =	vadd.s32 v1, v3;
	_ =	sdelay $0x1  }
0xb1: {  	s9 =	simm.s32 $0x5380  }
0xb2: {  	[hbm4b:s3+s2] =	stream.indirect_vreg.scatter [tilespmem:s9], [sflag:$0x3], $0x80, v4, vm0, $0xb8;
	[tilespmem:$0x10380] =	vst v63  }
0xb3: {  	s10 =	simm.s32 $0x5B80  }
0xb4: {  	[hbm4b:s3+s2] =	stream.indirect_vreg.scatter [tilespmem:s10], [sflag:$0x3], $0x80, v3, vm0, $0xb8;
	[tilespmem:$0x10380] =	vst v63  }
0xb5: {  	v3 =	vld [tilespmem:$0x260];
	_ =	sdelay $0x4  }
0xb6: {  	v54 =	vshll.u32 v3, $0x1  }
0xb7: {  	v3 =	vand.u32 $0x7, v3;
	v4 =	vand.u32 $0xFFFFFFF0, v54  }
0xb8: {  	v3 =	vor.u32 v3, v4  }
0xb9: {  	v4 =	vperm.xlane v3, v0;
	_ =	sdelay $0x1  }
0xba: {  	v3 =	vperm.xlane v3, v2;
	v4 =	vadd.s32 v1, v4;
	_ =	sdelay $0x1  }
0xbb: {  	v3 =	vadd.s32 v1, v3;
	_ =	sdelay $0x2  }
0xbc: {  	[hbm4b:s3+s2] =	stream.indirect_vreg.scatter [tilespmem:s11], [sflag:$0x3], $0x80, v4, vm0, $0xb8;
	[tilespmem:$0x10380] =	vst v63  }
0xbd: {  	_ = 	snop  }
0xbe: {  	[hbm4b:s3+s2] =	stream.indirect_vreg.scatter [tilespmem:s12], [sflag:$0x3], $0x80, v3, vm0, $0xb8;
	[tilespmem:$0x10380] =	vst v63  }
0xbf: {  	v3 =	vld [tilespmem:$0x270];
	_ =	sdelay $0x4  }
0xc0: {  	v55 =	vshll.u32 v3, $0x1  }
0xc1: {  	v3 =	vand.u32 $0x7, v3;
	v4 =	vand.u32 $0xFFFFFFF0, v55  }
0xc2: {  	v3 =	vor.u32 v3, v4  }
0xc3: {  	v4 =	vperm.xlane v3, v0;
	_ =	sdelay $0x1  }
0xc4: {  	v3 =	vperm.xlane v3, v2;
	v4 =	vadd.s32 v1, v4;
	_ =	sdelay $0x1  }
0xc5: {  	v3 =	vadd.s32 v1, v3;
	_ =	sdelay $0x2  }
0xc6: {  	[hbm4b:s3+s2] =	stream.indirect_vreg.scatter [tilespmem:s13], [sflag:$0x3], $0x80, v4, vm0, $0xb8;
	[tilespmem:$0x10380] =	vst v63  }
0xc7: {  	_ = 	snop  }
0xc8: {  	[hbm4b:s3+s2] =	stream.indirect_vreg.scatter [tilespmem:s14], [sflag:$0x3], $0x80, v3, vm0, $0xb8;
	[tilespmem:$0x10380] =	vst v63  }
0xc9: {  	v3 =	vld [tilespmem:$0x280];
	_ =	sdelay $0x4  }
0xca: {  	v56 =	vshll.u32 v3, $0x1  }
0xcb: {  	v3 =	vand.u32 $0x7, v3;
	v4 =	vand.u32 $0xFFFFFFF0, v56  }
0xcc: {  	v3 =	vor.u32 v3, v4  }
0xcd: {  	v4 =	vperm.xlane v3, v0;
	_ =	sdelay $0x1  }
0xce: {  	v3 =	vperm.xlane v3, v2;
	v4 =	vadd.s32 v1, v4;
	_ =	sdelay $0x1  }
0xcf: {  	v3 =	vadd.s32 v1, v3;
	_ =	sdelay $0x2  }
0xd0: {  	[hbm4b:s3+s2] =	stream.indirect_vreg.scatter [tilespmem:s15], [sflag:$0x3], $0x80, v4, vm0, $0xb8;
	[tilespmem:$0x10380] =	vst v63  }
0xd1: {  	_ = 	snop  }
0xd2: {  	[hbm4b:s3+s2] =	stream.indirect_vreg.scatter [tilespmem:s16], [sflag:$0x3], $0x80, v3, vm0, $0xb8;
	[tilespmem:$0x10380] =	vst v63  }
0xd3: {  	v3 =	vld [tilespmem:$0x290];
	_ =	sdelay $0x4  }
0xd4: {  	v57 =	vshll.u32 v3, $0x1  }
0xd5: {  	v3 =	vand.u32 $0x7, v3;
	v4 =	vand.u32 $0xFFFFFFF0, v57  }
0xd6: {  	v3 =	vor.u32 v3, v4  }
0xd7: {  	v4 =	vperm.xlane v3, v0;
	_ =	sdelay $0x1  }
0xd8: {  	v3 =	vperm.xlane v3, v2;
	v4 =	vadd.s32 v1, v4;
	_ =	sdelay $0x1  }
0xd9: {  	v3 =	vadd.s32 v1, v3;
	_ =	sdelay $0x2  }
0xda: {  	[hbm4b:s3+s2] =	stream.indirect_vreg.scatter [tilespmem:s17], [sflag:$0x3], $0x80, v4, vm0, $0xb8;
	[tilespmem:$0x10380] =	vst v63  }
0xdb: {  	_ = 	snop  }
0xdc: {  	[hbm4b:s3+s2] =	stream.indirect_vreg.scatter [tilespmem:s18], [sflag:$0x3], $0x80, v3, vm0, $0xb8;
	[tilespmem:$0x10380] =	vst v63  }
0xdd: {  	v3 =	vld [tilespmem:$0x2A0];
	_ =	sdelay $0x4  }
0xde: {  	v58 =	vshll.u32 v3, $0x1  }
0xdf: {  	v3 =	vand.u32 $0x7, v3;
	v4 =	vand.u32 $0xFFFFFFF0, v58  }
0xe0: {  	v3 =	vor.u32 v3, v4  }
0xe1: {  	v4 =	vperm.xlane v3, v0;
	_ =	sdelay $0x1  }
0xe2: {  	v3 =	vperm.xlane v3, v2;
	v4 =	vadd.s32 v1, v4;
	_ =	sdelay $0x1  }
0xe3: {  	v3 =	vadd.s32 v1, v3;
	_ =	sdelay $0x2  }
0xe4: {  	[hbm4b:s3+s2] =	stream.indirect_vreg.scatter [tilespmem:s19], [sflag:$0x3], $0x80, v4, vm0, $0xb8;
	[tilespmem:$0x10380] =	vst v63  }
0xe5: {  	_ = 	snop  }
0xe6: {  	[hbm4b:s3+s2] =	stream.indirect_vreg.scatter [tilespmem:s20], [sflag:$0x3], $0x80, v3, vm0, $0xb8;
	[tilespmem:$0x10380] =	vst v63  }
0xe7: {  	v3 =	vld [tilespmem:$0x2B0];
	_ =	sdelay $0x4  }
0xe8: {  	v59 =	vshll.u32 v3, $0x1  }
0xe9: {  	v3 =	vand.u32 $0x7, v3;
	v4 =	vand.u32 $0xFFFFFFF0, v59  }
0xea: {  	v3 =	vor.u32 v3, v4  }
0xeb: {  	v4 =	vperm.xlane v3, v0;
	_ =	sdelay $0x1  }
0xec: {  	v3 =	vperm.xlane v3, v2;
	v4 =	vadd.s32 v1, v4;
	_ =	sdelay $0x1  }
0xed: {  	v3 =	vadd.s32 v1, v3;
	_ =	sdelay $0x2  }
0xee: {  	[hbm4b:s3+s2] =	stream.indirect_vreg.scatter [tilespmem:s21], [sflag:$0x3], $0x80, v4, vm0, $0xb8;
	[tilespmem:$0x10380] =	vst v63  }
0xef: {  	_ = 	snop  }
0xf0: {  	[hbm4b:s3+s2] =	stream.indirect_vreg.scatter [tilespmem:s22], [sflag:$0x3], $0x80, v3, vm0, $0xb8;
	[tilespmem:$0x10380] =	vst v63  }
0xf1: {  	v3 =	vld [tilespmem:$0x2C0];
	_ =	sdelay $0x4  }
0xf2: {  	v60 =	vshll.u32 v3, $0x1  }
0xf3: {  	v3 =	vand.u32 $0x7, v3;
	v4 =	vand.u32 $0xFFFFFFF0, v60  }
0xf4: {  	v3 =	vor.u32 v3, v4  }
0xf5: {  	v4 =	vperm.xlane v3, v0;
	_ =	sdelay $0x1  }
0xf6: {  	v3 =	vperm.xlane v3, v2;
	v4 =	vadd.s32 v1, v4;
	_ =	sdelay $0x1  }
0xf7: {  	v3 =	vadd.s32 v1, v3;
	_ =	sdelay $0x2  }
0xf8: {  	[hbm4b:s3+s2] =	stream.indirect_vreg.scatter [tilespmem:s23], [sflag:$0x3], $0x80, v4, vm0, $0xb8;
	[tilespmem:$0x10380] =	vst v63  }
0xf9: {  	_ = 	snop  }
0xfa: {  	[hbm4b:s3+s2] =	stream.indirect_vreg.scatter [tilespmem:s24], [sflag:$0x3], $0x80, v3, vm0, $0xb8;
	[tilespmem:$0x10380] =	vst v63  }
0xfb: {  	v3 =	vld [tilespmem:$0x2D0];
	_ =	sdelay $0x4  }
0xfc: {  	v61 =	vshll.u32 v3, $0x1  }
0xfd: {  	v3 =	vand.u32 $0x7, v3;
	v4 =	vand.u32 $0xFFFFFFF0, v61  }
0xfe: {  	v3 =	vor.u32 v3, v4  }
0xff: {  	v4 =	vperm.xlane v3, v0;
	_ =	sdelay $0x1  }
0x100: {  	v3 =	vperm.xlane v3, v2;
	v4 =	vadd.s32 v1, v4;
	_ =	sdelay $0x1  }
0x101: {  	v3 =	vadd.s32 v1, v3;
	_ =	sdelay $0x2  }
0x102: {  	[hbm4b:s3+s2] =	stream.indirect_vreg.scatter [tilespmem:s25], [sflag:$0x3], $0x80, v4, vm0, $0xb8;
	[tilespmem:$0x10380] =	vst v63  }
0x103: {  	_ = 	snop  }
0x104: {  	[hbm4b:s3+s2] =	stream.indirect_vreg.scatter [tilespmem:s26], [sflag:$0x3], $0x80, v3, vm0, $0xb8;
	[tilespmem:$0x10380] =	vst v63  }
0x105: {  	v3 =	vld [tilespmem:$0x2E0];
	_ =	sdelay $0x4  }
0x106: {  	v62 =	vshll.u32 v3, $0x1  }
0x107: {  	v3 =	vand.u32 $0x7, v3;
	v4 =	vand.u32 $0xFFFFFFF0, v62  }
0x108: {  	v3 =	vor.u32 v3, v4  }
0x109: {  	v4 =	vperm.xlane v3, v0;
	_ =	sdelay $0x1  }
0x10a: {  	v3 =	vperm.xlane v3, v2;
	v4 =	vadd.s32 v1, v4;
	_ =	sdelay $0x1  }
0x10b: {  	v3 =	vadd.s32 v1, v3;
	_ =	sdelay $0x2  }
0x10c: {  	[hbm4b:s3+s2] =	stream.indirect_vreg.scatter [tilespmem:s28], [sflag:$0x3], $0x80, v4, vm0, $0xb8;
	[tilespmem:$0x10380] =	vst v63  }
0x10d: {  	_ = 	snop  }
0x10e: {  	[hbm4b:s3+s2] =	stream.indirect_vreg.scatter [tilespmem:s29], [sflag:$0x3], $0x80, v3, vm0, $0xb8;
	[tilespmem:$0x10380] =	vst v63  }
0x10f: {  	v3 =	vld [tilespmem:$0x2F0];
	_ =	sdelay $0x4  }
0x110: {  	v63 =	vshll.u32 v3, $0x1  }
0x111: {  	v3 =	vand.u32 $0x7, v3;
	v4 =	vand.u32 $0xFFFFFFF0, v63  }
0x112: {  	v3 =	vor.u32 v3, v4  }
0x113: {  	v4 =	vperm.xlane v3, v0;
	_ =	sdelay $0x1  }
0x114: {  	v3 =	vperm.xlane v3, v2;
	v4 =	vadd.s32 v1, v4;
	_ =	sdelay $0x1  }
0x115: {  	v3 =	vadd.s32 v1, v3;
	_ =	sdelay $0x2  }
0x116: {  	[hbm4b:s3+s2] =	stream.indirect_vreg.scatter [tilespmem:s30], [sflag:$0x3], $0x80, v4, vm0, $0xb8;
	[tilespmem:$0x10380] =	vst v63  }
0x117: {  	_ = 	snop  }
0x118: {  	[hbm4b:s3+s2] =	stream.indirect_vreg.scatter [tilespmem:s31], [sflag:$0x3], $0x80, v3, vm0, $0xb8;
	[tilespmem:$0x10380] =	vst v63  }
0x119: {  	_ =	swait.ge [sflag:s1], $0x100  }
0x11a: {  	[sflag:s1] =	ssyncset.done $0x0  }
0x11b: {  	[sflag:s1] =	ssyncadd.s32 $0xFFFFFF00  }
0x11c: {  	p0 =	sne.s32 s4, $0x1;
	_ =	swait.ge [sflag:s1], $0x8000  }
.Ltmp0:
0x11d: {  	[sflag:s1] =	ssyncset.done $0x0;
	(pc) =	sbr.rel @p0 .LBB2_1-.Ltmp0, $4  }
0x11e: {  	[sflag:s1] =	ssyncadd.s32 $0xFFFF8000  }
0x11f: {  	_ =	swait.ge [sflag:s1], $0x8000  }
0x120: {  	[sflag:s1] =	ssyncset.done $0x0  }
0x121: {  	s4 =	sadd.s32 $0xFFFFFFFF, s4;
	[sflag:s1] =	ssyncadd.s32 $0xFFFF8000  }
0x122: {  	_ =	sfence.sel $0x180000  }
0x123: {  	[bflag:$0x0] =	sbarrier.arrive $0xFFFF  }
0x124: {  	_ =	strace $0x90000047  }
0x125: {  	s0 =	stileid.u32;
	[bflag:$0x2] =	sbarrier.arrive $0xFFFF  }
0x126: {  	p0 =	sne.s32 s0, $0x0;
	s0 =	rddreg [dreg:$0x2]  }
0x127: {  	s0 =	sadd.s32 @!p0 $0x100000, s0  }
0x128: {  	[sflag:s0] =	ssyncadd.tile.s32 @!p0 $0x1;
	_ =	shalt  }
.Lfunc_end2:
_tile_overlayer_lowered:
.L_overlay_start_2:
0x129: {  	(tag) =	ssettag $0x2  }
0x12a: {  	s0 =	rddreg [dreg:$0x0];
	s2 =	stileid.u32  }
0x12b: {  	s1 =	rddreg [dreg:$0x1];
	p0 =	sne.s32 s2, $0x0  }
0x12c: {  	s3 =	rddreg [dreg:$0x2];
	[bflag:$0x3] =	sbarrier.arrive $0xFFFF;
	s2 =	simm.s32 @!p0 $0x1C04  }
0x12d: {  	[timem:s3], [sflag:s2] =	dma.local @!p0 [hbm:s0], s1  }
0x12e: {  	s0 =	simm.s32 @!p0 $0x4  }
0x12f: {  	_ =	swait.ge @!p0 [sflag:s0], s1  }
0x130: {  	s1 =	ssub.s32 @!p0 $0x0, s1;
	[sflag:s0] =	ssyncset.done @!p0 $0x0  }
0x131: {  	[sflag:s0] =	ssyncadd.s32 @!p0 s1  }
0x132: {  	[bflag:$0x3] =	sbarrier.arrive $0xFFFF  }
0x133: {  	_ =	shalt  }

// kernel: kernel.14.cloned.1.call-start
scs
__scs_entry_jumppad:
0x0: {  	(pc) =	sbr.rel $0x88, $3  }
0x1: {  	(tag) =	ssettag $0x0;
	lr =	simm.s32 $0x1  }
0x2: {  	[smem:$0x3F8F] =	sst lr;
	_ =	strace $0xD0000000  }
0x3: {  	_ = 	snop  }
0x4: {  	_ = 	snop  }
0x5: {  	_ = 	snop  }
0x6: {  	_ = 	snop  }
0x7: {  	_ = 	snop  }
__scs_overlays_trampoline_lowered:
0x8: {  	[smem:$0x3F9E] =	sst s0  }
0x9: {  	[smem:$0x3F9F] =	sst s1  }
0xa: {  	[smem:$0x3FA0] =	sst s2  }
0xb: {  	[smem:$0x3FA1] =	sst s3  }
0xc: {  	[smem:$0x3FA2] =	sst s4  }
0xd: {  	[smem:$0x3FA3] =	sst s5  }
0xe: {  	[smem:$0x3FA4] =	sst s6  }
0xf: {  	[smem:$0x3FA5] =	sst s7  }
0x10: {  	[smem:$0x3FA6] =	sst s8  }
0x11: {  	[smem:$0x3FA7] =	sst s9;
	s0 =	simm.s32 @!p0 $0x0  }
0x12: {  	s1 =	sld [smem:$0x3F8D];
	s0 =	simm.s32 @p0 $0x1  }
0x13: {  	[smem:$0x3FA8] =	sst s0;
	s0 =	simm.s32 @!p1 $0x0  }
0x14: {  	s2 =	sld [smem:$0x3F8C];
	s0 =	simm.s32 @p1 $0x1  }
0x15: {  	[smem:$0x3FA9] =	sst s0;
	s0 =	simm.s32 @!p2 $0x0  }
0x16: {  	s3 =	sld [smem:$0x3FDB];
	s0 =	simm.s32 @p2 $0x1  }
0x17: {  	s4 =	simm.s32 $0x1BF5;
	[smem:$0x3FAB] =	sst s0  }
0x18: {  	s0 =	sld [smem:$0x3F8E];
	_ =	swait.ge [sflag:s4], $0x0  }
0x19: {  	s7 =	sld [smem:$0x3F8F]  }
0x1a: {  	s8 =	sadd.s32 $0xFFFFE003, lr  }
0x1b: {  	s9 =	sadd.s32 $0xFFFFFEF7, lr;
	s5 =	simm.s32 $0xFFFFFFFF;
	p2 =	slt.u32 s8, $0xFFFFF086  }
0x1c: {  	p1 =	slt.u32 s9, $0xF7A;
	s5 =	simm.s32 @!p2 $0x0  }
0x1d: {  	s5 =	simm.s32 @p1 $0x1;
	p0 =	seq.s32 s7, s2  }
0x1e: {  	s7 =	smul.u32 @!p0 $0xF7A, s2;
	p2 =	seq.s32 @!p0 s5, $0x0  }
0x1f: {  	s9 =	smul.u32 $0xF7A, s1;
	s8 =	simm.s32 @!p0 $0x1BF5;
	p2 =	por !p2, p0  }
0x20: {  	[sflag:s8] =	ssyncset.s32 @!p0 $0xFFFFF086;
	s6 =	sadd.s32 @!p0 s3, s7;
	s7 =	simm.s32 @!p0 $0x108  }
0x21: {  	s3 =	sadd.s32 s3, s9;
	s6 =	sadd.s32 @!p0 $0x88, s6;
	s7 =	simm.s32 @p2 $0x1082  }
0x22: {  	[simem:s7], [sflag:s8] =	dma.local @!p0 [hbm:s6], $0xF7A  }
0x23: {  	s9 =	sor.u32 $0xD0000000, s2;
	s6 =	simm.s32 $0x108;
	_ =	swait.ge @!p0 [sflag:s8], $0x0  }
0x24: {  	s3 =	sadd.s32 $0x88, s3;
	s6 =	simm.s32 @!p1 $0x1082;
	[sflag:s4] =	ssyncset.s32 $0xFFFFF086  }
0x25: {  	[simem:s6], [sflag:s4] =	dma.local [hbm:s3], $0xF7A  }
0x26: {  	[smem:$0x3F8F] =	sst s1;
	(tag) =	ssettag s2;
	_ =	strace s9  }
0x27: {  	s1 =	sld [smem:$0x3F9F]  }
0x28: {  	s2 =	sld [smem:$0x3FA0]  }
0x29: {  	s4 =	sld [smem:$0x3FA2]  }
0x2a: {  	p0 =	seq.s32 s5, $0x0;
	s5 =	sld [smem:$0x3FA3]  }
0x2b: {  	s6 =	sld [smem:$0x3FA4]  }
0x2c: {  	s7 =	sld [smem:$0x3FA5]  }
0x2d: {  	s3 =	simm.s32 $0x108;
	s8 =	sld [smem:$0x3FA6]  }
0x2e: {  	s3 =	simm.s32 @!p0 $0x1082;
	s9 =	sld [smem:$0x3FA7]  }
0x2f: {  	lr =	sadd.s32 s0, s3;
	s0 =	sld [smem:$0x3F9E]  }
0x30: {  	s3 =	sld [smem:$0x3FA1]  }
0x31: {  	[smem:$0x3FAA] =	sst s10  }
0x32: {  	s10 =	sld [smem:$0x3FA8];
	_ =	sdelay $0x3  }
0x33: {  	p0 =	seq.s32 s10, $0x1;
	s10 =	sld [smem:$0x3FAA];
	_ =	sdelay $0x3  }
0x34: {  	[smem:$0x3FAA] =	sst s10  }
0x35: {  	s10 =	sld [smem:$0x3FA9];
	_ =	sdelay $0x3  }
0x36: {  	p1 =	seq.s32 s10, $0x1;
	s10 =	sld [smem:$0x3FAA];
	_ =	sdelay $0x3  }
0x37: {  	[smem:$0x3FAA] =	sst s10  }
0x38: {  	s10 =	sld [smem:$0x3FAB]  }
0x39: {  	_ = 	snop;
	(pc) =	sbr.ind lr, $3  }
0x3a: {  	_ = 	snop  }
0x3b: {  	_ = 	snop  }
0x3c: {  	p2 =	seq.s32 s10, $0x1;
	s10 =	sld [smem:$0x3FAA]  }
0x3d: {  	_ =	shalt  }
0x3e: {  	_ =	shalt  }
0x3f: {  	_ =	shalt  }
0x40: {  	_ =	shalt  }
0x41: {  	_ =	shalt  }
0x42: {  	_ =	shalt  }
0x43: {  	_ =	shalt  }
0x44: {  	_ =	shalt  }
0x45: {  	_ =	shalt  }
0x46: {  	_ =	shalt  }
0x47: {  	_ =	shalt  }
0x48: {  	_ =	shalt  }
0x49: {  	_ =	shalt  }
0x4a: {  	_ =	shalt  }
0x4b: {  	_ =	shalt  }
0x4c: {  	_ =	shalt  }
0x4d: {  	_ =	shalt  }
0x4e: {  	_ =	shalt  }
0x4f: {  	_ =	shalt  }
0x50: {  	_ =	shalt  }
0x51: {  	_ =	shalt  }
0x52: {  	_ =	shalt  }
0x53: {  	_ =	shalt  }
0x54: {  	_ =	shalt  }
0x55: {  	_ =	shalt  }
0x56: {  	_ =	shalt  }
0x57: {  	_ =	shalt  }
0x58: {  	_ =	shalt  }
0x59: {  	_ =	shalt  }
0x5a: {  	_ =	shalt  }
0x5b: {  	_ =	shalt  }
0x5c: {  	_ =	shalt  }
0x5d: {  	_ =	shalt  }
0x5e: {  	_ =	shalt  }
0x5f: {  	_ =	shalt  }
0x60: {  	_ =	shalt  }
0x61: {  	_ =	shalt  }
0x62: {  	_ =	shalt  }
0x63: {  	_ =	shalt  }
0x64: {  	_ =	shalt  }
0x65: {  	_ =	shalt  }
0x66: {  	_ =	shalt  }
0x67: {  	_ =	shalt  }
0x68: {  	_ =	shalt  }
0x69: {  	_ =	shalt  }
0x6a: {  	_ =	shalt  }
0x6b: {  	_ =	shalt  }
0x6c: {  	_ =	shalt  }
0x6d: {  	_ =	shalt  }
0x6e: {  	_ =	shalt  }
0x6f: {  	_ =	shalt  }
0x70: {  	_ =	shalt  }
0x71: {  	_ =	shalt  }
0x72: {  	_ =	shalt  }
0x73: {  	_ =	shalt  }
0x74: {  	_ =	shalt  }
0x75: {  	_ =	shalt  }
0x76: {  	_ =	shalt  }
0x77: {  	_ =	shalt  }
0x78: {  	_ =	shalt  }
0x79: {  	_ =	shalt  }
0x7a: {  	_ =	shalt  }
0x7b: {  	_ =	shalt  }
0x7c: {  	_ =	shalt  }
0x7d: {  	_ =	shalt  }
0x7e: {  	_ =	shalt  }
0x7f: {  	_ =	shalt  }
0x80: {  	_ =	shalt  }
0x81: {  	_ =	shalt  }
0x82: {  	_ =	shalt  }
0x83: {  	_ =	shalt  }
0x84: {  	_ =	shalt  }
0x85: {  	_ =	shalt  }
0x86: {  	_ =	shalt  }
0x87: {  	_ =	shalt  }
.Lfunc_end0:
.L_simem_size_0:
called_computation.1_lowered:
.L_overlay_start_0:
0x88: {  	s2 =	sld [smem:$0x3FD9]  }
0x89: {  	s3 =	sld [smem:$0x3FFE];
	_ =	sdelay $0x1  }
0x8a: {  	s1 =	srdreg.scid  }
0x8b: {  	s0 =	sand.u32 $0x1, s1  }
0x8c: {  	s16 =	sshll.u32 s0, $0xA;
	s2 =	sadd.s32 s3, s2  }
0x8d: {  	s2 =	sadd.s32 s2, s16  }
0x8e: {  	[smem:$0x3FB6] =	sst s2  }
0x8f: {  	_ = 	snop  }
0x90: {  	(tm) =	ssettm $0x1  }
0x91: {  	s17 =	sld [smem:$0x3FFB];
	_ =	sdelay $0x3  }
0x92: {  	_ =	strace s17  }
0x93: {  	s2 =	sld [smem:$0x3FFC];
	_ =	sdelay $0x3  }
0x94: {  	_ =	strace s2  }
0x95: {  	s2 =	sld [smem:$0x3FFD];
	_ =	sdelay $0x3  }
0x96: {  	_ =	strace s2  }
0x97: {  	_ =	strace $0x8FFFFFFF  }
0x98: {  	s18 =	sld [smem:$0x3FDB];
	_ =	sdelay $0x1  }
0x99: {  	s19 =	simm.s32 $_scs_section_size  }
0x9a: {  	s4 =	simm.s32 $_size__tile_overlayer_lowered;
	s5 =	simm.s32 $_tile_overlayer_lowered  }
0x9b: {  	s22 =	simm.s32 $0x1BFF;
	s21 =	sshll.u32 s5, $0x1;
	s2 =	sadd.s32 s19, s18  }
0x9c: {  	s6 =	simm.s32 $0x0;
	s20 =	sshll.u32 s4, $0x1;
	s4 =	sadd.s32 s21, s2  }
0x9d: {  	[timem:s6], [sflag:s22] =	dma.local [hbm:s4], s20  }
0x9e: {  	_ =	swait.ge [sflag:s22], s20  }
0x9f: {  	s3 =	ssub.s32 $0x0, s20;
	[sflag:s22] =	ssyncset.done $0x0  }
0xa0: {  	[sflag:s22] =	ssyncadd.s32 s3;
	_ =	sdelay $0x1  }
0xa1: {  	s23 =	simm.s32 $0x1B8B  }
0xa2: {  	_ =	swait.ge [sflag:s23], $0x1  }
0xa3: {  	[sflag:s23] =	ssyncset.done $0x0  }
0xa4: {  	s25 =	simm.s32 $0x1B8E;
	s24 =	sld [smem:$0x3FFE];
	[sflag:s23] =	ssyncadd.s32 $0xFFFFFFFF  }
0xa5: {  	s26 =	simm.s32 $execute0_lowered;
	[smem:$0x3FD2] =	sst s25  }
0xa6: {  	s4 =	sshll.u32 s26, $0x1;
	_ =	strace $0x80000049;
	[dreg:$0x1] =	wrdreg $0xFFFFFFFF  }
0xa7: {  	s28 =	simm.s32 $_size_execute0_lowered;
	s2 =	sadd.s32 s2, s4;
	[dreg:$0x0] =	wrdreg $0x0  }
0xa8: {  	s4 =	sshll.u32 s28, $0x1;
	[dreg:$0x2] =	wrdreg s2  }
0xa9: {  	[dreg:$0x3] =	wrdreg s4  }
0xaa: {  	[dreg:$0x4] =	wrdreg $0xC0  }
0xab: {  	_ =	task [dreg:s6], $0x5FFFF  }
0xac: {  	[dreg:$0x1] =	wrdreg $0xFFFFFFFF  }
0xad: {  	[dreg:$0x0] =	wrdreg $0x60  }
0xae: {  	[dreg:$0x2] =	wrdreg s24  }
0xaf: {  	[dreg:$0x3] =	wrdreg $0x9  }
0xb0: {  	_ =	task.clear_ibuf [dreg:s6], $0x4FFFF;
	_ =	strace $0x90000049  }
0xb1: {  	s29 =	simm.s32 $0x9;
	_ =	strace $0x8000004B  }
0xb2: {  	_ =	swait.ge [sflag:s29], $0x1  }
0xb3: {  	[sflag:s29] =	ssyncadd.s32 $0xFFFFFFFF  }
0xb4: {  	_ =	strace $0x9000004B  }
0xb5: {  	_ =	sfence  }
0xb6: {  	s30 =	sld [smem:$0x0];
	_ =	sdelay $0x2  }
0xb7: {  	s31 =	sshll.u32 s1, $0xD;
	s1 =	sshrl.u32 s1, $0x2  }
0xb8: {  	s3 =	sand.u32 $0x4000, s31;
	s1 =	sadd.s32 s1, s30  }
0xb9: {  	s0 =	sor.u32 s3, s0;
	s1 =	sshll.u32 s1, $0x11  }
0xba: {  	s0 =	sor.u32 s1, s0  }
0xbb: {  	s0 =	sadd.s32 $0x8F2B, s0  }
0xbc: {  	[sflag:s0] =	ssyncadd.remote.s32 $0x1  }
0xbd: {  	_ =	sfence.sel $0xFFFF  }
0xbe: {  	[dreg:$0x0] =	wrdreg $0xFFFFFFFF;
	(pc) =	sbr.abs _section_cstart, $3  }
0xbf: {  	[dreg:$0x1] =	wrdreg $0xFFFFFFFF  }
0xc0: {  	_ =	task.clear_ibuf [dreg:s6], $0x2FFFF;
	_ =	strace $0x9FFFFFFF  }
0xc1: {  	(tm) =	ssettm $0x7FFFFFFF  }
tec
execute0_lowered:
.L_overlay_start_1:
0x0: {  	(tag) =	ssettag $0x1  }
0x1: {  	s1 =	srdreg.scid  }
0x2: {  	s0 =	stileid.u32;
	s4 =	rddreg [dreg:$0x0]  }
0x3: {  	s19 =	simm.s32 $0x900;
	s20 =	simm.s32 $0x1100;
	s21 =	simm.s32 $0x1900  }
0x4: {  	s23 =	simm.s32 $0x2100;
	s24 =	simm.s32 $0x2900;
	s25 =	simm.s32 $0x3100  }
0x5: {  	s26 =	simm.s32 $0x3900;
	s6 =	simm.s32 $0x100;
	s8 =	simm.s32 $0x4900  }
0x6: {  	s9 =	simm.s32 $0x5100;
	s10 =	simm.s32 $0x5900;
	s11 =	simm.s32 $0x6100  }
0x7: {  	s12 =	simm.s32 $0x6900;
	s13 =	simm.s32 $0x7100;
	s1 =	sand.u32 $0x1, s1  }
0x8: {  	s14 =	simm.s32 $0x7900;
	s2 =	sshll.u32 s0, $0x9;
	s3 =	sshll.u32 s1, $0x8  }
0x9: {  	s15 =	simm.s32 $0x8100;
	s3 =	sor.u32 s3, s2;
	s2 =	simm.s32 $0x0  }
0xa: {  	s16 =	simm.s32 $0x8900;
	s17 =	simm.s32 $0x9100;
	[smem:$0x7FF] =	sst s2  }
0xb: {  	s18 =	simm.s32 $0x9900;
	_ =	strace $0x8000004A;
	[dreg:$0x4] =	wrdreg s19  }
0xc: {  	s28 =	simm.s32 $0xE100;
	s29 =	simm.s32 $0xE900;
	[dreg:$0x5] =	wrdreg s20  }
0xd: {  	s30 =	simm.s32 $0xF100;
	s1 =	ssub.s32 $0x2, s1;
	[dreg:$0x6] =	wrdreg s21  }
0xe: {  	s31 =	simm.s32 $0xF900;
	s22 =	sshrl.u32 s1, $0x1;
	[dreg:$0x7] =	wrdreg s23  }
0xf: {  	s5 =	sshrl.u32 s3, $0x3;
	s3 =	sshll.u32 s3, $0x5;
	[dreg:$0x8] =	wrdreg s24  }
0x10: {  	s1 =	ssub.s32 s1, s22;
	s22 =	simm.s32 $0xB900;
	[dreg:$0x9] =	wrdreg s25  }
0x11: {  	s5 =	sadd.s32 s5, s4;
	s3 =	sadd.s32 s3, s4;
	[dreg:$0xa] =	wrdreg s26  }
0x12: {  	s19 =	simm.s32 $0xA100;
	s20 =	simm.s32 $0xA900;
	s21 =	simm.s32 $0xB100  }
0x13: {  	s23 =	simm.s32 $0xC100;
	s24 =	simm.s32 $0xC900;
	s5 =	sadd.s32 $0xC7A00, s5  }
0x14: {  	v2 =	vlaneseq.u32;
	s25 =	simm.s32 $0xD100;
	s3 =	sadd.s32 $0x63400, s3;
	[dreg:$0x2] =	wrdreg s5  }
0x15: {  	vm0 =	vmmov $0xffff;
	v1 =	vshrl.u32 v2, $0x3;
	s26 =	simm.s32 $0xD900;
	[dreg:$0x3] =	wrdreg s3;
	s3 =	sadd.s32 $0xC7E00, s4  }
0x16: {  	v0 =	vand.u32 $0x7, v2;
	v2 =	vor.u32 $0x8, v2;
	v1 =	vmul.u32 $0x8, v1;
	s4 =	smax.u32 s1, $0x1;
	s5 =	simm.s32 $0x2;
	s1 =	simm.s32 $0x1  }
.LBB2_1:
0x17: {  	s0 =	rddreg [dreg:$0x2]  }
0x18: {  	[tilespmem:s2], [sflag:$0x2] =	stream.linear.gather [hbm4b:s0+s2], $0x100, $0x38;
	[tilespmem:$0x10100] =	vst v63  }
0x19: {  	_ =	swait.ge [sflag:s5], $0x100  }
0x1a: {  	[sflag:s5] =	ssyncset.done $0x0  }
0x1b: {  	[sflag:s5] =	ssyncadd.s32 $0xFFFFFF00  }
0x1c: {  	v3 =	vld [tilespmem:$0x0];
	_ =	sdelay $0x4  }
0x1d: {  	v4 =	vshll.u32 v3, $0x1  }
0x1e: {  	v3 =	vand.u32 $0x7, v3;
	v4 =	vand.u32 $0xFFFFFFF0, v4  }
0x1f: {  	v3 =	vor.u32 v3, v4  }
0x20: {  	v4 =	vperm.xlane v3, v0;
	_ =	sdelay $0x1  }
0x21: {  	v3 =	vperm.xlane v3, v2;
	v4 =	vadd.s32 v1, v4;
	_ =	sdelay $0x1  }
0x22: {  	v3 =	vadd.s32 v1, v3;
	_ =	sdelay $0x2  }
0x23: {  	[tilespmem:s6], [sflag:$0x1] =	stream.indirect_vreg.gather [hbm4b:s3+s2], $0x80, v4, vm0, $0xb8;
	[tilespmem:$0x10100] =	vst v63  }
0x24: {  	s7 =	rddreg [dreg:$0x4]  }
0x25: {  	[tilespmem:s7], [sflag:$0x1] =	stream.indirect_vreg.gather [hbm4b:s3+s2], $0x80, v3, vm0, $0xb8;
	[tilespmem:$0x10100] =	vst v63  }
0x26: {  	v3 =	vld [tilespmem:$0x10];
	_ =	sdelay $0x4  }
0x27: {  	v49 =	vshll.u32 v3, $0x1  }
0x28: {  	v3 =	vand.u32 $0x7, v3;
	v4 =	vand.u32 $0xFFFFFFF0, v49  }
0x29: {  	v3 =	vor.u32 v3, v4  }
0x2a: {  	v4 =	vperm.xlane v3, v0;
	_ =	sdelay $0x1  }
0x2b: {  	v3 =	vperm.xlane v3, v2;
	v4 =	vadd.s32 v1, v4;
	_ =	sdelay $0x1  }
0x2c: {  	v3 =	vadd.s32 v1, v3;
	_ =	sdelay $0x1  }
0x2d: {  	s0 =	rddreg [dreg:$0x5]  }
0x2e: {  	[tilespmem:s0], [sflag:$0x1] =	stream.indirect_vreg.gather [hbm4b:s3+s2], $0x80, v4, vm0, $0xb8;
	[tilespmem:$0x10100] =	vst v63  }
0x2f: {  	s7 =	rddreg [dreg:$0x6]  }
0x30: {  	[tilespmem:s7], [sflag:$0x1] =	stream.indirect_vreg.gather [hbm4b:s3+s2], $0x80, v3, vm0, $0xb8;
	[tilespmem:$0x10100] =	vst v63  }
0x31: {  	v3 =	vld [tilespmem:$0x20];
	_ =	sdelay $0x4  }
0x32: {  	v50 =	vshll.u32 v3, $0x1  }
0x33: {  	v3 =	vand.u32 $0x7, v3;
	v4 =	vand.u32 $0xFFFFFFF0, v50  }
0x34: {  	v3 =	vor.u32 v3, v4  }
0x35: {  	v4 =	vperm.xlane v3, v0;
	_ =	sdelay $0x1  }
0x36: {  	v3 =	vperm.xlane v3, v2;
	v4 =	vadd.s32 v1, v4;
	_ =	sdelay $0x1  }
0x37: {  	v3 =	vadd.s32 v1, v3;
	_ =	sdelay $0x1  }
0x38: {  	s0 =	rddreg [dreg:$0x7]  }
0x39: {  	[tilespmem:s0], [sflag:$0x1] =	stream.indirect_vreg.gather [hbm4b:s3+s2], $0x80, v4, vm0, $0xb8;
	[tilespmem:$0x10100] =	vst v63  }
0x3a: {  	s7 =	rddreg [dreg:$0x8]  }
0x3b: {  	[tilespmem:s7], [sflag:$0x1] =	stream.indirect_vreg.gather [hbm4b:s3+s2], $0x80, v3, vm0, $0xb8;
	[tilespmem:$0x10100] =	vst v63  }
0x3c: {  	v3 =	vld [tilespmem:$0x30];
	_ =	sdelay $0x4  }
0x3d: {  	v51 =	vshll.u32 v3, $0x1  }
0x3e: {  	v3 =	vand.u32 $0x7, v3;
	v4 =	vand.u32 $0xFFFFFFF0, v51  }
0x3f: {  	v3 =	vor.u32 v3, v4  }
0x40: {  	v4 =	vperm.xlane v3, v0;
	_ =	sdelay $0x1  }
0x41: {  	v3 =	vperm.xlane v3, v2;
	v4 =	vadd.s32 v1, v4;
	_ =	sdelay $0x1  }
0x42: {  	v3 =	vadd.s32 v1, v3;
	_ =	sdelay $0x1  }
0x43: {  	s0 =	rddreg [dreg:$0x9]  }
0x44: {  	[tilespmem:s0], [sflag:$0x1] =	stream.indirect_vreg.gather [hbm4b:s3+s2], $0x80, v4, vm0, $0xb8;
	[tilespmem:$0x10100] =	vst v63  }
0x45: {  	s7 =	rddreg [dreg:$0xa]  }
0x46: {  	[tilespmem:s7], [sflag:$0x1] =	stream.indirect_vreg.gather [hbm4b:s3+s2], $0x80, v3, vm0, $0xb8;
	[tilespmem:$0x10100] =	vst v63  }
0x47: {  	v3 =	vld [tilespmem:$0x40];
	_ =	sdelay $0x4  }
0x48: {  	v52 =	vshll.u32 v3, $0x1  }
0x49: {  	v3 =	vand.u32 $0x7, v3;
	v4 =	vand.u32 $0xFFFFFFF0, v52  }
0x4a: {  	v3 =	vor.u32 v3, v4  }
0x4b: {  	v4 =	vperm.xlane v3, v0;
	_ =	sdelay $0x1  }
0x4c: {  	v3 =	vperm.xlane v3, v2;
	v4 =	vadd.s32 v1, v4;
	_ =	sdelay $0x1  }
0x4d: {  	v3 =	vadd.s32 v1, v3;
	_ =	sdelay $0x1  }
0x4e: {  	s7 =	simm.s32 $0x4100  }
0x4f: {  	[tilespmem:s7], [sflag:$0x1] =	stream.indirect_vreg.gather [hbm4b:s3+s2], $0x80, v4, vm0, $0xb8;
	[tilespmem:$0x10100] =	vst v63  }
0x50: {  	_ = 	snop  }
0x51: {  	[tilespmem:s8], [sflag:$0x1] =	stream.indirect_vreg.gather [hbm4b:s3+s2], $0x80, v3, vm0, $0xb8;
	[tilespmem:$0x10100] =	vst v63  }
0x52: {  	v3 =	vld [tilespmem:$0x50];
	_ =	sdelay $0x4  }
0x53: {  	v53 =	vshll.u32 v3, $0x1  }
0x54: {  	v3 =	vand.u32 $0x7, v3;
	v4 =	vand.u32 $0xFFFFFFF0, v53  }
0x55: {  	v3 =	vor.u32 v3, v4  }
0x56: {  	v4 =	vperm.xlane v3, v0;
	_ =	sdelay $0x1  }
0x57: {  	v3 =	vperm.xlane v3, v2;
	v4 =	vadd.s32 v1, v4;
	_ =	sdelay $0x1  }
0x58: {  	v3 =	vadd.s32 v1, v3;
	_ =	sdelay $0x2  }
0x59: {  	[tilespmem:s9], [sflag:$0x1] =	stream.indirect_vreg.gather [hbm4b:s3+s2], $0x80, v4, vm0, $0xb8;
	[tilespmem:$0x10100] =	vst v63  }
0x5a: {  	_ = 	snop  }
0x5b: {  	[tilespmem:s10], [sflag:$0x1] =	stream.indirect_vreg.gather [hbm4b:s3+s2], $0x80, v3, vm0, $0xb8;
	[tilespmem:$0x10100] =	vst v63  }
0x5c: {  	v3 =	vld [tilespmem:$0x60];
	_ =	sdelay $0x4  }
0x5d: {  	v54 =	vshll.u32 v3, $0x1  }
0x5e: {  	v3 =	vand.u32 $0x7, v3;
	v4 =	vand.u32 $0xFFFFFFF0, v54  }
0x5f: {  	v3 =	vor.u32 v3, v4  }
0x60: {  	v4 =	vperm.xlane v3, v0;
	_ =	sdelay $0x1  }
0x61: {  	v3 =	vperm.xlane v3, v2;
	v4 =	vadd.s32 v1, v4;
	_ =	sdelay $0x1  }
0x62: {  	v3 =	vadd.s32 v1, v3;
	_ =	sdelay $0x2  }
0x63: {  	[tilespmem:s11], [sflag:$0x1] =	stream.indirect_vreg.gather [hbm4b:s3+s2], $0x80, v4, vm0, $0xb8;
	[tilespmem:$0x10100] =	vst v63  }
0x64: {  	_ = 	snop  }
0x65: {  	[tilespmem:s12], [sflag:$0x1] =	stream.indirect_vreg.gather [hbm4b:s3+s2], $0x80, v3, vm0, $0xb8;
	[tilespmem:$0x10100] =	vst v63  }
0x66: {  	v3 =	vld [tilespmem:$0x70];
	_ =	sdelay $0x4  }
0x67: {  	v55 =	vshll.u32 v3, $0x1  }
0x68: {  	v3 =	vand.u32 $0x7, v3;
	v4 =	vand.u32 $0xFFFFFFF0, v55  }
0x69: {  	v3 =	vor.u32 v3, v4  }
0x6a: {  	v4 =	vperm.xlane v3, v0;
	_ =	sdelay $0x1  }
0x6b: {  	v3 =	vperm.xlane v3, v2;
	v4 =	vadd.s32 v1, v4;
	_ =	sdelay $0x1  }
0x6c: {  	v3 =	vadd.s32 v1, v3;
	_ =	sdelay $0x2  }
0x6d: {  	[tilespmem:s13], [sflag:$0x1] =	stream.indirect_vreg.gather [hbm4b:s3+s2], $0x80, v4, vm0, $0xb8;
	[tilespmem:$0x10100] =	vst v63  }
0x6e: {  	_ = 	snop  }
0x6f: {  	[tilespmem:s14], [sflag:$0x1] =	stream.indirect_vreg.gather [hbm4b:s3+s2], $0x80, v3, vm0, $0xb8;
	[tilespmem:$0x10100] =	vst v63  }
0x70: {  	v3 =	vld [tilespmem:$0x80];
	_ =	sdelay $0x4  }
0x71: {  	v56 =	vshll.u32 v3, $0x1  }
0x72: {  	v3 =	vand.u32 $0x7, v3;
	v4 =	vand.u32 $0xFFFFFFF0, v56  }
0x73: {  	v3 =	vor.u32 v3, v4  }
0x74: {  	v4 =	vperm.xlane v3, v0;
	_ =	sdelay $0x1  }
0x75: {  	v3 =	vperm.xlane v3, v2;
	v4 =	vadd.s32 v1, v4;
	_ =	sdelay $0x1  }
0x76: {  	v3 =	vadd.s32 v1, v3;
	_ =	sdelay $0x2  }
0x77: {  	[tilespmem:s15], [sflag:$0x1] =	stream.indirect_vreg.gather [hbm4b:s3+s2], $0x80, v4, vm0, $0xb8;
	[tilespmem:$0x10100] =	vst v63  }
0x78: {  	_ = 	snop  }
0x79: {  	[tilespmem:s16], [sflag:$0x1] =	stream.indirect_vreg.gather [hbm4b:s3+s2], $0x80, v3, vm0, $0xb8;
	[tilespmem:$0x10100] =	vst v63  }
0x7a: {  	v3 =	vld [tilespmem:$0x90];
	_ =	sdelay $0x4  }
0x7b: {  	v57 =	vshll.u32 v3, $0x1  }
0x7c: {  	v3 =	vand.u32 $0x7, v3;
	v4 =	vand.u32 $0xFFFFFFF0, v57  }
0x7d: {  	v3 =	vor.u32 v3, v4  }
0x7e: {  	v4 =	vperm.xlane v3, v0;
	_ =	sdelay $0x1  }
0x7f: {  	v3 =	vperm.xlane v3, v2;
	v4 =	vadd.s32 v1, v4;
	_ =	sdelay $0x1  }
0x80: {  	v3 =	vadd.s32 v1, v3;
	_ =	sdelay $0x2  }
0x81: {  	[tilespmem:s17], [sflag:$0x1] =	stream.indirect_vreg.gather [hbm4b:s3+s2], $0x80, v4, vm0, $0xb8;
	[tilespmem:$0x10100] =	vst v63  }
0x82: {  	_ = 	snop  }
0x83: {  	[tilespmem:s18], [sflag:$0x1] =	stream.indirect_vreg.gather [hbm4b:s3+s2], $0x80, v3, vm0, $0xb8;
	[tilespmem:$0x10100] =	vst v63  }
0x84: {  	v3 =	vld [tilespmem:$0xA0];
	_ =	sdelay $0x4  }
0x85: {  	v58 =	vshll.u32 v3, $0x1  }
0x86: {  	v3 =	vand.u32 $0x7, v3;
	v4 =	vand.u32 $0xFFFFFFF0, v58  }
0x87: {  	v3 =	vor.u32 v3, v4  }
0x88: {  	v4 =	vperm.xlane v3, v0;
	_ =	sdelay $0x1  }
0x89: {  	v3 =	vperm.xlane v3, v2;
	v4 =	vadd.s32 v1, v4;
	_ =	sdelay $0x1  }
0x8a: {  	v3 =	vadd.s32 v1, v3;
	_ =	sdelay $0x2  }
0x8b: {  	[tilespmem:s19], [sflag:$0x1] =	stream.indirect_vreg.gather [hbm4b:s3+s2], $0x80, v4, vm0, $0xb8;
	[tilespmem:$0x10100] =	vst v63  }
0x8c: {  	_ = 	snop  }
0x8d: {  	[tilespmem:s20], [sflag:$0x1] =	stream.indirect_vreg.gather [hbm4b:s3+s2], $0x80, v3, vm0, $0xb8;
	[tilespmem:$0x10100] =	vst v63  }
0x8e: {  	v3 =	vld [tilespmem:$0xB0];
	_ =	sdelay $0x4  }
0x8f: {  	v59 =	vshll.u32 v3, $0x1  }
0x90: {  	v3 =	vand.u32 $0x7, v3;
	v4 =	vand.u32 $0xFFFFFFF0, v59  }
0x91: {  	v3 =	vor.u32 v3, v4  }
0x92: {  	v4 =	vperm.xlane v3, v0;
	_ =	sdelay $0x1  }
0x93: {  	v3 =	vperm.xlane v3, v2;
	v4 =	vadd.s32 v1, v4;
	_ =	sdelay $0x1  }
0x94: {  	v3 =	vadd.s32 v1, v3;
	_ =	sdelay $0x2  }
0x95: {  	[tilespmem:s21], [sflag:$0x1] =	stream.indirect_vreg.gather [hbm4b:s3+s2], $0x80, v4, vm0, $0xb8;
	[tilespmem:$0x10100] =	vst v63  }
0x96: {  	_ = 	snop  }
0x97: {  	[tilespmem:s22], [sflag:$0x1] =	stream.indirect_vreg.gather [hbm4b:s3+s2], $0x80, v3, vm0, $0xb8;
	[tilespmem:$0x10100] =	vst v63  }
0x98: {  	v3 =	vld [tilespmem:$0xC0];
	_ =	sdelay $0x4  }
0x99: {  	v60 =	vshll.u32 v3, $0x1  }
0x9a: {  	v3 =	vand.u32 $0x7, v3;
	v4 =	vand.u32 $0xFFFFFFF0, v60  }
0x9b: {  	v3 =	vor.u32 v3, v4  }
0x9c: {  	v4 =	vperm.xlane v3, v0;
	_ =	sdelay $0x1  }
0x9d: {  	v3 =	vperm.xlane v3, v2;
	v4 =	vadd.s32 v1, v4;
	_ =	sdelay $0x1  }
0x9e: {  	v3 =	vadd.s32 v1, v3;
	_ =	sdelay $0x2  }
0x9f: {  	[tilespmem:s23], [sflag:$0x1] =	stream.indirect_vreg.gather [hbm4b:s3+s2], $0x80, v4, vm0, $0xb8;
	[tilespmem:$0x10100] =	vst v63  }
0xa0: {  	_ = 	snop  }
0xa1: {  	[tilespmem:s24], [sflag:$0x1] =	stream.indirect_vreg.gather [hbm4b:s3+s2], $0x80, v3, vm0, $0xb8;
	[tilespmem:$0x10100] =	vst v63  }
0xa2: {  	v3 =	vld [tilespmem:$0xD0];
	_ =	sdelay $0x4  }
0xa3: {  	v61 =	vshll.u32 v3, $0x1  }
0xa4: {  	v3 =	vand.u32 $0x7, v3;
	v4 =	vand.u32 $0xFFFFFFF0, v61  }
0xa5: {  	v3 =	vor.u32 v3, v4  }
0xa6: {  	v4 =	vperm.xlane v3, v0;
	_ =	sdelay $0x1  }
0xa7: {  	v3 =	vperm.xlane v3, v2;
	v4 =	vadd.s32 v1, v4;
	_ =	sdelay $0x1  }
0xa8: {  	v3 =	vadd.s32 v1, v3;
	_ =	sdelay $0x2  }
0xa9: {  	[tilespmem:s25], [sflag:$0x1] =	stream.indirect_vreg.gather [hbm4b:s3+s2], $0x80, v4, vm0, $0xb8;
	[tilespmem:$0x10100] =	vst v63  }
0xaa: {  	_ = 	snop  }
0xab: {  	[tilespmem:s26], [sflag:$0x1] =	stream.indirect_vreg.gather [hbm4b:s3+s2], $0x80, v3, vm0, $0xb8;
	[tilespmem:$0x10100] =	vst v63  }
0xac: {  	v3 =	vld [tilespmem:$0xE0];
	_ =	sdelay $0x4  }
0xad: {  	v62 =	vshll.u32 v3, $0x1  }
0xae: {  	v3 =	vand.u32 $0x7, v3;
	v4 =	vand.u32 $0xFFFFFFF0, v62  }
0xaf: {  	v3 =	vor.u32 v3, v4  }
0xb0: {  	v4 =	vperm.xlane v3, v0;
	_ =	sdelay $0x1  }
0xb1: {  	v3 =	vperm.xlane v3, v2;
	v4 =	vadd.s32 v1, v4;
	_ =	sdelay $0x1  }
0xb2: {  	v3 =	vadd.s32 v1, v3;
	_ =	sdelay $0x2  }
0xb3: {  	[tilespmem:s28], [sflag:$0x1] =	stream.indirect_vreg.gather [hbm4b:s3+s2], $0x80, v4, vm0, $0xb8;
	[tilespmem:$0x10100] =	vst v63  }
0xb4: {  	_ = 	snop  }
0xb5: {  	[tilespmem:s29], [sflag:$0x1] =	stream.indirect_vreg.gather [hbm4b:s3+s2], $0x80, v3, vm0, $0xb8;
	[tilespmem:$0x10100] =	vst v63  }
0xb6: {  	v3 =	vld [tilespmem:$0xF0];
	_ =	sdelay $0x4  }
0xb7: {  	v63 =	vshll.u32 v3, $0x1  }
0xb8: {  	v3 =	vand.u32 $0x7, v3;
	v4 =	vand.u32 $0xFFFFFFF0, v63  }
0xb9: {  	v3 =	vor.u32 v3, v4  }
0xba: {  	v4 =	vperm.xlane v3, v0;
	_ =	sdelay $0x1  }
0xbb: {  	v3 =	vperm.xlane v3, v2;
	v4 =	vadd.s32 v1, v4;
	_ =	sdelay $0x1  }
0xbc: {  	v3 =	vadd.s32 v1, v3;
	_ =	sdelay $0x2  }
0xbd: {  	[tilespmem:s30], [sflag:$0x1] =	stream.indirect_vreg.gather [hbm4b:s3+s2], $0x80, v4, vm0, $0xb8;
	[tilespmem:$0x10100] =	vst v63  }
0xbe: {  	_ = 	snop  }
0xbf: {  	[tilespmem:s31], [sflag:$0x1] =	stream.indirect_vreg.gather [hbm4b:s3+s2], $0x80, v3, vm0, $0xb8;
	[tilespmem:$0x10100] =	vst v63  }
0xc0: {  	_ =	swait.ge [sflag:s1], $0x8000  }
0xc1: {  	[sflag:s1] =	ssyncset.done $0x0  }
0xc2: {  	[sflag:s1] =	ssyncadd.s32 $0xFFFF8000  }
0xc3: {  	_ =	swait.ge [sflag:s1], $0x8000  }
0xc4: {  	p0 =	sne.s32 s4, $0x1;
	[sflag:s1] =	ssyncset.done $0x0  }
.Ltmp0:
0xc5: {  	s7 =	rddreg [dreg:$0x3];
	[sflag:s1] =	ssyncadd.s32 $0xFFFF8000;
	(pc) =	sbr.rel @p0 .LBB2_1-.Ltmp0, $4  }
0xc6: {  	[hbm4b:s7+s2] =	stream.linear.scatter [tilespmem:s6], [sflag:$0x2], $0x10000, $0x38;
	[tilespmem:$0x10100] =	vst v63  }
0xc7: {  	_ =	swait.ge [sflag:s5], $0x10000  }
0xc8: {  	[sflag:s5] =	ssyncset.done $0x0  }
0xc9: {  	s4 =	sadd.s32 $0xFFFFFFFF, s4;
	[sflag:s5] =	ssyncadd.s32 $0xFFFF0000  }
0xca: {  	_ =	sfence.sel $0x180000  }
0xcb: {  	[bflag:$0x0] =	sbarrier.arrive $0xFFFF  }
0xcc: {  	_ =	strace $0x9000004A  }
0xcd: {  	s0 =	stileid.u32;
	[bflag:$0x2] =	sbarrier.arrive $0xFFFF  }
0xce: {  	p0 =	sne.s32 s0, $0x0;
	s0 =	rddreg [dreg:$0x1]  }
0xcf: {  	s0 =	sadd.s32 @!p0 $0x100000, s0  }
0xd0: {  	[sflag:s0] =	ssyncadd.tile.s32 @!p0 $0x1;
	_ =	shalt  }
.Lfunc_end2:
_tile_overlayer_lowered:
.L_overlay_start_2:
0xd1: {  	(tag) =	ssettag $0x2  }
0xd2: {  	s0 =	rddreg [dreg:$0x0];
	s2 =	stileid.u32  }
0xd3: {  	s1 =	rddreg [dreg:$0x1];
	p0 =	sne.s32 s2, $0x0  }
0xd4: {  	s3 =	rddreg [dreg:$0x2];
	[bflag:$0x3] =	sbarrier.arrive $0xFFFF;
	s2 =	simm.s32 @!p0 $0x1C02  }
0xd5: {  	[timem:s3], [sflag:s2] =	dma.local @!p0 [hbm:s0], s1  }
0xd6: {  	s0 =	simm.s32 @!p0 $0x2  }
0xd7: {  	_ =	swait.ge @!p0 [sflag:s0], s1  }
0xd8: {  	s1 =	ssub.s32 @!p0 $0x0, s1;
	[sflag:s0] =	ssyncset.done @!p0 $0x0  }
0xd9: {  	[sflag:s0] =	ssyncadd.s32 @!p0 s1  }
0xda: {  	[bflag:$0x3] =	sbarrier.arrive $0xFFFF  }
0xdb: {  	_ =	shalt  }

// kernel: kernel.17.cloned.1.call-start
scs
__scs_entry_jumppad:
0x0: {  	(pc) =	sbr.rel $0x88, $3  }
0x1: {  	(tag) =	ssettag $0x0;
	lr =	simm.s32 $0x1  }
0x2: {  	[smem:$0x3F8F] =	sst lr;
	_ =	strace $0xD0000000  }
0x3: {  	_ = 	snop  }
0x4: {  	_ = 	snop  }
0x5: {  	_ = 	snop  }
0x6: {  	_ = 	snop  }
0x7: {  	_ = 	snop  }
__scs_overlays_trampoline_lowered:
0x8: {  	[smem:$0x3F9E] =	sst s0  }
0x9: {  	[smem:$0x3F9F] =	sst s1  }
0xa: {  	[smem:$0x3FA0] =	sst s2  }
0xb: {  	[smem:$0x3FA1] =	sst s3  }
0xc: {  	[smem:$0x3FA2] =	sst s4  }
0xd: {  	[smem:$0x3FA3] =	sst s5  }
0xe: {  	[smem:$0x3FA4] =	sst s6  }
0xf: {  	[smem:$0x3FA5] =	sst s7  }
0x10: {  	[smem:$0x3FA6] =	sst s8  }
0x11: {  	[smem:$0x3FA7] =	sst s9;
	s0 =	simm.s32 @!p0 $0x0  }
0x12: {  	s1 =	sld [smem:$0x3F8D];
	s0 =	simm.s32 @p0 $0x1  }
0x13: {  	[smem:$0x3FA8] =	sst s0;
	s0 =	simm.s32 @!p1 $0x0  }
0x14: {  	s2 =	sld [smem:$0x3F8C];
	s0 =	simm.s32 @p1 $0x1  }
0x15: {  	[smem:$0x3FA9] =	sst s0;
	s0 =	simm.s32 @!p2 $0x0  }
0x16: {  	s3 =	sld [smem:$0x3FDB];
	s0 =	simm.s32 @p2 $0x1  }
0x17: {  	s4 =	simm.s32 $0x1BF5;
	[smem:$0x3FAB] =	sst s0  }
0x18: {  	s0 =	sld [smem:$0x3F8E];
	_ =	swait.ge [sflag:s4], $0x0  }
0x19: {  	s7 =	sld [smem:$0x3F8F]  }
0x1a: {  	s8 =	sadd.s32 $0xFFFFE003, lr  }
0x1b: {  	s9 =	sadd.s32 $0xFFFFFEF7, lr;
	s5 =	simm.s32 $0xFFFFFFFF;
	p2 =	slt.u32 s8, $0xFFFFF086  }
0x1c: {  	p1 =	slt.u32 s9, $0xF7A;
	s5 =	simm.s32 @!p2 $0x0  }
0x1d: {  	s5 =	simm.s32 @p1 $0x1;
	p0 =	seq.s32 s7, s2  }
0x1e: {  	s7 =	smul.u32 @!p0 $0xF7A, s2;
	p2 =	seq.s32 @!p0 s5, $0x0  }
0x1f: {  	s9 =	smul.u32 $0xF7A, s1;
	s8 =	simm.s32 @!p0 $0x1BF5;
	p2 =	por !p2, p0  }
0x20: {  	[sflag:s8] =	ssyncset.s32 @!p0 $0xFFFFF086;
	s6 =	sadd.s32 @!p0 s3, s7;
	s7 =	simm.s32 @!p0 $0x108  }
0x21: {  	s3 =	sadd.s32 s3, s9;
	s6 =	sadd.s32 @!p0 $0x88, s6;
	s7 =	simm.s32 @p2 $0x1082  }
0x22: {  	[simem:s7], [sflag:s8] =	dma.local @!p0 [hbm:s6], $0xF7A  }
0x23: {  	s9 =	sor.u32 $0xD0000000, s2;
	s6 =	simm.s32 $0x108;
	_ =	swait.ge @!p0 [sflag:s8], $0x0  }
0x24: {  	s3 =	sadd.s32 $0x88, s3;
	s6 =	simm.s32 @!p1 $0x1082;
	[sflag:s4] =	ssyncset.s32 $0xFFFFF086  }
0x25: {  	[simem:s6], [sflag:s4] =	dma.local [hbm:s3], $0xF7A  }
0x26: {  	[smem:$0x3F8F] =	sst s1;
	(tag) =	ssettag s2;
	_ =	strace s9  }
0x27: {  	s1 =	sld [smem:$0x3F9F]  }
0x28: {  	s2 =	sld [smem:$0x3FA0]  }
0x29: {  	s4 =	sld [smem:$0x3FA2]  }
0x2a: {  	p0 =	seq.s32 s5, $0x0;
	s5 =	sld [smem:$0x3FA3]  }
0x2b: {  	s6 =	sld [smem:$0x3FA4]  }
0x2c: {  	s7 =	sld [smem:$0x3FA5]  }
0x2d: {  	s3 =	simm.s32 $0x108;
	s8 =	sld [smem:$0x3FA6]  }
0x2e: {  	s3 =	simm.s32 @!p0 $0x1082;
	s9 =	sld [smem:$0x3FA7]  }
0x2f: {  	lr =	sadd.s32 s0, s3;
	s0 =	sld [smem:$0x3F9E]  }
0x30: {  	s3 =	sld [smem:$0x3FA1]  }
0x31: {  	[smem:$0x3FAA] =	sst s10  }
0x32: {  	s10 =	sld [smem:$0x3FA8];
	_ =	sdelay $0x3  }
0x33: {  	p0 =	seq.s32 s10, $0x1;
	s10 =	sld [smem:$0x3FAA];
	_ =	sdelay $0x3  }
0x34: {  	[smem:$0x3FAA] =	sst s10  }
0x35: {  	s10 =	sld [smem:$0x3FA9];
	_ =	sdelay $0x3  }
0x36: {  	p1 =	seq.s32 s10, $0x1;
	s10 =	sld [smem:$0x3FAA];
	_ =	sdelay $0x3  }
0x37: {  	[smem:$0x3FAA] =	sst s10  }
0x38: {  	s10 =	sld [smem:$0x3FAB]  }
0x39: {  	_ = 	snop;
	(pc) =	sbr.ind lr, $3  }
0x3a: {  	_ = 	snop  }
0x3b: {  	_ = 	snop  }
0x3c: {  	p2 =	seq.s32 s10, $0x1;
	s10 =	sld [smem:$0x3FAA]  }
0x3d: {  	_ =	shalt  }
0x3e: {  	_ =	shalt  }
0x3f: {  	_ =	shalt  }
0x40: {  	_ =	shalt  }
0x41: {  	_ =	shalt  }
0x42: {  	_ =	shalt  }
0x43: {  	_ =	shalt  }
0x44: {  	_ =	shalt  }
0x45: {  	_ =	shalt  }
0x46: {  	_ =	shalt  }
0x47: {  	_ =	shalt  }
0x48: {  	_ =	shalt  }
0x49: {  	_ =	shalt  }
0x4a: {  	_ =	shalt  }
0x4b: {  	_ =	shalt  }
0x4c: {  	_ =	shalt  }
0x4d: {  	_ =	shalt  }
0x4e: {  	_ =	shalt  }
0x4f: {  	_ =	shalt  }
0x50: {  	_ =	shalt  }
0x51: {  	_ =	shalt  }
0x52: {  	_ =	shalt  }
0x53: {  	_ =	shalt  }
0x54: {  	_ =	shalt  }
0x55: {  	_ =	shalt  }
0x56: {  	_ =	shalt  }
0x57: {  	_ =	shalt  }
0x58: {  	_ =	shalt  }
0x59: {  	_ =	shalt  }
0x5a: {  	_ =	shalt  }
0x5b: {  	_ =	shalt  }
0x5c: {  	_ =	shalt  }
0x5d: {  	_ =	shalt  }
0x5e: {  	_ =	shalt  }
0x5f: {  	_ =	shalt  }
0x60: {  	_ =	shalt  }
0x61: {  	_ =	shalt  }
0x62: {  	_ =	shalt  }
0x63: {  	_ =	shalt  }
0x64: {  	_ =	shalt  }
0x65: {  	_ =	shalt  }
0x66: {  	_ =	shalt  }
0x67: {  	_ =	shalt  }
0x68: {  	_ =	shalt  }
0x69: {  	_ =	shalt  }
0x6a: {  	_ =	shalt  }
0x6b: {  	_ =	shalt  }
0x6c: {  	_ =	shalt  }
0x6d: {  	_ =	shalt  }
0x6e: {  	_ =	shalt  }
0x6f: {  	_ =	shalt  }
0x70: {  	_ =	shalt  }
0x71: {  	_ =	shalt  }
0x72: {  	_ =	shalt  }
0x73: {  	_ =	shalt  }
0x74: {  	_ =	shalt  }
0x75: {  	_ =	shalt  }
0x76: {  	_ =	shalt  }
0x77: {  	_ =	shalt  }
0x78: {  	_ =	shalt  }
0x79: {  	_ =	shalt  }
0x7a: {  	_ =	shalt  }
0x7b: {  	_ =	shalt  }
0x7c: {  	_ =	shalt  }
0x7d: {  	_ =	shalt  }
0x7e: {  	_ =	shalt  }
0x7f: {  	_ =	shalt  }
0x80: {  	_ =	shalt  }
0x81: {  	_ =	shalt  }
0x82: {  	_ =	shalt  }
0x83: {  	_ =	shalt  }
0x84: {  	_ =	shalt  }
0x85: {  	_ =	shalt  }
0x86: {  	_ =	shalt  }
0x87: {  	_ =	shalt  }
.Lfunc_end0:
.L_simem_size_0:
called_computation.2_lowered:
.L_overlay_start_0:
0x88: {  	s2 =	sld [smem:$0x3FD9]  }
0x89: {  	s3 =	sld [smem:$0x3FFE];
	_ =	sdelay $0x1  }
0x8a: {  	s1 =	srdreg.scid  }
0x8b: {  	s0 =	sand.u32 $0x1, s1  }
0x8c: {  	s17 =	sshll.u32 s0, $0xA;
	s2 =	sadd.s32 s3, s2  }
0x8d: {  	s2 =	sadd.s32 s2, s17  }
0x8e: {  	[smem:$0x3FB6] =	sst s2  }
0x8f: {  	_ = 	snop  }
0x90: {  	s2 =	sld [smem:$0x3FD0];
	(tm) =	ssettm $0x1  }
0x91: {  	s18 =	sld [smem:$0x3FFB];
	_ =	sdelay $0x3  }
0x92: {  	_ =	strace s18  }
0x93: {  	s3 =	sld [smem:$0x3FFC];
	_ =	sdelay $0x3  }
0x94: {  	_ =	strace s3  }
0x95: {  	s3 =	sld [smem:$0x3FFD];
	_ =	sdelay $0x3  }
0x96: {  	_ =	strace s3  }
0x97: {  	_ =	strace $0x8FFFFFFF  }
0x98: {  	s19 =	sld [smem:$0x3FDB];
	_ =	sdelay $0x1  }
0x99: {  	s4 =	simm.s32 $_scs_section_size  }
0x9a: {  	s5 =	simm.s32 $_size__tile_overlayer_lowered;
	s6 =	simm.s32 $_tile_overlayer_lowered  }
0x9b: {  	s22 =	simm.s32 $0x1BFF;
	s21 =	sshll.u32 s6, $0x1;
	s3 =	sadd.s32 s4, s19  }
0x9c: {  	s7 =	simm.s32 $0x0;
	s20 =	sshll.u32 s5, $0x1;
	s5 =	sadd.s32 s21, s3  }
0x9d: {  	[timem:s7], [sflag:s22] =	dma.local [hbm:s5], s20  }
0x9e: {  	_ =	swait.ge [sflag:s22], s20  }
0x9f: {  	s4 =	ssub.s32 $0x0, s20;
	[sflag:s22] =	ssyncset.done $0x0  }
0xa0: {  	[sflag:s22] =	ssyncadd.s32 s4;
	_ =	sdelay $0x1  }
0xa1: {  	s23 =	simm.s32 $0x1B8B  }
0xa2: {  	_ =	swait.ge [sflag:s23], $0x1  }
0xa3: {  	[sflag:s23] =	ssyncset.done $0x0  }
0xa4: {  	s25 =	simm.s32 $0x1B8E;
	s24 =	sld [smem:$0x3FFE];
	[sflag:s23] =	ssyncadd.s32 $0xFFFFFFFF  }
0xa5: {  	s26 =	simm.s32 $execute0_lowered;
	[smem:$0x3FD2] =	sst s25  }
0xa6: {  	s5 =	sshll.u32 s26, $0x1;
	_ =	strace $0x8000004C;
	[dreg:$0x1] =	wrdreg $0xFFFFFFFF  }
0xa7: {  	s28 =	simm.s32 $_size_execute0_lowered;
	s3 =	sadd.s32 s3, s5;
	[dreg:$0x0] =	wrdreg $0x0  }
0xa8: {  	s5 =	sshll.u32 s28, $0x1;
	[dreg:$0x2] =	wrdreg s3  }
0xa9: {  	[dreg:$0x3] =	wrdreg s5  }
0xaa: {  	[dreg:$0x4] =	wrdreg $0xC0  }
0xab: {  	_ =	task [dreg:s7], $0x5FFFF  }
0xac: {  	[dreg:$0x1] =	wrdreg $0xFFFFFFFF  }
0xad: {  	[dreg:$0x0] =	wrdreg $0x60  }
0xae: {  	[dreg:$0x2] =	wrdreg s2  }
0xaf: {  	[dreg:$0x3] =	wrdreg s24  }
0xb0: {  	[dreg:$0x4] =	wrdreg $0x9  }
0xb1: {  	_ =	task.clear_ibuf [dreg:s7], $0x5FFFF;
	_ =	strace $0x9000004C  }
0xb2: {  	s29 =	simm.s32 $0x9;
	_ =	strace $0x8000004E  }
0xb3: {  	_ =	swait.ge [sflag:s29], $0x1  }
0xb4: {  	[sflag:s29] =	ssyncadd.s32 $0xFFFFFFFF  }
0xb5: {  	_ =	strace $0x9000004E  }
0xb6: {  	_ =	sfence  }
0xb7: {  	s30 =	sld [smem:$0x0];
	_ =	sdelay $0x2  }
0xb8: {  	s31 =	sshll.u32 s1, $0xD;
	s1 =	sshrl.u32 s1, $0x2  }
0xb9: {  	s3 =	sand.u32 $0x4000, s31;
	s1 =	sadd.s32 s1, s30  }
0xba: {  	s0 =	sor.u32 s3, s0;
	s1 =	sshll.u32 s1, $0x11  }
0xbb: {  	s0 =	sor.u32 s1, s0  }
0xbc: {  	s0 =	sadd.s32 $0x8F2B, s0  }
0xbd: {  	[sflag:s0] =	ssyncadd.remote.s32 $0x1  }
0xbe: {  	_ =	sfence.sel $0xFFFF  }
0xbf: {  	[dreg:$0x0] =	wrdreg $0xFFFFFFFF;
	(pc) =	sbr.abs _section_cstart, $3  }
0xc0: {  	[dreg:$0x1] =	wrdreg $0xFFFFFFFF  }
0xc1: {  	_ =	task.clear_ibuf [dreg:s7], $0x2FFFF;
	_ =	strace $0x9FFFFFFF  }
0xc2: {  	(tm) =	ssettm $0x7FFFFFFF  }
0xc3: {  	_ =	shalt  }
tec
execute0_lowered:
.L_overlay_start_1:
0x0: {  	(tag) =	ssettag $0x1  }
0x1: {  	s1 =	rddreg [dreg:$0x0];
	s2 =	srdreg.scid  }
0x2: {  	s0 =	stileid.u32;
	s3 =	rddreg [dreg:$0x1]  }
0x3: {  	s15 =	simm.s32 $0x100;
	s4 =	sand.u32 $0x1, s2;
	s2 =	simm.s32 $0x0  }
0x4: {  	s16 =	simm.s32 $0x200;
	s7 =	sadd.s32 $0xC3800, s3;
	[smem:$0x7FF] =	sst s2  }
0x5: {  	s17 =	simm.s32 $0xB80;
	_ =	strace $0x8000004D;
	[dreg:$0x3] =	wrdreg s7  }
0x6: {  	s18 =	simm.s32 $0x1380;
	s20 =	simm.s32 $0x1B80;
	[dreg:$0x8] =	wrdreg s15  }
0x7: {  	s21 =	simm.s32 $0x2380;
	s22 =	simm.s32 $0x2B80;
	[dreg:$0x9] =	wrdreg s16  }
0x8: {  	s23 =	simm.s32 $0x3380;
	s24 =	simm.s32 $0x3B80;
	[dreg:$0xa] =	wrdreg s17  }
0x9: {  	s25 =	simm.s32 $0x4380;
	s8 =	simm.s32 $0x1;
	[dreg:$0xb] =	wrdreg s18  }
0xa: {  	s26 =	simm.s32 $0x4B80;
	s11 =	simm.s32 $0x6380;
	[dreg:$0xc] =	wrdreg s20  }
0xb: {  	s28 =	simm.s32 $0xE380;
	s29 =	simm.s32 $0xEB80;
	[dreg:$0xd] =	wrdreg s21  }
0xc: {  	s30 =	simm.s32 $0xF380;
	s5 =	sshll.u32 s0, $0x1;
	[dreg:$0xe] =	wrdreg s22  }
0xd: {  	s31 =	simm.s32 $0xFB80;
	s5 =	sor.u32 s4, s5;
	[dreg:$0xf] =	wrdreg s23  }
0xe: {  	s4 =	ssub.s32 $0x2, s4;
	s6 =	sshll.u32 s5, $0xD;
	[dreg:$0x10] =	wrdreg s24  }
0xf: {  	s5 =	sshll.u32 s5, $0x5;
	s19 =	sshrl.u32 s4, $0x1;
	[dreg:$0x11] =	wrdreg s25  }
0x10: {  	s7 =	simm.s32 $0x2;
	[dreg:$0x12] =	wrdreg s26;
	s15 =	simm.s32 $0x8380  }
0x11: {  	s16 =	simm.s32 $0x8B80;
	s17 =	simm.s32 $0x9380;
	s18 =	simm.s32 $0x9B80  }
0x12: {  	s20 =	simm.s32 $0xAB80;
	s21 =	simm.s32 $0xB380;
	s22 =	simm.s32 $0xBB80  }
0x13: {  	s23 =	simm.s32 $0xC380;
	s24 =	simm.s32 $0xCB80;
	s25 =	simm.s32 $0xD380  }
0x14: {  	s26 =	simm.s32 $0xDB80;
	s6 =	sadd.s32 s6, s3;
	s12 =	sadd.s32 s5, s3  }
0x15: {  	s1 =	sadd.s32 s1, s5;
	s3 =	sadd.s32 $0xC3A00, s3;
	s4 =	ssub.s32 s4, s19  }
0x16: {  	s5 =	simm.s32 $0x380;
	s6 =	sadd.s32 $0x63400, s6;
	[dreg:$0x5] =	wrdreg s1  }
0x17: {  	s19 =	simm.s32 $0xA380;
	s13 =	sadd.s32 $0xC3400, s12;
	[dreg:$0x4] =	wrdreg s6  }
0x18: {  	v2 =	vlaneseq.u32;
	s14 =	sadd.s32 $0x127A00, s12;
	s4 =	smax.u32 s4, $0x1;
	[dreg:$0x6] =	wrdreg s13  }
0x19: {  	vm0 =	vmmov $0xffff;
	v1 =	vshrl.u32 v2, $0x3;
	s12 =	simm.s32 $0x6B80;
	s1 =	simm.s32 $0x3;
	[dreg:$0x7] =	wrdreg s14  }
0x1a: {  	v0 =	vand.u32 $0x7, v2;
	v2 =	vor.u32 $0x8, v2;
	v1 =	vmul.u32 $0x8, v1;
	s6 =	simm.s32 $0x300;
	s13 =	simm.s32 $0x7380;
	s14 =	simm.s32 $0x7B80  }
.LBB2_1:
0x1b: {  	s0 =	rddreg [dreg:$0x4]  }
0x1c: {  	s9 =	rddreg [dreg:$0x6]  }
0x1d: {  	[tilespmem:s5], [sflag:$0x1] =	stream.linear.gather [hbm4b:s0+s2], $0x10000, $0x38;
	[tilespmem:$0x10380] =	vst v63  }
0x1e: {  	s0 =	rddreg [dreg:$0x5]  }
0x1f: {  	[tilespmem:s2], [sflag:$0x2] =	stream.linear.gather [hbm4b:s0+s2], $0x100, $0x38;
	[tilespmem:$0x10380] =	vst v63  }
0x20: {  	s10 =	rddreg [dreg:$0x8]  }
0x21: {  	[tilespmem:s10], [sflag:$0x2] =	stream.linear.gather [hbm4b:s9+s2], $0x100, $0x38;
	[tilespmem:$0x10380] =	vst v63  }
0x22: {  	s0 =	rddreg [dreg:$0x3]  }
0x23: {  	[tilespmem:s6], [sflag:$0x2] =	stream.linear.gather [hbm4b:s0+s2], $0x80, $0x38;
	[tilespmem:$0x10380] =	vst v63  }
0x24: {  	_ =	swait.ge [sflag:s7], $0x100  }
0x25: {  	[sflag:s7] =	ssyncset.done $0x0  }
0x26: {  	[sflag:s7] =	ssyncadd.s32 $0xFFFFFF00  }
0x27: {  	_ =	swait.ge [sflag:s7], $0x100  }
0x28: {  	[sflag:s7] =	ssyncset.done $0x0  }
0x29: {  	[sflag:s7] =	ssyncadd.s32 $0xFFFFFF00  }
0x2a: {  	_ =	swait.ge [sflag:s7], $0x80  }
0x2b: {  	[sflag:s7] =	ssyncset.done $0x0  }
0x2c: {  	[sflag:s7] =	ssyncadd.s32 $0xFFFFFF80  }
0x2d: {  	v3 =	vld [tilespmem:$0x0];
	_ =	sdelay $0x5  }
0x2e: {  	v4 =	vld [tilespmem:$0x100]  }
0x2f: {  	v6 =	vld [tilespmem:$0x10]  }
0x30: {  	v5 =	vld.idx.msk [tilespmem:v3+s6+$0x0], $0xffff;
	_ =	sdelay $0x4  }
0x31: {  	vm1 =	vgt.s32 v3, $0x7;
	v3 =	vadd.s32 v4, v5  }
0x32: {  	v20 =	vld [tilespmem:$0x20];
	v3 =	vsel vm1, $0x3000, v3  }
0x33: {  	[tilespmem:$0x200] =	vst v3;
	v3 =	vld [tilespmem:$0x110]  }
0x34: {  	v19 =	vld.idx.msk [tilespmem:v6+s6+$0x0], $0xffff;
	_ =	sdelay $0x4  }
0x35: {  	vm1 =	vgt.s32 v6, $0x7;
	v3 =	vadd.s32 v3, v19  }
0x36: {  	v22 =	vld [tilespmem:$0x30];
	v3 =	vsel vm1, $0x3000, v3  }
0x37: {  	[tilespmem:$0x210] =	vst v3;
	v3 =	vld [tilespmem:$0x120]  }
0x38: {  	v21 =	vld.idx.msk [tilespmem:v20+s6+$0x0], $0xffff;
	_ =	sdelay $0x4  }
0x39: {  	vm1 =	vgt.s32 v20, $0x7;
	v3 =	vadd.s32 v3, v21  }
0x3a: {  	v24 =	vld [tilespmem:$0x40];
	v3 =	vsel vm1, $0x3000, v3  }
0x3b: {  	[tilespmem:$0x220] =	vst v3;
	v3 =	vld [tilespmem:$0x130]  }
0x3c: {  	v23 =	vld.idx.msk [tilespmem:v22+s6+$0x0], $0xffff;
	_ =	sdelay $0x4  }
0x3d: {  	vm1 =	vgt.s32 v22, $0x7;
	v3 =	vadd.s32 v3, v23  }
0x3e: {  	v26 =	vld [tilespmem:$0x50];
	v3 =	vsel vm1, $0x3000, v3  }
0x3f: {  	[tilespmem:$0x230] =	vst v3;
	v3 =	vld [tilespmem:$0x140]  }
0x40: {  	v25 =	vld.idx.msk [tilespmem:v24+s6+$0x0], $0xffff;
	_ =	sdelay $0x4  }
0x41: {  	vm1 =	vgt.s32 v24, $0x7;
	v3 =	vadd.s32 v3, v25  }
0x42: {  	v28 =	vld [tilespmem:$0x60];
	v3 =	vsel vm1, $0x3000, v3  }
0x43: {  	[tilespmem:$0x240] =	vst v3;
	v3 =	vld [tilespmem:$0x150]  }
0x44: {  	v27 =	vld.idx.msk [tilespmem:v26+s6+$0x0], $0xffff;
	_ =	sdelay $0x4  }
0x45: {  	vm1 =	vgt.s32 v26, $0x7;
	v3 =	vadd.s32 v3, v27  }
0x46: {  	v30 =	vld [tilespmem:$0x70];
	v3 =	vsel vm1, $0x3000, v3  }
0x47: {  	[tilespmem:$0x250] =	vst v3;
	v3 =	vld [tilespmem:$0x160]  }
0x48: {  	v29 =	vld.idx.msk [tilespmem:v28+s6+$0x0], $0xffff;
	_ =	sdelay $0x4  }
0x49: {  	vm1 =	vgt.s32 v28, $0x7;
	v3 =	vadd.s32 v3, v29  }
0x4a: {  	v32 =	vld [tilespmem:$0x80];
	v3 =	vsel vm1, $0x3000, v3  }
0x4b: {  	[tilespmem:$0x260] =	vst v3;
	v3 =	vld [tilespmem:$0x170]  }
0x4c: {  	v31 =	vld.idx.msk [tilespmem:v30+s6+$0x0], $0xffff;
	_ =	sdelay $0x4  }
0x4d: {  	vm1 =	vgt.s32 v30, $0x7;
	v3 =	vadd.s32 v3, v31  }
0x4e: {  	v34 =	vld [tilespmem:$0x90];
	v3 =	vsel vm1, $0x3000, v3  }
0x4f: {  	[tilespmem:$0x270] =	vst v3;
	v3 =	vld [tilespmem:$0x180]  }
0x50: {  	v33 =	vld.idx.msk [tilespmem:v32+s6+$0x0], $0xffff;
	_ =	sdelay $0x4  }
0x51: {  	vm1 =	vgt.s32 v32, $0x7;
	v3 =	vadd.s32 v3, v33  }
0x52: {  	v36 =	vld [tilespmem:$0xA0];
	v3 =	vsel vm1, $0x3000, v3  }
0x53: {  	[tilespmem:$0x280] =	vst v3;
	v3 =	vld [tilespmem:$0x190]  }
0x54: {  	v35 =	vld.idx.msk [tilespmem:v34+s6+$0x0], $0xffff;
	_ =	sdelay $0x4  }
0x55: {  	vm1 =	vgt.s32 v34, $0x7;
	v3 =	vadd.s32 v3, v35  }
0x56: {  	v38 =	vld [tilespmem:$0xB0];
	v3 =	vsel vm1, $0x3000, v3  }
0x57: {  	[tilespmem:$0x290] =	vst v3;
	v3 =	vld [tilespmem:$0x1A0]  }
0x58: {  	v37 =	vld.idx.msk [tilespmem:v36+s6+$0x0], $0xffff;
	_ =	sdelay $0x4  }
0x59: {  	vm1 =	vgt.s32 v36, $0x7;
	v3 =	vadd.s32 v3, v37  }
0x5a: {  	v40 =	vld [tilespmem:$0xC0];
	v3 =	vsel vm1, $0x3000, v3  }
0x5b: {  	[tilespmem:$0x2A0] =	vst v3;
	v3 =	vld [tilespmem:$0x1B0]  }
0x5c: {  	v39 =	vld.idx.msk [tilespmem:v38+s6+$0x0], $0xffff;
	_ =	sdelay $0x4  }
0x5d: {  	vm1 =	vgt.s32 v38, $0x7;
	v3 =	vadd.s32 v3, v39  }
0x5e: {  	v42 =	vld [tilespmem:$0xD0];
	v3 =	vsel vm1, $0x3000, v3  }
0x5f: {  	[tilespmem:$0x2B0] =	vst v3;
	v3 =	vld [tilespmem:$0x1C0]  }
0x60: {  	v41 =	vld.idx.msk [tilespmem:v40+s6+$0x0], $0xffff;
	_ =	sdelay $0x4  }
0x61: {  	vm1 =	vgt.s32 v40, $0x7;
	v3 =	vadd.s32 v3, v41  }
0x62: {  	v44 =	vld [tilespmem:$0xE0];
	v3 =	vsel vm1, $0x3000, v3  }
0x63: {  	[tilespmem:$0x2C0] =	vst v3;
	v3 =	vld [tilespmem:$0x1D0]  }
0x64: {  	v43 =	vld.idx.msk [tilespmem:v42+s6+$0x0], $0xffff;
	_ =	sdelay $0x4  }
0x65: {  	vm1 =	vgt.s32 v42, $0x7;
	v3 =	vadd.s32 v3, v43  }
0x66: {  	v46 =	vld [tilespmem:$0xF0];
	v3 =	vsel vm1, $0x3000, v3  }
0x67: {  	[tilespmem:$0x2D0] =	vst v3;
	v3 =	vld [tilespmem:$0x1E0]  }
0x68: {  	v45 =	vld.idx.msk [tilespmem:v44+s6+$0x0], $0xffff;
	_ =	sdelay $0x4  }
0x69: {  	vm1 =	vgt.s32 v44, $0x7;
	v3 =	vadd.s32 v3, v45  }
0x6a: {  	v3 =	vsel vm1, $0x3000, v3  }
0x6b: {  	[tilespmem:$0x2E0] =	vst v3;
	v3 =	vld [tilespmem:$0x1F0]  }
0x6c: {  	v47 =	vld.idx.msk [tilespmem:v46+s6+$0x0], $0xffff;
	_ =	sdelay $0x4  }
0x6d: {  	vm1 =	vgt.s32 v46, $0x7;
	v3 =	vadd.s32 v3, v47  }
0x6e: {  	v3 =	vsel vm1, $0x3000, v3  }
0x6f: {  	[tilespmem:$0x2F0] =	vst v3  }
0x70: {  	_ =	swait.ge [sflag:s8], $0x10000  }
0x71: {  	s9 =	rddreg [dreg:$0x7];
	[sflag:s8] =	ssyncset.done $0x0  }
0x72: {  	s10 =	rddreg [dreg:$0x9];
	[sflag:s8] =	ssyncadd.s32 $0xFFFF0000  }
0x73: {  	[hbm4b:s9+s2] =	stream.linear.scatter [tilespmem:s10], [sflag:$0x3], $0x100, $0x38;
	[tilespmem:$0x10380] =	vst v63  }
0x74: {  	v3 =	vld [tilespmem:$0x200];
	_ =	sdelay $0x4  }
0x75: {  	v48 =	vshll.u32 v3, $0x1  }
0x76: {  	v3 =	vand.u32 $0x7, v3;
	v4 =	vand.u32 $0xFFFFFFF0, v48  }
0x77: {  	v3 =	vor.u32 v3, v4  }
0x78: {  	v4 =	vperm.xlane v3, v0;
	_ =	sdelay $0x1  }
0x79: {  	v3 =	vperm.xlane v3, v2;
	v4 =	vadd.s32 v1, v4;
	_ =	sdelay $0x1  }
0x7a: {  	v3 =	vadd.s32 v1, v3;
	_ =	sdelay $0x2  }
0x7b: {  	[hbm4b:s3+s2] =	stream.indirect_vreg.scatter [tilespmem:s5], [sflag:$0x3], $0x80, v4, vm0, $0xb8;
	[tilespmem:$0x10380] =	vst v63  }
0x7c: {  	s10 =	rddreg [dreg:$0xa]  }
0x7d: {  	[hbm4b:s3+s2] =	stream.indirect_vreg.scatter [tilespmem:s10], [sflag:$0x3], $0x80, v3, vm0, $0xb8;
	[tilespmem:$0x10380] =	vst v63  }
0x7e: {  	v3 =	vld [tilespmem:$0x210];
	_ =	sdelay $0x4  }
0x7f: {  	v49 =	vshll.u32 v3, $0x1  }
0x80: {  	v3 =	vand.u32 $0x7, v3;
	v4 =	vand.u32 $0xFFFFFFF0, v49  }
0x81: {  	v3 =	vor.u32 v3, v4  }
0x82: {  	v4 =	vperm.xlane v3, v0;
	_ =	sdelay $0x1  }
0x83: {  	v3 =	vperm.xlane v3, v2;
	v4 =	vadd.s32 v1, v4;
	_ =	sdelay $0x1  }
0x84: {  	v3 =	vadd.s32 v1, v3;
	_ =	sdelay $0x1  }
0x85: {  	s9 =	rddreg [dreg:$0xb]  }
0x86: {  	[hbm4b:s3+s2] =	stream.indirect_vreg.scatter [tilespmem:s9], [sflag:$0x3], $0x80, v4, vm0, $0xb8;
	[tilespmem:$0x10380] =	vst v63  }
0x87: {  	s10 =	rddreg [dreg:$0xc]  }
0x88: {  	[hbm4b:s3+s2] =	stream.indirect_vreg.scatter [tilespmem:s10], [sflag:$0x3], $0x80, v3, vm0, $0xb8;
	[tilespmem:$0x10380] =	vst v63  }
0x89: {  	v3 =	vld [tilespmem:$0x220];
	_ =	sdelay $0x4  }
0x8a: {  	v50 =	vshll.u32 v3, $0x1  }
0x8b: {  	v3 =	vand.u32 $0x7, v3;
	v4 =	vand.u32 $0xFFFFFFF0, v50  }
0x8c: {  	v3 =	vor.u32 v3, v4  }
0x8d: {  	v4 =	vperm.xlane v3, v0;
	_ =	sdelay $0x1  }
0x8e: {  	v3 =	vperm.xlane v3, v2;
	v4 =	vadd.s32 v1, v4;
	_ =	sdelay $0x1  }
0x8f: {  	v3 =	vadd.s32 v1, v3;
	_ =	sdelay $0x1  }
0x90: {  	s9 =	rddreg [dreg:$0xd]  }
0x91: {  	[hbm4b:s3+s2] =	stream.indirect_vreg.scatter [tilespmem:s9], [sflag:$0x3], $0x80, v4, vm0, $0xb8;
	[tilespmem:$0x10380] =	vst v63  }
0x92: {  	s10 =	rddreg [dreg:$0xe]  }
0x93: {  	[hbm4b:s3+s2] =	stream.indirect_vreg.scatter [tilespmem:s10], [sflag:$0x3], $0x80, v3, vm0, $0xb8;
	[tilespmem:$0x10380] =	vst v63  }
0x94: {  	v3 =	vld [tilespmem:$0x230];
	_ =	sdelay $0x4  }
0x95: {  	v51 =	vshll.u32 v3, $0x1  }
0x96: {  	v3 =	vand.u32 $0x7, v3;
	v4 =	vand.u32 $0xFFFFFFF0, v51  }
0x97: {  	v3 =	vor.u32 v3, v4  }
0x98: {  	v4 =	vperm.xlane v3, v0;
	_ =	sdelay $0x1  }
0x99: {  	v3 =	vperm.xlane v3, v2;
	v4 =	vadd.s32 v1, v4;
	_ =	sdelay $0x1  }
0x9a: {  	v3 =	vadd.s32 v1, v3;
	_ =	sdelay $0x1  }
0x9b: {  	s9 =	rddreg [dreg:$0xf]  }
0x9c: {  	[hbm4b:s3+s2] =	stream.indirect_vreg.scatter [tilespmem:s9], [sflag:$0x3], $0x80, v4, vm0, $0xb8;
	[tilespmem:$0x10380] =	vst v63  }
0x9d: {  	s10 =	rddreg [dreg:$0x10]  }
0x9e: {  	[hbm4b:s3+s2] =	stream.indirect_vreg.scatter [tilespmem:s10], [sflag:$0x3], $0x80, v3, vm0, $0xb8;
	[tilespmem:$0x10380] =	vst v63  }
0x9f: {  	v3 =	vld [tilespmem:$0x240];
	_ =	sdelay $0x4  }
0xa0: {  	v52 =	vshll.u32 v3, $0x1  }
0xa1: {  	v3 =	vand.u32 $0x7, v3;
	v4 =	vand.u32 $0xFFFFFFF0, v52  }
0xa2: {  	v3 =	vor.u32 v3, v4  }
0xa3: {  	v4 =	vperm.xlane v3, v0;
	_ =	sdelay $0x1  }
0xa4: {  	v3 =	vperm.xlane v3, v2;
	v4 =	vadd.s32 v1, v4;
	_ =	sdelay $0x1  }
0xa5: {  	v3 =	vadd.s32 v1, v3;
	_ =	sdelay $0x1  }
0xa6: {  	s9 =	rddreg [dreg:$0x11]  }
0xa7: {  	[hbm4b:s3+s2] =	stream.indirect_vreg.scatter [tilespmem:s9], [sflag:$0x3], $0x80, v4, vm0, $0xb8;
	[tilespmem:$0x10380] =	vst v63  }
0xa8: {  	s10 =	rddreg [dreg:$0x12]  }
0xa9: {  	[hbm4b:s3+s2] =	stream.indirect_vreg.scatter [tilespmem:s10], [sflag:$0x3], $0x80, v3, vm0, $0xb8;
	[tilespmem:$0x10380] =	vst v63  }
0xaa: {  	v3 =	vld [tilespmem:$0x250];
	_ =	sdelay $0x4  }
0xab: {  	v53 =	vshll.u32 v3, $0x1  }
0xac: {  	v3 =	vand.u32 $0x7, v3;
	v4 =	vand.u32 $0xFFFFFFF0, v53  }
0xad: {  	v3 =	vor.u32 v3, v4  }
0xae: {  	v4 =	vperm.xlane v3, v0;
	_ =	sdelay $0x1  }
0xaf: {  	v3 =	vperm.xlane v3, v2;
	v4 =	vadd.s32 v1, v4;
	_ =	sdelay $0x1  }
0xb0: {  	v3 =	vadd.s32 v1, v3;
	_ =	sdelay $0x1  }
0xb1: {  	s9 =	simm.s32 $0x5380  }
0xb2: {  	[hbm4b:s3+s2] =	stream.indirect_vreg.scatter [tilespmem:s9], [sflag:$0x3], $0x80, v4, vm0, $0xb8;
	[tilespmem:$0x10380] =	vst v63  }
0xb3: {  	s10 =	simm.s32 $0x5B80  }
0xb4: {  	[hbm4b:s3+s2] =	stream.indirect_vreg.scatter [tilespmem:s10], [sflag:$0x3], $0x80, v3, vm0, $0xb8;
	[tilespmem:$0x10380] =	vst v63  }
0xb5: {  	v3 =	vld [tilespmem:$0x260];
	_ =	sdelay $0x4  }
0xb6: {  	v54 =	vshll.u32 v3, $0x1  }
0xb7: {  	v3 =	vand.u32 $0x7, v3;
	v4 =	vand.u32 $0xFFFFFFF0, v54  }
0xb8: {  	v3 =	vor.u32 v3, v4  }
0xb9: {  	v4 =	vperm.xlane v3, v0;
	_ =	sdelay $0x1  }
0xba: {  	v3 =	vperm.xlane v3, v2;
	v4 =	vadd.s32 v1, v4;
	_ =	sdelay $0x1  }
0xbb: {  	v3 =	vadd.s32 v1, v3;
	_ =	sdelay $0x2  }
0xbc: {  	[hbm4b:s3+s2] =	stream.indirect_vreg.scatter [tilespmem:s11], [sflag:$0x3], $0x80, v4, vm0, $0xb8;
	[tilespmem:$0x10380] =	vst v63  }
0xbd: {  	_ = 	snop  }
0xbe: {  	[hbm4b:s3+s2] =	stream.indirect_vreg.scatter [tilespmem:s12], [sflag:$0x3], $0x80, v3, vm0, $0xb8;
	[tilespmem:$0x10380] =	vst v63  }
0xbf: {  	v3 =	vld [tilespmem:$0x270];
	_ =	sdelay $0x4  }
0xc0: {  	v55 =	vshll.u32 v3, $0x1  }
0xc1: {  	v3 =	vand.u32 $0x7, v3;
	v4 =	vand.u32 $0xFFFFFFF0, v55  }
0xc2: {  	v3 =	vor.u32 v3, v4  }
0xc3: {  	v4 =	vperm.xlane v3, v0;
	_ =	sdelay $0x1  }
0xc4: {  	v3 =	vperm.xlane v3, v2;
	v4 =	vadd.s32 v1, v4;
	_ =	sdelay $0x1  }
0xc5: {  	v3 =	vadd.s32 v1, v3;
	_ =	sdelay $0x2  }
0xc6: {  	[hbm4b:s3+s2] =	stream.indirect_vreg.scatter [tilespmem:s13], [sflag:$0x3], $0x80, v4, vm0, $0xb8;
	[tilespmem:$0x10380] =	vst v63  }
0xc7: {  	_ = 	snop  }
0xc8: {  	[hbm4b:s3+s2] =	stream.indirect_vreg.scatter [tilespmem:s14], [sflag:$0x3], $0x80, v3, vm0, $0xb8;
	[tilespmem:$0x10380] =	vst v63  }
0xc9: {  	v3 =	vld [tilespmem:$0x280];
	_ =	sdelay $0x4  }
0xca: {  	v56 =	vshll.u32 v3, $0x1  }
0xcb: {  	v3 =	vand.u32 $0x7, v3;
	v4 =	vand.u32 $0xFFFFFFF0, v56  }
0xcc: {  	v3 =	vor.u32 v3, v4  }
0xcd: {  	v4 =	vperm.xlane v3, v0;
	_ =	sdelay $0x1  }
0xce: {  	v3 =	vperm.xlane v3, v2;
	v4 =	vadd.s32 v1, v4;
	_ =	sdelay $0x1  }
0xcf: {  	v3 =	vadd.s32 v1, v3;
	_ =	sdelay $0x2  }
0xd0: {  	[hbm4b:s3+s2] =	stream.indirect_vreg.scatter [tilespmem:s15], [sflag:$0x3], $0x80, v4, vm0, $0xb8;
	[tilespmem:$0x10380] =	vst v63  }
0xd1: {  	_ = 	snop  }
0xd2: {  	[hbm4b:s3+s2] =	stream.indirect_vreg.scatter [tilespmem:s16], [sflag:$0x3], $0x80, v3, vm0, $0xb8;
	[tilespmem:$0x10380] =	vst v63  }
0xd3: {  	v3 =	vld [tilespmem:$0x290];
	_ =	sdelay $0x4  }
0xd4: {  	v57 =	vshll.u32 v3, $0x1  }
0xd5: {  	v3 =	vand.u32 $0x7, v3;
	v4 =	vand.u32 $0xFFFFFFF0, v57  }
0xd6: {  	v3 =	vor.u32 v3, v4  }
0xd7: {  	v4 =	vperm.xlane v3, v0;
	_ =	sdelay $0x1  }
0xd8: {  	v3 =	vperm.xlane v3, v2;
	v4 =	vadd.s32 v1, v4;
	_ =	sdelay $0x1  }
0xd9: {  	v3 =	vadd.s32 v1, v3;
	_ =	sdelay $0x2  }
0xda: {  	[hbm4b:s3+s2] =	stream.indirect_vreg.scatter [tilespmem:s17], [sflag:$0x3], $0x80, v4, vm0, $0xb8;
	[tilespmem:$0x10380] =	vst v63  }
0xdb: {  	_ = 	snop  }
0xdc: {  	[hbm4b:s3+s2] =	stream.indirect_vreg.scatter [tilespmem:s18], [sflag:$0x3], $0x80, v3, vm0, $0xb8;
	[tilespmem:$0x10380] =	vst v63  }
0xdd: {  	v3 =	vld [tilespmem:$0x2A0];
	_ =	sdelay $0x4  }
0xde: {  	v58 =	vshll.u32 v3, $0x1  }
0xdf: {  	v3 =	vand.u32 $0x7, v3;
	v4 =	vand.u32 $0xFFFFFFF0, v58  }
0xe0: {  	v3 =	vor.u32 v3, v4  }
0xe1: {  	v4 =	vperm.xlane v3, v0;
	_ =	sdelay $0x1  }
0xe2: {  	v3 =	vperm.xlane v3, v2;
	v4 =	vadd.s32 v1, v4;
	_ =	sdelay $0x1  }
0xe3: {  	v3 =	vadd.s32 v1, v3;
	_ =	sdelay $0x2  }
0xe4: {  	[hbm4b:s3+s2] =	stream.indirect_vreg.scatter [tilespmem:s19], [sflag:$0x3], $0x80, v4, vm0, $0xb8;
	[tilespmem:$0x10380] =	vst v63  }
0xe5: {  	_ = 	snop  }
0xe6: {  	[hbm4b:s3+s2] =	stream.indirect_vreg.scatter [tilespmem:s20], [sflag:$0x3], $0x80, v3, vm0, $0xb8;
	[tilespmem:$0x10380] =	vst v63  }
0xe7: {  	v3 =	vld [tilespmem:$0x2B0];
	_ =	sdelay $0x4  }
0xe8: {  	v59 =	vshll.u32 v3, $0x1  }
0xe9: {  	v3 =	vand.u32 $0x7, v3;
	v4 =	vand.u32 $0xFFFFFFF0, v59  }
0xea: {  	v3 =	vor.u32 v3, v4  }
0xeb: {  	v4 =	vperm.xlane v3, v0;
	_ =	sdelay $0x1  }
0xec: {  	v3 =	vperm.xlane v3, v2;
	v4 =	vadd.s32 v1, v4;
	_ =	sdelay $0x1  }
0xed: {  	v3 =	vadd.s32 v1, v3;
	_ =	sdelay $0x2  }
0xee: {  	[hbm4b:s3+s2] =	stream.indirect_vreg.scatter [tilespmem:s21], [sflag:$0x3], $0x80, v4, vm0, $0xb8;
	[tilespmem:$0x10380] =	vst v63  }
0xef: {  	_ = 	snop  }
0xf0: {  	[hbm4b:s3+s2] =	stream.indirect_vreg.scatter [tilespmem:s22], [sflag:$0x3], $0x80, v3, vm0, $0xb8;
	[tilespmem:$0x10380] =	vst v63  }
0xf1: {  	v3 =	vld [tilespmem:$0x2C0];
	_ =	sdelay $0x4  }
0xf2: {  	v60 =	vshll.u32 v3, $0x1  }
0xf3: {  	v3 =	vand.u32 $0x7, v3;
	v4 =	vand.u32 $0xFFFFFFF0, v60  }
0xf4: {  	v3 =	vor.u32 v3, v4  }
0xf5: {  	v4 =	vperm.xlane v3, v0;
	_ =	sdelay $0x1  }
0xf6: {  	v3 =	vperm.xlane v3, v2;
	v4 =	vadd.s32 v1, v4;
	_ =	sdelay $0x1  }
0xf7: {  	v3 =	vadd.s32 v1, v3;
	_ =	sdelay $0x2  }
0xf8: {  	[hbm4b:s3+s2] =	stream.indirect_vreg.scatter [tilespmem:s23], [sflag:$0x3], $0x80, v4, vm0, $0xb8;
	[tilespmem:$0x10380] =	vst v63  }
0xf9: {  	_ = 	snop  }
0xfa: {  	[hbm4b:s3+s2] =	stream.indirect_vreg.scatter [tilespmem:s24], [sflag:$0x3], $0x80, v3, vm0, $0xb8;
	[tilespmem:$0x10380] =	vst v63  }
0xfb: {  	v3 =	vld [tilespmem:$0x2D0];
	_ =	sdelay $0x4  }
0xfc: {  	v61 =	vshll.u32 v3, $0x1  }
0xfd: {  	v3 =	vand.u32 $0x7, v3;
	v4 =	vand.u32 $0xFFFFFFF0, v61  }
0xfe: {  	v3 =	vor.u32 v3, v4  }
0xff: {  	v4 =	vperm.xlane v3, v0;
	_ =	sdelay $0x1  }
0x100: {  	v3 =	vperm.xlane v3, v2;
	v4 =	vadd.s32 v1, v4;
	_ =	sdelay $0x1  }
0x101: {  	v3 =	vadd.s32 v1, v3;
	_ =	sdelay $0x2  }
0x102: {  	[hbm4b:s3+s2] =	stream.indirect_vreg.scatter [tilespmem:s25], [sflag:$0x3], $0x80, v4, vm0, $0xb8;
	[tilespmem:$0x10380] =	vst v63  }
0x103: {  	_ = 	snop  }
0x104: {  	[hbm4b:s3+s2] =	stream.indirect_vreg.scatter [tilespmem:s26], [sflag:$0x3], $0x80, v3, vm0, $0xb8;
	[tilespmem:$0x10380] =	vst v63  }
0x105: {  	v3 =	vld [tilespmem:$0x2E0];
	_ =	sdelay $0x4  }
0x106: {  	v62 =	vshll.u32 v3, $0x1  }
0x107: {  	v3 =	vand.u32 $0x7, v3;
	v4 =	vand.u32 $0xFFFFFFF0, v62  }
0x108: {  	v3 =	vor.u32 v3, v4  }
0x109: {  	v4 =	vperm.xlane v3, v0;
	_ =	sdelay $0x1  }
0x10a: {  	v3 =	vperm.xlane v3, v2;
	v4 =	vadd.s32 v1, v4;
	_ =	sdelay $0x1  }
0x10b: {  	v3 =	vadd.s32 v1, v3;
	_ =	sdelay $0x2  }
0x10c: {  	[hbm4b:s3+s2] =	stream.indirect_vreg.scatter [tilespmem:s28], [sflag:$0x3], $0x80, v4, vm0, $0xb8;
	[tilespmem:$0x10380] =	vst v63  }
0x10d: {  	_ = 	snop  }
0x10e: {  	[hbm4b:s3+s2] =	stream.indirect_vreg.scatter [tilespmem:s29], [sflag:$0x3], $0x80, v3, vm0, $0xb8;
	[tilespmem:$0x10380] =	vst v63  }
0x10f: {  	v3 =	vld [tilespmem:$0x2F0];
	_ =	sdelay $0x4  }
0x110: {  	v63 =	vshll.u32 v3, $0x1  }
0x111: {  	v3 =	vand.u32 $0x7, v3;
	v4 =	vand.u32 $0xFFFFFFF0, v63  }
0x112: {  	v3 =	vor.u32 v3, v4  }
0x113: {  	v4 =	vperm.xlane v3, v0;
	_ =	sdelay $0x1  }
0x114: {  	v3 =	vperm.xlane v3, v2;
	v4 =	vadd.s32 v1, v4;
	_ =	sdelay $0x1  }
0x115: {  	v3 =	vadd.s32 v1, v3;
	_ =	sdelay $0x2  }
0x116: {  	[hbm4b:s3+s2] =	stream.indirect_vreg.scatter [tilespmem:s30], [sflag:$0x3], $0x80, v4, vm0, $0xb8;
	[tilespmem:$0x10380] =	vst v63  }
0x117: {  	_ = 	snop  }
0x118: {  	[hbm4b:s3+s2] =	stream.indirect_vreg.scatter [tilespmem:s31], [sflag:$0x3], $0x80, v3, vm0, $0xb8;
	[tilespmem:$0x10380] =	vst v63  }
0x119: {  	_ =	swait.ge [sflag:s1], $0x100  }
0x11a: {  	[sflag:s1] =	ssyncset.done $0x0  }
0x11b: {  	[sflag:s1] =	ssyncadd.s32 $0xFFFFFF00  }
0x11c: {  	p0 =	sne.s32 s4, $0x1;
	_ =	swait.ge [sflag:s1], $0x8000  }
.Ltmp0:
0x11d: {  	[sflag:s1] =	ssyncset.done $0x0;
	(pc) =	sbr.rel @p0 .LBB2_1-.Ltmp0, $4  }
0x11e: {  	[sflag:s1] =	ssyncadd.s32 $0xFFFF8000  }
0x11f: {  	_ =	swait.ge [sflag:s1], $0x8000  }
0x120: {  	[sflag:s1] =	ssyncset.done $0x0  }
0x121: {  	s4 =	sadd.s32 $0xFFFFFFFF, s4;
	[sflag:s1] =	ssyncadd.s32 $0xFFFF8000  }
0x122: {  	_ =	sfence.sel $0x180000  }
0x123: {  	[bflag:$0x0] =	sbarrier.arrive $0xFFFF  }
0x124: {  	_ =	strace $0x9000004D  }
0x125: {  	s0 =	stileid.u32;
	[bflag:$0x2] =	sbarrier.arrive $0xFFFF  }
0x126: {  	p0 =	sne.s32 s0, $0x0;
	s0 =	rddreg [dreg:$0x2]  }
0x127: {  	s0 =	sadd.s32 @!p0 $0x100000, s0  }
0x128: {  	[sflag:s0] =	ssyncadd.tile.s32 @!p0 $0x1;
	_ =	shalt  }
.Lfunc_end2:
_tile_overlayer_lowered:
.L_overlay_start_2:
0x129: {  	(tag) =	ssettag $0x2  }
0x12a: {  	s0 =	rddreg [dreg:$0x0];
	s2 =	stileid.u32  }
0x12b: {  	s1 =	rddreg [dreg:$0x1];
	p0 =	sne.s32 s2, $0x0  }
0x12c: {  	s3 =	rddreg [dreg:$0x2];
	[bflag:$0x3] =	sbarrier.arrive $0xFFFF;
	s2 =	simm.s32 @!p0 $0x1C04  }
0x12d: {  	[timem:s3], [sflag:s2] =	dma.local @!p0 [hbm:s0], s1  }
0x12e: {  	s0 =	simm.s32 @!p0 $0x4  }
0x12f: {  	_ =	swait.ge @!p0 [sflag:s0], s1  }
0x130: {  	s1 =	ssub.s32 @!p0 $0x0, s1;
	[sflag:s0] =	ssyncset.done @!p0 $0x0  }
0x131: {  	[sflag:s0] =	ssyncadd.s32 @!p0 s1  }
0x132: {  	[bflag:$0x3] =	sbarrier.arrive $0xFFFF  }
0x133: {  	_ =	shalt  }

// kernel: kernel.20.cloned.1.call-start
scs
__scs_entry_jumppad:
0x0: {  	(pc) =	sbr.rel $0x88, $3  }
0x1: {  	(tag) =	ssettag $0x0;
	lr =	simm.s32 $0x1  }
0x2: {  	[smem:$0x3F8F] =	sst lr;
	_ =	strace $0xD0000000  }
0x3: {  	_ = 	snop  }
0x4: {  	_ = 	snop  }
0x5: {  	_ = 	snop  }
0x6: {  	_ = 	snop  }
0x7: {  	_ = 	snop  }
__scs_overlays_trampoline_lowered:
0x8: {  	[smem:$0x3F9E] =	sst s0  }
0x9: {  	[smem:$0x3F9F] =	sst s1  }
0xa: {  	[smem:$0x3FA0] =	sst s2  }
0xb: {  	[smem:$0x3FA1] =	sst s3  }
0xc: {  	[smem:$0x3FA2] =	sst s4  }
0xd: {  	[smem:$0x3FA3] =	sst s5  }
0xe: {  	[smem:$0x3FA4] =	sst s6  }
0xf: {  	[smem:$0x3FA5] =	sst s7  }
0x10: {  	[smem:$0x3FA6] =	sst s8  }
0x11: {  	[smem:$0x3FA7] =	sst s9;
	s0 =	simm.s32 @!p0 $0x0  }
0x12: {  	s1 =	sld [smem:$0x3F8D];
	s0 =	simm.s32 @p0 $0x1  }
0x13: {  	[smem:$0x3FA8] =	sst s0;
	s0 =	simm.s32 @!p1 $0x0  }
0x14: {  	s2 =	sld [smem:$0x3F8C];
	s0 =	simm.s32 @p1 $0x1  }
0x15: {  	[smem:$0x3FA9] =	sst s0;
	s0 =	simm.s32 @!p2 $0x0  }
0x16: {  	s3 =	sld [smem:$0x3FDB];
	s0 =	simm.s32 @p2 $0x1  }
0x17: {  	s4 =	simm.s32 $0x1BF5;
	[smem:$0x3FAB] =	sst s0  }
0x18: {  	s0 =	sld [smem:$0x3F8E];
	_ =	swait.ge [sflag:s4], $0x0  }
0x19: {  	s7 =	sld [smem:$0x3F8F]  }
0x1a: {  	s8 =	sadd.s32 $0xFFFFE003, lr  }
0x1b: {  	s9 =	sadd.s32 $0xFFFFFEF7, lr;
	s5 =	simm.s32 $0xFFFFFFFF;
	p2 =	slt.u32 s8, $0xFFFFF086  }
0x1c: {  	p1 =	slt.u32 s9, $0xF7A;
	s5 =	simm.s32 @!p2 $0x0  }
0x1d: {  	s5 =	simm.s32 @p1 $0x1;
	p0 =	seq.s32 s7, s2  }
0x1e: {  	s7 =	smul.u32 @!p0 $0xF7A, s2;
	p2 =	seq.s32 @!p0 s5, $0x0  }
0x1f: {  	s9 =	smul.u32 $0xF7A, s1;
	s8 =	simm.s32 @!p0 $0x1BF5;
	p2 =	por !p2, p0  }
0x20: {  	[sflag:s8] =	ssyncset.s32 @!p0 $0xFFFFF086;
	s6 =	sadd.s32 @!p0 s3, s7;
	s7 =	simm.s32 @!p0 $0x108  }
0x21: {  	s3 =	sadd.s32 s3, s9;
	s6 =	sadd.s32 @!p0 $0x88, s6;
	s7 =	simm.s32 @p2 $0x1082  }
0x22: {  	[simem:s7], [sflag:s8] =	dma.local @!p0 [hbm:s6], $0xF7A  }
0x23: {  	s9 =	sor.u32 $0xD0000000, s2;
	s6 =	simm.s32 $0x108;
	_ =	swait.ge @!p0 [sflag:s8], $0x0  }
0x24: {  	s3 =	sadd.s32 $0x88, s3;
	s6 =	simm.s32 @!p1 $0x1082;
	[sflag:s4] =	ssyncset.s32 $0xFFFFF086  }
0x25: {  	[simem:s6], [sflag:s4] =	dma.local [hbm:s3], $0xF7A  }
0x26: {  	[smem:$0x3F8F] =	sst s1;
	(tag) =	ssettag s2;
	_ =	strace s9  }
0x27: {  	s1 =	sld [smem:$0x3F9F]  }
0x28: {  	s2 =	sld [smem:$0x3FA0]  }
0x29: {  	s4 =	sld [smem:$0x3FA2]  }
0x2a: {  	p0 =	seq.s32 s5, $0x0;
	s5 =	sld [smem:$0x3FA3]  }
0x2b: {  	s6 =	sld [smem:$0x3FA4]  }
0x2c: {  	s7 =	sld [smem:$0x3FA5]  }
0x2d: {  	s3 =	simm.s32 $0x108;
	s8 =	sld [smem:$0x3FA6]  }
0x2e: {  	s3 =	simm.s32 @!p0 $0x1082;
	s9 =	sld [smem:$0x3FA7]  }
0x2f: {  	lr =	sadd.s32 s0, s3;
	s0 =	sld [smem:$0x3F9E]  }
0x30: {  	s3 =	sld [smem:$0x3FA1]  }
0x31: {  	[smem:$0x3FAA] =	sst s10  }
0x32: {  	s10 =	sld [smem:$0x3FA8];
	_ =	sdelay $0x3  }
0x33: {  	p0 =	seq.s32 s10, $0x1;
	s10 =	sld [smem:$0x3FAA];
	_ =	sdelay $0x3  }
0x34: {  	[smem:$0x3FAA] =	sst s10  }
0x35: {  	s10 =	sld [smem:$0x3FA9];
	_ =	sdelay $0x3  }
0x36: {  	p1 =	seq.s32 s10, $0x1;
	s10 =	sld [smem:$0x3FAA];
	_ =	sdelay $0x3  }
0x37: {  	[smem:$0x3FAA] =	sst s10  }
0x38: {  	s10 =	sld [smem:$0x3FAB]  }
0x39: {  	_ = 	snop;
	(pc) =	sbr.ind lr, $3  }
0x3a: {  	_ = 	snop  }
0x3b: {  	_ = 	snop  }
0x3c: {  	p2 =	seq.s32 s10, $0x1;
	s10 =	sld [smem:$0x3FAA]  }
0x3d: {  	_ =	shalt  }
0x3e: {  	_ =	shalt  }
0x3f: {  	_ =	shalt  }
0x40: {  	_ =	shalt  }
0x41: {  	_ =	shalt  }
0x42: {  	_ =	shalt  }
0x43: {  	_ =	shalt  }
0x44: {  	_ =	shalt  }
0x45: {  	_ =	shalt  }
0x46: {  	_ =	shalt  }
0x47: {  	_ =	shalt  }
0x48: {  	_ =	shalt  }
0x49: {  	_ =	shalt  }
0x4a: {  	_ =	shalt  }
0x4b: {  	_ =	shalt  }
0x4c: {  	_ =	shalt  }
0x4d: {  	_ =	shalt  }
0x4e: {  	_ =	shalt  }
0x4f: {  	_ =	shalt  }
0x50: {  	_ =	shalt  }
0x51: {  	_ =	shalt  }
0x52: {  	_ =	shalt  }
0x53: {  	_ =	shalt  }
0x54: {  	_ =	shalt  }
0x55: {  	_ =	shalt  }
0x56: {  	_ =	shalt  }
0x57: {  	_ =	shalt  }
0x58: {  	_ =	shalt  }
0x59: {  	_ =	shalt  }
0x5a: {  	_ =	shalt  }
0x5b: {  	_ =	shalt  }
0x5c: {  	_ =	shalt  }
0x5d: {  	_ =	shalt  }
0x5e: {  	_ =	shalt  }
0x5f: {  	_ =	shalt  }
0x60: {  	_ =	shalt  }
0x61: {  	_ =	shalt  }
0x62: {  	_ =	shalt  }
0x63: {  	_ =	shalt  }
0x64: {  	_ =	shalt  }
0x65: {  	_ =	shalt  }
0x66: {  	_ =	shalt  }
0x67: {  	_ =	shalt  }
0x68: {  	_ =	shalt  }
0x69: {  	_ =	shalt  }
0x6a: {  	_ =	shalt  }
0x6b: {  	_ =	shalt  }
0x6c: {  	_ =	shalt  }
0x6d: {  	_ =	shalt  }
0x6e: {  	_ =	shalt  }
0x6f: {  	_ =	shalt  }
0x70: {  	_ =	shalt  }
0x71: {  	_ =	shalt  }
0x72: {  	_ =	shalt  }
0x73: {  	_ =	shalt  }
0x74: {  	_ =	shalt  }
0x75: {  	_ =	shalt  }
0x76: {  	_ =	shalt  }
0x77: {  	_ =	shalt  }
0x78: {  	_ =	shalt  }
0x79: {  	_ =	shalt  }
0x7a: {  	_ =	shalt  }
0x7b: {  	_ =	shalt  }
0x7c: {  	_ =	shalt  }
0x7d: {  	_ =	shalt  }
0x7e: {  	_ =	shalt  }
0x7f: {  	_ =	shalt  }
0x80: {  	_ =	shalt  }
0x81: {  	_ =	shalt  }
0x82: {  	_ =	shalt  }
0x83: {  	_ =	shalt  }
0x84: {  	_ =	shalt  }
0x85: {  	_ =	shalt  }
0x86: {  	_ =	shalt  }
0x87: {  	_ =	shalt  }
.Lfunc_end0:
.L_simem_size_0:
called_computation.3_lowered:
.L_overlay_start_0:
0x88: {  	s2 =	sld [smem:$0x3FD9]  }
0x89: {  	s3 =	sld [smem:$0x3FFE];
	_ =	sdelay $0x1  }
0x8a: {  	s1 =	srdreg.scid  }
0x8b: {  	s0 =	sand.u32 $0x1, s1  }
0x8c: {  	s16 =	sshll.u32 s0, $0xA;
	s2 =	sadd.s32 s3, s2  }
0x8d: {  	s2 =	sadd.s32 s2, s16  }
0x8e: {  	[smem:$0x3FB6] =	sst s2  }
0x8f: {  	_ = 	snop  }
0x90: {  	(tm) =	ssettm $0x1  }
0x91: {  	s17 =	sld [smem:$0x3FFB];
	_ =	sdelay $0x3  }
0x92: {  	_ =	strace s17  }
0x93: {  	s2 =	sld [smem:$0x3FFC];
	_ =	sdelay $0x3  }
0x94: {  	_ =	strace s2  }
0x95: {  	s2 =	sld [smem:$0x3FFD];
	_ =	sdelay $0x3  }
0x96: {  	_ =	strace s2  }
0x97: {  	_ =	strace $0x8FFFFFFF  }
0x98: {  	s18 =	sld [smem:$0x3FDB];
	_ =	sdelay $0x1  }
0x99: {  	s19 =	simm.s32 $_scs_section_size  }
0x9a: {  	s4 =	simm.s32 $_size__tile_overlayer_lowered;
	s5 =	simm.s32 $_tile_overlayer_lowered  }
0x9b: {  	s22 =	simm.s32 $0x1BFF;
	s21 =	sshll.u32 s5, $0x1;
	s2 =	sadd.s32 s19, s18  }
0x9c: {  	s6 =	simm.s32 $0x0;
	s20 =	sshll.u32 s4, $0x1;
	s4 =	sadd.s32 s21, s2  }
0x9d: {  	[timem:s6], [sflag:s22] =	dma.local [hbm:s4], s20  }
0x9e: {  	_ =	swait.ge [sflag:s22], s20  }
0x9f: {  	s3 =	ssub.s32 $0x0, s20;
	[sflag:s22] =	ssyncset.done $0x0  }
0xa0: {  	[sflag:s22] =	ssyncadd.s32 s3;
	_ =	sdelay $0x1  }
0xa1: {  	s23 =	simm.s32 $0x1B8B  }
0xa2: {  	_ =	swait.ge [sflag:s23], $0x1  }
0xa3: {  	[sflag:s23] =	ssyncset.done $0x0  }
0xa4: {  	s25 =	simm.s32 $0x1B8E;
	s24 =	sld [smem:$0x3FFE];
	[sflag:s23] =	ssyncadd.s32 $0xFFFFFFFF  }
0xa5: {  	s26 =	simm.s32 $execute0_lowered;
	[smem:$0x3FD2] =	sst s25  }
0xa6: {  	s4 =	sshll.u32 s26, $0x1;
	_ =	strace $0x8000004F;
	[dreg:$0x1] =	wrdreg $0xFFFFFFFF  }
0xa7: {  	s28 =	simm.s32 $_size_execute0_lowered;
	s2 =	sadd.s32 s2, s4;
	[dreg:$0x0] =	wrdreg $0x0  }
0xa8: {  	s4 =	sshll.u32 s28, $0x1;
	[dreg:$0x2] =	wrdreg s2  }
0xa9: {  	[dreg:$0x3] =	wrdreg s4  }
0xaa: {  	[dreg:$0x4] =	wrdreg $0xC0  }
0xab: {  	_ =	task [dreg:s6], $0x5FFFF  }
0xac: {  	[dreg:$0x1] =	wrdreg $0xFFFFFFFF  }
0xad: {  	[dreg:$0x0] =	wrdreg $0x60  }
0xae: {  	[dreg:$0x2] =	wrdreg s24  }
0xaf: {  	[dreg:$0x3] =	wrdreg $0x9  }
0xb0: {  	_ =	task.clear_ibuf [dreg:s6], $0x4FFFF;
	_ =	strace $0x9000004F  }
0xb1: {  	s29 =	simm.s32 $0x9;
	_ =	strace $0x80000051  }
0xb2: {  	_ =	swait.ge [sflag:s29], $0x1  }
0xb3: {  	[sflag:s29] =	ssyncadd.s32 $0xFFFFFFFF  }
0xb4: {  	_ =	strace $0x90000051  }
0xb5: {  	_ =	sfence  }
0xb6: {  	s30 =	sld [smem:$0x0];
	_ =	sdelay $0x2  }
0xb7: {  	s31 =	sshll.u32 s1, $0xD;
	s1 =	sshrl.u32 s1, $0x2  }
0xb8: {  	s3 =	sand.u32 $0x4000, s31;
	s1 =	sadd.s32 s1, s30  }
0xb9: {  	s0 =	sor.u32 s3, s0;
	s1 =	sshll.u32 s1, $0x11  }
0xba: {  	s0 =	sor.u32 s1, s0  }
0xbb: {  	s0 =	sadd.s32 $0x8F2B, s0  }
0xbc: {  	[sflag:s0] =	ssyncadd.remote.s32 $0x1  }
0xbd: {  	_ =	sfence.sel $0xFFFF  }
0xbe: {  	[dreg:$0x0] =	wrdreg $0xFFFFFFFF;
	(pc) =	sbr.abs _section_cstart, $3  }
0xbf: {  	[dreg:$0x1] =	wrdreg $0xFFFFFFFF  }
0xc0: {  	_ =	task.clear_ibuf [dreg:s6], $0x2FFFF;
	_ =	strace $0x9FFFFFFF  }
0xc1: {  	(tm) =	ssettm $0x7FFFFFFF  }
tec
execute0_lowered:
.L_overlay_start_1:
0x0: {  	(tag) =	ssettag $0x1  }
0x1: {  	s1 =	srdreg.scid  }
0x2: {  	s0 =	stileid.u32;
	s4 =	rddreg [dreg:$0x0]  }
0x3: {  	s19 =	simm.s32 $0x900;
	s20 =	simm.s32 $0x1100;
	s21 =	simm.s32 $0x1900  }
0x4: {  	s23 =	simm.s32 $0x2100;
	s24 =	simm.s32 $0x2900;
	s25 =	simm.s32 $0x3100  }
0x5: {  	s26 =	simm.s32 $0x3900;
	s6 =	simm.s32 $0x100;
	s8 =	simm.s32 $0x4900  }
0x6: {  	s9 =	simm.s32 $0x5100;
	s10 =	simm.s32 $0x5900;
	s11 =	simm.s32 $0x6100  }
0x7: {  	s12 =	simm.s32 $0x6900;
	s13 =	simm.s32 $0x7100;
	s1 =	sand.u32 $0x1, s1  }
0x8: {  	s14 =	simm.s32 $0x7900;
	s2 =	sshll.u32 s0, $0x9;
	s3 =	sshll.u32 s1, $0x8  }
0x9: {  	s15 =	simm.s32 $0x8100;
	s3 =	sor.u32 s3, s2;
	s2 =	simm.s32 $0x0  }
0xa: {  	s16 =	simm.s32 $0x8900;
	s17 =	simm.s32 $0x9100;
	[smem:$0x7FF] =	sst s2  }
0xb: {  	s18 =	simm.s32 $0x9900;
	_ =	strace $0x80000050;
	[dreg:$0x4] =	wrdreg s19  }
0xc: {  	s28 =	simm.s32 $0xE100;
	s29 =	simm.s32 $0xE900;
	[dreg:$0x5] =	wrdreg s20  }
0xd: {  	s30 =	simm.s32 $0xF100;
	s1 =	ssub.s32 $0x2, s1;
	[dreg:$0x6] =	wrdreg s21  }
0xe: {  	s31 =	simm.s32 $0xF900;
	s22 =	sshrl.u32 s1, $0x1;
	[dreg:$0x7] =	wrdreg s23  }
0xf: {  	s5 =	sshrl.u32 s3, $0x3;
	s3 =	sshll.u32 s3, $0x5;
	[dreg:$0x8] =	wrdreg s24  }
0x10: {  	s1 =	ssub.s32 s1, s22;
	s22 =	simm.s32 $0xB900;
	[dreg:$0x9] =	wrdreg s25  }
0x11: {  	s5 =	sadd.s32 s5, s4;
	s3 =	sadd.s32 s3, s4;
	[dreg:$0xa] =	wrdreg s26  }
0x12: {  	s19 =	simm.s32 $0xA100;
	s20 =	simm.s32 $0xA900;
	s21 =	simm.s32 $0xB100  }
0x13: {  	s23 =	simm.s32 $0xC100;
	s24 =	simm.s32 $0xC900;
	s5 =	sadd.s32 $0x127A00, s5  }
0x14: {  	v2 =	vlaneseq.u32;
	s25 =	simm.s32 $0xD100;
	s3 =	sadd.s32 $0xC3400, s3;
	[dreg:$0x2] =	wrdreg s5  }
0x15: {  	vm0 =	vmmov $0xffff;
	v1 =	vshrl.u32 v2, $0x3;
	s26 =	simm.s32 $0xD900;
	[dreg:$0x3] =	wrdreg s3;
	s3 =	sadd.s32 $0x127E00, s4  }
0x16: {  	v0 =	vand.u32 $0x7, v2;
	v2 =	vor.u32 $0x8, v2;
	v1 =	vmul.u32 $0x8, v1;
	s4 =	smax.u32 s1, $0x1;
	s5 =	simm.s32 $0x2;
	s1 =	simm.s32 $0x1  }
.LBB2_1:
0x17: {  	s0 =	rddreg [dreg:$0x2]  }
0x18: {  	[tilespmem:s2], [sflag:$0x2] =	stream.linear.gather [hbm4b:s0+s2], $0x100, $0x38;
	[tilespmem:$0x10100] =	vst v63  }
0x19: {  	_ =	swait.ge [sflag:s5], $0x100  }
0x1a: {  	[sflag:s5] =	ssyncset.done $0x0  }
0x1b: {  	[sflag:s5] =	ssyncadd.s32 $0xFFFFFF00  }
0x1c: {  	v3 =	vld [tilespmem:$0x0];
	_ =	sdelay $0x4  }
0x1d: {  	v4 =	vshll.u32 v3, $0x1  }
0x1e: {  	v3 =	vand.u32 $0x7, v3;
	v4 =	vand.u32 $0xFFFFFFF0, v4  }
0x1f: {  	v3 =	vor.u32 v3, v4  }
0x20: {  	v4 =	vperm.xlane v3, v0;
	_ =	sdelay $0x1  }
0x21: {  	v3 =	vperm.xlane v3, v2;
	v4 =	vadd.s32 v1, v4;
	_ =	sdelay $0x1  }
0x22: {  	v3 =	vadd.s32 v1, v3;
	_ =	sdelay $0x2  }
0x23: {  	[tilespmem:s6], [sflag:$0x1] =	stream.indirect_vreg.gather [hbm4b:s3+s2], $0x80, v4, vm0, $0xb8;
	[tilespmem:$0x10100] =	vst v63  }
0x24: {  	s7 =	rddreg [dreg:$0x4]  }
0x25: {  	[tilespmem:s7], [sflag:$0x1] =	stream.indirect_vreg.gather [hbm4b:s3+s2], $0x80, v3, vm0, $0xb8;
	[tilespmem:$0x10100] =	vst v63  }
0x26: {  	v3 =	vld [tilespmem:$0x10];
	_ =	sdelay $0x4  }
0x27: {  	v49 =	vshll.u32 v3, $0x1  }
0x28: {  	v3 =	vand.u32 $0x7, v3;
	v4 =	vand.u32 $0xFFFFFFF0, v49  }
0x29: {  	v3 =	vor.u32 v3, v4  }
0x2a: {  	v4 =	vperm.xlane v3, v0;
	_ =	sdelay $0x1  }
0x2b: {  	v3 =	vperm.xlane v3, v2;
	v4 =	vadd.s32 v1, v4;
	_ =	sdelay $0x1  }
0x2c: {  	v3 =	vadd.s32 v1, v3;
	_ =	sdelay $0x1  }
0x2d: {  	s0 =	rddreg [dreg:$0x5]  }
0x2e: {  	[tilespmem:s0], [sflag:$0x1] =	stream.indirect_vreg.gather [hbm4b:s3+s2], $0x80, v4, vm0, $0xb8;
	[tilespmem:$0x10100] =	vst v63  }
0x2f: {  	s7 =	rddreg [dreg:$0x6]  }
0x30: {  	[tilespmem:s7], [sflag:$0x1] =	stream.indirect_vreg.gather [hbm4b:s3+s2], $0x80, v3, vm0, $0xb8;
	[tilespmem:$0x10100] =	vst v63  }
0x31: {  	v3 =	vld [tilespmem:$0x20];
	_ =	sdelay $0x4  }
0x32: {  	v50 =	vshll.u32 v3, $0x1  }
0x33: {  	v3 =	vand.u32 $0x7, v3;
	v4 =	vand.u32 $0xFFFFFFF0, v50  }
0x34: {  	v3 =	vor.u32 v3, v4  }
0x35: {  	v4 =	vperm.xlane v3, v0;
	_ =	sdelay $0x1  }
0x36: {  	v3 =	vperm.xlane v3, v2;
	v4 =	vadd.s32 v1, v4;
	_ =	sdelay $0x1  }
0x37: {  	v3 =	vadd.s32 v1, v3;
	_ =	sdelay $0x1  }
0x38: {  	s0 =	rddreg [dreg:$0x7]  }
0x39: {  	[tilespmem:s0], [sflag:$0x1] =	stream.indirect_vreg.gather [hbm4b:s3+s2], $0x80, v4, vm0, $0xb8;
	[tilespmem:$0x10100] =	vst v63  }
0x3a: {  	s7 =	rddreg [dreg:$0x8]  }
0x3b: {  	[tilespmem:s7], [sflag:$0x1] =	stream.indirect_vreg.gather [hbm4b:s3+s2], $0x80, v3, vm0, $0xb8;
	[tilespmem:$0x10100] =	vst v63  }
0x3c: {  	v3 =	vld [tilespmem:$0x30];
	_ =	sdelay $0x4  }
0x3d: {  	v51 =	vshll.u32 v3, $0x1  }
0x3e: {  	v3 =	vand.u32 $0x7, v3;
	v4 =	vand.u32 $0xFFFFFFF0, v51  }
0x3f: {  	v3 =	vor.u32 v3, v4  }
0x40: {  	v4 =	vperm.xlane v3, v0;
	_ =	sdelay $0x1  }
0x41: {  	v3 =	vperm.xlane v3, v2;
	v4 =	vadd.s32 v1, v4;
	_ =	sdelay $0x1  }
0x42: {  	v3 =	vadd.s32 v1, v3;
	_ =	sdelay $0x1  }
0x43: {  	s0 =	rddreg [dreg:$0x9]  }
0x44: {  	[tilespmem:s0], [sflag:$0x1] =	stream.indirect_vreg.gather [hbm4b:s3+s2], $0x80, v4, vm0, $0xb8;
	[tilespmem:$0x10100] =	vst v63  }
0x45: {  	s7 =	rddreg [dreg:$0xa]  }
0x46: {  	[tilespmem:s7], [sflag:$0x1] =	stream.indirect_vreg.gather [hbm4b:s3+s2], $0x80, v3, vm0, $0xb8;
	[tilespmem:$0x10100] =	vst v63  }
0x47: {  	v3 =	vld [tilespmem:$0x40];
	_ =	sdelay $0x4  }
0x48: {  	v52 =	vshll.u32 v3, $0x1  }
0x49: {  	v3 =	vand.u32 $0x7, v3;
	v4 =	vand.u32 $0xFFFFFFF0, v52  }
0x4a: {  	v3 =	vor.u32 v3, v4  }
0x4b: {  	v4 =	vperm.xlane v3, v0;
	_ =	sdelay $0x1  }
0x4c: {  	v3 =	vperm.xlane v3, v2;
	v4 =	vadd.s32 v1, v4;
	_ =	sdelay $0x1  }
0x4d: {  	v3 =	vadd.s32 v1, v3;
	_ =	sdelay $0x1  }
0x4e: {  	s7 =	simm.s32 $0x4100  }
0x4f: {  	[tilespmem:s7], [sflag:$0x1] =	stream.indirect_vreg.gather [hbm4b:s3+s2], $0x80, v4, vm0, $0xb8;
	[tilespmem:$0x10100] =	vst v63  }
0x50: {  	_ = 	snop  }
0x51: {  	[tilespmem:s8], [sflag:$0x1] =	stream.indirect_vreg.gather [hbm4b:s3+s2], $0x80, v3, vm0, $0xb8;
	[tilespmem:$0x10100] =	vst v63  }
0x52: {  	v3 =	vld [tilespmem:$0x50];
	_ =	sdelay $0x4  }
0x53: {  	v53 =	vshll.u32 v3, $0x1  }
0x54: {  	v3 =	vand.u32 $0x7, v3;
	v4 =	vand.u32 $0xFFFFFFF0, v53  }
0x55: {  	v3 =	vor.u32 v3, v4  }
0x56: {  	v4 =	vperm.xlane v3, v0;
	_ =	sdelay $0x1  }
0x57: {  	v3 =	vperm.xlane v3, v2;
	v4 =	vadd.s32 v1, v4;
	_ =	sdelay $0x1  }
0x58: {  	v3 =	vadd.s32 v1, v3;
	_ =	sdelay $0x2  }
0x59: {  	[tilespmem:s9], [sflag:$0x1] =	stream.indirect_vreg.gather [hbm4b:s3+s2], $0x80, v4, vm0, $0xb8;
	[tilespmem:$0x10100] =	vst v63  }
0x5a: {  	_ = 	snop  }
0x5b: {  	[tilespmem:s10], [sflag:$0x1] =	stream.indirect_vreg.gather [hbm4b:s3+s2], $0x80, v3, vm0, $0xb8;
	[tilespmem:$0x10100] =	vst v63  }
0x5c: {  	v3 =	vld [tilespmem:$0x60];
	_ =	sdelay $0x4  }
0x5d: {  	v54 =	vshll.u32 v3, $0x1  }
0x5e: {  	v3 =	vand.u32 $0x7, v3;
	v4 =	vand.u32 $0xFFFFFFF0, v54  }
0x5f: {  	v3 =	vor.u32 v3, v4  }
0x60: {  	v4 =	vperm.xlane v3, v0;
	_ =	sdelay $0x1  }
0x61: {  	v3 =	vperm.xlane v3, v2;
	v4 =	vadd.s32 v1, v4;
	_ =	sdelay $0x1  }
0x62: {  	v3 =	vadd.s32 v1, v3;
	_ =	sdelay $0x2  }
0x63: {  	[tilespmem:s11], [sflag:$0x1] =	stream.indirect_vreg.gather [hbm4b:s3+s2], $0x80, v4, vm0, $0xb8;
	[tilespmem:$0x10100] =	vst v63  }
0x64: {  	_ = 	snop  }
0x65: {  	[tilespmem:s12], [sflag:$0x1] =	stream.indirect_vreg.gather [hbm4b:s3+s2], $0x80, v3, vm0, $0xb8;
	[tilespmem:$0x10100] =	vst v63  }
0x66: {  	v3 =	vld [tilespmem:$0x70];
	_ =	sdelay $0x4  }
0x67: {  	v55 =	vshll.u32 v3, $0x1  }
0x68: {  	v3 =	vand.u32 $0x7, v3;
	v4 =	vand.u32 $0xFFFFFFF0, v55  }
0x69: {  	v3 =	vor.u32 v3, v4  }
0x6a: {  	v4 =	vperm.xlane v3, v0;
	_ =	sdelay $0x1  }
0x6b: {  	v3 =	vperm.xlane v3, v2;
	v4 =	vadd.s32 v1, v4;
	_ =	sdelay $0x1  }
0x6c: {  	v3 =	vadd.s32 v1, v3;
	_ =	sdelay $0x2  }
0x6d: {  	[tilespmem:s13], [sflag:$0x1] =	stream.indirect_vreg.gather [hbm4b:s3+s2], $0x80, v4, vm0, $0xb8;
	[tilespmem:$0x10100] =	vst v63  }
0x6e: {  	_ = 	snop  }
0x6f: {  	[tilespmem:s14], [sflag:$0x1] =	stream.indirect_vreg.gather [hbm4b:s3+s2], $0x80, v3, vm0, $0xb8;
	[tilespmem:$0x10100] =	vst v63  }
0x70: {  	v3 =	vld [tilespmem:$0x80];
	_ =	sdelay $0x4  }
0x71: {  	v56 =	vshll.u32 v3, $0x1  }
0x72: {  	v3 =	vand.u32 $0x7, v3;
	v4 =	vand.u32 $0xFFFFFFF0, v56  }
0x73: {  	v3 =	vor.u32 v3, v4  }
0x74: {  	v4 =	vperm.xlane v3, v0;
	_ =	sdelay $0x1  }
0x75: {  	v3 =	vperm.xlane v3, v2;
	v4 =	vadd.s32 v1, v4;
	_ =	sdelay $0x1  }
0x76: {  	v3 =	vadd.s32 v1, v3;
	_ =	sdelay $0x2  }
0x77: {  	[tilespmem:s15], [sflag:$0x1] =	stream.indirect_vreg.gather [hbm4b:s3+s2], $0x80, v4, vm0, $0xb8;
	[tilespmem:$0x10100] =	vst v63  }
0x78: {  	_ = 	snop  }
0x79: {  	[tilespmem:s16], [sflag:$0x1] =	stream.indirect_vreg.gather [hbm4b:s3+s2], $0x80, v3, vm0, $0xb8;
	[tilespmem:$0x10100] =	vst v63  }
0x7a: {  	v3 =	vld [tilespmem:$0x90];
	_ =	sdelay $0x4  }
0x7b: {  	v57 =	vshll.u32 v3, $0x1  }
0x7c: {  	v3 =	vand.u32 $0x7, v3;
	v4 =	vand.u32 $0xFFFFFFF0, v57  }
0x7d: {  	v3 =	vor.u32 v3, v4  }
0x7e: {  	v4 =	vperm.xlane v3, v0;
	_ =	sdelay $0x1  }
0x7f: {  	v3 =	vperm.xlane v3, v2;
	v4 =	vadd.s32 v1, v4;
	_ =	sdelay $0x1  }
0x80: {  	v3 =	vadd.s32 v1, v3;
	_ =	sdelay $0x2  }
0x81: {  	[tilespmem:s17], [sflag:$0x1] =	stream.indirect_vreg.gather [hbm4b:s3+s2], $0x80, v4, vm0, $0xb8;
	[tilespmem:$0x10100] =	vst v63  }
0x82: {  	_ = 	snop  }
0x83: {  	[tilespmem:s18], [sflag:$0x1] =	stream.indirect_vreg.gather [hbm4b:s3+s2], $0x80, v3, vm0, $0xb8;
	[tilespmem:$0x10100] =	vst v63  }
0x84: {  	v3 =	vld [tilespmem:$0xA0];
	_ =	sdelay $0x4  }
0x85: {  	v58 =	vshll.u32 v3, $0x1  }
0x86: {  	v3 =	vand.u32 $0x7, v3;
	v4 =	vand.u32 $0xFFFFFFF0, v58  }
0x87: {  	v3 =	vor.u32 v3, v4  }
0x88: {  	v4 =	vperm.xlane v3, v0;
	_ =	sdelay $0x1  }
0x89: {  	v3 =	vperm.xlane v3, v2;
	v4 =	vadd.s32 v1, v4;
	_ =	sdelay $0x1  }
0x8a: {  	v3 =	vadd.s32 v1, v3;
	_ =	sdelay $0x2  }
0x8b: {  	[tilespmem:s19], [sflag:$0x1] =	stream.indirect_vreg.gather [hbm4b:s3+s2], $0x80, v4, vm0, $0xb8;
	[tilespmem:$0x10100] =	vst v63  }
0x8c: {  	_ = 	snop  }
0x8d: {  	[tilespmem:s20], [sflag:$0x1] =	stream.indirect_vreg.gather [hbm4b:s3+s2], $0x80, v3, vm0, $0xb8;
	[tilespmem:$0x10100] =	vst v63  }
0x8e: {  	v3 =	vld [tilespmem:$0xB0];
	_ =	sdelay $0x4  }
0x8f: {  	v59 =	vshll.u32 v3, $0x1  }
0x90: {  	v3 =	vand.u32 $0x7, v3;
	v4 =	vand.u32 $0xFFFFFFF0, v59  }
0x91: {  	v3 =	vor.u32 v3, v4  }
0x92: {  	v4 =	vperm.xlane v3, v0;
	_ =	sdelay $0x1  }
0x93: {  	v3 =	vperm.xlane v3, v2;
	v4 =	vadd.s32 v1, v4;
	_ =	sdelay $0x1  }
0x94: {  	v3 =	vadd.s32 v1, v3;
	_ =	sdelay $0x2  }
0x95: {  	[tilespmem:s21], [sflag:$0x1] =	stream.indirect_vreg.gather [hbm4b:s3+s2], $0x80, v4, vm0, $0xb8;
	[tilespmem:$0x10100] =	vst v63  }
0x96: {  	_ = 	snop  }
0x97: {  	[tilespmem:s22], [sflag:$0x1] =	stream.indirect_vreg.gather [hbm4b:s3+s2], $0x80, v3, vm0, $0xb8;
	[tilespmem:$0x10100] =	vst v63  }
0x98: {  	v3 =	vld [tilespmem:$0xC0];
	_ =	sdelay $0x4  }
0x99: {  	v60 =	vshll.u32 v3, $0x1  }
0x9a: {  	v3 =	vand.u32 $0x7, v3;
	v4 =	vand.u32 $0xFFFFFFF0, v60  }
0x9b: {  	v3 =	vor.u32 v3, v4  }
0x9c: {  	v4 =	vperm.xlane v3, v0;
	_ =	sdelay $0x1  }
0x9d: {  	v3 =	vperm.xlane v3, v2;
	v4 =	vadd.s32 v1, v4;
	_ =	sdelay $0x1  }
0x9e: {  	v3 =	vadd.s32 v1, v3;
	_ =	sdelay $0x2  }
0x9f: {  	[tilespmem:s23], [sflag:$0x1] =	stream.indirect_vreg.gather [hbm4b:s3+s2], $0x80, v4, vm0, $0xb8;
	[tilespmem:$0x10100] =	vst v63  }
0xa0: {  	_ = 	snop  }
0xa1: {  	[tilespmem:s24], [sflag:$0x1] =	stream.indirect_vreg.gather [hbm4b:s3+s2], $0x80, v3, vm0, $0xb8;
	[tilespmem:$0x10100] =	vst v63  }
0xa2: {  	v3 =	vld [tilespmem:$0xD0];
	_ =	sdelay $0x4  }
0xa3: {  	v61 =	vshll.u32 v3, $0x1  }
0xa4: {  	v3 =	vand.u32 $0x7, v3;
	v4 =	vand.u32 $0xFFFFFFF0, v61  }
0xa5: {  	v3 =	vor.u32 v3, v4  }
0xa6: {  	v4 =	vperm.xlane v3, v0;
	_ =	sdelay $0x1  }
0xa7: {  	v3 =	vperm.xlane v3, v2;
	v4 =	vadd.s32 v1, v4;
	_ =	sdelay $0x1  }
0xa8: {  	v3 =	vadd.s32 v1, v3;
	_ =	sdelay $0x2  }
0xa9: {  	[tilespmem:s25], [sflag:$0x1] =	stream.indirect_vreg.gather [hbm4b:s3+s2], $0x80, v4, vm0, $0xb8;
	[tilespmem:$0x10100] =	vst v63  }
0xaa: {  	_ = 	snop  }
0xab: {  	[tilespmem:s26], [sflag:$0x1] =	stream.indirect_vreg.gather [hbm4b:s3+s2], $0x80, v3, vm0, $0xb8;
	[tilespmem:$0x10100] =	vst v63  }
0xac: {  	v3 =	vld [tilespmem:$0xE0];
	_ =	sdelay $0x4  }
0xad: {  	v62 =	vshll.u32 v3, $0x1  }
0xae: {  	v3 =	vand.u32 $0x7, v3;
	v4 =	vand.u32 $0xFFFFFFF0, v62  }
0xaf: {  	v3 =	vor.u32 v3, v4  }
0xb0: {  	v4 =	vperm.xlane v3, v0;
	_ =	sdelay $0x1  }
0xb1: {  	v3 =	vperm.xlane v3, v2;
	v4 =	vadd.s32 v1, v4;
	_ =	sdelay $0x1  }
0xb2: {  	v3 =	vadd.s32 v1, v3;
	_ =	sdelay $0x2  }
0xb3: {  	[tilespmem:s28], [sflag:$0x1] =	stream.indirect_vreg.gather [hbm4b:s3+s2], $0x80, v4, vm0, $0xb8;
	[tilespmem:$0x10100] =	vst v63  }
0xb4: {  	_ = 	snop  }
0xb5: {  	[tilespmem:s29], [sflag:$0x1] =	stream.indirect_vreg.gather [hbm4b:s3+s2], $0x80, v3, vm0, $0xb8;
	[tilespmem:$0x10100] =	vst v63  }
0xb6: {  	v3 =	vld [tilespmem:$0xF0];
	_ =	sdelay $0x4  }
0xb7: {  	v63 =	vshll.u32 v3, $0x1  }
0xb8: {  	v3 =	vand.u32 $0x7, v3;
	v4 =	vand.u32 $0xFFFFFFF0, v63  }
0xb9: {  	v3 =	vor.u32 v3, v4  }
0xba: {  	v4 =	vperm.xlane v3, v0;
	_ =	sdelay $0x1  }
0xbb: {  	v3 =	vperm.xlane v3, v2;
	v4 =	vadd.s32 v1, v4;
	_ =	sdelay $0x1  }
0xbc: {  	v3 =	vadd.s32 v1, v3;
	_ =	sdelay $0x2  }
0xbd: {  	[tilespmem:s30], [sflag:$0x1] =	stream.indirect_vreg.gather [hbm4b:s3+s2], $0x80, v4, vm0, $0xb8;
	[tilespmem:$0x10100] =	vst v63  }
0xbe: {  	_ = 	snop  }
0xbf: {  	[tilespmem:s31], [sflag:$0x1] =	stream.indirect_vreg.gather [hbm4b:s3+s2], $0x80, v3, vm0, $0xb8;
	[tilespmem:$0x10100] =	vst v63  }
0xc0: {  	_ =	swait.ge [sflag:s1], $0x8000  }
0xc1: {  	[sflag:s1] =	ssyncset.done $0x0  }
0xc2: {  	[sflag:s1] =	ssyncadd.s32 $0xFFFF8000  }
0xc3: {  	_ =	swait.ge [sflag:s1], $0x8000  }
0xc4: {  	p0 =	sne.s32 s4, $0x1;
	[sflag:s1] =	ssyncset.done $0x0  }
.Ltmp0:
0xc5: {  	s7 =	rddreg [dreg:$0x3];
	[sflag:s1] =	ssyncadd.s32 $0xFFFF8000;
	(pc) =	sbr.rel @p0 .LBB2_1-.Ltmp0, $4  }
0xc6: {  	[hbm4b:s7+s2] =	stream.linear.scatter [tilespmem:s6], [sflag:$0x2], $0x10000, $0x38;
	[tilespmem:$0x10100] =	vst v63  }
0xc7: {  	_ =	swait.ge [sflag:s5], $0x10000  }
0xc8: {  	[sflag:s5] =	ssyncset.done $0x0  }
0xc9: {  	s4 =	sadd.s32 $0xFFFFFFFF, s4;
	[sflag:s5] =	ssyncadd.s32 $0xFFFF0000  }
0xca: {  	_ =	sfence.sel $0x180000  }
0xcb: {  	[bflag:$0x0] =	sbarrier.arrive $0xFFFF  }
0xcc: {  	_ =	strace $0x90000050  }
0xcd: {  	s0 =	stileid.u32;
	[bflag:$0x2] =	sbarrier.arrive $0xFFFF  }
0xce: {  	p0 =	sne.s32 s0, $0x0;
	s0 =	rddreg [dreg:$0x1]  }
0xcf: {  	s0 =	sadd.s32 @!p0 $0x100000, s0  }
0xd0: {  	[sflag:s0] =	ssyncadd.tile.s32 @!p0 $0x1;
	_ =	shalt  }
.Lfunc_end2:
_tile_overlayer_lowered:
.L_overlay_start_2:
0xd1: {  	(tag) =	ssettag $0x2  }
0xd2: {  	s0 =	rddreg [dreg:$0x0];
	s2 =	stileid.u32  }
0xd3: {  	s1 =	rddreg [dreg:$0x1];
	p0 =	sne.s32 s2, $0x0  }
0xd4: {  	s3 =	rddreg [dreg:$0x2];
	[bflag:$0x3] =	sbarrier.arrive $0xFFFF;
	s2 =	simm.s32 @!p0 $0x1C02  }
0xd5: {  	[timem:s3], [sflag:s2] =	dma.local @!p0 [hbm:s0], s1  }
0xd6: {  	s0 =	simm.s32 @!p0 $0x2  }
0xd7: {  	_ =	swait.ge @!p0 [sflag:s0], s1  }
0xd8: {  	s1 =	ssub.s32 @!p0 $0x0, s1;
	[sflag:s0] =	ssyncset.done @!p0 $0x0  }
0xd9: {  	[sflag:s0] =	ssyncadd.s32 @!p0 s1  }
0xda: {  	[bflag:$0x3] =	sbarrier.arrive $0xFFFF  }
0xdb: {  	_ =	shalt  }

</sc_bundles>
